<compile_context>
chip_gen: v7x
topology: tpu7x:2x2x1
jax: 0.10.2.dev20260603
libtpu: 0.0.44.dev20260713+nightly
codegen_flags: <defaults>
</compile_context>

<pallas_src>
import functools

import jax
import jax.numpy as jnp
from jax import lax
from jax.experimental import pallas as pl
from jax.experimental.pallas import tpu as pltpu, tpu_sc as plsc

BATCH = 16384
HIST = 200
VOCAB = 1000
NW = 32
ROWS_W = BATCH // NW
R = 64
CHUNK = R * HIST
NCHUNK = ROWS_W // R
L = 16
K = 16


def _gather_body(items_hbm, pop_hbm, out_hbm, table_v, idx_v, val_v,
                 in_sems, out_sems):
    wid = lax.axis_index("s") * 2 + lax.axis_index("c")
    cbase = wid * NCHUNK
    items_c = items_hbm.reshape(NW * NCHUNK, R, HIST)
    out_c = out_hbm.reshape(NW * NCHUNK, R, HIST)

    pltpu.sync_copy(pop_hbm, table_v)

    def in_copy(c, b):
        return pltpu.make_async_copy(
            items_c.at[cbase + c], idx_v.at[b], in_sems[b])

    def out_copy(c, b):
        return pltpu.make_async_copy(
            val_v.at[b], out_c.at[cbase + c], out_sems[b])

    iota = lax.iota(jnp.int32, L)
    NG = (HIST + L - 1) // L
    cols = [iota + j * L for j in range(NG)]
    masks = [cols[j] < HIST for j in range(NG)]

    in_copy(0, 0).start()
    for c in range(NCHUNK):
        b = c % 2
        if c + 1 < NCHUNK:
            in_copy(c + 1, 1 - b).start()
        in_copy(c, b).wait()
        if c >= 2:
            out_copy(c - 2, b).wait()

        idx_b = idx_v.at[b]
        val_b = val_v.at[b]

        def body(r, _):
            row = jnp.full((L,), 0, jnp.int32) + r
            idxs = [plsc.load_gather(idx_b, [row, cols[j]], mask=masks[j])
                    for j in range(NG)]
            vals = [plsc.load_gather(table_v, [ix], mask=masks[j])
                    for j, ix in enumerate(idxs)]
            for j in range(NG):
                plsc.store_scatter(val_b, [row, cols[j]], vals[j],
                                   mask=masks[j])
            return ()

        lax.fori_loop(0, R, body, ())

        out_copy(c, b).start()

    out_copy(NCHUNK - 2, NCHUNK % 2).wait()
    out_copy(NCHUNK - 1, (NCHUNK - 1) % 2).wait()


@jax.jit
def _run(items, popularity):
    mesh = plsc.VectorSubcoreMesh(core_axis_name="c", subcore_axis_name="s")
    k = pl.kernel(
        _gather_body,
        out_type=jax.ShapeDtypeStruct((BATCH, HIST), jnp.float32),
        mesh=mesh,
        scratch_types=[
            pltpu.VMEM((VOCAB,), jnp.float32),
            pltpu.VMEM((2, R, HIST), jnp.int32),
            pltpu.VMEM((2, R, HIST), jnp.float32),
            [pltpu.SemaphoreType.DMA, pltpu.SemaphoreType.DMA],
            [pltpu.SemaphoreType.DMA, pltpu.SemaphoreType.DMA],
        ],
        compiler_params=pltpu.CompilerParams(needs_layout_passes=False),
    )
    return k(items, popularity)


def kernel(users, items, popularity):
    del users
    return _run(items, popularity)

# --- scband reference (transcript-rebuilt; emitter-appended) ---
"""Pipeline reference for scband-popularity-baseline-5145370821053 (READ-ONLY COPY).

The authoritative reference and input builder live on the scoring server;
editing this copy changes nothing except your own understanding.
"""

import jax, jax.numpy as jnp
import numpy as np

VOCAB = 1000
BATCH = 16384
HIST = 200

def setup_inputs(seed: int = 0) -> dict:
    key = jax.random.key(seed)
    k1, k2, k3 = jax.random.split(key, 3)
    users = jax.random.randint(k1, (BATCH,), 0, 990, dtype=jnp.int32)
    items = jax.random.randint(k2, (BATCH, HIST), 0, 990, dtype=jnp.int32)
    # learned/derived parameter: popularity score vector of length VOCAB
    popularity = jax.random.uniform(k3, (VOCAB,), dtype=jnp.float32)
    return {"users": users, "items": items, "popularity": popularity}

def reference(users, items, popularity):
    # Faithful translation of PopularityBaseline.forward: popularity[items]
    return jnp.take(popularity, items, axis=0)

if __name__ == "__main__":
    import jax
    _d = setup_inputs()
    print(jax.jit(kernel)(*tuple(_d.values())))

</pallas_src>

<mosaic_0001>
#map = affine_map<(d0, d1) -> (0, 0)>
#map1 = affine_map<(d0, d1) -> (0)>
module attributes {stable_mosaic.version = 14 : i64} {
  func.func @_gather_body(%arg0: i32, %arg1: i32, %arg2: memref<16384x200xi32, #tpu.memory_space<hbm>>, %arg3: memref<1000xf32, #tpu.memory_space<hbm>>, %arg4: memref<16384x200xf32, #tpu.memory_space<hbm>>, %arg5: memref<1000xf32, #tpu.memory_space<vmem>>, %arg6: memref<2x64x200xi32, #tpu.memory_space<vmem>>, %arg7: memref<2x64x200xf32, #tpu.memory_space<vmem>>, %arg8: memref<!tpu.dma_semaphore, #tpu.memory_space<semaphore_mem>>, %arg9: memref<!tpu.dma_semaphore, #tpu.memory_space<semaphore_mem>>, %arg10: memref<!tpu.dma_semaphore, #tpu.memory_space<semaphore_mem>>, %arg11: memref<!tpu.dma_semaphore, #tpu.memory_space<semaphore_mem>>) attributes {dimension_semantics = [#tpu.dimension_semantics<core_parallel>, #tpu.dimension_semantics<subcore_parallel>], iteration_bounds = array<i64: 2, 16>, scalar_prefetch = 0 : i64, scratch_operands = 7 : i64, tpu.core_type = #tpu.core_type<sc_vector_subcore>, window_params = [{transform_indices = #map}, {transform_indices = #map1}, {transform_indices = #map}]} {
    %mul3A = arith.constant 2 : i32
    %mul3A_0 = arith.muli %arg1, %mul3A : i32
    %add3A = arith.addi %mul3A_0, %arg0 : i32
    %mul3A_1 = arith.constant 8 : i32
    %mul3A_2 = arith.muli %add3A, %mul3A_1 : i32
    "tpu.region"() ({
      %run_scoped3A = tpu.sem_alloc : memref<!tpu.dma_semaphore, #tpu.memory_space<semaphore_mem>>
      tpu.enqueue_dma source(%arg3 : memref<1000xf32, #tpu.memory_space<hbm>>) target(%arg5 : memref<1000xf32, #tpu.memory_space<vmem>>) target_semaphore(%run_scoped3A : memref<!tpu.dma_semaphore, #tpu.memory_space<semaphore_mem>>)
      tpu.wait_dma2 semaphore(%run_scoped3A : memref<!tpu.dma_semaphore, #tpu.memory_space<semaphore_mem>>) src(%arg3 : memref<1000xf32, #tpu.memory_space<hbm>>) dst(%arg5 : memref<1000xf32, #tpu.memory_space<vmem>>)
      tpu.yield
    }) : () -> ()
    %iota3A = tpu.iota {dimensions = array<i32: 0>} : vector<16xi32>
    %add3A_3 = arith.constant 0 : i32
    %add3A_4 = vector.broadcast %add3A_3 : i32 to vector<16xi32>
    %add3A_5 = arith.addi %iota3A, %add3A_4 : vector<16xi32>
    %add3A_6 = arith.constant 16 : i32
    %add3A_7 = vector.broadcast %add3A_6 : i32 to vector<16xi32>
    %add3A_8 = arith.addi %iota3A, %add3A_7 : vector<16xi32>
    %add3A_9 = arith.constant 32 : i32
    %add3A_10 = vector.broadcast %add3A_9 : i32 to vector<16xi32>
    %add3A_11 = arith.addi %iota3A, %add3A_10 : vector<16xi32>
    %add3A_12 = arith.constant 48 : i32
    %add3A_13 = vector.broadcast %add3A_12 : i32 to vector<16xi32>
    %add3A_14 = arith.addi %iota3A, %add3A_13 : vector<16xi32>
    %add3A_15 = arith.constant 64 : i32
    %add3A_16 = vector.broadcast %add3A_15 : i32 to vector<16xi32>
    %add3A_17 = arith.addi %iota3A, %add3A_16 : vector<16xi32>
    %add3A_18 = arith.constant 80 : i32
    %add3A_19 = vector.broadcast %add3A_18 : i32 to vector<16xi32>
    %add3A_20 = arith.addi %iota3A, %add3A_19 : vector<16xi32>
    %add3A_21 = arith.constant 96 : i32
    %add3A_22 = vector.broadcast %add3A_21 : i32 to vector<16xi32>
    %add3A_23 = arith.addi %iota3A, %add3A_22 : vector<16xi32>
    %add3A_24 = arith.constant 112 : i32
    %add3A_25 = vector.broadcast %add3A_24 : i32 to vector<16xi32>
    %add3A_26 = arith.addi %iota3A, %add3A_25 : vector<16xi32>
    %add3A_27 = arith.constant 128 : i32
    %add3A_28 = vector.broadcast %add3A_27 : i32 to vector<16xi32>
    %add3A_29 = arith.addi %iota3A, %add3A_28 : vector<16xi32>
    %add3A_30 = arith.constant 144 : i32
    %add3A_31 = vector.broadcast %add3A_30 : i32 to vector<16xi32>
    %add3A_32 = arith.addi %iota3A, %add3A_31 : vector<16xi32>
    %add3A_33 = arith.constant 160 : i32
    %add3A_34 = vector.broadcast %add3A_33 : i32 to vector<16xi32>
    %add3A_35 = arith.addi %iota3A, %add3A_34 : vector<16xi32>
    %add3A_36 = arith.constant 176 : i32
    %add3A_37 = vector.broadcast %add3A_36 : i32 to vector<16xi32>
    %add3A_38 = arith.addi %iota3A, %add3A_37 : vector<16xi32>
    %add3A_39 = arith.constant 192 : i32
    %add3A_40 = vector.broadcast %add3A_39 : i32 to vector<16xi32>
    %add3A_41 = arith.addi %iota3A, %add3A_40 : vector<16xi32>
    %lt3A = arith.constant 200 : i32
    %lt3A_42 = vector.broadcast %lt3A : i32 to vector<16xi32>
    %lt3A_43 = arith.cmpi slt, %add3A_5, %lt3A_42 : vector<16xi32>
    %lt3A_44 = arith.constant 200 : i32
    %lt3A_45 = vector.broadcast %lt3A_44 : i32 to vector<16xi32>
    %lt3A_46 = arith.cmpi slt, %add3A_8, %lt3A_45 : vector<16xi32>
    %lt3A_47 = arith.constant 200 : i32
    %lt3A_48 = vector.broadcast %lt3A_47 : i32 to vector<16xi32>
    %lt3A_49 = arith.cmpi slt, %add3A_11, %lt3A_48 : vector<16xi32>
    %lt3A_50 = arith.constant 200 : i32
    %lt3A_51 = vector.broadcast %lt3A_50 : i32 to vector<16xi32>
    %lt3A_52 = arith.cmpi slt, %add3A_14, %lt3A_51 : vector<16xi32>
    %lt3A_53 = arith.constant 200 : i32
    %lt3A_54 = vector.broadcast %lt3A_53 : i32 to vector<16xi32>
    %lt3A_55 = arith.cmpi slt, %add3A_17, %lt3A_54 : vector<16xi32>
    %lt3A_56 = arith.constant 200 : i32
    %lt3A_57 = vector.broadcast %lt3A_56 : i32 to vector<16xi32>
    %lt3A_58 = arith.cmpi slt, %add3A_20, %lt3A_57 : vector<16xi32>
    %lt3A_59 = arith.constant 200 : i32
    %lt3A_60 = vector.broadcast %lt3A_59 : i32 to vector<16xi32>
    %lt3A_61 = arith.cmpi slt, %add3A_23, %lt3A_60 : vector<16xi32>
    %lt3A_62 = arith.constant 200 : i32
    %lt3A_63 = vector.broadcast %lt3A_62 : i32 to vector<16xi32>
    %lt3A_64 = arith.cmpi slt, %add3A_26, %lt3A_63 : vector<16xi32>
    %lt3A_65 = arith.constant 200 : i32
    %lt3A_66 = vector.broadcast %lt3A_65 : i32 to vector<16xi32>
    %lt3A_67 = arith.cmpi slt, %add3A_29, %lt3A_66 : vector<16xi32>
    %lt3A_68 = arith.constant 200 : i32
    %lt3A_69 = vector.broadcast %lt3A_68 : i32 to vector<16xi32>
    %lt3A_70 = arith.cmpi slt, %add3A_32, %lt3A_69 : vector<16xi32>
    %lt3A_71 = arith.constant 200 : i32
    %lt3A_72 = vector.broadcast %lt3A_71 : i32 to vector<16xi32>
    %lt3A_73 = arith.cmpi slt, %add3A_35, %lt3A_72 : vector<16xi32>
    %lt3A_74 = arith.constant 200 : i32
    %lt3A_75 = vector.broadcast %lt3A_74 : i32 to vector<16xi32>
    %lt3A_76 = arith.cmpi slt, %add3A_38, %lt3A_75 : vector<16xi32>
    %lt3A_77 = arith.constant 200 : i32
    %lt3A_78 = vector.broadcast %lt3A_77 : i32 to vector<16xi32>
    %lt3A_79 = arith.cmpi slt, %add3A_41, %lt3A_78 : vector<16xi32>
    %add3A_80 = arith.constant 0 : i32
    %add3A_81 = arith.addi %mul3A_2, %add3A_80 : i32
    %dma_start3A = arith.constant 0 : i32
    %dma_start3A_82 = arith.constant 0 : i32
    %dma_start3A_83 = arith.constant 0 : i32
    %dma_start3A_84 = tpu.memref_slice %arg6[%dma_start3A, %dma_start3A_82, %dma_start3A_83] : memref<2x64x200xi32, #tpu.memory_space<vmem>> -> memref<1x64x200xi32, #tpu.memory_space<vmem>>
    %dma_start3A_85 = tpu.memref_squeeze %dma_start3A_84 : memref<1x64x200xi32, #tpu.memory_space<vmem>> -> memref<64x200xi32, #tpu.memory_space<vmem>>
    %dma_start3A_86 = tpu.memref_reshape %arg2 : memref<16384x200xi32, #tpu.memory_space<hbm>> -> memref<256x64x200xi32, #tpu.memory_space<hbm>>
    %dma_start3A_87 = arith.constant 0 : i32
    %dma_start3A_88 = arith.constant 0 : i32
    %dma_start3A_89 = tpu.memref_slice %dma_start3A_86[%add3A_81, %dma_start3A_87, %dma_start3A_88] : memref<256x64x200xi32, #tpu.memory_space<hbm>> -> memref<1x64x200xi32, #tpu.memory_space<hbm>>
    %dma_start3A_90 = tpu.memref_squeeze %dma_start3A_89 : memref<1x64x200xi32, #tpu.memory_space<hbm>> -> memref<64x200xi32, #tpu.memory_space<hbm>>
    %dma_start3A_91 = arith.constant 0 : i32
    %dma_start3A_92 = arith.constant 0 : i32
    %dma_start3A_93 = tpu.memref_slice %arg6[%dma_start3A, %dma_start3A_91, %dma_start3A_92] : memref<2x64x200xi32, #tpu.memory_space<vmem>> -> memref<1x64x200xi32, #tpu.memory_space<vmem>>
    %dma_start3A_94 = tpu.memref_squeeze %dma_start3A_93 : memref<1x64x200xi32, #tpu.memory_space<vmem>> -> memref<64x200xi32, #tpu.memory_space<vmem>>
    %dma_start3A_95 = tpu.memref_reshape %arg2 : memref<16384x200xi32, #tpu.memory_space<hbm>> -> memref<256x64x200xi32, #tpu.memory_space<hbm>>
    %dma_start3A_96 = arith.constant 0 : i32
    %dma_start3A_97 = arith.constant 0 : i32
    %dma_start3A_98 = tpu.memref_slice %dma_start3A_95[%add3A_81, %dma_start3A_96, %dma_start3A_97] : memref<256x64x200xi32, #tpu.memory_space<hbm>> -> memref<1x64x200xi32, #tpu.memory_space<hbm>>
    %dma_start3A_99 = tpu.memref_squeeze %dma_start3A_98 : memref<1x64x200xi32, #tpu.memory_space<hbm>> -> memref<64x200xi32, #tpu.memory_space<hbm>>
    tpu.enqueue_dma source(%dma_start3A_99 : memref<64x200xi32, #tpu.memory_space<hbm>>) target(%dma_start3A_94 : memref<64x200xi32, #tpu.memory_space<vmem>>) target_semaphore(%arg8 : memref<!tpu.dma_semaphore, #tpu.memory_space<semaphore_mem>>)
    %add3A_100 = arith.constant 1 : i32
    %add3A_101 = arith.addi %mul3A_2, %add3A_100 : i32
    %dma_start3A_102 = arith.constant 1 : i32
    %dma_start3A_103 = arith.constant 0 : i32
    %dma_start3A_104 = arith.constant 0 : i32
    %dma_start3A_105 = tpu.memref_slice %arg6[%dma_start3A_102, %dma_start3A_103, %dma_start3A_104] : memref<2x64x200xi32, #tpu.memory_space<vmem>> -> memref<1x64x200xi32, #tpu.memory_space<vmem>>
    %dma_start3A_106 = tpu.memref_squeeze %dma_start3A_105 : memref<1x64x200xi32, #tpu.memory_space<vmem>> -> memref<64x200xi32, #tpu.memory_space<vmem>>
    %dma_start3A_107 = tpu.memref_reshape %arg2 : memref<16384x200xi32, #tpu.memory_space<hbm>> -> memref<256x64x200xi32, #tpu.memory_space<hbm>>
    %dma_start3A_108 = arith.constant 0 : i32
    %dma_start3A_109 = arith.constant 0 : i32
    %dma_start3A_110 = tpu.memref_slice %dma_start3A_107[%add3A_101, %dma_start3A_108, %dma_start3A_109] : memref<256x64x200xi32, #tpu.memory_space<hbm>> -> memref<1x64x200xi32, #tpu.memory_space<hbm>>
    %dma_start3A_111 = tpu.memref_squeeze %dma_start3A_110 : memref<1x64x200xi32, #tpu.memory_space<hbm>> -> memref<64x200xi32, #tpu.memory_space<hbm>>
    %dma_start3A_112 = arith.constant 0 : i32
    %dma_start3A_113 = arith.constant 0 : i32
    %dma_start3A_114 = tpu.memref_slice %arg6[%dma_start3A_102, %dma_start3A_112, %dma_start3A_113] : memref<2x64x200xi32, #tpu.memory_space<vmem>> -> memref<1x64x200xi32, #tpu.memory_space<vmem>>
    %dma_start3A_115 = tpu.memref_squeeze %dma_start3A_114 : memref<1x64x200xi32, #tpu.memory_space<vmem>> -> memref<64x200xi32, #tpu.memory_space<vmem>>
    %dma_start3A_116 = tpu.memref_reshape %arg2 : memref<16384x200xi32, #tpu.memory_space<hbm>> -> memref<256x64x200xi32, #tpu.memory_space<hbm>>
    %dma_start3A_117 = arith.constant 0 : i32
    %dma_start3A_118 = arith.constant 0 : i32
    %dma_start3A_119 = tpu.memref_slice %dma_start3A_116[%add3A_101, %dma_start3A_117, %dma_start3A_118] : memref<256x64x200xi32, #tpu.memory_space<hbm>> -> memref<1x64x200xi32, #tpu.memory_space<hbm>>
    %dma_start3A_120 = tpu.memref_squeeze %dma_start3A_119 : memref<1x64x200xi32, #tpu.memory_space<hbm>> -> memref<64x200xi32, #tpu.memory_space<hbm>>
    tpu.enqueue_dma source(%dma_start3A_120 : memref<64x200xi32, #tpu.memory_space<hbm>>) target(%dma_start3A_115 : memref<64x200xi32, #tpu.memory_space<vmem>>) target_semaphore(%arg9 : memref<!tpu.dma_semaphore, #tpu.memory_space<semaphore_mem>>)
    %add3A_121 = arith.constant 0 : i32
    %add3A_122 = arith.addi %mul3A_2, %add3A_121 : i32
    %dma_wait3A = arith.constant 0 : i32
    %dma_wait3A_123 = arith.constant 0 : i32
    %dma_wait3A_124 = arith.constant 0 : i32
    %dma_wait3A_125 = tpu.memref_slice %arg6[%dma_wait3A, %dma_wait3A_123, %dma_wait3A_124] : memref<2x64x200xi32, #tpu.memory_space<vmem>> -> memref<1x64x200xi32, #tpu.memory_space<vmem>>
    %dma_wait3A_126 = tpu.memref_squeeze %dma_wait3A_125 : memref<1x64x200xi32, #tpu.memory_space<vmem>> -> memref<64x200xi32, #tpu.memory_space<vmem>>
    %dma_wait3A_127 = tpu.memref_reshape %arg2 : memref<16384x200xi32, #tpu.memory_space<hbm>> -> memref<256x64x200xi32, #tpu.memory_space<hbm>>
    %dma_wait3A_128 = arith.constant 0 : i32
    %dma_wait3A_129 = arith.constant 0 : i32
    %dma_wait3A_130 = tpu.memref_slice %dma_wait3A_127[%add3A_122, %dma_wait3A_128, %dma_wait3A_129] : memref<256x64x200xi32, #tpu.memory_space<hbm>> -> memref<1x64x200xi32, #tpu.memory_space<hbm>>
    %dma_wait3A_131 = tpu.memref_squeeze %dma_wait3A_130 : memref<1x64x200xi32, #tpu.memory_space<hbm>> -> memref<64x200xi32, #tpu.memory_space<hbm>>
    %dma_wait3A_132 = arith.constant 0 : i32
    %dma_wait3A_133 = arith.constant 0 : i32
    %dma_wait3A_134 = tpu.memref_slice %arg6[%dma_wait3A, %dma_wait3A_132, %dma_wait3A_133] : memref<2x64x200xi32, #tpu.memory_space<vmem>> -> memref<1x64x200xi32, #tpu.memory_space<vmem>>
    %dma_wait3A_135 = tpu.memref_squeeze %dma_wait3A_134 : memref<1x64x200xi32, #tpu.memory_space<vmem>> -> memref<64x200xi32, #tpu.memory_space<vmem>>
    %dma_wait3A_136 = tpu.memref_reshape %arg2 : memref<16384x200xi32, #tpu.memory_space<hbm>> -> memref<256x64x200xi32, #tpu.memory_space<hbm>>
    %dma_wait3A_137 = arith.constant 0 : i32
    %dma_wait3A_138 = arith.constant 0 : i32
    %dma_wait3A_139 = tpu.memref_slice %dma_wait3A_136[%add3A_122, %dma_wait3A_137, %dma_wait3A_138] : memref<256x64x200xi32, #tpu.memory_space<hbm>> -> memref<1x64x200xi32, #tpu.memory_space<hbm>>
    %dma_wait3A_140 = tpu.memref_squeeze %dma_wait3A_139 : memref<1x64x200xi32, #tpu.memory_space<hbm>> -> memref<64x200xi32, #tpu.memory_space<hbm>>
    tpu.wait_dma2 semaphore(%arg8 : memref<!tpu.dma_semaphore, #tpu.memory_space<semaphore_mem>>) src(%dma_wait3A_140 : memref<64x200xi32, #tpu.memory_space<hbm>>) dst(%dma_wait3A_135 : memref<64x200xi32, #tpu.memory_space<vmem>>)
    %scan3A = arith.constant 0 : i32
    %scan3A_141 = arith.constant 0 : i32
    %scan3A_142 = arith.constant 0 : i32
    %scan3A_143 = arith.constant 64 : i32
    %scan3A_144 = arith.addi %scan3A_142, %scan3A_143 : i32
    %scan3A_145 = arith.constant 1 : i32
    scf.for %scan3A_805 = %scan3A_142 to %scan3A_144 step %scan3A_145  : i32 {
      %broadcast_in_dim3A = arith.constant 0 : i32
      %broadcast_in_dim3A_806 = vector.broadcast %broadcast_in_dim3A : i32 to vector<16xi32>
      %add3A_807 = vector.broadcast %scan3A_805 : i32 to vector<16xi32>
      %add3A_808 = arith.addi %broadcast_in_dim3A_806, %add3A_807 : vector<16xi32>
      %gather3A = arith.constant 0 : i32
      %gather3A_809 = arith.constant 0 : i32
      %gather3A_810 = tpu.memref_slice %arg6[%scan3A, %gather3A, %gather3A_809] : memref<2x64x200xi32, #tpu.memory_space<vmem>> -> memref<1x64x200xi32, #tpu.memory_space<vmem>>
      %gather3A_811 = tpu.memref_squeeze %gather3A_810 : memref<1x64x200xi32, #tpu.memory_space<vmem>> -> memref<64x200xi32, #tpu.memory_space<vmem>>
      %gather3A_812 = tpu.vector_load_idx %gather3A_811[%add3A_808, %add3A_5] masked %lt3A_43 : memref<64x200xi32, #tpu.memory_space<vmem>>[vector<16xi32>, vector<16xi32>], vector<16xi32>, vector<16xi1>
      %gather3A_813 = arith.constant 0 : i32
      %gather3A_814 = arith.constant 0 : i32
      %gather3A_815 = tpu.memref_slice %arg6[%scan3A, %gather3A_813, %gather3A_814] : memref<2x64x200xi32, #tpu.memory_space<vmem>> -> memref<1x64x200xi32, #tpu.memory_space<vmem>>
      %gather3A_816 = tpu.memref_squeeze %gather3A_815 : memref<1x64x200xi32, #tpu.memory_space<vmem>> -> memref<64x200xi32, #tpu.memory_space<vmem>>
      %gather3A_817 = tpu.vector_load_idx %gather3A_816[%add3A_808, %add3A_8] masked %lt3A_46 : memref<64x200xi32, #tpu.memory_space<vmem>>[vector<16xi32>, vector<16xi32>], vector<16xi32>, vector<16xi1>
      %gather3A_818 = arith.constant 0 : i32
      %gather3A_819 = arith.constant 0 : i32
      %gather3A_820 = tpu.memref_slice %arg6[%scan3A, %gather3A_818, %gather3A_819] : memref<2x64x200xi32, #tpu.memory_space<vmem>> -> memref<1x64x200xi32, #tpu.memory_space<vmem>>
      %gather3A_821 = tpu.memref_squeeze %gather3A_820 : memref<1x64x200xi32, #tpu.memory_space<vmem>> -> memref<64x200xi32, #tpu.memory_space<vmem>>
      %gather3A_822 = tpu.vector_load_idx %gather3A_821[%add3A_808, %add3A_11] masked %lt3A_49 : memref<64x200xi32, #tpu.memory_space<vmem>>[vector<16xi32>, vector<16xi32>], vector<16xi32>, vector<16xi1>
      %gather3A_823 = arith.constant 0 : i32
      %gather3A_824 = arith.constant 0 : i32
      %gather3A_825 = tpu.memref_slice %arg6[%scan3A, %gather3A_823, %gather3A_824] : memref<2x64x200xi32, #tpu.memory_space<vmem>> -> memref<1x64x200xi32, #tpu.memory_space<vmem>>
      %gather3A_826 = tpu.memref_squeeze %gather3A_825 : memref<1x64x200xi32, #tpu.memory_space<vmem>> -> memref<64x200xi32, #tpu.memory_space<vmem>>
      %gather3A_827 = tpu.vector_load_idx %gather3A_826[%add3A_808, %add3A_14] masked %lt3A_52 : memref<64x200xi32, #tpu.memory_space<vmem>>[vector<16xi32>, vector<16xi32>], vector<16xi32>, vector<16xi1>
      %gather3A_828 = arith.constant 0 : i32
      %gather3A_829 = arith.constant 0 : i32
      %gather3A_830 = tpu.memref_slice %arg6[%scan3A, %gather3A_828, %gather3A_829] : memref<2x64x200xi32, #tpu.memory_space<vmem>> -> memref<1x64x200xi32, #tpu.memory_space<vmem>>
      %gather3A_831 = tpu.memref_squeeze %gather3A_830 : memref<1x64x200xi32, #tpu.memory_space<vmem>> -> memref<64x200xi32, #tpu.memory_space<vmem>>
      %gather3A_832 = tpu.vector_load_idx %gather3A_831[%add3A_808, %add3A_17] masked %lt3A_55 : memref<64x200xi32, #tpu.memory_space<vmem>>[vector<16xi32>, vector<16xi32>], vector<16xi32>, vector<16xi1>
      %gather3A_833 = arith.constant 0 : i32
      %gather3A_834 = arith.constant 0 : i32
      %gather3A_835 = tpu.memref_slice %arg6[%scan3A, %gather3A_833, %gather3A_834] : memref<2x64x200xi32, #tpu.memory_space<vmem>> -> memref<1x64x200xi32, #tpu.memory_space<vmem>>
      %gather3A_836 = tpu.memref_squeeze %gather3A_835 : memref<1x64x200xi32, #tpu.memory_space<vmem>> -> memref<64x200xi32, #tpu.memory_space<vmem>>
      %gather3A_837 = tpu.vector_load_idx %gather3A_836[%add3A_808, %add3A_20] masked %lt3A_58 : memref<64x200xi32, #tpu.memory_space<vmem>>[vector<16xi32>, vector<16xi32>], vector<16xi32>, vector<16xi1>
      %gather3A_838 = arith.constant 0 : i32
      %gather3A_839 = arith.constant 0 : i32
      %gather3A_840 = tpu.memref_slice %arg6[%scan3A, %gather3A_838, %gather3A_839] : memref<2x64x200xi32, #tpu.memory_space<vmem>> -> memref<1x64x200xi32, #tpu.memory_space<vmem>>
      %gather3A_841 = tpu.memref_squeeze %gather3A_840 : memref<1x64x200xi32, #tpu.memory_space<vmem>> -> memref<64x200xi32, #tpu.memory_space<vmem>>
      %gather3A_842 = tpu.vector_load_idx %gather3A_841[%add3A_808, %add3A_23] masked %lt3A_61 : memref<64x200xi32, #tpu.memory_space<vmem>>[vector<16xi32>, vector<16xi32>], vector<16xi32>, vector<16xi1>
      %gather3A_843 = arith.constant 0 : i32
      %gather3A_844 = arith.constant 0 : i32
      %gather3A_845 = tpu.memref_slice %arg6[%scan3A, %gather3A_843, %gather3A_844] : memref<2x64x200xi32, #tpu.memory_space<vmem>> -> memref<1x64x200xi32, #tpu.memory_space<vmem>>
      %gather3A_846 = tpu.memref_squeeze %gather3A_845 : memref<1x64x200xi32, #tpu.memory_space<vmem>> -> memref<64x200xi32, #tpu.memory_space<vmem>>
      %gather3A_847 = tpu.vector_load_idx %gather3A_846[%add3A_808, %add3A_26] masked %lt3A_64 : memref<64x200xi32, #tpu.memory_space<vmem>>[vector<16xi32>, vector<16xi32>], vector<16xi32>, vector<16xi1>
      %gather3A_848 = arith.constant 0 : i32
      %gather3A_849 = arith.constant 0 : i32
      %gather3A_850 = tpu.memref_slice %arg6[%scan3A, %gather3A_848, %gather3A_849] : memref<2x64x200xi32, #tpu.memory_space<vmem>> -> memref<1x64x200xi32, #tpu.memory_space<vmem>>
      %gather3A_851 = tpu.memref_squeeze %gather3A_850 : memref<1x64x200xi32, #tpu.memory_space<vmem>> -> memref<64x200xi32, #tpu.memory_space<vmem>>
      %gather3A_852 = tpu.vector_load_idx %gather3A_851[%add3A_808, %add3A_29] masked %lt3A_67 : memref<64x200xi32, #tpu.memory_space<vmem>>[vector<16xi32>, vector<16xi32>], vector<16xi32>, vector<16xi1>
      %gather3A_853 = arith.constant 0 : i32
      %gather3A_854 = arith.constant 0 : i32
      %gather3A_855 = tpu.memref_slice %arg6[%scan3A, %gather3A_853, %gather3A_854] : memref<2x64x200xi32, #tpu.memory_space<vmem>> -> memref<1x64x200xi32, #tpu.memory_space<vmem>>
      %gather3A_856 = tpu.memref_squeeze %gather3A_855 : memref<1x64x200xi32, #tpu.memory_space<vmem>> -> memref<64x200xi32, #tpu.memory_space<vmem>>
      %gather3A_857 = tpu.vector_load_idx %gather3A_856[%add3A_808, %add3A_32] masked %lt3A_70 : memref<64x200xi32, #tpu.memory_space<vmem>>[vector<16xi32>, vector<16xi32>], vector<16xi32>, vector<16xi1>
      %gather3A_858 = arith.constant 0 : i32
      %gather3A_859 = arith.constant 0 : i32
      %gather3A_860 = tpu.memref_slice %arg6[%scan3A, %gather3A_858, %gather3A_859] : memref<2x64x200xi32, #tpu.memory_space<vmem>> -> memref<1x64x200xi32, #tpu.memory_space<vmem>>
      %gather3A_861 = tpu.memref_squeeze %gather3A_860 : memref<1x64x200xi32, #tpu.memory_space<vmem>> -> memref<64x200xi32, #tpu.memory_space<vmem>>
      %gather3A_862 = tpu.vector_load_idx %gather3A_861[%add3A_808, %add3A_35] masked %lt3A_73 : memref<64x200xi32, #tpu.memory_space<vmem>>[vector<16xi32>, vector<16xi32>], vector<16xi32>, vector<16xi1>
      %gather3A_863 = arith.constant 0 : i32
      %gather3A_864 = arith.constant 0 : i32
      %gather3A_865 = tpu.memref_slice %arg6[%scan3A, %gather3A_863, %gather3A_864] : memref<2x64x200xi32, #tpu.memory_space<vmem>> -> memref<1x64x200xi32, #tpu.memory_space<vmem>>
      %gather3A_866 = tpu.memref_squeeze %gather3A_865 : memref<1x64x200xi32, #tpu.memory_space<vmem>> -> memref<64x200xi32, #tpu.memory_space<vmem>>
      %gather3A_867 = tpu.vector_load_idx %gather3A_866[%add3A_808, %add3A_38] masked %lt3A_76 : memref<64x200xi32, #tpu.memory_space<vmem>>[vector<16xi32>, vector<16xi32>], vector<16xi32>, vector<16xi1>
      %gather3A_868 = arith.constant 0 : i32
      %gather3A_869 = arith.constant 0 : i32
      %gather3A_870 = tpu.memref_slice %arg6[%scan3A, %gather3A_868, %gather3A_869] : memref<2x64x200xi32, #tpu.memory_space<vmem>> -> memref<1x64x200xi32, #tpu.memory_space<vmem>>
      %gather3A_871 = tpu.memref_squeeze %gather3A_870 : memref<1x64x200xi32, #tpu.memory_space<vmem>> -> memref<64x200xi32, #tpu.memory_space<vmem>>
      %gather3A_872 = tpu.vector_load_idx %gather3A_871[%add3A_808, %add3A_41] masked %lt3A_79 : memref<64x200xi32, #tpu.memory_space<vmem>>[vector<16xi32>, vector<16xi32>], vector<16xi32>, vector<16xi1>
      %gather3A_873 = tpu.vector_load_idx %arg5[%gather3A_812] masked %lt3A_43 : memref<1000xf32, #tpu.memory_space<vmem>>[vector<16xi32>], vector<16xf32>, vector<16xi1>
      %gather3A_874 = tpu.vector_load_idx %arg5[%gather3A_817] masked %lt3A_46 : memref<1000xf32, #tpu.memory_space<vmem>>[vector<16xi32>], vector<16xf32>, vector<16xi1>
      %gather3A_875 = tpu.vector_load_idx %arg5[%gather3A_822] masked %lt3A_49 : memref<1000xf32, #tpu.memory_space<vmem>>[vector<16xi32>], vector<16xf32>, vector<16xi1>
      %gather3A_876 = tpu.vector_load_idx %arg5[%gather3A_827] masked %lt3A_52 : memref<1000xf32, #tpu.memory_space<vmem>>[vector<16xi32>], vector<16xf32>, vector<16xi1>
      %gather3A_877 = tpu.vector_load_idx %arg5[%gather3A_832] masked %lt3A_55 : memref<1000xf32, #tpu.memory_space<vmem>>[vector<16xi32>], vector<16xf32>, vector<16xi1>
      %gather3A_878 = tpu.vector_load_idx %arg5[%gather3A_837] masked %lt3A_58 : memref<1000xf32, #tpu.memory_space<vmem>>[vector<16xi32>], vector<16xf32>, vector<16xi1>
      %gather3A_879 = tpu.vector_load_idx %arg5[%gather3A_842] masked %lt3A_61 : memref<1000xf32, #tpu.memory_space<vmem>>[vector<16xi32>], vector<16xf32>, vector<16xi1>
      %gather3A_880 = tpu.vector_load_idx %arg5[%gather3A_847] masked %lt3A_64 : memref<1000xf32, #tpu.memory_space<vmem>>[vector<16xi32>], vector<16xf32>, vector<16xi1>
      %gather3A_881 = tpu.vector_load_idx %arg5[%gather3A_852] masked %lt3A_67 : memref<1000xf32, #tpu.memory_space<vmem>>[vector<16xi32>], vector<16xf32>, vector<16xi1>
      %gather3A_882 = tpu.vector_load_idx %arg5[%gather3A_857] masked %lt3A_70 : memref<1000xf32, #tpu.memory_space<vmem>>[vector<16xi32>], vector<16xf32>, vector<16xi1>
      %gather3A_883 = tpu.vector_load_idx %arg5[%gather3A_862] masked %lt3A_73 : memref<1000xf32, #tpu.memory_space<vmem>>[vector<16xi32>], vector<16xf32>, vector<16xi1>
      %gather3A_884 = tpu.vector_load_idx %arg5[%gather3A_867] masked %lt3A_76 : memref<1000xf32, #tpu.memory_space<vmem>>[vector<16xi32>], vector<16xf32>, vector<16xi1>
      %gather3A_885 = tpu.vector_load_idx %arg5[%gather3A_872] masked %lt3A_79 : memref<1000xf32, #tpu.memory_space<vmem>>[vector<16xi32>], vector<16xf32>, vector<16xi1>
      %scatter3A = arith.constant 0 : i32
      %scatter3A_886 = arith.constant 0 : i32
      %scatter3A_887 = tpu.memref_slice %arg7[%scan3A_141, %scatter3A, %scatter3A_886] : memref<2x64x200xf32, #tpu.memory_space<vmem>> -> memref<1x64x200xf32, #tpu.memory_space<vmem>>
      %scatter3A_888 = tpu.memref_squeeze %scatter3A_887 : memref<1x64x200xf32, #tpu.memory_space<vmem>> -> memref<64x200xf32, #tpu.memory_space<vmem>>
      tpu.vector_store_idx %scatter3A_888[%add3A_808, %add3A_5], %gather3A_873 masked %lt3A_43 : memref<64x200xf32, #tpu.memory_space<vmem>>[vector<16xi32>, vector<16xi32>], vector<16xf32>, vector<16xi1>
      %scatter3A_889 = arith.constant 0 : i32
      %scatter3A_890 = arith.constant 0 : i32
      %scatter3A_891 = tpu.memref_slice %arg7[%scan3A_141, %scatter3A_889, %scatter3A_890] : memref<2x64x200xf32, #tpu.memory_space<vmem>> -> memref<1x64x200xf32, #tpu.memory_space<vmem>>
      %scatter3A_892 = tpu.memref_squeeze %scatter3A_891 : memref<1x64x200xf32, #tpu.memory_space<vmem>> -> memref<64x200xf32, #tpu.memory_space<vmem>>
      tpu.vector_store_idx %scatter3A_892[%add3A_808, %add3A_8], %gather3A_874 masked %lt3A_46 : memref<64x200xf32, #tpu.memory_space<vmem>>[vector<16xi32>, vector<16xi32>], vector<16xf32>, vector<16xi1>
      %scatter3A_893 = arith.constant 0 : i32
      %scatter3A_894 = arith.constant 0 : i32
      %scatter3A_895 = tpu.memref_slice %arg7[%scan3A_141, %scatter3A_893, %scatter3A_894] : memref<2x64x200xf32, #tpu.memory_space<vmem>> -> memref<1x64x200xf32, #tpu.memory_space<vmem>>
      %scatter3A_896 = tpu.memref_squeeze %scatter3A_895 : memref<1x64x200xf32, #tpu.memory_space<vmem>> -> memref<64x200xf32, #tpu.memory_space<vmem>>
      tpu.vector_store_idx %scatter3A_896[%add3A_808, %add3A_11], %gather3A_875 masked %lt3A_49 : memref<64x200xf32, #tpu.memory_space<vmem>>[vector<16xi32>, vector<16xi32>], vector<16xf32>, vector<16xi1>
      %scatter3A_897 = arith.constant 0 : i32
      %scatter3A_898 = arith.constant 0 : i32
      %scatter3A_899 = tpu.memref_slice %arg7[%scan3A_141, %scatter3A_897, %scatter3A_898] : memref<2x64x200xf32, #tpu.memory_space<vmem>> -> memref<1x64x200xf32, #tpu.memory_space<vmem>>
      %scatter3A_900 = tpu.memref_squeeze %scatter3A_899 : memref<1x64x200xf32, #tpu.memory_space<vmem>> -> memref<64x200xf32, #tpu.memory_space<vmem>>
      tpu.vector_store_idx %scatter3A_900[%add3A_808, %add3A_14], %gather3A_876 masked %lt3A_52 : memref<64x200xf32, #tpu.memory_space<vmem>>[vector<16xi32>, vector<16xi32>], vector<16xf32>, vector<16xi1>
      %scatter3A_901 = arith.constant 0 : i32
      %scatter3A_902 = arith.constant 0 : i32
      %scatter3A_903 = tpu.memref_slice %arg7[%scan3A_141, %scatter3A_901, %scatter3A_902] : memref<2x64x200xf32, #tpu.memory_space<vmem>> -> memref<1x64x200xf32, #tpu.memory_space<vmem>>
      %scatter3A_904 = tpu.memref_squeeze %scatter3A_903 : memref<1x64x200xf32, #tpu.memory_space<vmem>> -> memref<64x200xf32, #tpu.memory_space<vmem>>
      tpu.vector_store_idx %scatter3A_904[%add3A_808, %add3A_17], %gather3A_877 masked %lt3A_55 : memref<64x200xf32, #tpu.memory_space<vmem>>[vector<16xi32>, vector<16xi32>], vector<16xf32>, vector<16xi1>
      %scatter3A_905 = arith.constant 0 : i32
      %scatter3A_906 = arith.constant 0 : i32
      %scatter3A_907 = tpu.memref_slice %arg7[%scan3A_141, %scatter3A_905, %scatter3A_906] : memref<2x64x200xf32, #tpu.memory_space<vmem>> -> memref<1x64x200xf32, #tpu.memory_space<vmem>>
      %scatter3A_908 = tpu.memref_squeeze %scatter3A_907 : memref<1x64x200xf32, #tpu.memory_space<vmem>> -> memref<64x200xf32, #tpu.memory_space<vmem>>
      tpu.vector_store_idx %scatter3A_908[%add3A_808, %add3A_20], %gather3A_878 masked %lt3A_58 : memref<64x200xf32, #tpu.memory_space<vmem>>[vector<16xi32>, vector<16xi32>], vector<16xf32>, vector<16xi1>
      %scatter3A_909 = arith.constant 0 : i32
      %scatter3A_910 = arith.constant 0 : i32
      %scatter3A_911 = tpu.memref_slice %arg7[%scan3A_141, %scatter3A_909, %scatter3A_910] : memref<2x64x200xf32, #tpu.memory_space<vmem>> -> memref<1x64x200xf32, #tpu.memory_space<vmem>>
      %scatter3A_912 = tpu.memref_squeeze %scatter3A_911 : memref<1x64x200xf32, #tpu.memory_space<vmem>> -> memref<64x200xf32, #tpu.memory_space<vmem>>
      tpu.vector_store_idx %scatter3A_912[%add3A_808, %add3A_23], %gather3A_879 masked %lt3A_61 : memref<64x200xf32, #tpu.memory_space<vmem>>[vector<16xi32>, vector<16xi32>], vector<16xf32>, vector<16xi1>
      %scatter3A_913 = arith.constant 0 : i32
      %scatter3A_914 = arith.constant 0 : i32
      %scatter3A_915 = tpu.memref_slice %arg7[%scan3A_141, %scatter3A_913, %scatter3A_914] : memref<2x64x200xf32, #tpu.memory_space<vmem>> -> memref<1x64x200xf32, #tpu.memory_space<vmem>>
      %scatter3A_916 = tpu.memref_squeeze %scatter3A_915 : memref<1x64x200xf32, #tpu.memory_space<vmem>> -> memref<64x200xf32, #tpu.memory_space<vmem>>
      tpu.vector_store_idx %scatter3A_916[%add3A_808, %add3A_26], %gather3A_880 masked %lt3A_64 : memref<64x200xf32, #tpu.memory_space<vmem>>[vector<16xi32>, vector<16xi32>], vector<16xf32>, vector<16xi1>
      %scatter3A_917 = arith.constant 0 : i32
      %scatter3A_918 = arith.constant 0 : i32
      %scatter3A_919 = tpu.memref_slice %arg7[%scan3A_141, %scatter3A_917, %scatter3A_918] : memref<2x64x200xf32, #tpu.memory_space<vmem>> -> memref<1x64x200xf32, #tpu.memory_space<vmem>>
      %scatter3A_920 = tpu.memref_squeeze %scatter3A_919 : memref<1x64x200xf32, #tpu.memory_space<vmem>> -> memref<64x200xf32, #tpu.memory_space<vmem>>
      tpu.vector_store_idx %scatter3A_920[%add3A_808, %add3A_29], %gather3A_881 masked %lt3A_67 : memref<64x200xf32, #tpu.memory_space<vmem>>[vector<16xi32>, vector<16xi32>], vector<16xf32>, vector<16xi1>
      %scatter3A_921 = arith.constant 0 : i32
      %scatter3A_922 = arith.constant 0 : i32
      %scatter3A_923 = tpu.memref_slice %arg7[%scan3A_141, %scatter3A_921, %scatter3A_922] : memref<2x64x200xf32, #tpu.memory_space<vmem>> -> memref<1x64x200xf32, #tpu.memory_space<vmem>>
      %scatter3A_924 = tpu.memref_squeeze %scatter3A_923 : memref<1x64x200xf32, #tpu.memory_space<vmem>> -> memref<64x200xf32, #tpu.memory_space<vmem>>
      tpu.vector_store_idx %scatter3A_924[%add3A_808, %add3A_32], %gather3A_882 masked %lt3A_70 : memref<64x200xf32, #tpu.memory_space<vmem>>[vector<16xi32>, vector<16xi32>], vector<16xf32>, vector<16xi1>
      %scatter3A_925 = arith.constant 0 : i32
      %scatter3A_926 = arith.constant 0 : i32
      %scatter3A_927 = tpu.memref_slice %arg7[%scan3A_141, %scatter3A_925, %scatter3A_926] : memref<2x64x200xf32, #tpu.memory_space<vmem>> -> memref<1x64x200xf32, #tpu.memory_space<vmem>>
      %scatter3A_928 = tpu.memref_squeeze %scatter3A_927 : memref<1x64x200xf32, #tpu.memory_space<vmem>> -> memref<64x200xf32, #tpu.memory_space<vmem>>
      tpu.vector_store_idx %scatter3A_928[%add3A_808, %add3A_35], %gather3A_883 masked %lt3A_73 : memref<64x200xf32, #tpu.memory_space<vmem>>[vector<16xi32>, vector<16xi32>], vector<16xf32>, vector<16xi1>
      %scatter3A_929 = arith.constant 0 : i32
      %scatter3A_930 = arith.constant 0 : i32
      %scatter3A_931 = tpu.memref_slice %arg7[%scan3A_141, %scatter3A_929, %scatter3A_930] : memref<2x64x200xf32, #tpu.memory_space<vmem>> -> memref<1x64x200xf32, #tpu.memory_space<vmem>>
      %scatter3A_932 = tpu.memref_squeeze %scatter3A_931 : memref<1x64x200xf32, #tpu.memory_space<vmem>> -> memref<64x200xf32, #tpu.memory_space<vmem>>
      tpu.vector_store_idx %scatter3A_932[%add3A_808, %add3A_38], %gather3A_884 masked %lt3A_76 : memref<64x200xf32, #tpu.memory_space<vmem>>[vector<16xi32>, vector<16xi32>], vector<16xf32>, vector<16xi1>
      %scatter3A_933 = arith.constant 0 : i32
      %scatter3A_934 = arith.constant 0 : i32
      %scatter3A_935 = tpu.memref_slice %arg7[%scan3A_141, %scatter3A_933, %scatter3A_934] : memref<2x64x200xf32, #tpu.memory_space<vmem>> -> memref<1x64x200xf32, #tpu.memory_space<vmem>>
      %scatter3A_936 = tpu.memref_squeeze %scatter3A_935 : memref<1x64x200xf32, #tpu.memory_space<vmem>> -> memref<64x200xf32, #tpu.memory_space<vmem>>
      tpu.vector_store_idx %scatter3A_936[%add3A_808, %add3A_41], %gather3A_885 masked %lt3A_79 : memref<64x200xf32, #tpu.memory_space<vmem>>[vector<16xi32>, vector<16xi32>], vector<16xf32>, vector<16xi1>
    }
    %scan3A_146 = arith.constant 64 : i32
    %add3A_147 = arith.constant 0 : i32
    %add3A_148 = arith.addi %mul3A_2, %add3A_147 : i32
    %dma_start3A_149 = arith.constant 0 : i32
    %dma_start3A_150 = arith.constant 0 : i32
    %dma_start3A_151 = arith.constant 0 : i32
    %dma_start3A_152 = tpu.memref_slice %arg7[%dma_start3A_149, %dma_start3A_150, %dma_start3A_151] : memref<2x64x200xf32, #tpu.memory_space<vmem>> -> memref<1x64x200xf32, #tpu.memory_space<vmem>>
    %dma_start3A_153 = tpu.memref_squeeze %dma_start3A_152 : memref<1x64x200xf32, #tpu.memory_space<vmem>> -> memref<64x200xf32, #tpu.memory_space<vmem>>
    %dma_start3A_154 = tpu.memref_reshape %arg4 : memref<16384x200xf32, #tpu.memory_space<hbm>> -> memref<256x64x200xf32, #tpu.memory_space<hbm>>
    %dma_start3A_155 = arith.constant 0 : i32
    %dma_start3A_156 = arith.constant 0 : i32
    %dma_start3A_157 = tpu.memref_slice %dma_start3A_154[%add3A_148, %dma_start3A_155, %dma_start3A_156] : memref<256x64x200xf32, #tpu.memory_space<hbm>> -> memref<1x64x200xf32, #tpu.memory_space<hbm>>
    %dma_start3A_158 = tpu.memref_squeeze %dma_start3A_157 : memref<1x64x200xf32, #tpu.memory_space<hbm>> -> memref<64x200xf32, #tpu.memory_space<hbm>>
    %dma_start3A_159 = tpu.memref_reshape %arg4 : memref<16384x200xf32, #tpu.memory_space<hbm>> -> memref<256x64x200xf32, #tpu.memory_space<hbm>>
    %dma_start3A_160 = arith.constant 0 : i32
    %dma_start3A_161 = arith.constant 0 : i32
    %dma_start3A_162 = tpu.memref_slice %dma_start3A_159[%add3A_148, %dma_start3A_160, %dma_start3A_161] : memref<256x64x200xf32, #tpu.memory_space<hbm>> -> memref<1x64x200xf32, #tpu.memory_space<hbm>>
    %dma_start3A_163 = tpu.memref_squeeze %dma_start3A_162 : memref<1x64x200xf32, #tpu.memory_space<hbm>> -> memref<64x200xf32, #tpu.memory_space<hbm>>
    %dma_start3A_164 = arith.constant 0 : i32
    %dma_start3A_165 = arith.constant 0 : i32
    %dma_start3A_166 = tpu.memref_slice %arg7[%dma_start3A_149, %dma_start3A_164, %dma_start3A_165] : memref<2x64x200xf32, #tpu.memory_space<vmem>> -> memref<1x64x200xf32, #tpu.memory_space<vmem>>
    %dma_start3A_167 = tpu.memref_squeeze %dma_start3A_166 : memref<1x64x200xf32, #tpu.memory_space<vmem>> -> memref<64x200xf32, #tpu.memory_space<vmem>>
    tpu.enqueue_dma source(%dma_start3A_167 : memref<64x200xf32, #tpu.memory_space<vmem>>) target(%dma_start3A_163 : memref<64x200xf32, #tpu.memory_space<hbm>>) target_semaphore(%arg10 : memref<!tpu.dma_semaphore, #tpu.memory_space<semaphore_mem>>)
    %add3A_168 = arith.constant 2 : i32
    %add3A_169 = arith.addi %mul3A_2, %add3A_168 : i32
    %dma_start3A_170 = arith.constant 0 : i32
    %dma_start3A_171 = arith.constant 0 : i32
    %dma_start3A_172 = arith.constant 0 : i32
    %dma_start3A_173 = tpu.memref_slice %arg6[%dma_start3A_170, %dma_start3A_171, %dma_start3A_172] : memref<2x64x200xi32, #tpu.memory_space<vmem>> -> memref<1x64x200xi32, #tpu.memory_space<vmem>>
    %dma_start3A_174 = tpu.memref_squeeze %dma_start3A_173 : memref<1x64x200xi32, #tpu.memory_space<vmem>> -> memref<64x200xi32, #tpu.memory_space<vmem>>
    %dma_start3A_175 = tpu.memref_reshape %arg2 : memref<16384x200xi32, #tpu.memory_space<hbm>> -> memref<256x64x200xi32, #tpu.memory_space<hbm>>
    %dma_start3A_176 = arith.constant 0 : i32
    %dma_start3A_177 = arith.constant 0 : i32
    %dma_start3A_178 = tpu.memref_slice %dma_start3A_175[%add3A_169, %dma_start3A_176, %dma_start3A_177] : memref<256x64x200xi32, #tpu.memory_space<hbm>> -> memref<1x64x200xi32, #tpu.memory_space<hbm>>
    %dma_start3A_179 = tpu.memref_squeeze %dma_start3A_178 : memref<1x64x200xi32, #tpu.memory_space<hbm>> -> memref<64x200xi32, #tpu.memory_space<hbm>>
    %dma_start3A_180 = arith.constant 0 : i32
    %dma_start3A_181 = arith.constant 0 : i32
    %dma_start3A_182 = tpu.memref_slice %arg6[%dma_start3A_170, %dma_start3A_180, %dma_start3A_181] : memref<2x64x200xi32, #tpu.memory_space<vmem>> -> memref<1x64x200xi32, #tpu.memory_space<vmem>>
    %dma_start3A_183 = tpu.memref_squeeze %dma_start3A_182 : memref<1x64x200xi32, #tpu.memory_space<vmem>> -> memref<64x200xi32, #tpu.memory_space<vmem>>
    %dma_start3A_184 = tpu.memref_reshape %arg2 : memref<16384x200xi32, #tpu.memory_space<hbm>> -> memref<256x64x200xi32, #tpu.memory_space<hbm>>
    %dma_start3A_185 = arith.constant 0 : i32
    %dma_start3A_186 = arith.constant 0 : i32
    %dma_start3A_187 = tpu.memref_slice %dma_start3A_184[%add3A_169, %dma_start3A_185, %dma_start3A_186] : memref<256x64x200xi32, #tpu.memory_space<hbm>> -> memref<1x64x200xi32, #tpu.memory_space<hbm>>
    %dma_start3A_188 = tpu.memref_squeeze %dma_start3A_187 : memref<1x64x200xi32, #tpu.memory_space<hbm>> -> memref<64x200xi32, #tpu.memory_space<hbm>>
    tpu.enqueue_dma source(%dma_start3A_188 : memref<64x200xi32, #tpu.memory_space<hbm>>) target(%dma_start3A_183 : memref<64x200xi32, #tpu.memory_space<vmem>>) target_semaphore(%arg8 : memref<!tpu.dma_semaphore, #tpu.memory_space<semaphore_mem>>)
    %add3A_189 = arith.constant 1 : i32
    %add3A_190 = arith.addi %mul3A_2, %add3A_189 : i32
    %dma_wait3A_191 = arith.constant 1 : i32
    %dma_wait3A_192 = arith.constant 0 : i32
    %dma_wait3A_193 = arith.constant 0 : i32
    %dma_wait3A_194 = tpu.memref_slice %arg6[%dma_wait3A_191, %dma_wait3A_192, %dma_wait3A_193] : memref<2x64x200xi32, #tpu.memory_space<vmem>> -> memref<1x64x200xi32, #tpu.memory_space<vmem>>
    %dma_wait3A_195 = tpu.memref_squeeze %dma_wait3A_194 : memref<1x64x200xi32, #tpu.memory_space<vmem>> -> memref<64x200xi32, #tpu.memory_space<vmem>>
    %dma_wait3A_196 = tpu.memref_reshape %arg2 : memref<16384x200xi32, #tpu.memory_space<hbm>> -> memref<256x64x200xi32, #tpu.memory_space<hbm>>
    %dma_wait3A_197 = arith.constant 0 : i32
    %dma_wait3A_198 = arith.constant 0 : i32
    %dma_wait3A_199 = tpu.memref_slice %dma_wait3A_196[%add3A_190, %dma_wait3A_197, %dma_wait3A_198] : memref<256x64x200xi32, #tpu.memory_space<hbm>> -> memref<1x64x200xi32, #tpu.memory_space<hbm>>
    %dma_wait3A_200 = tpu.memref_squeeze %dma_wait3A_199 : memref<1x64x200xi32, #tpu.memory_space<hbm>> -> memref<64x200xi32, #tpu.memory_space<hbm>>
    %dma_wait3A_201 = arith.constant 0 : i32
    %dma_wait3A_202 = arith.constant 0 : i32
    %dma_wait3A_203 = tpu.memref_slice %arg6[%dma_wait3A_191, %dma_wait3A_201, %dma_wait3A_202] : memref<2x64x200xi32, #tpu.memory_space<vmem>> -> memref<1x64x200xi32, #tpu.memory_space<vmem>>
    %dma_wait3A_204 = tpu.memref_squeeze %dma_wait3A_203 : memref<1x64x200xi32, #tpu.memory_space<vmem>> -> memref<64x200xi32, #tpu.memory_space<vmem>>
    %dma_wait3A_205 = tpu.memref_reshape %arg2 : memref<16384x200xi32, #tpu.memory_space<hbm>> -> memref<256x64x200xi32, #tpu.memory_space<hbm>>
    %dma_wait3A_206 = arith.constant 0 : i32
    %dma_wait3A_207 = arith.constant 0 : i32
    %dma_wait3A_208 = tpu.memref_slice %dma_wait3A_205[%add3A_190, %dma_wait3A_206, %dma_wait3A_207] : memref<256x64x200xi32, #tpu.memory_space<hbm>> -> memref<1x64x200xi32, #tpu.memory_space<hbm>>
    %dma_wait3A_209 = tpu.memref_squeeze %dma_wait3A_208 : memref<1x64x200xi32, #tpu.memory_space<hbm>> -> memref<64x200xi32, #tpu.memory_space<hbm>>
    tpu.wait_dma2 semaphore(%arg9 : memref<!tpu.dma_semaphore, #tpu.memory_space<semaphore_mem>>) src(%dma_wait3A_209 : memref<64x200xi32, #tpu.memory_space<hbm>>) dst(%dma_wait3A_204 : memref<64x200xi32, #tpu.memory_space<vmem>>)
    %scan3A_210 = arith.constant 1 : i32
    %scan3A_211 = arith.constant 1 : i32
    %scan3A_212 = arith.constant 0 : i32
    %scan3A_213 = arith.constant 64 : i32
    %scan3A_214 = arith.addi %scan3A_212, %scan3A_213 : i32
    %scan3A_215 = arith.constant 1 : i32
    scf.for %scan3A_805 = %scan3A_212 to %scan3A_214 step %scan3A_215  : i32 {
      %broadcast_in_dim3A = arith.constant 0 : i32
      %broadcast_in_dim3A_806 = vector.broadcast %broadcast_in_dim3A : i32 to vector<16xi32>
      %add3A_807 = vector.broadcast %scan3A_805 : i32 to vector<16xi32>
      %add3A_808 = arith.addi %broadcast_in_dim3A_806, %add3A_807 : vector<16xi32>
      %gather3A = arith.constant 0 : i32
      %gather3A_809 = arith.constant 0 : i32
      %gather3A_810 = tpu.memref_slice %arg6[%scan3A_210, %gather3A, %gather3A_809] : memref<2x64x200xi32, #tpu.memory_space<vmem>> -> memref<1x64x200xi32, #tpu.memory_space<vmem>>
      %gather3A_811 = tpu.memref_squeeze %gather3A_810 : memref<1x64x200xi32, #tpu.memory_space<vmem>> -> memref<64x200xi32, #tpu.memory_space<vmem>>
      %gather3A_812 = tpu.vector_load_idx %gather3A_811[%add3A_808, %add3A_5] masked %lt3A_43 : memref<64x200xi32, #tpu.memory_space<vmem>>[vector<16xi32>, vector<16xi32>], vector<16xi32>, vector<16xi1>
      %gather3A_813 = arith.constant 0 : i32
      %gather3A_814 = arith.constant 0 : i32
      %gather3A_815 = tpu.memref_slice %arg6[%scan3A_210, %gather3A_813, %gather3A_814] : memref<2x64x200xi32, #tpu.memory_space<vmem>> -> memref<1x64x200xi32, #tpu.memory_space<vmem>>
      %gather3A_816 = tpu.memref_squeeze %gather3A_815 : memref<1x64x200xi32, #tpu.memory_space<vmem>> -> memref<64x200xi32, #tpu.memory_space<vmem>>
      %gather3A_817 = tpu.vector_load_idx %gather3A_816[%add3A_808, %add3A_8] masked %lt3A_46 : memref<64x200xi32, #tpu.memory_space<vmem>>[vector<16xi32>, vector<16xi32>], vector<16xi32>, vector<16xi1>
      %gather3A_818 = arith.constant 0 : i32
      %gather3A_819 = arith.constant 0 : i32
      %gather3A_820 = tpu.memref_slice %arg6[%scan3A_210, %gather3A_818, %gather3A_819] : memref<2x64x200xi32, #tpu.memory_space<vmem>> -> memref<1x64x200xi32, #tpu.memory_space<vmem>>
      %gather3A_821 = tpu.memref_squeeze %gather3A_820 : memref<1x64x200xi32, #tpu.memory_space<vmem>> -> memref<64x200xi32, #tpu.memory_space<vmem>>
      %gather3A_822 = tpu.vector_load_idx %gather3A_821[%add3A_808, %add3A_11] masked %lt3A_49 : memref<64x200xi32, #tpu.memory_space<vmem>>[vector<16xi32>, vector<16xi32>], vector<16xi32>, vector<16xi1>
      %gather3A_823 = arith.constant 0 : i32
      %gather3A_824 = arith.constant 0 : i32
      %gather3A_825 = tpu.memref_slice %arg6[%scan3A_210, %gather3A_823, %gather3A_824] : memref<2x64x200xi32, #tpu.memory_space<vmem>> -> memref<1x64x200xi32, #tpu.memory_space<vmem>>
      %gather3A_826 = tpu.memref_squeeze %gather3A_825 : memref<1x64x200xi32, #tpu.memory_space<vmem>> -> memref<64x200xi32, #tpu.memory_space<vmem>>
      %gather3A_827 = tpu.vector_load_idx %gather3A_826[%add3A_808, %add3A_14] masked %lt3A_52 : memref<64x200xi32, #tpu.memory_space<vmem>>[vector<16xi32>, vector<16xi32>], vector<16xi32>, vector<16xi1>
      %gather3A_828 = arith.constant 0 : i32
      %gather3A_829 = arith.constant 0 : i32
      %gather3A_830 = tpu.memref_slice %arg6[%scan3A_210, %gather3A_828, %gather3A_829] : memref<2x64x200xi32, #tpu.memory_space<vmem>> -> memref<1x64x200xi32, #tpu.memory_space<vmem>>
      %gather3A_831 = tpu.memref_squeeze %gather3A_830 : memref<1x64x200xi32, #tpu.memory_space<vmem>> -> memref<64x200xi32, #tpu.memory_space<vmem>>
      %gather3A_832 = tpu.vector_load_idx %gather3A_831[%add3A_808, %add3A_17] masked %lt3A_55 : memref<64x200xi32, #tpu.memory_space<vmem>>[vector<16xi32>, vector<16xi32>], vector<16xi32>, vector<16xi1>
      %gather3A_833 = arith.constant 0 : i32
      %gather3A_834 = arith.constant 0 : i32
      %gather3A_835 = tpu.memref_slice %arg6[%scan3A_210, %gather3A_833, %gather3A_834] : memref<2x64x200xi32, #tpu.memory_space<vmem>> -> memref<1x64x200xi32, #tpu.memory_space<vmem>>
      %gather3A_836 = tpu.memref_squeeze %gather3A_835 : memref<1x64x200xi32, #tpu.memory_space<vmem>> -> memref<64x200xi32, #tpu.memory_space<vmem>>
      %gather3A_837 = tpu.vector_load_idx %gather3A_836[%add3A_808, %add3A_20] masked %lt3A_58 : memref<64x200xi32, #tpu.memory_space<vmem>>[vector<16xi32>, vector<16xi32>], vector<16xi32>, vector<16xi1>
      %gather3A_838 = arith.constant 0 : i32
      %gather3A_839 = arith.constant 0 : i32
      %gather3A_840 = tpu.memref_slice %arg6[%scan3A_210, %gather3A_838, %gather3A_839] : memref<2x64x200xi32, #tpu.memory_space<vmem>> -> memref<1x64x200xi32, #tpu.memory_space<vmem>>
      %gather3A_841 = tpu.memref_squeeze %gather3A_840 : memref<1x64x200xi32, #tpu.memory_space<vmem>> -> memref<64x200xi32, #tpu.memory_space<vmem>>
      %gather3A_842 = tpu.vector_load_idx %gather3A_841[%add3A_808, %add3A_23] masked %lt3A_61 : memref<64x200xi32, #tpu.memory_space<vmem>>[vector<16xi32>, vector<16xi32>], vector<16xi32>, vector<16xi1>
      %gather3A_843 = arith.constant 0 : i32
      %gather3A_844 = arith.constant 0 : i32
      %gather3A_845 = tpu.memref_slice %arg6[%scan3A_210, %gather3A_843, %gather3A_844] : memref<2x64x200xi32, #tpu.memory_space<vmem>> -> memref<1x64x200xi32, #tpu.memory_space<vmem>>
      %gather3A_846 = tpu.memref_squeeze %gather3A_845 : memref<1x64x200xi32, #tpu.memory_space<vmem>> -> memref<64x200xi32, #tpu.memory_space<vmem>>
      %gather3A_847 = tpu.vector_load_idx %gather3A_846[%add3A_808, %add3A_26] masked %lt3A_64 : memref<64x200xi32, #tpu.memory_space<vmem>>[vector<16xi32>, vector<16xi32>], vector<16xi32>, vector<16xi1>
      %gather3A_848 = arith.constant 0 : i32
      %gather3A_849 = arith.constant 0 : i32
      %gather3A_850 = tpu.memref_slice %arg6[%scan3A_210, %gather3A_848, %gather3A_849] : memref<2x64x200xi32, #tpu.memory_space<vmem>> -> memref<1x64x200xi32, #tpu.memory_space<vmem>>
      %gather3A_851 = tpu.memref_squeeze %gather3A_850 : memref<1x64x200xi32, #tpu.memory_space<vmem>> -> memref<64x200xi32, #tpu.memory_space<vmem>>
      %gather3A_852 = tpu.vector_load_idx %gather3A_851[%add3A_808, %add3A_29] masked %lt3A_67 : memref<64x200xi32, #tpu.memory_space<vmem>>[vector<16xi32>, vector<16xi32>], vector<16xi32>, vector<16xi1>
      %gather3A_853 = arith.constant 0 : i32
      %gather3A_854 = arith.constant 0 : i32
      %gather3A_855 = tpu.memref_slice %arg6[%scan3A_210, %gather3A_853, %gather3A_854] : memref<2x64x200xi32, #tpu.memory_space<vmem>> -> memref<1x64x200xi32, #tpu.memory_space<vmem>>
      %gather3A_856 = tpu.memref_squeeze %gather3A_855 : memref<1x64x200xi32, #tpu.memory_space<vmem>> -> memref<64x200xi32, #tpu.memory_space<vmem>>
      %gather3A_857 = tpu.vector_load_idx %gather3A_856[%add3A_808, %add3A_32] masked %lt3A_70 : memref<64x200xi32, #tpu.memory_space<vmem>>[vector<16xi32>, vector<16xi32>], vector<16xi32>, vector<16xi1>
      %gather3A_858 = arith.constant 0 : i32
      %gather3A_859 = arith.constant 0 : i32
      %gather3A_860 = tpu.memref_slice %arg6[%scan3A_210, %gather3A_858, %gather3A_859] : memref<2x64x200xi32, #tpu.memory_space<vmem>> -> memref<1x64x200xi32, #tpu.memory_space<vmem>>
      %gather3A_861 = tpu.memref_squeeze %gather3A_860 : memref<1x64x200xi32, #tpu.memory_space<vmem>> -> memref<64x200xi32, #tpu.memory_space<vmem>>
      %gather3A_862 = tpu.vector_load_idx %gather3A_861[%add3A_808, %add3A_35] masked %lt3A_73 : memref<64x200xi32, #tpu.memory_space<vmem>>[vector<16xi32>, vector<16xi32>], vector<16xi32>, vector<16xi1>
      %gather3A_863 = arith.constant 0 : i32
      %gather3A_864 = arith.constant 0 : i32
      %gather3A_865 = tpu.memref_slice %arg6[%scan3A_210, %gather3A_863, %gather3A_864] : memref<2x64x200xi32, #tpu.memory_space<vmem>> -> memref<1x64x200xi32, #tpu.memory_space<vmem>>
      %gather3A_866 = tpu.memref_squeeze %gather3A_865 : memref<1x64x200xi32, #tpu.memory_space<vmem>> -> memref<64x200xi32, #tpu.memory_space<vmem>>
      %gather3A_867 = tpu.vector_load_idx %gather3A_866[%add3A_808, %add3A_38] masked %lt3A_76 : memref<64x200xi32, #tpu.memory_space<vmem>>[vector<16xi32>, vector<16xi32>], vector<16xi32>, vector<16xi1>
      %gather3A_868 = arith.constant 0 : i32
      %gather3A_869 = arith.constant 0 : i32
      %gather3A_870 = tpu.memref_slice %arg6[%scan3A_210, %gather3A_868, %gather3A_869] : memref<2x64x200xi32, #tpu.memory_space<vmem>> -> memref<1x64x200xi32, #tpu.memory_space<vmem>>
      %gather3A_871 = tpu.memref_squeeze %gather3A_870 : memref<1x64x200xi32, #tpu.memory_space<vmem>> -> memref<64x200xi32, #tpu.memory_space<vmem>>
      %gather3A_872 = tpu.vector_load_idx %gather3A_871[%add3A_808, %add3A_41] masked %lt3A_79 : memref<64x200xi32, #tpu.memory_space<vmem>>[vector<16xi32>, vector<16xi32>], vector<16xi32>, vector<16xi1>
      %gather3A_873 = tpu.vector_load_idx %arg5[%gather3A_812] masked %lt3A_43 : memref<1000xf32, #tpu.memory_space<vmem>>[vector<16xi32>], vector<16xf32>, vector<16xi1>
      %gather3A_874 = tpu.vector_load_idx %arg5[%gather3A_817] masked %lt3A_46 : memref<1000xf32, #tpu.memory_space<vmem>>[vector<16xi32>], vector<16xf32>, vector<16xi1>
      %gather3A_875 = tpu.vector_load_idx %arg5[%gather3A_822] masked %lt3A_49 : memref<1000xf32, #tpu.memory_space<vmem>>[vector<16xi32>], vector<16xf32>, vector<16xi1>
      %gather3A_876 = tpu.vector_load_idx %arg5[%gather3A_827] masked %lt3A_52 : memref<1000xf32, #tpu.memory_space<vmem>>[vector<16xi32>], vector<16xf32>, vector<16xi1>
      %gather3A_877 = tpu.vector_load_idx %arg5[%gather3A_832] masked %lt3A_55 : memref<1000xf32, #tpu.memory_space<vmem>>[vector<16xi32>], vector<16xf32>, vector<16xi1>
      %gather3A_878 = tpu.vector_load_idx %arg5[%gather3A_837] masked %lt3A_58 : memref<1000xf32, #tpu.memory_space<vmem>>[vector<16xi32>], vector<16xf32>, vector<16xi1>
      %gather3A_879 = tpu.vector_load_idx %arg5[%gather3A_842] masked %lt3A_61 : memref<1000xf32, #tpu.memory_space<vmem>>[vector<16xi32>], vector<16xf32>, vector<16xi1>
      %gather3A_880 = tpu.vector_load_idx %arg5[%gather3A_847] masked %lt3A_64 : memref<1000xf32, #tpu.memory_space<vmem>>[vector<16xi32>], vector<16xf32>, vector<16xi1>
      %gather3A_881 = tpu.vector_load_idx %arg5[%gather3A_852] masked %lt3A_67 : memref<1000xf32, #tpu.memory_space<vmem>>[vector<16xi32>], vector<16xf32>, vector<16xi1>
      %gather3A_882 = tpu.vector_load_idx %arg5[%gather3A_857] masked %lt3A_70 : memref<1000xf32, #tpu.memory_space<vmem>>[vector<16xi32>], vector<16xf32>, vector<16xi1>
      %gather3A_883 = tpu.vector_load_idx %arg5[%gather3A_862] masked %lt3A_73 : memref<1000xf32, #tpu.memory_space<vmem>>[vector<16xi32>], vector<16xf32>, vector<16xi1>
      %gather3A_884 = tpu.vector_load_idx %arg5[%gather3A_867] masked %lt3A_76 : memref<1000xf32, #tpu.memory_space<vmem>>[vector<16xi32>], vector<16xf32>, vector<16xi1>
      %gather3A_885 = tpu.vector_load_idx %arg5[%gather3A_872] masked %lt3A_79 : memref<1000xf32, #tpu.memory_space<vmem>>[vector<16xi32>], vector<16xf32>, vector<16xi1>
      %scatter3A = arith.constant 0 : i32
      %scatter3A_886 = arith.constant 0 : i32
      %scatter3A_887 = tpu.memref_slice %arg7[%scan3A_211, %scatter3A, %scatter3A_886] : memref<2x64x200xf32, #tpu.memory_space<vmem>> -> memref<1x64x200xf32, #tpu.memory_space<vmem>>
      %scatter3A_888 = tpu.memref_squeeze %scatter3A_887 : memref<1x64x200xf32, #tpu.memory_space<vmem>> -> memref<64x200xf32, #tpu.memory_space<vmem>>
      tpu.vector_store_idx %scatter3A_888[%add3A_808, %add3A_5], %gather3A_873 masked %lt3A_43 : memref<64x200xf32, #tpu.memory_space<vmem>>[vector<16xi32>, vector<16xi32>], vector<16xf32>, vector<16xi1>
      %scatter3A_889 = arith.constant 0 : i32
      %scatter3A_890 = arith.constant 0 : i32
      %scatter3A_891 = tpu.memref_slice %arg7[%scan3A_211, %scatter3A_889, %scatter3A_890] : memref<2x64x200xf32, #tpu.memory_space<vmem>> -> memref<1x64x200xf32, #tpu.memory_space<vmem>>
      %scatter3A_892 = tpu.memref_squeeze %scatter3A_891 : memref<1x64x200xf32, #tpu.memory_space<vmem>> -> memref<64x200xf32, #tpu.memory_space<vmem>>
      tpu.vector_store_idx %scatter3A_892[%add3A_808, %add3A_8], %gather3A_874 masked %lt3A_46 : memref<64x200xf32, #tpu.memory_space<vmem>>[vector<16xi32>, vector<16xi32>], vector<16xf32>, vector<16xi1>
      %scatter3A_893 = arith.constant 0 : i32
      %scatter3A_894 = arith.constant 0 : i32
      %scatter3A_895 = tpu.memref_slice %arg7[%scan3A_211, %scatter3A_893, %scatter3A_894] : memref<2x64x200xf32, #tpu.memory_space<vmem>> -> memref<1x64x200xf32, #tpu.memory_space<vmem>>
      %scatter3A_896 = tpu.memref_squeeze %scatter3A_895 : memref<1x64x200xf32, #tpu.memory_space<vmem>> -> memref<64x200xf32, #tpu.memory_space<vmem>>
      tpu.vector_store_idx %scatter3A_896[%add3A_808, %add3A_11], %gather3A_875 masked %lt3A_49 : memref<64x200xf32, #tpu.memory_space<vmem>>[vector<16xi32>, vector<16xi32>], vector<16xf32>, vector<16xi1>
      %scatter3A_897 = arith.constant 0 : i32
      %scatter3A_898 = arith.constant 0 : i32
      %scatter3A_899 = tpu.memref_slice %arg7[%scan3A_211, %scatter3A_897, %scatter3A_898] : memref<2x64x200xf32, #tpu.memory_space<vmem>> -> memref<1x64x200xf32, #tpu.memory_space<vmem>>
      %scatter3A_900 = tpu.memref_squeeze %scatter3A_899 : memref<1x64x200xf32, #tpu.memory_space<vmem>> -> memref<64x200xf32, #tpu.memory_space<vmem>>
      tpu.vector_store_idx %scatter3A_900[%add3A_808, %add3A_14], %gather3A_876 masked %lt3A_52 : memref<64x200xf32, #tpu.memory_space<vmem>>[vector<16xi32>, vector<16xi32>], vector<16xf32>, vector<16xi1>
      %scatter3A_901 = arith.constant 0 : i32
      %scatter3A_902 = arith.constant 0 : i32
      %scatter3A_903 = tpu.memref_slice %arg7[%scan3A_211, %scatter3A_901, %scatter3A_902] : memref<2x64x200xf32, #tpu.memory_space<vmem>> -> memref<1x64x200xf32, #tpu.memory_space<vmem>>
      %scatter3A_904 = tpu.memref_squeeze %scatter3A_903 : memref<1x64x200xf32, #tpu.memory_space<vmem>> -> memref<64x200xf32, #tpu.memory_space<vmem>>
      tpu.vector_store_idx %scatter3A_904[%add3A_808, %add3A_17], %gather3A_877 masked %lt3A_55 : memref<64x200xf32, #tpu.memory_space<vmem>>[vector<16xi32>, vector<16xi32>], vector<16xf32>, vector<16xi1>
      %scatter3A_905 = arith.constant 0 : i32
      %scatter3A_906 = arith.constant 0 : i32
      %scatter3A_907 = tpu.memref_slice %arg7[%scan3A_211, %scatter3A_905, %scatter3A_906] : memref<2x64x200xf32, #tpu.memory_space<vmem>> -> memref<1x64x200xf32, #tpu.memory_space<vmem>>
      %scatter3A_908 = tpu.memref_squeeze %scatter3A_907 : memref<1x64x200xf32, #tpu.memory_space<vmem>> -> memref<64x200xf32, #tpu.memory_space<vmem>>
      tpu.vector_store_idx %scatter3A_908[%add3A_808, %add3A_20], %gather3A_878 masked %lt3A_58 : memref<64x200xf32, #tpu.memory_space<vmem>>[vector<16xi32>, vector<16xi32>], vector<16xf32>, vector<16xi1>
      %scatter3A_909 = arith.constant 0 : i32
      %scatter3A_910 = arith.constant 0 : i32
      %scatter3A_911 = tpu.memref_slice %arg7[%scan3A_211, %scatter3A_909, %scatter3A_910] : memref<2x64x200xf32, #tpu.memory_space<vmem>> -> memref<1x64x200xf32, #tpu.memory_space<vmem>>
      %scatter3A_912 = tpu.memref_squeeze %scatter3A_911 : memref<1x64x200xf32, #tpu.memory_space<vmem>> -> memref<64x200xf32, #tpu.memory_space<vmem>>
      tpu.vector_store_idx %scatter3A_912[%add3A_808, %add3A_23], %gather3A_879 masked %lt3A_61 : memref<64x200xf32, #tpu.memory_space<vmem>>[vector<16xi32>, vector<16xi32>], vector<16xf32>, vector<16xi1>
      %scatter3A_913 = arith.constant 0 : i32
      %scatter3A_914 = arith.constant 0 : i32
      %scatter3A_915 = tpu.memref_slice %arg7[%scan3A_211, %scatter3A_913, %scatter3A_914] : memref<2x64x200xf32, #tpu.memory_space<vmem>> -> memref<1x64x200xf32, #tpu.memory_space<vmem>>
      %scatter3A_916 = tpu.memref_squeeze %scatter3A_915 : memref<1x64x200xf32, #tpu.memory_space<vmem>> -> memref<64x200xf32, #tpu.memory_space<vmem>>
      tpu.vector_store_idx %scatter3A_916[%add3A_808, %add3A_26], %gather3A_880 masked %lt3A_64 : memref<64x200xf32, #tpu.memory_space<vmem>>[vector<16xi32>, vector<16xi32>], vector<16xf32>, vector<16xi1>
      %scatter3A_917 = arith.constant 0 : i32
      %scatter3A_918 = arith.constant 0 : i32
      %scatter3A_919 = tpu.memref_slice %arg7[%scan3A_211, %scatter3A_917, %scatter3A_918] : memref<2x64x200xf32, #tpu.memory_space<vmem>> -> memref<1x64x200xf32, #tpu.memory_space<vmem>>
      %scatter3A_920 = tpu.memref_squeeze %scatter3A_919 : memref<1x64x200xf32, #tpu.memory_space<vmem>> -> memref<64x200xf32, #tpu.memory_space<vmem>>
      tpu.vector_store_idx %scatter3A_920[%add3A_808, %add3A_29], %gather3A_881 masked %lt3A_67 : memref<64x200xf32, #tpu.memory_space<vmem>>[vector<16xi32>, vector<16xi32>], vector<16xf32>, vector<16xi1>
      %scatter3A_921 = arith.constant 0 : i32
      %scatter3A_922 = arith.constant 0 : i32
      %scatter3A_923 = tpu.memref_slice %arg7[%scan3A_211, %scatter3A_921, %scatter3A_922] : memref<2x64x200xf32, #tpu.memory_space<vmem>> -> memref<1x64x200xf32, #tpu.memory_space<vmem>>
      %scatter3A_924 = tpu.memref_squeeze %scatter3A_923 : memref<1x64x200xf32, #tpu.memory_space<vmem>> -> memref<64x200xf32, #tpu.memory_space<vmem>>
      tpu.vector_store_idx %scatter3A_924[%add3A_808, %add3A_32], %gather3A_882 masked %lt3A_70 : memref<64x200xf32, #tpu.memory_space<vmem>>[vector<16xi32>, vector<16xi32>], vector<16xf32>, vector<16xi1>
      %scatter3A_925 = arith.constant 0 : i32
      %scatter3A_926 = arith.constant 0 : i32
      %scatter3A_927 = tpu.memref_slice %arg7[%scan3A_211, %scatter3A_925, %scatter3A_926] : memref<2x64x200xf32, #tpu.memory_space<vmem>> -> memref<1x64x200xf32, #tpu.memory_space<vmem>>
      %scatter3A_928 = tpu.memref_squeeze %scatter3A_927 : memref<1x64x200xf32, #tpu.memory_space<vmem>> -> memref<64x200xf32, #tpu.memory_space<vmem>>
      tpu.vector_store_idx %scatter3A_928[%add3A_808, %add3A_35], %gather3A_883 masked %lt3A_73 : memref<64x200xf32, #tpu.memory_space<vmem>>[vector<16xi32>, vector<16xi32>], vector<16xf32>, vector<16xi1>
      %scatter3A_929 = arith.constant 0 : i32
      %scatter3A_930 = arith.constant 0 : i32
      %scatter3A_931 = tpu.memref_slice %arg7[%scan3A_211, %scatter3A_929, %scatter3A_930] : memref<2x64x200xf32, #tpu.memory_space<vmem>> -> memref<1x64x200xf32, #tpu.memory_space<vmem>>
      %scatter3A_932 = tpu.memref_squeeze %scatter3A_931 : memref<1x64x200xf32, #tpu.memory_space<vmem>> -> memref<64x200xf32, #tpu.memory_space<vmem>>
      tpu.vector_store_idx %scatter3A_932[%add3A_808, %add3A_38], %gather3A_884 masked %lt3A_76 : memref<64x200xf32, #tpu.memory_space<vmem>>[vector<16xi32>, vector<16xi32>], vector<16xf32>, vector<16xi1>
      %scatter3A_933 = arith.constant 0 : i32
      %scatter3A_934 = arith.constant 0 : i32
      %scatter3A_935 = tpu.memref_slice %arg7[%scan3A_211, %scatter3A_933, %scatter3A_934] : memref<2x64x200xf32, #tpu.memory_space<vmem>> -> memref<1x64x200xf32, #tpu.memory_space<vmem>>
      %scatter3A_936 = tpu.memref_squeeze %scatter3A_935 : memref<1x64x200xf32, #tpu.memory_space<vmem>> -> memref<64x200xf32, #tpu.memory_space<vmem>>
      tpu.vector_store_idx %scatter3A_936[%add3A_808, %add3A_41], %gather3A_885 masked %lt3A_79 : memref<64x200xf32, #tpu.memory_space<vmem>>[vector<16xi32>, vector<16xi32>], vector<16xf32>, vector<16xi1>
    }
    %scan3A_216 = arith.constant 64 : i32
    %add3A_217 = arith.constant 1 : i32
    %add3A_218 = arith.addi %mul3A_2, %add3A_217 : i32
    %dma_start3A_219 = arith.constant 1 : i32
    %dma_start3A_220 = arith.constant 0 : i32
    %dma_start3A_221 = arith.constant 0 : i32
    %dma_start3A_222 = tpu.memref_slice %arg7[%dma_start3A_219, %dma_start3A_220, %dma_start3A_221] : memref<2x64x200xf32, #tpu.memory_space<vmem>> -> memref<1x64x200xf32, #tpu.memory_space<vmem>>
    %dma_start3A_223 = tpu.memref_squeeze %dma_start3A_222 : memref<1x64x200xf32, #tpu.memory_space<vmem>> -> memref<64x200xf32, #tpu.memory_space<vmem>>
    %dma_start3A_224 = tpu.memref_reshape %arg4 : memref<16384x200xf32, #tpu.memory_space<hbm>> -> memref<256x64x200xf32, #tpu.memory_space<hbm>>
    %dma_start3A_225 = arith.constant 0 : i32
    %dma_start3A_226 = arith.constant 0 : i32
    %dma_start3A_227 = tpu.memref_slice %dma_start3A_224[%add3A_218, %dma_start3A_225, %dma_start3A_226] : memref<256x64x200xf32, #tpu.memory_space<hbm>> -> memref<1x64x200xf32, #tpu.memory_space<hbm>>
    %dma_start3A_228 = tpu.memref_squeeze %dma_start3A_227 : memref<1x64x200xf32, #tpu.memory_space<hbm>> -> memref<64x200xf32, #tpu.memory_space<hbm>>
    %dma_start3A_229 = tpu.memref_reshape %arg4 : memref<16384x200xf32, #tpu.memory_space<hbm>> -> memref<256x64x200xf32, #tpu.memory_space<hbm>>
    %dma_start3A_230 = arith.constant 0 : i32
    %dma_start3A_231 = arith.constant 0 : i32
    %dma_start3A_232 = tpu.memref_slice %dma_start3A_229[%add3A_218, %dma_start3A_230, %dma_start3A_231] : memref<256x64x200xf32, #tpu.memory_space<hbm>> -> memref<1x64x200xf32, #tpu.memory_space<hbm>>
    %dma_start3A_233 = tpu.memref_squeeze %dma_start3A_232 : memref<1x64x200xf32, #tpu.memory_space<hbm>> -> memref<64x200xf32, #tpu.memory_space<hbm>>
    %dma_start3A_234 = arith.constant 0 : i32
    %dma_start3A_235 = arith.constant 0 : i32
    %dma_start3A_236 = tpu.memref_slice %arg7[%dma_start3A_219, %dma_start3A_234, %dma_start3A_235] : memref<2x64x200xf32, #tpu.memory_space<vmem>> -> memref<1x64x200xf32, #tpu.memory_space<vmem>>
    %dma_start3A_237 = tpu.memref_squeeze %dma_start3A_236 : memref<1x64x200xf32, #tpu.memory_space<vmem>> -> memref<64x200xf32, #tpu.memory_space<vmem>>
    tpu.enqueue_dma source(%dma_start3A_237 : memref<64x200xf32, #tpu.memory_space<vmem>>) target(%dma_start3A_233 : memref<64x200xf32, #tpu.memory_space<hbm>>) target_semaphore(%arg11 : memref<!tpu.dma_semaphore, #tpu.memory_space<semaphore_mem>>)
    %add3A_238 = arith.constant 3 : i32
    %add3A_239 = arith.addi %mul3A_2, %add3A_238 : i32
    %dma_start3A_240 = arith.constant 1 : i32
    %dma_start3A_241 = arith.constant 0 : i32
    %dma_start3A_242 = arith.constant 0 : i32
    %dma_start3A_243 = tpu.memref_slice %arg6[%dma_start3A_240, %dma_start3A_241, %dma_start3A_242] : memref<2x64x200xi32, #tpu.memory_space<vmem>> -> memref<1x64x200xi32, #tpu.memory_space<vmem>>
    %dma_start3A_244 = tpu.memref_squeeze %dma_start3A_243 : memref<1x64x200xi32, #tpu.memory_space<vmem>> -> memref<64x200xi32, #tpu.memory_space<vmem>>
    %dma_start3A_245 = tpu.memref_reshape %arg2 : memref<16384x200xi32, #tpu.memory_space<hbm>> -> memref<256x64x200xi32, #tpu.memory_space<hbm>>
    %dma_start3A_246 = arith.constant 0 : i32
    %dma_start3A_247 = arith.constant 0 : i32
    %dma_start3A_248 = tpu.memref_slice %dma_start3A_245[%add3A_239, %dma_start3A_246, %dma_start3A_247] : memref<256x64x200xi32, #tpu.memory_space<hbm>> -> memref<1x64x200xi32, #tpu.memory_space<hbm>>
    %dma_start3A_249 = tpu.memref_squeeze %dma_start3A_248 : memref<1x64x200xi32, #tpu.memory_space<hbm>> -> memref<64x200xi32, #tpu.memory_space<hbm>>
    %dma_start3A_250 = arith.constant 0 : i32
    %dma_start3A_251 = arith.constant 0 : i32
    %dma_start3A_252 = tpu.memref_slice %arg6[%dma_start3A_240, %dma_start3A_250, %dma_start3A_251] : memref<2x64x200xi32, #tpu.memory_space<vmem>> -> memref<1x64x200xi32, #tpu.memory_space<vmem>>
    %dma_start3A_253 = tpu.memref_squeeze %dma_start3A_252 : memref<1x64x200xi32, #tpu.memory_space<vmem>> -> memref<64x200xi32, #tpu.memory_space<vmem>>
    %dma_start3A_254 = tpu.memref_reshape %arg2 : memref<16384x200xi32, #tpu.memory_space<hbm>> -> memref<256x64x200xi32, #tpu.memory_space<hbm>>
    %dma_start3A_255 = arith.constant 0 : i32
    %dma_start3A_256 = arith.constant 0 : i32
    %dma_start3A_257 = tpu.memref_slice %dma_start3A_254[%add3A_239, %dma_start3A_255, %dma_start3A_256] : memref<256x64x200xi32, #tpu.memory_space<hbm>> -> memref<1x64x200xi32, #tpu.memory_space<hbm>>
    %dma_start3A_258 = tpu.memref_squeeze %dma_start3A_257 : memref<1x64x200xi32, #tpu.memory_space<hbm>> -> memref<64x200xi32, #tpu.memory_space<hbm>>
    tpu.enqueue_dma source(%dma_start3A_258 : memref<64x200xi32, #tpu.memory_space<hbm>>) target(%dma_start3A_253 : memref<64x200xi32, #tpu.memory_space<vmem>>) target_semaphore(%arg9 : memref<!tpu.dma_semaphore, #tpu.memory_space<semaphore_mem>>)
    %add3A_259 = arith.constant 2 : i32
    %add3A_260 = arith.addi %mul3A_2, %add3A_259 : i32
    %dma_wait3A_261 = arith.constant 0 : i32
    %dma_wait3A_262 = arith.constant 0 : i32
    %dma_wait3A_263 = arith.constant 0 : i32
    %dma_wait3A_264 = tpu.memref_slice %arg6[%dma_wait3A_261, %dma_wait3A_262, %dma_wait3A_263] : memref<2x64x200xi32, #tpu.memory_space<vmem>> -> memref<1x64x200xi32, #tpu.memory_space<vmem>>
    %dma_wait3A_265 = tpu.memref_squeeze %dma_wait3A_264 : memref<1x64x200xi32, #tpu.memory_space<vmem>> -> memref<64x200xi32, #tpu.memory_space<vmem>>
    %dma_wait3A_266 = tpu.memref_reshape %arg2 : memref<16384x200xi32, #tpu.memory_space<hbm>> -> memref<256x64x200xi32, #tpu.memory_space<hbm>>
    %dma_wait3A_267 = arith.constant 0 : i32
    %dma_wait3A_268 = arith.constant 0 : i32
    %dma_wait3A_269 = tpu.memref_slice %dma_wait3A_266[%add3A_260, %dma_wait3A_267, %dma_wait3A_268] : memref<256x64x200xi32, #tpu.memory_space<hbm>> -> memref<1x64x200xi32, #tpu.memory_space<hbm>>
    %dma_wait3A_270 = tpu.memref_squeeze %dma_wait3A_269 : memref<1x64x200xi32, #tpu.memory_space<hbm>> -> memref<64x200xi32, #tpu.memory_space<hbm>>
    %dma_wait3A_271 = arith.constant 0 : i32
    %dma_wait3A_272 = arith.constant 0 : i32
    %dma_wait3A_273 = tpu.memref_slice %arg6[%dma_wait3A_261, %dma_wait3A_271, %dma_wait3A_272] : memref<2x64x200xi32, #tpu.memory_space<vmem>> -> memref<1x64x200xi32, #tpu.memory_space<vmem>>
    %dma_wait3A_274 = tpu.memref_squeeze %dma_wait3A_273 : memref<1x64x200xi32, #tpu.memory_space<vmem>> -> memref<64x200xi32, #tpu.memory_space<vmem>>
    %dma_wait3A_275 = tpu.memref_reshape %arg2 : memref<16384x200xi32, #tpu.memory_space<hbm>> -> memref<256x64x200xi32, #tpu.memory_space<hbm>>
    %dma_wait3A_276 = arith.constant 0 : i32
    %dma_wait3A_277 = arith.constant 0 : i32
    %dma_wait3A_278 = tpu.memref_slice %dma_wait3A_275[%add3A_260, %dma_wait3A_276, %dma_wait3A_277] : memref<256x64x200xi32, #tpu.memory_space<hbm>> -> memref<1x64x200xi32, #tpu.memory_space<hbm>>
    %dma_wait3A_279 = tpu.memref_squeeze %dma_wait3A_278 : memref<1x64x200xi32, #tpu.memory_space<hbm>> -> memref<64x200xi32, #tpu.memory_space<hbm>>
    tpu.wait_dma2 semaphore(%arg8 : memref<!tpu.dma_semaphore, #tpu.memory_space<semaphore_mem>>) src(%dma_wait3A_279 : memref<64x200xi32, #tpu.memory_space<hbm>>) dst(%dma_wait3A_274 : memref<64x200xi32, #tpu.memory_space<vmem>>)
    %add3A_280 = arith.constant 0 : i32
    %add3A_281 = arith.addi %mul3A_2, %add3A_280 : i32
    %dma_wait3A_282 = arith.constant 0 : i32
    %dma_wait3A_283 = arith.constant 0 : i32
    %dma_wait3A_284 = arith.constant 0 : i32
    %dma_wait3A_285 = tpu.memref_slice %arg7[%dma_wait3A_282, %dma_wait3A_283, %dma_wait3A_284] : memref<2x64x200xf32, #tpu.memory_space<vmem>> -> memref<1x64x200xf32, #tpu.memory_space<vmem>>
    %dma_wait3A_286 = tpu.memref_squeeze %dma_wait3A_285 : memref<1x64x200xf32, #tpu.memory_space<vmem>> -> memref<64x200xf32, #tpu.memory_space<vmem>>
    %dma_wait3A_287 = tpu.memref_reshape %arg4 : memref<16384x200xf32, #tpu.memory_space<hbm>> -> memref<256x64x200xf32, #tpu.memory_space<hbm>>
    %dma_wait3A_288 = arith.constant 0 : i32
    %dma_wait3A_289 = arith.constant 0 : i32
    %dma_wait3A_290 = tpu.memref_slice %dma_wait3A_287[%add3A_281, %dma_wait3A_288, %dma_wait3A_289] : memref<256x64x200xf32, #tpu.memory_space<hbm>> -> memref<1x64x200xf32, #tpu.memory_space<hbm>>
    %dma_wait3A_291 = tpu.memref_squeeze %dma_wait3A_290 : memref<1x64x200xf32, #tpu.memory_space<hbm>> -> memref<64x200xf32, #tpu.memory_space<hbm>>
    %dma_wait3A_292 = tpu.memref_reshape %arg4 : memref<16384x200xf32, #tpu.memory_space<hbm>> -> memref<256x64x200xf32, #tpu.memory_space<hbm>>
    %dma_wait3A_293 = arith.constant 0 : i32
    %dma_wait3A_294 = arith.constant 0 : i32
    %dma_wait3A_295 = tpu.memref_slice %dma_wait3A_292[%add3A_281, %dma_wait3A_293, %dma_wait3A_294] : memref<256x64x200xf32, #tpu.memory_space<hbm>> -> memref<1x64x200xf32, #tpu.memory_space<hbm>>
    %dma_wait3A_296 = tpu.memref_squeeze %dma_wait3A_295 : memref<1x64x200xf32, #tpu.memory_space<hbm>> -> memref<64x200xf32, #tpu.memory_space<hbm>>
    %dma_wait3A_297 = arith.constant 0 : i32
    %dma_wait3A_298 = arith.constant 0 : i32
    %dma_wait3A_299 = tpu.memref_slice %arg7[%dma_wait3A_282, %dma_wait3A_297, %dma_wait3A_298] : memref<2x64x200xf32, #tpu.memory_space<vmem>> -> memref<1x64x200xf32, #tpu.memory_space<vmem>>
    %dma_wait3A_300 = tpu.memref_squeeze %dma_wait3A_299 : memref<1x64x200xf32, #tpu.memory_space<vmem>> -> memref<64x200xf32, #tpu.memory_space<vmem>>
    tpu.wait_dma2 semaphore(%arg10 : memref<!tpu.dma_semaphore, #tpu.memory_space<semaphore_mem>>) src(%dma_wait3A_300 : memref<64x200xf32, #tpu.memory_space<vmem>>) dst(%dma_wait3A_296 : memref<64x200xf32, #tpu.memory_space<hbm>>)
    %scan3A_301 = arith.constant 0 : i32
    %scan3A_302 = arith.constant 0 : i32
    %scan3A_303 = arith.constant 0 : i32
    %scan3A_304 = arith.constant 64 : i32
    %scan3A_305 = arith.addi %scan3A_303, %scan3A_304 : i32
    %scan3A_306 = arith.constant 1 : i32
    scf.for %scan3A_805 = %scan3A_303 to %scan3A_305 step %scan3A_306  : i32 {
      %broadcast_in_dim3A = arith.constant 0 : i32
      %broadcast_in_dim3A_806 = vector.broadcast %broadcast_in_dim3A : i32 to vector<16xi32>
      %add3A_807 = vector.broadcast %scan3A_805 : i32 to vector<16xi32>
      %add3A_808 = arith.addi %broadcast_in_dim3A_806, %add3A_807 : vector<16xi32>
      %gather3A = arith.constant 0 : i32
      %gather3A_809 = arith.constant 0 : i32
      %gather3A_810 = tpu.memref_slice %arg6[%scan3A_301, %gather3A, %gather3A_809] : memref<2x64x200xi32, #tpu.memory_space<vmem>> -> memref<1x64x200xi32, #tpu.memory_space<vmem>>
      %gather3A_811 = tpu.memref_squeeze %gather3A_810 : memref<1x64x200xi32, #tpu.memory_space<vmem>> -> memref<64x200xi32, #tpu.memory_space<vmem>>
      %gather3A_812 = tpu.vector_load_idx %gather3A_811[%add3A_808, %add3A_5] masked %lt3A_43 : memref<64x200xi32, #tpu.memory_space<vmem>>[vector<16xi32>, vector<16xi32>], vector<16xi32>, vector<16xi1>
      %gather3A_813 = arith.constant 0 : i32
      %gather3A_814 = arith.constant 0 : i32
      %gather3A_815 = tpu.memref_slice %arg6[%scan3A_301, %gather3A_813, %gather3A_814] : memref<2x64x200xi32, #tpu.memory_space<vmem>> -> memref<1x64x200xi32, #tpu.memory_space<vmem>>
      %gather3A_816 = tpu.memref_squeeze %gather3A_815 : memref<1x64x200xi32, #tpu.memory_space<vmem>> -> memref<64x200xi32, #tpu.memory_space<vmem>>
      %gather3A_817 = tpu.vector_load_idx %gather3A_816[%add3A_808, %add3A_8] masked %lt3A_46 : memref<64x200xi32, #tpu.memory_space<vmem>>[vector<16xi32>, vector<16xi32>], vector<16xi32>, vector<16xi1>
      %gather3A_818 = arith.constant 0 : i32
      %gather3A_819 = arith.constant 0 : i32
      %gather3A_820 = tpu.memref_slice %arg6[%scan3A_301, %gather3A_818, %gather3A_819] : memref<2x64x200xi32, #tpu.memory_space<vmem>> -> memref<1x64x200xi32, #tpu.memory_space<vmem>>
      %gather3A_821 = tpu.memref_squeeze %gather3A_820 : memref<1x64x200xi32, #tpu.memory_space<vmem>> -> memref<64x200xi32, #tpu.memory_space<vmem>>
      %gather3A_822 = tpu.vector_load_idx %gather3A_821[%add3A_808, %add3A_11] masked %lt3A_49 : memref<64x200xi32, #tpu.memory_space<vmem>>[vector<16xi32>, vector<16xi32>], vector<16xi32>, vector<16xi1>
      %gather3A_823 = arith.constant 0 : i32
      %gather3A_824 = arith.constant 0 : i32
      %gather3A_825 = tpu.memref_slice %arg6[%scan3A_301, %gather3A_823, %gather3A_824] : memref<2x64x200xi32, #tpu.memory_space<vmem>> -> memref<1x64x200xi32, #tpu.memory_space<vmem>>
      %gather3A_826 = tpu.memref_squeeze %gather3A_825 : memref<1x64x200xi32, #tpu.memory_space<vmem>> -> memref<64x200xi32, #tpu.memory_space<vmem>>
      %gather3A_827 = tpu.vector_load_idx %gather3A_826[%add3A_808, %add3A_14] masked %lt3A_52 : memref<64x200xi32, #tpu.memory_space<vmem>>[vector<16xi32>, vector<16xi32>], vector<16xi32>, vector<16xi1>
      %gather3A_828 = arith.constant 0 : i32
      %gather3A_829 = arith.constant 0 : i32
      %gather3A_830 = tpu.memref_slice %arg6[%scan3A_301, %gather3A_828, %gather3A_829] : memref<2x64x200xi32, #tpu.memory_space<vmem>> -> memref<1x64x200xi32, #tpu.memory_space<vmem>>
      %gather3A_831 = tpu.memref_squeeze %gather3A_830 : memref<1x64x200xi32, #tpu.memory_space<vmem>> -> memref<64x200xi32, #tpu.memory_space<vmem>>
      %gather3A_832 = tpu.vector_load_idx %gather3A_831[%add3A_808, %add3A_17] masked %lt3A_55 : memref<64x200xi32, #tpu.memory_space<vmem>>[vector<16xi32>, vector<16xi32>], vector<16xi32>, vector<16xi1>
      %gather3A_833 = arith.constant 0 : i32
      %gather3A_834 = arith.constant 0 : i32
      %gather3A_835 = tpu.memref_slice %arg6[%scan3A_301, %gather3A_833, %gather3A_834] : memref<2x64x200xi32, #tpu.memory_space<vmem>> -> memref<1x64x200xi32, #tpu.memory_space<vmem>>
      %gather3A_836 = tpu.memref_squeeze %gather3A_835 : memref<1x64x200xi32, #tpu.memory_space<vmem>> -> memref<64x200xi32, #tpu.memory_space<vmem>>
      %gather3A_837 = tpu.vector_load_idx %gather3A_836[%add3A_808, %add3A_20] masked %lt3A_58 : memref<64x200xi32, #tpu.memory_space<vmem>>[vector<16xi32>, vector<16xi32>], vector<16xi32>, vector<16xi1>
      %gather3A_838 = arith.constant 0 : i32
      %gather3A_839 = arith.constant 0 : i32
      %gather3A_840 = tpu.memref_slice %arg6[%scan3A_301, %gather3A_838, %gather3A_839] : memref<2x64x200xi32, #tpu.memory_space<vmem>> -> memref<1x64x200xi32, #tpu.memory_space<vmem>>
      %gather3A_841 = tpu.memref_squeeze %gather3A_840 : memref<1x64x200xi32, #tpu.memory_space<vmem>> -> memref<64x200xi32, #tpu.memory_space<vmem>>
      %gather3A_842 = tpu.vector_load_idx %gather3A_841[%add3A_808, %add3A_23] masked %lt3A_61 : memref<64x200xi32, #tpu.memory_space<vmem>>[vector<16xi32>, vector<16xi32>], vector<16xi32>, vector<16xi1>
      %gather3A_843 = arith.constant 0 : i32
      %gather3A_844 = arith.constant 0 : i32
      %gather3A_845 = tpu.memref_slice %arg6[%scan3A_301, %gather3A_843, %gather3A_844] : memref<2x64x200xi32, #tpu.memory_space<vmem>> -> memref<1x64x200xi32, #tpu.memory_space<vmem>>
      %gather3A_846 = tpu.memref_squeeze %gather3A_845 : memref<1x64x200xi32, #tpu.memory_space<vmem>> -> memref<64x200xi32, #tpu.memory_space<vmem>>
      %gather3A_847 = tpu.vector_load_idx %gather3A_846[%add3A_808, %add3A_26] masked %lt3A_64 : memref<64x200xi32, #tpu.memory_space<vmem>>[vector<16xi32>, vector<16xi32>], vector<16xi32>, vector<16xi1>
      %gather3A_848 = arith.constant 0 : i32
      %gather3A_849 = arith.constant 0 : i32
      %gather3A_850 = tpu.memref_slice %arg6[%scan3A_301, %gather3A_848, %gather3A_849] : memref<2x64x200xi32, #tpu.memory_space<vmem>> -> memref<1x64x200xi32, #tpu.memory_space<vmem>>
      %gather3A_851 = tpu.memref_squeeze %gather3A_850 : memref<1x64x200xi32, #tpu.memory_space<vmem>> -> memref<64x200xi32, #tpu.memory_space<vmem>>
      %gather3A_852 = tpu.vector_load_idx %gather3A_851[%add3A_808, %add3A_29] masked %lt3A_67 : memref<64x200xi32, #tpu.memory_space<vmem>>[vector<16xi32>, vector<16xi32>], vector<16xi32>, vector<16xi1>
      %gather3A_853 = arith.constant 0 : i32
      %gather3A_854 = arith.constant 0 : i32
      %gather3A_855 = tpu.memref_slice %arg6[%scan3A_301, %gather3A_853, %gather3A_854] : memref<2x64x200xi32, #tpu.memory_space<vmem>> -> memref<1x64x200xi32, #tpu.memory_space<vmem>>
      %gather3A_856 = tpu.memref_squeeze %gather3A_855 : memref<1x64x200xi32, #tpu.memory_space<vmem>> -> memref<64x200xi32, #tpu.memory_space<vmem>>
      %gather3A_857 = tpu.vector_load_idx %gather3A_856[%add3A_808, %add3A_32] masked %lt3A_70 : memref<64x200xi32, #tpu.memory_space<vmem>>[vector<16xi32>, vector<16xi32>], vector<16xi32>, vector<16xi1>
      %gather3A_858 = arith.constant 0 : i32
      %gather3A_859 = arith.constant 0 : i32
      %gather3A_860 = tpu.memref_slice %arg6[%scan3A_301, %gather3A_858, %gather3A_859] : memref<2x64x200xi32, #tpu.memory_space<vmem>> -> memref<1x64x200xi32, #tpu.memory_space<vmem>>
      %gather3A_861 = tpu.memref_squeeze %gather3A_860 : memref<1x64x200xi32, #tpu.memory_space<vmem>> -> memref<64x200xi32, #tpu.memory_space<vmem>>
      %gather3A_862 = tpu.vector_load_idx %gather3A_861[%add3A_808, %add3A_35] masked %lt3A_73 : memref<64x200xi32, #tpu.memory_space<vmem>>[vector<16xi32>, vector<16xi32>], vector<16xi32>, vector<16xi1>
      %gather3A_863 = arith.constant 0 : i32
      %gather3A_864 = arith.constant 0 : i32
      %gather3A_865 = tpu.memref_slice %arg6[%scan3A_301, %gather3A_863, %gather3A_864] : memref<2x64x200xi32, #tpu.memory_space<vmem>> -> memref<1x64x200xi32, #tpu.memory_space<vmem>>
      %gather3A_866 = tpu.memref_squeeze %gather3A_865 : memref<1x64x200xi32, #tpu.memory_space<vmem>> -> memref<64x200xi32, #tpu.memory_space<vmem>>
      %gather3A_867 = tpu.vector_load_idx %gather3A_866[%add3A_808, %add3A_38] masked %lt3A_76 : memref<64x200xi32, #tpu.memory_space<vmem>>[vector<16xi32>, vector<16xi32>], vector<16xi32>, vector<16xi1>
      %gather3A_868 = arith.constant 0 : i32
      %gather3A_869 = arith.constant 0 : i32
      %gather3A_870 = tpu.memref_slice %arg6[%scan3A_301, %gather3A_868, %gather3A_869] : memref<2x64x200xi32, #tpu.memory_space<vmem>> -> memref<1x64x200xi32, #tpu.memory_space<vmem>>
      %gather3A_871 = tpu.memref_squeeze %gather3A_870 : memref<1x64x200xi32, #tpu.memory_space<vmem>> -> memref<64x200xi32, #tpu.memory_space<vmem>>
      %gather3A_872 = tpu.vector_load_idx %gather3A_871[%add3A_808, %add3A_41] masked %lt3A_79 : memref<64x200xi32, #tpu.memory_space<vmem>>[vector<16xi32>, vector<16xi32>], vector<16xi32>, vector<16xi1>
      %gather3A_873 = tpu.vector_load_idx %arg5[%gather3A_812] masked %lt3A_43 : memref<1000xf32, #tpu.memory_space<vmem>>[vector<16xi32>], vector<16xf32>, vector<16xi1>
      %gather3A_874 = tpu.vector_load_idx %arg5[%gather3A_817] masked %lt3A_46 : memref<1000xf32, #tpu.memory_space<vmem>>[vector<16xi32>], vector<16xf32>, vector<16xi1>
      %gather3A_875 = tpu.vector_load_idx %arg5[%gather3A_822] masked %lt3A_49 : memref<1000xf32, #tpu.memory_space<vmem>>[vector<16xi32>], vector<16xf32>, vector<16xi1>
      %gather3A_876 = tpu.vector_load_idx %arg5[%gather3A_827] masked %lt3A_52 : memref<1000xf32, #tpu.memory_space<vmem>>[vector<16xi32>], vector<16xf32>, vector<16xi1>
      %gather3A_877 = tpu.vector_load_idx %arg5[%gather3A_832] masked %lt3A_55 : memref<1000xf32, #tpu.memory_space<vmem>>[vector<16xi32>], vector<16xf32>, vector<16xi1>
      %gather3A_878 = tpu.vector_load_idx %arg5[%gather3A_837] masked %lt3A_58 : memref<1000xf32, #tpu.memory_space<vmem>>[vector<16xi32>], vector<16xf32>, vector<16xi1>
      %gather3A_879 = tpu.vector_load_idx %arg5[%gather3A_842] masked %lt3A_61 : memref<1000xf32, #tpu.memory_space<vmem>>[vector<16xi32>], vector<16xf32>, vector<16xi1>
      %gather3A_880 = tpu.vector_load_idx %arg5[%gather3A_847] masked %lt3A_64 : memref<1000xf32, #tpu.memory_space<vmem>>[vector<16xi32>], vector<16xf32>, vector<16xi1>
      %gather3A_881 = tpu.vector_load_idx %arg5[%gather3A_852] masked %lt3A_67 : memref<1000xf32, #tpu.memory_space<vmem>>[vector<16xi32>], vector<16xf32>, vector<16xi1>
      %gather3A_882 = tpu.vector_load_idx %arg5[%gather3A_857] masked %lt3A_70 : memref<1000xf32, #tpu.memory_space<vmem>>[vector<16xi32>], vector<16xf32>, vector<16xi1>
      %gather3A_883 = tpu.vector_load_idx %arg5[%gather3A_862] masked %lt3A_73 : memref<1000xf32, #tpu.memory_space<vmem>>[vector<16xi32>], vector<16xf32>, vector<16xi1>
      %gather3A_884 = tpu.vector_load_idx %arg5[%gather3A_867] masked %lt3A_76 : memref<1000xf32, #tpu.memory_space<vmem>>[vector<16xi32>], vector<16xf32>, vector<16xi1>
      %gather3A_885 = tpu.vector_load_idx %arg5[%gather3A_872] masked %lt3A_79 : memref<1000xf32, #tpu.memory_space<vmem>>[vector<16xi32>], vector<16xf32>, vector<16xi1>
      %scatter3A = arith.constant 0 : i32
      %scatter3A_886 = arith.constant 0 : i32
      %scatter3A_887 = tpu.memref_slice %arg7[%scan3A_302, %scatter3A, %scatter3A_886] : memref<2x64x200xf32, #tpu.memory_space<vmem>> -> memref<1x64x200xf32, #tpu.memory_space<vmem>>
      %scatter3A_888 = tpu.memref_squeeze %scatter3A_887 : memref<1x64x200xf32, #tpu.memory_space<vmem>> -> memref<64x200xf32, #tpu.memory_space<vmem>>
      tpu.vector_store_idx %scatter3A_888[%add3A_808, %add3A_5], %gather3A_873 masked %lt3A_43 : memref<64x200xf32, #tpu.memory_space<vmem>>[vector<16xi32>, vector<16xi32>], vector<16xf32>, vector<16xi1>
      %scatter3A_889 = arith.constant 0 : i32
      %scatter3A_890 = arith.constant 0 : i32
      %scatter3A_891 = tpu.memref_slice %arg7[%scan3A_302, %scatter3A_889, %scatter3A_890] : memref<2x64x200xf32, #tpu.memory_space<vmem>> -> memref<1x64x200xf32, #tpu.memory_space<vmem>>
      %scatter3A_892 = tpu.memref_squeeze %scatter3A_891 : memref<1x64x200xf32, #tpu.memory_space<vmem>> -> memref<64x200xf32, #tpu.memory_space<vmem>>
      tpu.vector_store_idx %scatter3A_892[%add3A_808, %add3A_8], %gather3A_874 masked %lt3A_46 : memref<64x200xf32, #tpu.memory_space<vmem>>[vector<16xi32>, vector<16xi32>], vector<16xf32>, vector<16xi1>
      %scatter3A_893 = arith.constant 0 : i32
      %scatter3A_894 = arith.constant 0 : i32
      %scatter3A_895 = tpu.memref_slice %arg7[%scan3A_302, %scatter3A_893, %scatter3A_894] : memref<2x64x200xf32, #tpu.memory_space<vmem>> -> memref<1x64x200xf32, #tpu.memory_space<vmem>>
      %scatter3A_896 = tpu.memref_squeeze %scatter3A_895 : memref<1x64x200xf32, #tpu.memory_space<vmem>> -> memref<64x200xf32, #tpu.memory_space<vmem>>
      tpu.vector_store_idx %scatter3A_896[%add3A_808, %add3A_11], %gather3A_875 masked %lt3A_49 : memref<64x200xf32, #tpu.memory_space<vmem>>[vector<16xi32>, vector<16xi32>], vector<16xf32>, vector<16xi1>
      %scatter3A_897 = arith.constant 0 : i32
      %scatter3A_898 = arith.constant 0 : i32
      %scatter3A_899 = tpu.memref_slice %arg7[%scan3A_302, %scatter3A_897, %scatter3A_898] : memref<2x64x200xf32, #tpu.memory_space<vmem>> -> memref<1x64x200xf32, #tpu.memory_space<vmem>>
      %scatter3A_900 = tpu.memref_squeeze %scatter3A_899 : memref<1x64x200xf32, #tpu.memory_space<vmem>> -> memref<64x200xf32, #tpu.memory_space<vmem>>
      tpu.vector_store_idx %scatter3A_900[%add3A_808, %add3A_14], %gather3A_876 masked %lt3A_52 : memref<64x200xf32, #tpu.memory_space<vmem>>[vector<16xi32>, vector<16xi32>], vector<16xf32>, vector<16xi1>
      %scatter3A_901 = arith.constant 0 : i32
      %scatter3A_902 = arith.constant 0 : i32
      %scatter3A_903 = tpu.memref_slice %arg7[%scan3A_302, %scatter3A_901, %scatter3A_902] : memref<2x64x200xf32, #tpu.memory_space<vmem>> -> memref<1x64x200xf32, #tpu.memory_space<vmem>>
      %scatter3A_904 = tpu.memref_squeeze %scatter3A_903 : memref<1x64x200xf32, #tpu.memory_space<vmem>> -> memref<64x200xf32, #tpu.memory_space<vmem>>
      tpu.vector_store_idx %scatter3A_904[%add3A_808, %add3A_17], %gather3A_877 masked %lt3A_55 : memref<64x200xf32, #tpu.memory_space<vmem>>[vector<16xi32>, vector<16xi32>], vector<16xf32>, vector<16xi1>
      %scatter3A_905 = arith.constant 0 : i32
      %scatter3A_906 = arith.constant 0 : i32
      %scatter3A_907 = tpu.memref_slice %arg7[%scan3A_302, %scatter3A_905, %scatter3A_906] : memref<2x64x200xf32, #tpu.memory_space<vmem>> -> memref<1x64x200xf32, #tpu.memory_space<vmem>>
      %scatter3A_908 = tpu.memref_squeeze %scatter3A_907 : memref<1x64x200xf32, #tpu.memory_space<vmem>> -> memref<64x200xf32, #tpu.memory_space<vmem>>
      tpu.vector_store_idx %scatter3A_908[%add3A_808, %add3A_20], %gather3A_878 masked %lt3A_58 : memref<64x200xf32, #tpu.memory_space<vmem>>[vector<16xi32>, vector<16xi32>], vector<16xf32>, vector<16xi1>
      %scatter3A_909 = arith.constant 0 : i32
      %scatter3A_910 = arith.constant 0 : i32
      %scatter3A_911 = tpu.memref_slice %arg7[%scan3A_302, %scatter3A_909, %scatter3A_910] : memref<2x64x200xf32, #tpu.memory_space<vmem>> -> memref<1x64x200xf32, #tpu.memory_space<vmem>>
      %scatter3A_912 = tpu.memref_squeeze %scatter3A_911 : memref<1x64x200xf32, #tpu.memory_space<vmem>> -> memref<64x200xf32, #tpu.memory_space<vmem>>
      tpu.vector_store_idx %scatter3A_912[%add3A_808, %add3A_23], %gather3A_879 masked %lt3A_61 : memref<64x200xf32, #tpu.memory_space<vmem>>[vector<16xi32>, vector<16xi32>], vector<16xf32>, vector<16xi1>
      %scatter3A_913 = arith.constant 0 : i32
      %scatter3A_914 = arith.constant 0 : i32
      %scatter3A_915 = tpu.memref_slice %arg7[%scan3A_302, %scatter3A_913, %scatter3A_914] : memref<2x64x200xf32, #tpu.memory_space<vmem>> -> memref<1x64x200xf32, #tpu.memory_space<vmem>>
      %scatter3A_916 = tpu.memref_squeeze %scatter3A_915 : memref<1x64x200xf32, #tpu.memory_space<vmem>> -> memref<64x200xf32, #tpu.memory_space<vmem>>
      tpu.vector_store_idx %scatter3A_916[%add3A_808, %add3A_26], %gather3A_880 masked %lt3A_64 : memref<64x200xf32, #tpu.memory_space<vmem>>[vector<16xi32>, vector<16xi32>], vector<16xf32>, vector<16xi1>
      %scatter3A_917 = arith.constant 0 : i32
      %scatter3A_918 = arith.constant 0 : i32
      %scatter3A_919 = tpu.memref_slice %arg7[%scan3A_302, %scatter3A_917, %scatter3A_918] : memref<2x64x200xf32, #tpu.memory_space<vmem>> -> memref<1x64x200xf32, #tpu.memory_space<vmem>>
      %scatter3A_920 = tpu.memref_squeeze %scatter3A_919 : memref<1x64x200xf32, #tpu.memory_space<vmem>> -> memref<64x200xf32, #tpu.memory_space<vmem>>
      tpu.vector_store_idx %scatter3A_920[%add3A_808, %add3A_29], %gather3A_881 masked %lt3A_67 : memref<64x200xf32, #tpu.memory_space<vmem>>[vector<16xi32>, vector<16xi32>], vector<16xf32>, vector<16xi1>
      %scatter3A_921 = arith.constant 0 : i32
      %scatter3A_922 = arith.constant 0 : i32
      %scatter3A_923 = tpu.memref_slice %arg7[%scan3A_302, %scatter3A_921, %scatter3A_922] : memref<2x64x200xf32, #tpu.memory_space<vmem>> -> memref<1x64x200xf32, #tpu.memory_space<vmem>>
      %scatter3A_924 = tpu.memref_squeeze %scatter3A_923 : memref<1x64x200xf32, #tpu.memory_space<vmem>> -> memref<64x200xf32, #tpu.memory_space<vmem>>
      tpu.vector_store_idx %scatter3A_924[%add3A_808, %add3A_32], %gather3A_882 masked %lt3A_70 : memref<64x200xf32, #tpu.memory_space<vmem>>[vector<16xi32>, vector<16xi32>], vector<16xf32>, vector<16xi1>
      %scatter3A_925 = arith.constant 0 : i32
      %scatter3A_926 = arith.constant 0 : i32
      %scatter3A_927 = tpu.memref_slice %arg7[%scan3A_302, %scatter3A_925, %scatter3A_926] : memref<2x64x200xf32, #tpu.memory_space<vmem>> -> memref<1x64x200xf32, #tpu.memory_space<vmem>>
      %scatter3A_928 = tpu.memref_squeeze %scatter3A_927 : memref<1x64x200xf32, #tpu.memory_space<vmem>> -> memref<64x200xf32, #tpu.memory_space<vmem>>
      tpu.vector_store_idx %scatter3A_928[%add3A_808, %add3A_35], %gather3A_883 masked %lt3A_73 : memref<64x200xf32, #tpu.memory_space<vmem>>[vector<16xi32>, vector<16xi32>], vector<16xf32>, vector<16xi1>
      %scatter3A_929 = arith.constant 0 : i32
      %scatter3A_930 = arith.constant 0 : i32
      %scatter3A_931 = tpu.memref_slice %arg7[%scan3A_302, %scatter3A_929, %scatter3A_930] : memref<2x64x200xf32, #tpu.memory_space<vmem>> -> memref<1x64x200xf32, #tpu.memory_space<vmem>>
      %scatter3A_932 = tpu.memref_squeeze %scatter3A_931 : memref<1x64x200xf32, #tpu.memory_space<vmem>> -> memref<64x200xf32, #tpu.memory_space<vmem>>
      tpu.vector_store_idx %scatter3A_932[%add3A_808, %add3A_38], %gather3A_884 masked %lt3A_76 : memref<64x200xf32, #tpu.memory_space<vmem>>[vector<16xi32>, vector<16xi32>], vector<16xf32>, vector<16xi1>
      %scatter3A_933 = arith.constant 0 : i32
      %scatter3A_934 = arith.constant 0 : i32
      %scatter3A_935 = tpu.memref_slice %arg7[%scan3A_302, %scatter3A_933, %scatter3A_934] : memref<2x64x200xf32, #tpu.memory_space<vmem>> -> memref<1x64x200xf32, #tpu.memory_space<vmem>>
      %scatter3A_936 = tpu.memref_squeeze %scatter3A_935 : memref<1x64x200xf32, #tpu.memory_space<vmem>> -> memref<64x200xf32, #tpu.memory_space<vmem>>
      tpu.vector_store_idx %scatter3A_936[%add3A_808, %add3A_41], %gather3A_885 masked %lt3A_79 : memref<64x200xf32, #tpu.memory_space<vmem>>[vector<16xi32>, vector<16xi32>], vector<16xf32>, vector<16xi1>
    }
    %scan3A_307 = arith.constant 64 : i32
    %add3A_308 = arith.constant 2 : i32
    %add3A_309 = arith.addi %mul3A_2, %add3A_308 : i32
    %dma_start3A_310 = arith.constant 0 : i32
    %dma_start3A_311 = arith.constant 0 : i32
    %dma_start3A_312 = arith.constant 0 : i32
    %dma_start3A_313 = tpu.memref_slice %arg7[%dma_start3A_310, %dma_start3A_311, %dma_start3A_312] : memref<2x64x200xf32, #tpu.memory_space<vmem>> -> memref<1x64x200xf32, #tpu.memory_space<vmem>>
    %dma_start3A_314 = tpu.memref_squeeze %dma_start3A_313 : memref<1x64x200xf32, #tpu.memory_space<vmem>> -> memref<64x200xf32, #tpu.memory_space<vmem>>
    %dma_start3A_315 = tpu.memref_reshape %arg4 : memref<16384x200xf32, #tpu.memory_space<hbm>> -> memref<256x64x200xf32, #tpu.memory_space<hbm>>
    %dma_start3A_316 = arith.constant 0 : i32
    %dma_start3A_317 = arith.constant 0 : i32
    %dma_start3A_318 = tpu.memref_slice %dma_start3A_315[%add3A_309, %dma_start3A_316, %dma_start3A_317] : memref<256x64x200xf32, #tpu.memory_space<hbm>> -> memref<1x64x200xf32, #tpu.memory_space<hbm>>
    %dma_start3A_319 = tpu.memref_squeeze %dma_start3A_318 : memref<1x64x200xf32, #tpu.memory_space<hbm>> -> memref<64x200xf32, #tpu.memory_space<hbm>>
    %dma_start3A_320 = tpu.memref_reshape %arg4 : memref<16384x200xf32, #tpu.memory_space<hbm>> -> memref<256x64x200xf32, #tpu.memory_space<hbm>>
    %dma_start3A_321 = arith.constant 0 : i32
    %dma_start3A_322 = arith.constant 0 : i32
    %dma_start3A_323 = tpu.memref_slice %dma_start3A_320[%add3A_309, %dma_start3A_321, %dma_start3A_322] : memref<256x64x200xf32, #tpu.memory_space<hbm>> -> memref<1x64x200xf32, #tpu.memory_space<hbm>>
    %dma_start3A_324 = tpu.memref_squeeze %dma_start3A_323 : memref<1x64x200xf32, #tpu.memory_space<hbm>> -> memref<64x200xf32, #tpu.memory_space<hbm>>
    %dma_start3A_325 = arith.constant 0 : i32
    %dma_start3A_326 = arith.constant 0 : i32
    %dma_start3A_327 = tpu.memref_slice %arg7[%dma_start3A_310, %dma_start3A_325, %dma_start3A_326] : memref<2x64x200xf32, #tpu.memory_space<vmem>> -> memref<1x64x200xf32, #tpu.memory_space<vmem>>
    %dma_start3A_328 = tpu.memref_squeeze %dma_start3A_327 : memref<1x64x200xf32, #tpu.memory_space<vmem>> -> memref<64x200xf32, #tpu.memory_space<vmem>>
    tpu.enqueue_dma source(%dma_start3A_328 : memref<64x200xf32, #tpu.memory_space<vmem>>) target(%dma_start3A_324 : memref<64x200xf32, #tpu.memory_space<hbm>>) target_semaphore(%arg10 : memref<!tpu.dma_semaphore, #tpu.memory_space<semaphore_mem>>)
    %add3A_329 = arith.constant 4 : i32
    %add3A_330 = arith.addi %mul3A_2, %add3A_329 : i32
    %dma_start3A_331 = arith.constant 0 : i32
    %dma_start3A_332 = arith.constant 0 : i32
    %dma_start3A_333 = arith.constant 0 : i32
    %dma_start3A_334 = tpu.memref_slice %arg6[%dma_start3A_331, %dma_start3A_332, %dma_start3A_333] : memref<2x64x200xi32, #tpu.memory_space<vmem>> -> memref<1x64x200xi32, #tpu.memory_space<vmem>>
    %dma_start3A_335 = tpu.memref_squeeze %dma_start3A_334 : memref<1x64x200xi32, #tpu.memory_space<vmem>> -> memref<64x200xi32, #tpu.memory_space<vmem>>
    %dma_start3A_336 = tpu.memref_reshape %arg2 : memref<16384x200xi32, #tpu.memory_space<hbm>> -> memref<256x64x200xi32, #tpu.memory_space<hbm>>
    %dma_start3A_337 = arith.constant 0 : i32
    %dma_start3A_338 = arith.constant 0 : i32
    %dma_start3A_339 = tpu.memref_slice %dma_start3A_336[%add3A_330, %dma_start3A_337, %dma_start3A_338] : memref<256x64x200xi32, #tpu.memory_space<hbm>> -> memref<1x64x200xi32, #tpu.memory_space<hbm>>
    %dma_start3A_340 = tpu.memref_squeeze %dma_start3A_339 : memref<1x64x200xi32, #tpu.memory_space<hbm>> -> memref<64x200xi32, #tpu.memory_space<hbm>>
    %dma_start3A_341 = arith.constant 0 : i32
    %dma_start3A_342 = arith.constant 0 : i32
    %dma_start3A_343 = tpu.memref_slice %arg6[%dma_start3A_331, %dma_start3A_341, %dma_start3A_342] : memref<2x64x200xi32, #tpu.memory_space<vmem>> -> memref<1x64x200xi32, #tpu.memory_space<vmem>>
    %dma_start3A_344 = tpu.memref_squeeze %dma_start3A_343 : memref<1x64x200xi32, #tpu.memory_space<vmem>> -> memref<64x200xi32, #tpu.memory_space<vmem>>
    %dma_start3A_345 = tpu.memref_reshape %arg2 : memref<16384x200xi32, #tpu.memory_space<hbm>> -> memref<256x64x200xi32, #tpu.memory_space<hbm>>
    %dma_start3A_346 = arith.constant 0 : i32
    %dma_start3A_347 = arith.constant 0 : i32
    %dma_start3A_348 = tpu.memref_slice %dma_start3A_345[%add3A_330, %dma_start3A_346, %dma_start3A_347] : memref<256x64x200xi32, #tpu.memory_space<hbm>> -> memref<1x64x200xi32, #tpu.memory_space<hbm>>
    %dma_start3A_349 = tpu.memref_squeeze %dma_start3A_348 : memref<1x64x200xi32, #tpu.memory_space<hbm>> -> memref<64x200xi32, #tpu.memory_space<hbm>>
    tpu.enqueue_dma source(%dma_start3A_349 : memref<64x200xi32, #tpu.memory_space<hbm>>) target(%dma_start3A_344 : memref<64x200xi32, #tpu.memory_space<vmem>>) target_semaphore(%arg8 : memref<!tpu.dma_semaphore, #tpu.memory_space<semaphore_mem>>)
    %add3A_350 = arith.constant 3 : i32
    %add3A_351 = arith.addi %mul3A_2, %add3A_350 : i32
    %dma_wait3A_352 = arith.constant 1 : i32
    %dma_wait3A_353 = arith.constant 0 : i32
    %dma_wait3A_354 = arith.constant 0 : i32
    %dma_wait3A_355 = tpu.memref_slice %arg6[%dma_wait3A_352, %dma_wait3A_353, %dma_wait3A_354] : memref<2x64x200xi32, #tpu.memory_space<vmem>> -> memref<1x64x200xi32, #tpu.memory_space<vmem>>
    %dma_wait3A_356 = tpu.memref_squeeze %dma_wait3A_355 : memref<1x64x200xi32, #tpu.memory_space<vmem>> -> memref<64x200xi32, #tpu.memory_space<vmem>>
    %dma_wait3A_357 = tpu.memref_reshape %arg2 : memref<16384x200xi32, #tpu.memory_space<hbm>> -> memref<256x64x200xi32, #tpu.memory_space<hbm>>
    %dma_wait3A_358 = arith.constant 0 : i32
    %dma_wait3A_359 = arith.constant 0 : i32
    %dma_wait3A_360 = tpu.memref_slice %dma_wait3A_357[%add3A_351, %dma_wait3A_358, %dma_wait3A_359] : memref<256x64x200xi32, #tpu.memory_space<hbm>> -> memref<1x64x200xi32, #tpu.memory_space<hbm>>
    %dma_wait3A_361 = tpu.memref_squeeze %dma_wait3A_360 : memref<1x64x200xi32, #tpu.memory_space<hbm>> -> memref<64x200xi32, #tpu.memory_space<hbm>>
    %dma_wait3A_362 = arith.constant 0 : i32
    %dma_wait3A_363 = arith.constant 0 : i32
    %dma_wait3A_364 = tpu.memref_slice %arg6[%dma_wait3A_352, %dma_wait3A_362, %dma_wait3A_363] : memref<2x64x200xi32, #tpu.memory_space<vmem>> -> memref<1x64x200xi32, #tpu.memory_space<vmem>>
    %dma_wait3A_365 = tpu.memref_squeeze %dma_wait3A_364 : memref<1x64x200xi32, #tpu.memory_space<vmem>> -> memref<64x200xi32, #tpu.memory_space<vmem>>
    %dma_wait3A_366 = tpu.memref_reshape %arg2 : memref<16384x200xi32, #tpu.memory_space<hbm>> -> memref<256x64x200xi32, #tpu.memory_space<hbm>>
    %dma_wait3A_367 = arith.constant 0 : i32
    %dma_wait3A_368 = arith.constant 0 : i32
    %dma_wait3A_369 = tpu.memref_slice %dma_wait3A_366[%add3A_351, %dma_wait3A_367, %dma_wait3A_368] : memref<256x64x200xi32, #tpu.memory_space<hbm>> -> memref<1x64x200xi32, #tpu.memory_space<hbm>>
    %dma_wait3A_370 = tpu.memref_squeeze %dma_wait3A_369 : memref<1x64x200xi32, #tpu.memory_space<hbm>> -> memref<64x200xi32, #tpu.memory_space<hbm>>
    tpu.wait_dma2 semaphore(%arg9 : memref<!tpu.dma_semaphore, #tpu.memory_space<semaphore_mem>>) src(%dma_wait3A_370 : memref<64x200xi32, #tpu.memory_space<hbm>>) dst(%dma_wait3A_365 : memref<64x200xi32, #tpu.memory_space<vmem>>)
    %add3A_371 = arith.constant 1 : i32
    %add3A_372 = arith.addi %mul3A_2, %add3A_371 : i32
    %dma_wait3A_373 = arith.constant 1 : i32
    %dma_wait3A_374 = arith.constant 0 : i32
    %dma_wait3A_375 = arith.constant 0 : i32
    %dma_wait3A_376 = tpu.memref_slice %arg7[%dma_wait3A_373, %dma_wait3A_374, %dma_wait3A_375] : memref<2x64x200xf32, #tpu.memory_space<vmem>> -> memref<1x64x200xf32, #tpu.memory_space<vmem>>
    %dma_wait3A_377 = tpu.memref_squeeze %dma_wait3A_376 : memref<1x64x200xf32, #tpu.memory_space<vmem>> -> memref<64x200xf32, #tpu.memory_space<vmem>>
    %dma_wait3A_378 = tpu.memref_reshape %arg4 : memref<16384x200xf32, #tpu.memory_space<hbm>> -> memref<256x64x200xf32, #tpu.memory_space<hbm>>
    %dma_wait3A_379 = arith.constant 0 : i32
    %dma_wait3A_380 = arith.constant 0 : i32
    %dma_wait3A_381 = tpu.memref_slice %dma_wait3A_378[%add3A_372, %dma_wait3A_379, %dma_wait3A_380] : memref<256x64x200xf32, #tpu.memory_space<hbm>> -> memref<1x64x200xf32, #tpu.memory_space<hbm>>
    %dma_wait3A_382 = tpu.memref_squeeze %dma_wait3A_381 : memref<1x64x200xf32, #tpu.memory_space<hbm>> -> memref<64x200xf32, #tpu.memory_space<hbm>>
    %dma_wait3A_383 = tpu.memref_reshape %arg4 : memref<16384x200xf32, #tpu.memory_space<hbm>> -> memref<256x64x200xf32, #tpu.memory_space<hbm>>
    %dma_wait3A_384 = arith.constant 0 : i32
    %dma_wait3A_385 = arith.constant 0 : i32
    %dma_wait3A_386 = tpu.memref_slice %dma_wait3A_383[%add3A_372, %dma_wait3A_384, %dma_wait3A_385] : memref<256x64x200xf32, #tpu.memory_space<hbm>> -> memref<1x64x200xf32, #tpu.memory_space<hbm>>
    %dma_wait3A_387 = tpu.memref_squeeze %dma_wait3A_386 : memref<1x64x200xf32, #tpu.memory_space<hbm>> -> memref<64x200xf32, #tpu.memory_space<hbm>>
    %dma_wait3A_388 = arith.constant 0 : i32
    %dma_wait3A_389 = arith.constant 0 : i32
    %dma_wait3A_390 = tpu.memref_slice %arg7[%dma_wait3A_373, %dma_wait3A_388, %dma_wait3A_389] : memref<2x64x200xf32, #tpu.memory_space<vmem>> -> memref<1x64x200xf32, #tpu.memory_space<vmem>>
    %dma_wait3A_391 = tpu.memref_squeeze %dma_wait3A_390 : memref<1x64x200xf32, #tpu.memory_space<vmem>> -> memref<64x200xf32, #tpu.memory_space<vmem>>
    tpu.wait_dma2 semaphore(%arg11 : memref<!tpu.dma_semaphore, #tpu.memory_space<semaphore_mem>>) src(%dma_wait3A_391 : memref<64x200xf32, #tpu.memory_space<vmem>>) dst(%dma_wait3A_387 : memref<64x200xf32, #tpu.memory_space<hbm>>)
    %scan3A_392 = arith.constant 1 : i32
    %scan3A_393 = arith.constant 1 : i32
    %scan3A_394 = arith.constant 0 : i32
    %scan3A_395 = arith.constant 64 : i32
    %scan3A_396 = arith.addi %scan3A_394, %scan3A_395 : i32
    %scan3A_397 = arith.constant 1 : i32
    scf.for %scan3A_805 = %scan3A_394 to %scan3A_396 step %scan3A_397  : i32 {
      %broadcast_in_dim3A = arith.constant 0 : i32
      %broadcast_in_dim3A_806 = vector.broadcast %broadcast_in_dim3A : i32 to vector<16xi32>
      %add3A_807 = vector.broadcast %scan3A_805 : i32 to vector<16xi32>
      %add3A_808 = arith.addi %broadcast_in_dim3A_806, %add3A_807 : vector<16xi32>
      %gather3A = arith.constant 0 : i32
      %gather3A_809 = arith.constant 0 : i32
      %gather3A_810 = tpu.memref_slice %arg6[%scan3A_392, %gather3A, %gather3A_809] : memref<2x64x200xi32, #tpu.memory_space<vmem>> -> memref<1x64x200xi32, #tpu.memory_space<vmem>>
      %gather3A_811 = tpu.memref_squeeze %gather3A_810 : memref<1x64x200xi32, #tpu.memory_space<vmem>> -> memref<64x200xi32, #tpu.memory_space<vmem>>
      %gather3A_812 = tpu.vector_load_idx %gather3A_811[%add3A_808, %add3A_5] masked %lt3A_43 : memref<64x200xi32, #tpu.memory_space<vmem>>[vector<16xi32>, vector<16xi32>], vector<16xi32>, vector<16xi1>
      %gather3A_813 = arith.constant 0 : i32
      %gather3A_814 = arith.constant 0 : i32
      %gather3A_815 = tpu.memref_slice %arg6[%scan3A_392, %gather3A_813, %gather3A_814] : memref<2x64x200xi32, #tpu.memory_space<vmem>> -> memref<1x64x200xi32, #tpu.memory_space<vmem>>
      %gather3A_816 = tpu.memref_squeeze %gather3A_815 : memref<1x64x200xi32, #tpu.memory_space<vmem>> -> memref<64x200xi32, #tpu.memory_space<vmem>>
      %gather3A_817 = tpu.vector_load_idx %gather3A_816[%add3A_808, %add3A_8] masked %lt3A_46 : memref<64x200xi32, #tpu.memory_space<vmem>>[vector<16xi32>, vector<16xi32>], vector<16xi32>, vector<16xi1>
      %gather3A_818 = arith.constant 0 : i32
      %gather3A_819 = arith.constant 0 : i32
      %gather3A_820 = tpu.memref_slice %arg6[%scan3A_392, %gather3A_818, %gather3A_819] : memref<2x64x200xi32, #tpu.memory_space<vmem>> -> memref<1x64x200xi32, #tpu.memory_space<vmem>>
      %gather3A_821 = tpu.memref_squeeze %gather3A_820 : memref<1x64x200xi32, #tpu.memory_space<vmem>> -> memref<64x200xi32, #tpu.memory_space<vmem>>
      %gather3A_822 = tpu.vector_load_idx %gather3A_821[%add3A_808, %add3A_11] masked %lt3A_49 : memref<64x200xi32, #tpu.memory_space<vmem>>[vector<16xi32>, vector<16xi32>], vector<16xi32>, vector<16xi1>
      %gather3A_823 = arith.constant 0 : i32
      %gather3A_824 = arith.constant 0 : i32
      %gather3A_825 = tpu.memref_slice %arg6[%scan3A_392, %gather3A_823, %gather3A_824] : memref<2x64x200xi32, #tpu.memory_space<vmem>> -> memref<1x64x200xi32, #tpu.memory_space<vmem>>
      %gather3A_826 = tpu.memref_squeeze %gather3A_825 : memref<1x64x200xi32, #tpu.memory_space<vmem>> -> memref<64x200xi32, #tpu.memory_space<vmem>>
      %gather3A_827 = tpu.vector_load_idx %gather3A_826[%add3A_808, %add3A_14] masked %lt3A_52 : memref<64x200xi32, #tpu.memory_space<vmem>>[vector<16xi32>, vector<16xi32>], vector<16xi32>, vector<16xi1>
      %gather3A_828 = arith.constant 0 : i32
      %gather3A_829 = arith.constant 0 : i32
      %gather3A_830 = tpu.memref_slice %arg6[%scan3A_392, %gather3A_828, %gather3A_829] : memref<2x64x200xi32, #tpu.memory_space<vmem>> -> memref<1x64x200xi32, #tpu.memory_space<vmem>>
      %gather3A_831 = tpu.memref_squeeze %gather3A_830 : memref<1x64x200xi32, #tpu.memory_space<vmem>> -> memref<64x200xi32, #tpu.memory_space<vmem>>
      %gather3A_832 = tpu.vector_load_idx %gather3A_831[%add3A_808, %add3A_17] masked %lt3A_55 : memref<64x200xi32, #tpu.memory_space<vmem>>[vector<16xi32>, vector<16xi32>], vector<16xi32>, vector<16xi1>
      %gather3A_833 = arith.constant 0 : i32
      %gather3A_834 = arith.constant 0 : i32
      %gather3A_835 = tpu.memref_slice %arg6[%scan3A_392, %gather3A_833, %gather3A_834] : memref<2x64x200xi32, #tpu.memory_space<vmem>> -> memref<1x64x200xi32, #tpu.memory_space<vmem>>
      %gather3A_836 = tpu.memref_squeeze %gather3A_835 : memref<1x64x200xi32, #tpu.memory_space<vmem>> -> memref<64x200xi32, #tpu.memory_space<vmem>>
      %gather3A_837 = tpu.vector_load_idx %gather3A_836[%add3A_808, %add3A_20] masked %lt3A_58 : memref<64x200xi32, #tpu.memory_space<vmem>>[vector<16xi32>, vector<16xi32>], vector<16xi32>, vector<16xi1>
      %gather3A_838 = arith.constant 0 : i32
      %gather3A_839 = arith.constant 0 : i32
      %gather3A_840 = tpu.memref_slice %arg6[%scan3A_392, %gather3A_838, %gather3A_839] : memref<2x64x200xi32, #tpu.memory_space<vmem>> -> memref<1x64x200xi32, #tpu.memory_space<vmem>>
      %gather3A_841 = tpu.memref_squeeze %gather3A_840 : memref<1x64x200xi32, #tpu.memory_space<vmem>> -> memref<64x200xi32, #tpu.memory_space<vmem>>
      %gather3A_842 = tpu.vector_load_idx %gather3A_841[%add3A_808, %add3A_23] masked %lt3A_61 : memref<64x200xi32, #tpu.memory_space<vmem>>[vector<16xi32>, vector<16xi32>], vector<16xi32>, vector<16xi1>
      %gather3A_843 = arith.constant 0 : i32
      %gather3A_844 = arith.constant 0 : i32
      %gather3A_845 = tpu.memref_slice %arg6[%scan3A_392, %gather3A_843, %gather3A_844] : memref<2x64x200xi32, #tpu.memory_space<vmem>> -> memref<1x64x200xi32, #tpu.memory_space<vmem>>
      %gather3A_846 = tpu.memref_squeeze %gather3A_845 : memref<1x64x200xi32, #tpu.memory_space<vmem>> -> memref<64x200xi32, #tpu.memory_space<vmem>>
      %gather3A_847 = tpu.vector_load_idx %gather3A_846[%add3A_808, %add3A_26] masked %lt3A_64 : memref<64x200xi32, #tpu.memory_space<vmem>>[vector<16xi32>, vector<16xi32>], vector<16xi32>, vector<16xi1>
      %gather3A_848 = arith.constant 0 : i32
      %gather3A_849 = arith.constant 0 : i32
      %gather3A_850 = tpu.memref_slice %arg6[%scan3A_392, %gather3A_848, %gather3A_849] : memref<2x64x200xi32, #tpu.memory_space<vmem>> -> memref<1x64x200xi32, #tpu.memory_space<vmem>>
      %gather3A_851 = tpu.memref_squeeze %gather3A_850 : memref<1x64x200xi32, #tpu.memory_space<vmem>> -> memref<64x200xi32, #tpu.memory_space<vmem>>
      %gather3A_852 = tpu.vector_load_idx %gather3A_851[%add3A_808, %add3A_29] masked %lt3A_67 : memref<64x200xi32, #tpu.memory_space<vmem>>[vector<16xi32>, vector<16xi32>], vector<16xi32>, vector<16xi1>
      %gather3A_853 = arith.constant 0 : i32
      %gather3A_854 = arith.constant 0 : i32
      %gather3A_855 = tpu.memref_slice %arg6[%scan3A_392, %gather3A_853, %gather3A_854] : memref<2x64x200xi32, #tpu.memory_space<vmem>> -> memref<1x64x200xi32, #tpu.memory_space<vmem>>
      %gather3A_856 = tpu.memref_squeeze %gather3A_855 : memref<1x64x200xi32, #tpu.memory_space<vmem>> -> memref<64x200xi32, #tpu.memory_space<vmem>>
      %gather3A_857 = tpu.vector_load_idx %gather3A_856[%add3A_808, %add3A_32] masked %lt3A_70 : memref<64x200xi32, #tpu.memory_space<vmem>>[vector<16xi32>, vector<16xi32>], vector<16xi32>, vector<16xi1>
      %gather3A_858 = arith.constant 0 : i32
      %gather3A_859 = arith.constant 0 : i32
      %gather3A_860 = tpu.memref_slice %arg6[%scan3A_392, %gather3A_858, %gather3A_859] : memref<2x64x200xi32, #tpu.memory_space<vmem>> -> memref<1x64x200xi32, #tpu.memory_space<vmem>>
      %gather3A_861 = tpu.memref_squeeze %gather3A_860 : memref<1x64x200xi32, #tpu.memory_space<vmem>> -> memref<64x200xi32, #tpu.memory_space<vmem>>
      %gather3A_862 = tpu.vector_load_idx %gather3A_861[%add3A_808, %add3A_35] masked %lt3A_73 : memref<64x200xi32, #tpu.memory_space<vmem>>[vector<16xi32>, vector<16xi32>], vector<16xi32>, vector<16xi1>
      %gather3A_863 = arith.constant 0 : i32
      %gather3A_864 = arith.constant 0 : i32
      %gather3A_865 = tpu.memref_slice %arg6[%scan3A_392, %gather3A_863, %gather3A_864] : memref<2x64x200xi32, #tpu.memory_space<vmem>> -> memref<1x64x200xi32, #tpu.memory_space<vmem>>
      %gather3A_866 = tpu.memref_squeeze %gather3A_865 : memref<1x64x200xi32, #tpu.memory_space<vmem>> -> memref<64x200xi32, #tpu.memory_space<vmem>>
      %gather3A_867 = tpu.vector_load_idx %gather3A_866[%add3A_808, %add3A_38] masked %lt3A_76 : memref<64x200xi32, #tpu.memory_space<vmem>>[vector<16xi32>, vector<16xi32>], vector<16xi32>, vector<16xi1>
      %gather3A_868 = arith.constant 0 : i32
      %gather3A_869 = arith.constant 0 : i32
      %gather3A_870 = tpu.memref_slice %arg6[%scan3A_392, %gather3A_868, %gather3A_869] : memref<2x64x200xi32, #tpu.memory_space<vmem>> -> memref<1x64x200xi32, #tpu.memory_space<vmem>>
      %gather3A_871 = tpu.memref_squeeze %gather3A_870 : memref<1x64x200xi32, #tpu.memory_space<vmem>> -> memref<64x200xi32, #tpu.memory_space<vmem>>
      %gather3A_872 = tpu.vector_load_idx %gather3A_871[%add3A_808, %add3A_41] masked %lt3A_79 : memref<64x200xi32, #tpu.memory_space<vmem>>[vector<16xi32>, vector<16xi32>], vector<16xi32>, vector<16xi1>
      %gather3A_873 = tpu.vector_load_idx %arg5[%gather3A_812] masked %lt3A_43 : memref<1000xf32, #tpu.memory_space<vmem>>[vector<16xi32>], vector<16xf32>, vector<16xi1>
      %gather3A_874 = tpu.vector_load_idx %arg5[%gather3A_817] masked %lt3A_46 : memref<1000xf32, #tpu.memory_space<vmem>>[vector<16xi32>], vector<16xf32>, vector<16xi1>
      %gather3A_875 = tpu.vector_load_idx %arg5[%gather3A_822] masked %lt3A_49 : memref<1000xf32, #tpu.memory_space<vmem>>[vector<16xi32>], vector<16xf32>, vector<16xi1>
      %gather3A_876 = tpu.vector_load_idx %arg5[%gather3A_827] masked %lt3A_52 : memref<1000xf32, #tpu.memory_space<vmem>>[vector<16xi32>], vector<16xf32>, vector<16xi1>
      %gather3A_877 = tpu.vector_load_idx %arg5[%gather3A_832] masked %lt3A_55 : memref<1000xf32, #tpu.memory_space<vmem>>[vector<16xi32>], vector<16xf32>, vector<16xi1>
      %gather3A_878 = tpu.vector_load_idx %arg5[%gather3A_837] masked %lt3A_58 : memref<1000xf32, #tpu.memory_space<vmem>>[vector<16xi32>], vector<16xf32>, vector<16xi1>
      %gather3A_879 = tpu.vector_load_idx %arg5[%gather3A_842] masked %lt3A_61 : memref<1000xf32, #tpu.memory_space<vmem>>[vector<16xi32>], vector<16xf32>, vector<16xi1>
      %gather3A_880 = tpu.vector_load_idx %arg5[%gather3A_847] masked %lt3A_64 : memref<1000xf32, #tpu.memory_space<vmem>>[vector<16xi32>], vector<16xf32>, vector<16xi1>
      %gather3A_881 = tpu.vector_load_idx %arg5[%gather3A_852] masked %lt3A_67 : memref<1000xf32, #tpu.memory_space<vmem>>[vector<16xi32>], vector<16xf32>, vector<16xi1>
      %gather3A_882 = tpu.vector_load_idx %arg5[%gather3A_857] masked %lt3A_70 : memref<1000xf32, #tpu.memory_space<vmem>>[vector<16xi32>], vector<16xf32>, vector<16xi1>
      %gather3A_883 = tpu.vector_load_idx %arg5[%gather3A_862] masked %lt3A_73 : memref<1000xf32, #tpu.memory_space<vmem>>[vector<16xi32>], vector<16xf32>, vector<16xi1>
      %gather3A_884 = tpu.vector_load_idx %arg5[%gather3A_867] masked %lt3A_76 : memref<1000xf32, #tpu.memory_space<vmem>>[vector<16xi32>], vector<16xf32>, vector<16xi1>
      %gather3A_885 = tpu.vector_load_idx %arg5[%gather3A_872] masked %lt3A_79 : memref<1000xf32, #tpu.memory_space<vmem>>[vector<16xi32>], vector<16xf32>, vector<16xi1>
      %scatter3A = arith.constant 0 : i32
      %scatter3A_886 = arith.constant 0 : i32
      %scatter3A_887 = tpu.memref_slice %arg7[%scan3A_393, %scatter3A, %scatter3A_886] : memref<2x64x200xf32, #tpu.memory_space<vmem>> -> memref<1x64x200xf32, #tpu.memory_space<vmem>>
      %scatter3A_888 = tpu.memref_squeeze %scatter3A_887 : memref<1x64x200xf32, #tpu.memory_space<vmem>> -> memref<64x200xf32, #tpu.memory_space<vmem>>
      tpu.vector_store_idx %scatter3A_888[%add3A_808, %add3A_5], %gather3A_873 masked %lt3A_43 : memref<64x200xf32, #tpu.memory_space<vmem>>[vector<16xi32>, vector<16xi32>], vector<16xf32>, vector<16xi1>
      %scatter3A_889 = arith.constant 0 : i32
      %scatter3A_890 = arith.constant 0 : i32
      %scatter3A_891 = tpu.memref_slice %arg7[%scan3A_393, %scatter3A_889, %scatter3A_890] : memref<2x64x200xf32, #tpu.memory_space<vmem>> -> memref<1x64x200xf32, #tpu.memory_space<vmem>>
      %scatter3A_892 = tpu.memref_squeeze %scatter3A_891 : memref<1x64x200xf32, #tpu.memory_space<vmem>> -> memref<64x200xf32, #tpu.memory_space<vmem>>
      tpu.vector_store_idx %scatter3A_892[%add3A_808, %add3A_8], %gather3A_874 masked %lt3A_46 : memref<64x200xf32, #tpu.memory_space<vmem>>[vector<16xi32>, vector<16xi32>], vector<16xf32>, vector<16xi1>
      %scatter3A_893 = arith.constant 0 : i32
      %scatter3A_894 = arith.constant 0 : i32
      %scatter3A_895 = tpu.memref_slice %arg7[%scan3A_393, %scatter3A_893, %scatter3A_894] : memref<2x64x200xf32, #tpu.memory_space<vmem>> -> memref<1x64x200xf32, #tpu.memory_space<vmem>>
      %scatter3A_896 = tpu.memref_squeeze %scatter3A_895 : memref<1x64x200xf32, #tpu.memory_space<vmem>> -> memref<64x200xf32, #tpu.memory_space<vmem>>
      tpu.vector_store_idx %scatter3A_896[%add3A_808, %add3A_11], %gather3A_875 masked %lt3A_49 : memref<64x200xf32, #tpu.memory_space<vmem>>[vector<16xi32>, vector<16xi32>], vector<16xf32>, vector<16xi1>
      %scatter3A_897 = arith.constant 0 : i32
      %scatter3A_898 = arith.constant 0 : i32
      %scatter3A_899 = tpu.memref_slice %arg7[%scan3A_393, %scatter3A_897, %scatter3A_898] : memref<2x64x200xf32, #tpu.memory_space<vmem>> -> memref<1x64x200xf32, #tpu.memory_space<vmem>>
      %scatter3A_900 = tpu.memref_squeeze %scatter3A_899 : memref<1x64x200xf32, #tpu.memory_space<vmem>> -> memref<64x200xf32, #tpu.memory_space<vmem>>
      tpu.vector_store_idx %scatter3A_900[%add3A_808, %add3A_14], %gather3A_876 masked %lt3A_52 : memref<64x200xf32, #tpu.memory_space<vmem>>[vector<16xi32>, vector<16xi32>], vector<16xf32>, vector<16xi1>
      %scatter3A_901 = arith.constant 0 : i32
      %scatter3A_902 = arith.constant 0 : i32
      %scatter3A_903 = tpu.memref_slice %arg7[%scan3A_393, %scatter3A_901, %scatter3A_902] : memref<2x64x200xf32, #tpu.memory_space<vmem>> -> memref<1x64x200xf32, #tpu.memory_space<vmem>>
      %scatter3A_904 = tpu.memref_squeeze %scatter3A_903 : memref<1x64x200xf32, #tpu.memory_space<vmem>> -> memref<64x200xf32, #tpu.memory_space<vmem>>
      tpu.vector_store_idx %scatter3A_904[%add3A_808, %add3A_17], %gather3A_877 masked %lt3A_55 : memref<64x200xf32, #tpu.memory_space<vmem>>[vector<16xi32>, vector<16xi32>], vector<16xf32>, vector<16xi1>
      %scatter3A_905 = arith.constant 0 : i32
      %scatter3A_906 = arith.constant 0 : i32
      %scatter3A_907 = tpu.memref_slice %arg7[%scan3A_393, %scatter3A_905, %scatter3A_906] : memref<2x64x200xf32, #tpu.memory_space<vmem>> -> memref<1x64x200xf32, #tpu.memory_space<vmem>>
      %scatter3A_908 = tpu.memref_squeeze %scatter3A_907 : memref<1x64x200xf32, #tpu.memory_space<vmem>> -> memref<64x200xf32, #tpu.memory_space<vmem>>
      tpu.vector_store_idx %scatter3A_908[%add3A_808, %add3A_20], %gather3A_878 masked %lt3A_58 : memref<64x200xf32, #tpu.memory_space<vmem>>[vector<16xi32>, vector<16xi32>], vector<16xf32>, vector<16xi1>
      %scatter3A_909 = arith.constant 0 : i32
      %scatter3A_910 = arith.constant 0 : i32
      %scatter3A_911 = tpu.memref_slice %arg7[%scan3A_393, %scatter3A_909, %scatter3A_910] : memref<2x64x200xf32, #tpu.memory_space<vmem>> -> memref<1x64x200xf32, #tpu.memory_space<vmem>>
      %scatter3A_912 = tpu.memref_squeeze %scatter3A_911 : memref<1x64x200xf32, #tpu.memory_space<vmem>> -> memref<64x200xf32, #tpu.memory_space<vmem>>
      tpu.vector_store_idx %scatter3A_912[%add3A_808, %add3A_23], %gather3A_879 masked %lt3A_61 : memref<64x200xf32, #tpu.memory_space<vmem>>[vector<16xi32>, vector<16xi32>], vector<16xf32>, vector<16xi1>
      %scatter3A_913 = arith.constant 0 : i32
      %scatter3A_914 = arith.constant 0 : i32
      %scatter3A_915 = tpu.memref_slice %arg7[%scan3A_393, %scatter3A_913, %scatter3A_914] : memref<2x64x200xf32, #tpu.memory_space<vmem>> -> memref<1x64x200xf32, #tpu.memory_space<vmem>>
      %scatter3A_916 = tpu.memref_squeeze %scatter3A_915 : memref<1x64x200xf32, #tpu.memory_space<vmem>> -> memref<64x200xf32, #tpu.memory_space<vmem>>
      tpu.vector_store_idx %scatter3A_916[%add3A_808, %add3A_26], %gather3A_880 masked %lt3A_64 : memref<64x200xf32, #tpu.memory_space<vmem>>[vector<16xi32>, vector<16xi32>], vector<16xf32>, vector<16xi1>
      %scatter3A_917 = arith.constant 0 : i32
      %scatter3A_918 = arith.constant 0 : i32
      %scatter3A_919 = tpu.memref_slice %arg7[%scan3A_393, %scatter3A_917, %scatter3A_918] : memref<2x64x200xf32, #tpu.memory_space<vmem>> -> memref<1x64x200xf32, #tpu.memory_space<vmem>>
      %scatter3A_920 = tpu.memref_squeeze %scatter3A_919 : memref<1x64x200xf32, #tpu.memory_space<vmem>> -> memref<64x200xf32, #tpu.memory_space<vmem>>
      tpu.vector_store_idx %scatter3A_920[%add3A_808, %add3A_29], %gather3A_881 masked %lt3A_67 : memref<64x200xf32, #tpu.memory_space<vmem>>[vector<16xi32>, vector<16xi32>], vector<16xf32>, vector<16xi1>
      %scatter3A_921 = arith.constant 0 : i32
      %scatter3A_922 = arith.constant 0 : i32
      %scatter3A_923 = tpu.memref_slice %arg7[%scan3A_393, %scatter3A_921, %scatter3A_922] : memref<2x64x200xf32, #tpu.memory_space<vmem>> -> memref<1x64x200xf32, #tpu.memory_space<vmem>>
      %scatter3A_924 = tpu.memref_squeeze %scatter3A_923 : memref<1x64x200xf32, #tpu.memory_space<vmem>> -> memref<64x200xf32, #tpu.memory_space<vmem>>
      tpu.vector_store_idx %scatter3A_924[%add3A_808, %add3A_32], %gather3A_882 masked %lt3A_70 : memref<64x200xf32, #tpu.memory_space<vmem>>[vector<16xi32>, vector<16xi32>], vector<16xf32>, vector<16xi1>
      %scatter3A_925 = arith.constant 0 : i32
      %scatter3A_926 = arith.constant 0 : i32
      %scatter3A_927 = tpu.memref_slice %arg7[%scan3A_393, %scatter3A_925, %scatter3A_926] : memref<2x64x200xf32, #tpu.memory_space<vmem>> -> memref<1x64x200xf32, #tpu.memory_space<vmem>>
      %scatter3A_928 = tpu.memref_squeeze %scatter3A_927 : memref<1x64x200xf32, #tpu.memory_space<vmem>> -> memref<64x200xf32, #tpu.memory_space<vmem>>
      tpu.vector_store_idx %scatter3A_928[%add3A_808, %add3A_35], %gather3A_883 masked %lt3A_73 : memref<64x200xf32, #tpu.memory_space<vmem>>[vector<16xi32>, vector<16xi32>], vector<16xf32>, vector<16xi1>
      %scatter3A_929 = arith.constant 0 : i32
      %scatter3A_930 = arith.constant 0 : i32
      %scatter3A_931 = tpu.memref_slice %arg7[%scan3A_393, %scatter3A_929, %scatter3A_930] : memref<2x64x200xf32, #tpu.memory_space<vmem>> -> memref<1x64x200xf32, #tpu.memory_space<vmem>>
      %scatter3A_932 = tpu.memref_squeeze %scatter3A_931 : memref<1x64x200xf32, #tpu.memory_space<vmem>> -> memref<64x200xf32, #tpu.memory_space<vmem>>
      tpu.vector_store_idx %scatter3A_932[%add3A_808, %add3A_38], %gather3A_884 masked %lt3A_76 : memref<64x200xf32, #tpu.memory_space<vmem>>[vector<16xi32>, vector<16xi32>], vector<16xf32>, vector<16xi1>
      %scatter3A_933 = arith.constant 0 : i32
      %scatter3A_934 = arith.constant 0 : i32
      %scatter3A_935 = tpu.memref_slice %arg7[%scan3A_393, %scatter3A_933, %scatter3A_934] : memref<2x64x200xf32, #tpu.memory_space<vmem>> -> memref<1x64x200xf32, #tpu.memory_space<vmem>>
      %scatter3A_936 = tpu.memref_squeeze %scatter3A_935 : memref<1x64x200xf32, #tpu.memory_space<vmem>> -> memref<64x200xf32, #tpu.memory_space<vmem>>
      tpu.vector_store_idx %scatter3A_936[%add3A_808, %add3A_41], %gather3A_885 masked %lt3A_79 : memref<64x200xf32, #tpu.memory_space<vmem>>[vector<16xi32>, vector<16xi32>], vector<16xf32>, vector<16xi1>
    }
    %scan3A_398 = arith.constant 64 : i32
    %add3A_399 = arith.constant 3 : i32
    %add3A_400 = arith.addi %mul3A_2, %add3A_399 : i32
    %dma_start3A_401 = arith.constant 1 : i32
    %dma_start3A_402 = arith.constant 0 : i32
    %dma_start3A_403 = arith.constant 0 : i32
    %dma_start3A_404 = tpu.memref_slice %arg7[%dma_start3A_401, %dma_start3A_402, %dma_start3A_403] : memref<2x64x200xf32, #tpu.memory_space<vmem>> -> memref<1x64x200xf32, #tpu.memory_space<vmem>>
    %dma_start3A_405 = tpu.memref_squeeze %dma_start3A_404 : memref<1x64x200xf32, #tpu.memory_space<vmem>> -> memref<64x200xf32, #tpu.memory_space<vmem>>
    %dma_start3A_406 = tpu.memref_reshape %arg4 : memref<16384x200xf32, #tpu.memory_space<hbm>> -> memref<256x64x200xf32, #tpu.memory_space<hbm>>
    %dma_start3A_407 = arith.constant 0 : i32
    %dma_start3A_408 = arith.constant 0 : i32
    %dma_start3A_409 = tpu.memref_slice %dma_start3A_406[%add3A_400, %dma_start3A_407, %dma_start3A_408] : memref<256x64x200xf32, #tpu.memory_space<hbm>> -> memref<1x64x200xf32, #tpu.memory_space<hbm>>
    %dma_start3A_410 = tpu.memref_squeeze %dma_start3A_409 : memref<1x64x200xf32, #tpu.memory_space<hbm>> -> memref<64x200xf32, #tpu.memory_space<hbm>>
    %dma_start3A_411 = tpu.memref_reshape %arg4 : memref<16384x200xf32, #tpu.memory_space<hbm>> -> memref<256x64x200xf32, #tpu.memory_space<hbm>>
    %dma_start3A_412 = arith.constant 0 : i32
    %dma_start3A_413 = arith.constant 0 : i32
    %dma_start3A_414 = tpu.memref_slice %dma_start3A_411[%add3A_400, %dma_start3A_412, %dma_start3A_413] : memref<256x64x200xf32, #tpu.memory_space<hbm>> -> memref<1x64x200xf32, #tpu.memory_space<hbm>>
    %dma_start3A_415 = tpu.memref_squeeze %dma_start3A_414 : memref<1x64x200xf32, #tpu.memory_space<hbm>> -> memref<64x200xf32, #tpu.memory_space<hbm>>
    %dma_start3A_416 = arith.constant 0 : i32
    %dma_start3A_417 = arith.constant 0 : i32
    %dma_start3A_418 = tpu.memref_slice %arg7[%dma_start3A_401, %dma_start3A_416, %dma_start3A_417] : memref<2x64x200xf32, #tpu.memory_space<vmem>> -> memref<1x64x200xf32, #tpu.memory_space<vmem>>
    %dma_start3A_419 = tpu.memref_squeeze %dma_start3A_418 : memref<1x64x200xf32, #tpu.memory_space<vmem>> -> memref<64x200xf32, #tpu.memory_space<vmem>>
    tpu.enqueue_dma source(%dma_start3A_419 : memref<64x200xf32, #tpu.memory_space<vmem>>) target(%dma_start3A_415 : memref<64x200xf32, #tpu.memory_space<hbm>>) target_semaphore(%arg11 : memref<!tpu.dma_semaphore, #tpu.memory_space<semaphore_mem>>)
    %add3A_420 = arith.constant 5 : i32
    %add3A_421 = arith.addi %mul3A_2, %add3A_420 : i32
    %dma_start3A_422 = arith.constant 1 : i32
    %dma_start3A_423 = arith.constant 0 : i32
    %dma_start3A_424 = arith.constant 0 : i32
    %dma_start3A_425 = tpu.memref_slice %arg6[%dma_start3A_422, %dma_start3A_423, %dma_start3A_424] : memref<2x64x200xi32, #tpu.memory_space<vmem>> -> memref<1x64x200xi32, #tpu.memory_space<vmem>>
    %dma_start3A_426 = tpu.memref_squeeze %dma_start3A_425 : memref<1x64x200xi32, #tpu.memory_space<vmem>> -> memref<64x200xi32, #tpu.memory_space<vmem>>
    %dma_start3A_427 = tpu.memref_reshape %arg2 : memref<16384x200xi32, #tpu.memory_space<hbm>> -> memref<256x64x200xi32, #tpu.memory_space<hbm>>
    %dma_start3A_428 = arith.constant 0 : i32
    %dma_start3A_429 = arith.constant 0 : i32
    %dma_start3A_430 = tpu.memref_slice %dma_start3A_427[%add3A_421, %dma_start3A_428, %dma_start3A_429] : memref<256x64x200xi32, #tpu.memory_space<hbm>> -> memref<1x64x200xi32, #tpu.memory_space<hbm>>
    %dma_start3A_431 = tpu.memref_squeeze %dma_start3A_430 : memref<1x64x200xi32, #tpu.memory_space<hbm>> -> memref<64x200xi32, #tpu.memory_space<hbm>>
    %dma_start3A_432 = arith.constant 0 : i32
    %dma_start3A_433 = arith.constant 0 : i32
    %dma_start3A_434 = tpu.memref_slice %arg6[%dma_start3A_422, %dma_start3A_432, %dma_start3A_433] : memref<2x64x200xi32, #tpu.memory_space<vmem>> -> memref<1x64x200xi32, #tpu.memory_space<vmem>>
    %dma_start3A_435 = tpu.memref_squeeze %dma_start3A_434 : memref<1x64x200xi32, #tpu.memory_space<vmem>> -> memref<64x200xi32, #tpu.memory_space<vmem>>
    %dma_start3A_436 = tpu.memref_reshape %arg2 : memref<16384x200xi32, #tpu.memory_space<hbm>> -> memref<256x64x200xi32, #tpu.memory_space<hbm>>
    %dma_start3A_437 = arith.constant 0 : i32
    %dma_start3A_438 = arith.constant 0 : i32
    %dma_start3A_439 = tpu.memref_slice %dma_start3A_436[%add3A_421, %dma_start3A_437, %dma_start3A_438] : memref<256x64x200xi32, #tpu.memory_space<hbm>> -> memref<1x64x200xi32, #tpu.memory_space<hbm>>
    %dma_start3A_440 = tpu.memref_squeeze %dma_start3A_439 : memref<1x64x200xi32, #tpu.memory_space<hbm>> -> memref<64x200xi32, #tpu.memory_space<hbm>>
    tpu.enqueue_dma source(%dma_start3A_440 : memref<64x200xi32, #tpu.memory_space<hbm>>) target(%dma_start3A_435 : memref<64x200xi32, #tpu.memory_space<vmem>>) target_semaphore(%arg9 : memref<!tpu.dma_semaphore, #tpu.memory_space<semaphore_mem>>)
    %add3A_441 = arith.constant 4 : i32
    %add3A_442 = arith.addi %mul3A_2, %add3A_441 : i32
    %dma_wait3A_443 = arith.constant 0 : i32
    %dma_wait3A_444 = arith.constant 0 : i32
    %dma_wait3A_445 = arith.constant 0 : i32
    %dma_wait3A_446 = tpu.memref_slice %arg6[%dma_wait3A_443, %dma_wait3A_444, %dma_wait3A_445] : memref<2x64x200xi32, #tpu.memory_space<vmem>> -> memref<1x64x200xi32, #tpu.memory_space<vmem>>
    %dma_wait3A_447 = tpu.memref_squeeze %dma_wait3A_446 : memref<1x64x200xi32, #tpu.memory_space<vmem>> -> memref<64x200xi32, #tpu.memory_space<vmem>>
    %dma_wait3A_448 = tpu.memref_reshape %arg2 : memref<16384x200xi32, #tpu.memory_space<hbm>> -> memref<256x64x200xi32, #tpu.memory_space<hbm>>
    %dma_wait3A_449 = arith.constant 0 : i32
    %dma_wait3A_450 = arith.constant 0 : i32
    %dma_wait3A_451 = tpu.memref_slice %dma_wait3A_448[%add3A_442, %dma_wait3A_449, %dma_wait3A_450] : memref<256x64x200xi32, #tpu.memory_space<hbm>> -> memref<1x64x200xi32, #tpu.memory_space<hbm>>
    %dma_wait3A_452 = tpu.memref_squeeze %dma_wait3A_451 : memref<1x64x200xi32, #tpu.memory_space<hbm>> -> memref<64x200xi32, #tpu.memory_space<hbm>>
    %dma_wait3A_453 = arith.constant 0 : i32
    %dma_wait3A_454 = arith.constant 0 : i32
    %dma_wait3A_455 = tpu.memref_slice %arg6[%dma_wait3A_443, %dma_wait3A_453, %dma_wait3A_454] : memref<2x64x200xi32, #tpu.memory_space<vmem>> -> memref<1x64x200xi32, #tpu.memory_space<vmem>>
    %dma_wait3A_456 = tpu.memref_squeeze %dma_wait3A_455 : memref<1x64x200xi32, #tpu.memory_space<vmem>> -> memref<64x200xi32, #tpu.memory_space<vmem>>
    %dma_wait3A_457 = tpu.memref_reshape %arg2 : memref<16384x200xi32, #tpu.memory_space<hbm>> -> memref<256x64x200xi32, #tpu.memory_space<hbm>>
    %dma_wait3A_458 = arith.constant 0 : i32
    %dma_wait3A_459 = arith.constant 0 : i32
    %dma_wait3A_460 = tpu.memref_slice %dma_wait3A_457[%add3A_442, %dma_wait3A_458, %dma_wait3A_459] : memref<256x64x200xi32, #tpu.memory_space<hbm>> -> memref<1x64x200xi32, #tpu.memory_space<hbm>>
    %dma_wait3A_461 = tpu.memref_squeeze %dma_wait3A_460 : memref<1x64x200xi32, #tpu.memory_space<hbm>> -> memref<64x200xi32, #tpu.memory_space<hbm>>
    tpu.wait_dma2 semaphore(%arg8 : memref<!tpu.dma_semaphore, #tpu.memory_space<semaphore_mem>>) src(%dma_wait3A_461 : memref<64x200xi32, #tpu.memory_space<hbm>>) dst(%dma_wait3A_456 : memref<64x200xi32, #tpu.memory_space<vmem>>)
    %add3A_462 = arith.constant 2 : i32
    %add3A_463 = arith.addi %mul3A_2, %add3A_462 : i32
    %dma_wait3A_464 = arith.constant 0 : i32
    %dma_wait3A_465 = arith.constant 0 : i32
    %dma_wait3A_466 = arith.constant 0 : i32
    %dma_wait3A_467 = tpu.memref_slice %arg7[%dma_wait3A_464, %dma_wait3A_465, %dma_wait3A_466] : memref<2x64x200xf32, #tpu.memory_space<vmem>> -> memref<1x64x200xf32, #tpu.memory_space<vmem>>
    %dma_wait3A_468 = tpu.memref_squeeze %dma_wait3A_467 : memref<1x64x200xf32, #tpu.memory_space<vmem>> -> memref<64x200xf32, #tpu.memory_space<vmem>>
    %dma_wait3A_469 = tpu.memref_reshape %arg4 : memref<16384x200xf32, #tpu.memory_space<hbm>> -> memref<256x64x200xf32, #tpu.memory_space<hbm>>
    %dma_wait3A_470 = arith.constant 0 : i32
    %dma_wait3A_471 = arith.constant 0 : i32
    %dma_wait3A_472 = tpu.memref_slice %dma_wait3A_469[%add3A_463, %dma_wait3A_470, %dma_wait3A_471] : memref<256x64x200xf32, #tpu.memory_space<hbm>> -> memref<1x64x200xf32, #tpu.memory_space<hbm>>
    %dma_wait3A_473 = tpu.memref_squeeze %dma_wait3A_472 : memref<1x64x200xf32, #tpu.memory_space<hbm>> -> memref<64x200xf32, #tpu.memory_space<hbm>>
    %dma_wait3A_474 = tpu.memref_reshape %arg4 : memref<16384x200xf32, #tpu.memory_space<hbm>> -> memref<256x64x200xf32, #tpu.memory_space<hbm>>
    %dma_wait3A_475 = arith.constant 0 : i32
    %dma_wait3A_476 = arith.constant 0 : i32
    %dma_wait3A_477 = tpu.memref_slice %dma_wait3A_474[%add3A_463, %dma_wait3A_475, %dma_wait3A_476] : memref<256x64x200xf32, #tpu.memory_space<hbm>> -> memref<1x64x200xf32, #tpu.memory_space<hbm>>
    %dma_wait3A_478 = tpu.memref_squeeze %dma_wait3A_477 : memref<1x64x200xf32, #tpu.memory_space<hbm>> -> memref<64x200xf32, #tpu.memory_space<hbm>>
    %dma_wait3A_479 = arith.constant 0 : i32
    %dma_wait3A_480 = arith.constant 0 : i32
    %dma_wait3A_481 = tpu.memref_slice %arg7[%dma_wait3A_464, %dma_wait3A_479, %dma_wait3A_480] : memref<2x64x200xf32, #tpu.memory_space<vmem>> -> memref<1x64x200xf32, #tpu.memory_space<vmem>>
    %dma_wait3A_482 = tpu.memref_squeeze %dma_wait3A_481 : memref<1x64x200xf32, #tpu.memory_space<vmem>> -> memref<64x200xf32, #tpu.memory_space<vmem>>
    tpu.wait_dma2 semaphore(%arg10 : memref<!tpu.dma_semaphore, #tpu.memory_space<semaphore_mem>>) src(%dma_wait3A_482 : memref<64x200xf32, #tpu.memory_space<vmem>>) dst(%dma_wait3A_478 : memref<64x200xf32, #tpu.memory_space<hbm>>)
    %scan3A_483 = arith.constant 0 : i32
    %scan3A_484 = arith.constant 0 : i32
    %scan3A_485 = arith.constant 0 : i32
    %scan3A_486 = arith.constant 64 : i32
    %scan3A_487 = arith.addi %scan3A_485, %scan3A_486 : i32
    %scan3A_488 = arith.constant 1 : i32
    scf.for %scan3A_805 = %scan3A_485 to %scan3A_487 step %scan3A_488  : i32 {
      %broadcast_in_dim3A = arith.constant 0 : i32
      %broadcast_in_dim3A_806 = vector.broadcast %broadcast_in_dim3A : i32 to vector<16xi32>
      %add3A_807 = vector.broadcast %scan3A_805 : i32 to vector<16xi32>
      %add3A_808 = arith.addi %broadcast_in_dim3A_806, %add3A_807 : vector<16xi32>
      %gather3A = arith.constant 0 : i32
      %gather3A_809 = arith.constant 0 : i32
      %gather3A_810 = tpu.memref_slice %arg6[%scan3A_483, %gather3A, %gather3A_809] : memref<2x64x200xi32, #tpu.memory_space<vmem>> -> memref<1x64x200xi32, #tpu.memory_space<vmem>>
      %gather3A_811 = tpu.memref_squeeze %gather3A_810 : memref<1x64x200xi32, #tpu.memory_space<vmem>> -> memref<64x200xi32, #tpu.memory_space<vmem>>
      %gather3A_812 = tpu.vector_load_idx %gather3A_811[%add3A_808, %add3A_5] masked %lt3A_43 : memref<64x200xi32, #tpu.memory_space<vmem>>[vector<16xi32>, vector<16xi32>], vector<16xi32>, vector<16xi1>
      %gather3A_813 = arith.constant 0 : i32
      %gather3A_814 = arith.constant 0 : i32
      %gather3A_815 = tpu.memref_slice %arg6[%scan3A_483, %gather3A_813, %gather3A_814] : memref<2x64x200xi32, #tpu.memory_space<vmem>> -> memref<1x64x200xi32, #tpu.memory_space<vmem>>
      %gather3A_816 = tpu.memref_squeeze %gather3A_815 : memref<1x64x200xi32, #tpu.memory_space<vmem>> -> memref<64x200xi32, #tpu.memory_space<vmem>>
      %gather3A_817 = tpu.vector_load_idx %gather3A_816[%add3A_808, %add3A_8] masked %lt3A_46 : memref<64x200xi32, #tpu.memory_space<vmem>>[vector<16xi32>, vector<16xi32>], vector<16xi32>, vector<16xi1>
      %gather3A_818 = arith.constant 0 : i32
      %gather3A_819 = arith.constant 0 : i32
      %gather3A_820 = tpu.memref_slice %arg6[%scan3A_483, %gather3A_818, %gather3A_819] : memref<2x64x200xi32, #tpu.memory_space<vmem>> -> memref<1x64x200xi32, #tpu.memory_space<vmem>>
      %gather3A_821 = tpu.memref_squeeze %gather3A_820 : memref<1x64x200xi32, #tpu.memory_space<vmem>> -> memref<64x200xi32, #tpu.memory_space<vmem>>
      %gather3A_822 = tpu.vector_load_idx %gather3A_821[%add3A_808, %add3A_11] masked %lt3A_49 : memref<64x200xi32, #tpu.memory_space<vmem>>[vector<16xi32>, vector<16xi32>], vector<16xi32>, vector<16xi1>
      %gather3A_823 = arith.constant 0 : i32
      %gather3A_824 = arith.constant 0 : i32
      %gather3A_825 = tpu.memref_slice %arg6[%scan3A_483, %gather3A_823, %gather3A_824] : memref<2x64x200xi32, #tpu.memory_space<vmem>> -> memref<1x64x200xi32, #tpu.memory_space<vmem>>
      %gather3A_826 = tpu.memref_squeeze %gather3A_825 : memref<1x64x200xi32, #tpu.memory_space<vmem>> -> memref<64x200xi32, #tpu.memory_space<vmem>>
      %gather3A_827 = tpu.vector_load_idx %gather3A_826[%add3A_808, %add3A_14] masked %lt3A_52 : memref<64x200xi32, #tpu.memory_space<vmem>>[vector<16xi32>, vector<16xi32>], vector<16xi32>, vector<16xi1>
      %gather3A_828 = arith.constant 0 : i32
      %gather3A_829 = arith.constant 0 : i32
      %gather3A_830 = tpu.memref_slice %arg6[%scan3A_483, %gather3A_828, %gather3A_829] : memref<2x64x200xi32, #tpu.memory_space<vmem>> -> memref<1x64x200xi32, #tpu.memory_space<vmem>>
      %gather3A_831 = tpu.memref_squeeze %gather3A_830 : memref<1x64x200xi32, #tpu.memory_space<vmem>> -> memref<64x200xi32, #tpu.memory_space<vmem>>
      %gather3A_832 = tpu.vector_load_idx %gather3A_831[%add3A_808, %add3A_17] masked %lt3A_55 : memref<64x200xi32, #tpu.memory_space<vmem>>[vector<16xi32>, vector<16xi32>], vector<16xi32>, vector<16xi1>
      %gather3A_833 = arith.constant 0 : i32
      %gather3A_834 = arith.constant 0 : i32
      %gather3A_835 = tpu.memref_slice %arg6[%scan3A_483, %gather3A_833, %gather3A_834] : memref<2x64x200xi32, #tpu.memory_space<vmem>> -> memref<1x64x200xi32, #tpu.memory_space<vmem>>
      %gather3A_836 = tpu.memref_squeeze %gather3A_835 : memref<1x64x200xi32, #tpu.memory_space<vmem>> -> memref<64x200xi32, #tpu.memory_space<vmem>>
      %gather3A_837 = tpu.vector_load_idx %gather3A_836[%add3A_808, %add3A_20] masked %lt3A_58 : memref<64x200xi32, #tpu.memory_space<vmem>>[vector<16xi32>, vector<16xi32>], vector<16xi32>, vector<16xi1>
      %gather3A_838 = arith.constant 0 : i32
      %gather3A_839 = arith.constant 0 : i32
      %gather3A_840 = tpu.memref_slice %arg6[%scan3A_483, %gather3A_838, %gather3A_839] : memref<2x64x200xi32, #tpu.memory_space<vmem>> -> memref<1x64x200xi32, #tpu.memory_space<vmem>>
      %gather3A_841 = tpu.memref_squeeze %gather3A_840 : memref<1x64x200xi32, #tpu.memory_space<vmem>> -> memref<64x200xi32, #tpu.memory_space<vmem>>
      %gather3A_842 = tpu.vector_load_idx %gather3A_841[%add3A_808, %add3A_23] masked %lt3A_61 : memref<64x200xi32, #tpu.memory_space<vmem>>[vector<16xi32>, vector<16xi32>], vector<16xi32>, vector<16xi1>
      %gather3A_843 = arith.constant 0 : i32
      %gather3A_844 = arith.constant 0 : i32
      %gather3A_845 = tpu.memref_slice %arg6[%scan3A_483, %gather3A_843, %gather3A_844] : memref<2x64x200xi32, #tpu.memory_space<vmem>> -> memref<1x64x200xi32, #tpu.memory_space<vmem>>
      %gather3A_846 = tpu.memref_squeeze %gather3A_845 : memref<1x64x200xi32, #tpu.memory_space<vmem>> -> memref<64x200xi32, #tpu.memory_space<vmem>>
      %gather3A_847 = tpu.vector_load_idx %gather3A_846[%add3A_808, %add3A_26] masked %lt3A_64 : memref<64x200xi32, #tpu.memory_space<vmem>>[vector<16xi32>, vector<16xi32>], vector<16xi32>, vector<16xi1>
      %gather3A_848 = arith.constant 0 : i32
      %gather3A_849 = arith.constant 0 : i32
      %gather3A_850 = tpu.memref_slice %arg6[%scan3A_483, %gather3A_848, %gather3A_849] : memref<2x64x200xi32, #tpu.memory_space<vmem>> -> memref<1x64x200xi32, #tpu.memory_space<vmem>>
      %gather3A_851 = tpu.memref_squeeze %gather3A_850 : memref<1x64x200xi32, #tpu.memory_space<vmem>> -> memref<64x200xi32, #tpu.memory_space<vmem>>
      %gather3A_852 = tpu.vector_load_idx %gather3A_851[%add3A_808, %add3A_29] masked %lt3A_67 : memref<64x200xi32, #tpu.memory_space<vmem>>[vector<16xi32>, vector<16xi32>], vector<16xi32>, vector<16xi1>
      %gather3A_853 = arith.constant 0 : i32
      %gather3A_854 = arith.constant 0 : i32
      %gather3A_855 = tpu.memref_slice %arg6[%scan3A_483, %gather3A_853, %gather3A_854] : memref<2x64x200xi32, #tpu.memory_space<vmem>> -> memref<1x64x200xi32, #tpu.memory_space<vmem>>
      %gather3A_856 = tpu.memref_squeeze %gather3A_855 : memref<1x64x200xi32, #tpu.memory_space<vmem>> -> memref<64x200xi32, #tpu.memory_space<vmem>>
      %gather3A_857 = tpu.vector_load_idx %gather3A_856[%add3A_808, %add3A_32] masked %lt3A_70 : memref<64x200xi32, #tpu.memory_space<vmem>>[vector<16xi32>, vector<16xi32>], vector<16xi32>, vector<16xi1>
      %gather3A_858 = arith.constant 0 : i32
      %gather3A_859 = arith.constant 0 : i32
      %gather3A_860 = tpu.memref_slice %arg6[%scan3A_483, %gather3A_858, %gather3A_859] : memref<2x64x200xi32, #tpu.memory_space<vmem>> -> memref<1x64x200xi32, #tpu.memory_space<vmem>>
      %gather3A_861 = tpu.memref_squeeze %gather3A_860 : memref<1x64x200xi32, #tpu.memory_space<vmem>> -> memref<64x200xi32, #tpu.memory_space<vmem>>
      %gather3A_862 = tpu.vector_load_idx %gather3A_861[%add3A_808, %add3A_35] masked %lt3A_73 : memref<64x200xi32, #tpu.memory_space<vmem>>[vector<16xi32>, vector<16xi32>], vector<16xi32>, vector<16xi1>
      %gather3A_863 = arith.constant 0 : i32
      %gather3A_864 = arith.constant 0 : i32
      %gather3A_865 = tpu.memref_slice %arg6[%scan3A_483, %gather3A_863, %gather3A_864] : memref<2x64x200xi32, #tpu.memory_space<vmem>> -> memref<1x64x200xi32, #tpu.memory_space<vmem>>
      %gather3A_866 = tpu.memref_squeeze %gather3A_865 : memref<1x64x200xi32, #tpu.memory_space<vmem>> -> memref<64x200xi32, #tpu.memory_space<vmem>>
      %gather3A_867 = tpu.vector_load_idx %gather3A_866[%add3A_808, %add3A_38] masked %lt3A_76 : memref<64x200xi32, #tpu.memory_space<vmem>>[vector<16xi32>, vector<16xi32>], vector<16xi32>, vector<16xi1>
      %gather3A_868 = arith.constant 0 : i32
      %gather3A_869 = arith.constant 0 : i32
      %gather3A_870 = tpu.memref_slice %arg6[%scan3A_483, %gather3A_868, %gather3A_869] : memref<2x64x200xi32, #tpu.memory_space<vmem>> -> memref<1x64x200xi32, #tpu.memory_space<vmem>>
      %gather3A_871 = tpu.memref_squeeze %gather3A_870 : memref<1x64x200xi32, #tpu.memory_space<vmem>> -> memref<64x200xi32, #tpu.memory_space<vmem>>
      %gather3A_872 = tpu.vector_load_idx %gather3A_871[%add3A_808, %add3A_41] masked %lt3A_79 : memref<64x200xi32, #tpu.memory_space<vmem>>[vector<16xi32>, vector<16xi32>], vector<16xi32>, vector<16xi1>
      %gather3A_873 = tpu.vector_load_idx %arg5[%gather3A_812] masked %lt3A_43 : memref<1000xf32, #tpu.memory_space<vmem>>[vector<16xi32>], vector<16xf32>, vector<16xi1>
      %gather3A_874 = tpu.vector_load_idx %arg5[%gather3A_817] masked %lt3A_46 : memref<1000xf32, #tpu.memory_space<vmem>>[vector<16xi32>], vector<16xf32>, vector<16xi1>
      %gather3A_875 = tpu.vector_load_idx %arg5[%gather3A_822] masked %lt3A_49 : memref<1000xf32, #tpu.memory_space<vmem>>[vector<16xi32>], vector<16xf32>, vector<16xi1>
      %gather3A_876 = tpu.vector_load_idx %arg5[%gather3A_827] masked %lt3A_52 : memref<1000xf32, #tpu.memory_space<vmem>>[vector<16xi32>], vector<16xf32>, vector<16xi1>
      %gather3A_877 = tpu.vector_load_idx %arg5[%gather3A_832] masked %lt3A_55 : memref<1000xf32, #tpu.memory_space<vmem>>[vector<16xi32>], vector<16xf32>, vector<16xi1>
      %gather3A_878 = tpu.vector_load_idx %arg5[%gather3A_837] masked %lt3A_58 : memref<1000xf32, #tpu.memory_space<vmem>>[vector<16xi32>], vector<16xf32>, vector<16xi1>
      %gather3A_879 = tpu.vector_load_idx %arg5[%gather3A_842] masked %lt3A_61 : memref<1000xf32, #tpu.memory_space<vmem>>[vector<16xi32>], vector<16xf32>, vector<16xi1>
      %gather3A_880 = tpu.vector_load_idx %arg5[%gather3A_847] masked %lt3A_64 : memref<1000xf32, #tpu.memory_space<vmem>>[vector<16xi32>], vector<16xf32>, vector<16xi1>
      %gather3A_881 = tpu.vector_load_idx %arg5[%gather3A_852] masked %lt3A_67 : memref<1000xf32, #tpu.memory_space<vmem>>[vector<16xi32>], vector<16xf32>, vector<16xi1>
      %gather3A_882 = tpu.vector_load_idx %arg5[%gather3A_857] masked %lt3A_70 : memref<1000xf32, #tpu.memory_space<vmem>>[vector<16xi32>], vector<16xf32>, vector<16xi1>
      %gather3A_883 = tpu.vector_load_idx %arg5[%gather3A_862] masked %lt3A_73 : memref<1000xf32, #tpu.memory_space<vmem>>[vector<16xi32>], vector<16xf32>, vector<16xi1>
      %gather3A_884 = tpu.vector_load_idx %arg5[%gather3A_867] masked %lt3A_76 : memref<1000xf32, #tpu.memory_space<vmem>>[vector<16xi32>], vector<16xf32>, vector<16xi1>
      %gather3A_885 = tpu.vector_load_idx %arg5[%gather3A_872] masked %lt3A_79 : memref<1000xf32, #tpu.memory_space<vmem>>[vector<16xi32>], vector<16xf32>, vector<16xi1>
      %scatter3A = arith.constant 0 : i32
      %scatter3A_886 = arith.constant 0 : i32
      %scatter3A_887 = tpu.memref_slice %arg7[%scan3A_484, %scatter3A, %scatter3A_886] : memref<2x64x200xf32, #tpu.memory_space<vmem>> -> memref<1x64x200xf32, #tpu.memory_space<vmem>>
      %scatter3A_888 = tpu.memref_squeeze %scatter3A_887 : memref<1x64x200xf32, #tpu.memory_space<vmem>> -> memref<64x200xf32, #tpu.memory_space<vmem>>
      tpu.vector_store_idx %scatter3A_888[%add3A_808, %add3A_5], %gather3A_873 masked %lt3A_43 : memref<64x200xf32, #tpu.memory_space<vmem>>[vector<16xi32>, vector<16xi32>], vector<16xf32>, vector<16xi1>
      %scatter3A_889 = arith.constant 0 : i32
      %scatter3A_890 = arith.constant 0 : i32
      %scatter3A_891 = tpu.memref_slice %arg7[%scan3A_484, %scatter3A_889, %scatter3A_890] : memref<2x64x200xf32, #tpu.memory_space<vmem>> -> memref<1x64x200xf32, #tpu.memory_space<vmem>>
      %scatter3A_892 = tpu.memref_squeeze %scatter3A_891 : memref<1x64x200xf32, #tpu.memory_space<vmem>> -> memref<64x200xf32, #tpu.memory_space<vmem>>
      tpu.vector_store_idx %scatter3A_892[%add3A_808, %add3A_8], %gather3A_874 masked %lt3A_46 : memref<64x200xf32, #tpu.memory_space<vmem>>[vector<16xi32>, vector<16xi32>], vector<16xf32>, vector<16xi1>
      %scatter3A_893 = arith.constant 0 : i32
      %scatter3A_894 = arith.constant 0 : i32
      %scatter3A_895 = tpu.memref_slice %arg7[%scan3A_484, %scatter3A_893, %scatter3A_894] : memref<2x64x200xf32, #tpu.memory_space<vmem>> -> memref<1x64x200xf32, #tpu.memory_space<vmem>>
      %scatter3A_896 = tpu.memref_squeeze %scatter3A_895 : memref<1x64x200xf32, #tpu.memory_space<vmem>> -> memref<64x200xf32, #tpu.memory_space<vmem>>
      tpu.vector_store_idx %scatter3A_896[%add3A_808, %add3A_11], %gather3A_875 masked %lt3A_49 : memref<64x200xf32, #tpu.memory_space<vmem>>[vector<16xi32>, vector<16xi32>], vector<16xf32>, vector<16xi1>
      %scatter3A_897 = arith.constant 0 : i32
      %scatter3A_898 = arith.constant 0 : i32
      %scatter3A_899 = tpu.memref_slice %arg7[%scan3A_484, %scatter3A_897, %scatter3A_898] : memref<2x64x200xf32, #tpu.memory_space<vmem>> -> memref<1x64x200xf32, #tpu.memory_space<vmem>>
      %scatter3A_900 = tpu.memref_squeeze %scatter3A_899 : memref<1x64x200xf32, #tpu.memory_space<vmem>> -> memref<64x200xf32, #tpu.memory_space<vmem>>
      tpu.vector_store_idx %scatter3A_900[%add3A_808, %add3A_14], %gather3A_876 masked %lt3A_52 : memref<64x200xf32, #tpu.memory_space<vmem>>[vector<16xi32>, vector<16xi32>], vector<16xf32>, vector<16xi1>
      %scatter3A_901 = arith.constant 0 : i32
      %scatter3A_902 = arith.constant 0 : i32
      %scatter3A_903 = tpu.memref_slice %arg7[%scan3A_484, %scatter3A_901, %scatter3A_902] : memref<2x64x200xf32, #tpu.memory_space<vmem>> -> memref<1x64x200xf32, #tpu.memory_space<vmem>>
      %scatter3A_904 = tpu.memref_squeeze %scatter3A_903 : memref<1x64x200xf32, #tpu.memory_space<vmem>> -> memref<64x200xf32, #tpu.memory_space<vmem>>
      tpu.vector_store_idx %scatter3A_904[%add3A_808, %add3A_17], %gather3A_877 masked %lt3A_55 : memref<64x200xf32, #tpu.memory_space<vmem>>[vector<16xi32>, vector<16xi32>], vector<16xf32>, vector<16xi1>
      %scatter3A_905 = arith.constant 0 : i32
      %scatter3A_906 = arith.constant 0 : i32
      %scatter3A_907 = tpu.memref_slice %arg7[%scan3A_484, %scatter3A_905, %scatter3A_906] : memref<2x64x200xf32, #tpu.memory_space<vmem>> -> memref<1x64x200xf32, #tpu.memory_space<vmem>>
      %scatter3A_908 = tpu.memref_squeeze %scatter3A_907 : memref<1x64x200xf32, #tpu.memory_space<vmem>> -> memref<64x200xf32, #tpu.memory_space<vmem>>
      tpu.vector_store_idx %scatter3A_908[%add3A_808, %add3A_20], %gather3A_878 masked %lt3A_58 : memref<64x200xf32, #tpu.memory_space<vmem>>[vector<16xi32>, vector<16xi32>], vector<16xf32>, vector<16xi1>
      %scatter3A_909 = arith.constant 0 : i32
      %scatter3A_910 = arith.constant 0 : i32
      %scatter3A_911 = tpu.memref_slice %arg7[%scan3A_484, %scatter3A_909, %scatter3A_910] : memref<2x64x200xf32, #tpu.memory_space<vmem>> -> memref<1x64x200xf32, #tpu.memory_space<vmem>>
      %scatter3A_912 = tpu.memref_squeeze %scatter3A_911 : memref<1x64x200xf32, #tpu.memory_space<vmem>> -> memref<64x200xf32, #tpu.memory_space<vmem>>
      tpu.vector_store_idx %scatter3A_912[%add3A_808, %add3A_23], %gather3A_879 masked %lt3A_61 : memref<64x200xf32, #tpu.memory_space<vmem>>[vector<16xi32>, vector<16xi32>], vector<16xf32>, vector<16xi1>
      %scatter3A_913 = arith.constant 0 : i32
      %scatter3A_914 = arith.constant 0 : i32
      %scatter3A_915 = tpu.memref_slice %arg7[%scan3A_484, %scatter3A_913, %scatter3A_914] : memref<2x64x200xf32, #tpu.memory_space<vmem>> -> memref<1x64x200xf32, #tpu.memory_space<vmem>>
      %scatter3A_916 = tpu.memref_squeeze %scatter3A_915 : memref<1x64x200xf32, #tpu.memory_space<vmem>> -> memref<64x200xf32, #tpu.memory_space<vmem>>
      tpu.vector_store_idx %scatter3A_916[%add3A_808, %add3A_26], %gather3A_880 masked %lt3A_64 : memref<64x200xf32, #tpu.memory_space<vmem>>[vector<16xi32>, vector<16xi32>], vector<16xf32>, vector<16xi1>
      %scatter3A_917 = arith.constant 0 : i32
      %scatter3A_918 = arith.constant 0 : i32
      %scatter3A_919 = tpu.memref_slice %arg7[%scan3A_484, %scatter3A_917, %scatter3A_918] : memref<2x64x200xf32, #tpu.memory_space<vmem>> -> memref<1x64x200xf32, #tpu.memory_space<vmem>>
      %scatter3A_920 = tpu.memref_squeeze %scatter3A_919 : memref<1x64x200xf32, #tpu.memory_space<vmem>> -> memref<64x200xf32, #tpu.memory_space<vmem>>
      tpu.vector_store_idx %scatter3A_920[%add3A_808, %add3A_29], %gather3A_881 masked %lt3A_67 : memref<64x200xf32, #tpu.memory_space<vmem>>[vector<16xi32>, vector<16xi32>], vector<16xf32>, vector<16xi1>
      %scatter3A_921 = arith.constant 0 : i32
      %scatter3A_922 = arith.constant 0 : i32
      %scatter3A_923 = tpu.memref_slice %arg7[%scan3A_484, %scatter3A_921, %scatter3A_922] : memref<2x64x200xf32, #tpu.memory_space<vmem>> -> memref<1x64x200xf32, #tpu.memory_space<vmem>>
      %scatter3A_924 = tpu.memref_squeeze %scatter3A_923 : memref<1x64x200xf32, #tpu.memory_space<vmem>> -> memref<64x200xf32, #tpu.memory_space<vmem>>
      tpu.vector_store_idx %scatter3A_924[%add3A_808, %add3A_32], %gather3A_882 masked %lt3A_70 : memref<64x200xf32, #tpu.memory_space<vmem>>[vector<16xi32>, vector<16xi32>], vector<16xf32>, vector<16xi1>
      %scatter3A_925 = arith.constant 0 : i32
      %scatter3A_926 = arith.constant 0 : i32
      %scatter3A_927 = tpu.memref_slice %arg7[%scan3A_484, %scatter3A_925, %scatter3A_926] : memref<2x64x200xf32, #tpu.memory_space<vmem>> -> memref<1x64x200xf32, #tpu.memory_space<vmem>>
      %scatter3A_928 = tpu.memref_squeeze %scatter3A_927 : memref<1x64x200xf32, #tpu.memory_space<vmem>> -> memref<64x200xf32, #tpu.memory_space<vmem>>
      tpu.vector_store_idx %scatter3A_928[%add3A_808, %add3A_35], %gather3A_883 masked %lt3A_73 : memref<64x200xf32, #tpu.memory_space<vmem>>[vector<16xi32>, vector<16xi32>], vector<16xf32>, vector<16xi1>
      %scatter3A_929 = arith.constant 0 : i32
      %scatter3A_930 = arith.constant 0 : i32
      %scatter3A_931 = tpu.memref_slice %arg7[%scan3A_484, %scatter3A_929, %scatter3A_930] : memref<2x64x200xf32, #tpu.memory_space<vmem>> -> memref<1x64x200xf32, #tpu.memory_space<vmem>>
      %scatter3A_932 = tpu.memref_squeeze %scatter3A_931 : memref<1x64x200xf32, #tpu.memory_space<vmem>> -> memref<64x200xf32, #tpu.memory_space<vmem>>
      tpu.vector_store_idx %scatter3A_932[%add3A_808, %add3A_38], %gather3A_884 masked %lt3A_76 : memref<64x200xf32, #tpu.memory_space<vmem>>[vector<16xi32>, vector<16xi32>], vector<16xf32>, vector<16xi1>
      %scatter3A_933 = arith.constant 0 : i32
      %scatter3A_934 = arith.constant 0 : i32
      %scatter3A_935 = tpu.memref_slice %arg7[%scan3A_484, %scatter3A_933, %scatter3A_934] : memref<2x64x200xf32, #tpu.memory_space<vmem>> -> memref<1x64x200xf32, #tpu.memory_space<vmem>>
      %scatter3A_936 = tpu.memref_squeeze %scatter3A_935 : memref<1x64x200xf32, #tpu.memory_space<vmem>> -> memref<64x200xf32, #tpu.memory_space<vmem>>
      tpu.vector_store_idx %scatter3A_936[%add3A_808, %add3A_41], %gather3A_885 masked %lt3A_79 : memref<64x200xf32, #tpu.memory_space<vmem>>[vector<16xi32>, vector<16xi32>], vector<16xf32>, vector<16xi1>
    }
    %scan3A_489 = arith.constant 64 : i32
    %add3A_490 = arith.constant 4 : i32
    %add3A_491 = arith.addi %mul3A_2, %add3A_490 : i32
    %dma_start3A_492 = arith.constant 0 : i32
    %dma_start3A_493 = arith.constant 0 : i32
    %dma_start3A_494 = arith.constant 0 : i32
    %dma_start3A_495 = tpu.memref_slice %arg7[%dma_start3A_492, %dma_start3A_493, %dma_start3A_494] : memref<2x64x200xf32, #tpu.memory_space<vmem>> -> memref<1x64x200xf32, #tpu.memory_space<vmem>>
    %dma_start3A_496 = tpu.memref_squeeze %dma_start3A_495 : memref<1x64x200xf32, #tpu.memory_space<vmem>> -> memref<64x200xf32, #tpu.memory_space<vmem>>
    %dma_start3A_497 = tpu.memref_reshape %arg4 : memref<16384x200xf32, #tpu.memory_space<hbm>> -> memref<256x64x200xf32, #tpu.memory_space<hbm>>
    %dma_start3A_498 = arith.constant 0 : i32
    %dma_start3A_499 = arith.constant 0 : i32
    %dma_start3A_500 = tpu.memref_slice %dma_start3A_497[%add3A_491, %dma_start3A_498, %dma_start3A_499] : memref<256x64x200xf32, #tpu.memory_space<hbm>> -> memref<1x64x200xf32, #tpu.memory_space<hbm>>
    %dma_start3A_501 = tpu.memref_squeeze %dma_start3A_500 : memref<1x64x200xf32, #tpu.memory_space<hbm>> -> memref<64x200xf32, #tpu.memory_space<hbm>>
    %dma_start3A_502 = tpu.memref_reshape %arg4 : memref<16384x200xf32, #tpu.memory_space<hbm>> -> memref<256x64x200xf32, #tpu.memory_space<hbm>>
    %dma_start3A_503 = arith.constant 0 : i32
    %dma_start3A_504 = arith.constant 0 : i32
    %dma_start3A_505 = tpu.memref_slice %dma_start3A_502[%add3A_491, %dma_start3A_503, %dma_start3A_504] : memref<256x64x200xf32, #tpu.memory_space<hbm>> -> memref<1x64x200xf32, #tpu.memory_space<hbm>>
    %dma_start3A_506 = tpu.memref_squeeze %dma_start3A_505 : memref<1x64x200xf32, #tpu.memory_space<hbm>> -> memref<64x200xf32, #tpu.memory_space<hbm>>
    %dma_start3A_507 = arith.constant 0 : i32
    %dma_start3A_508 = arith.constant 0 : i32
    %dma_start3A_509 = tpu.memref_slice %arg7[%dma_start3A_492, %dma_start3A_507, %dma_start3A_508] : memref<2x64x200xf32, #tpu.memory_space<vmem>> -> memref<1x64x200xf32, #tpu.memory_space<vmem>>
    %dma_start3A_510 = tpu.memref_squeeze %dma_start3A_509 : memref<1x64x200xf32, #tpu.memory_space<vmem>> -> memref<64x200xf32, #tpu.memory_space<vmem>>
    tpu.enqueue_dma source(%dma_start3A_510 : memref<64x200xf32, #tpu.memory_space<vmem>>) target(%dma_start3A_506 : memref<64x200xf32, #tpu.memory_space<hbm>>) target_semaphore(%arg10 : memref<!tpu.dma_semaphore, #tpu.memory_space<semaphore_mem>>)
    %add3A_511 = arith.constant 6 : i32
    %add3A_512 = arith.addi %mul3A_2, %add3A_511 : i32
    %dma_start3A_513 = arith.constant 0 : i32
    %dma_start3A_514 = arith.constant 0 : i32
    %dma_start3A_515 = arith.constant 0 : i32
    %dma_start3A_516 = tpu.memref_slice %arg6[%dma_start3A_513, %dma_start3A_514, %dma_start3A_515] : memref<2x64x200xi32, #tpu.memory_space<vmem>> -> memref<1x64x200xi32, #tpu.memory_space<vmem>>
    %dma_start3A_517 = tpu.memref_squeeze %dma_start3A_516 : memref<1x64x200xi32, #tpu.memory_space<vmem>> -> memref<64x200xi32, #tpu.memory_space<vmem>>
    %dma_start3A_518 = tpu.memref_reshape %arg2 : memref<16384x200xi32, #tpu.memory_space<hbm>> -> memref<256x64x200xi32, #tpu.memory_space<hbm>>
    %dma_start3A_519 = arith.constant 0 : i32
    %dma_start3A_520 = arith.constant 0 : i32
    %dma_start3A_521 = tpu.memref_slice %dma_start3A_518[%add3A_512, %dma_start3A_519, %dma_start3A_520] : memref<256x64x200xi32, #tpu.memory_space<hbm>> -> memref<1x64x200xi32, #tpu.memory_space<hbm>>
    %dma_start3A_522 = tpu.memref_squeeze %dma_start3A_521 : memref<1x64x200xi32, #tpu.memory_space<hbm>> -> memref<64x200xi32, #tpu.memory_space<hbm>>
    %dma_start3A_523 = arith.constant 0 : i32
    %dma_start3A_524 = arith.constant 0 : i32
    %dma_start3A_525 = tpu.memref_slice %arg6[%dma_start3A_513, %dma_start3A_523, %dma_start3A_524] : memref<2x64x200xi32, #tpu.memory_space<vmem>> -> memref<1x64x200xi32, #tpu.memory_space<vmem>>
    %dma_start3A_526 = tpu.memref_squeeze %dma_start3A_525 : memref<1x64x200xi32, #tpu.memory_space<vmem>> -> memref<64x200xi32, #tpu.memory_space<vmem>>
    %dma_start3A_527 = tpu.memref_reshape %arg2 : memref<16384x200xi32, #tpu.memory_space<hbm>> -> memref<256x64x200xi32, #tpu.memory_space<hbm>>
    %dma_start3A_528 = arith.constant 0 : i32
    %dma_start3A_529 = arith.constant 0 : i32
    %dma_start3A_530 = tpu.memref_slice %dma_start3A_527[%add3A_512, %dma_start3A_528, %dma_start3A_529] : memref<256x64x200xi32, #tpu.memory_space<hbm>> -> memref<1x64x200xi32, #tpu.memory_space<hbm>>
    %dma_start3A_531 = tpu.memref_squeeze %dma_start3A_530 : memref<1x64x200xi32, #tpu.memory_space<hbm>> -> memref<64x200xi32, #tpu.memory_space<hbm>>
    tpu.enqueue_dma source(%dma_start3A_531 : memref<64x200xi32, #tpu.memory_space<hbm>>) target(%dma_start3A_526 : memref<64x200xi32, #tpu.memory_space<vmem>>) target_semaphore(%arg8 : memref<!tpu.dma_semaphore, #tpu.memory_space<semaphore_mem>>)
    %add3A_532 = arith.constant 5 : i32
    %add3A_533 = arith.addi %mul3A_2, %add3A_532 : i32
    %dma_wait3A_534 = arith.constant 1 : i32
    %dma_wait3A_535 = arith.constant 0 : i32
    %dma_wait3A_536 = arith.constant 0 : i32
    %dma_wait3A_537 = tpu.memref_slice %arg6[%dma_wait3A_534, %dma_wait3A_535, %dma_wait3A_536] : memref<2x64x200xi32, #tpu.memory_space<vmem>> -> memref<1x64x200xi32, #tpu.memory_space<vmem>>
    %dma_wait3A_538 = tpu.memref_squeeze %dma_wait3A_537 : memref<1x64x200xi32, #tpu.memory_space<vmem>> -> memref<64x200xi32, #tpu.memory_space<vmem>>
    %dma_wait3A_539 = tpu.memref_reshape %arg2 : memref<16384x200xi32, #tpu.memory_space<hbm>> -> memref<256x64x200xi32, #tpu.memory_space<hbm>>
    %dma_wait3A_540 = arith.constant 0 : i32
    %dma_wait3A_541 = arith.constant 0 : i32
    %dma_wait3A_542 = tpu.memref_slice %dma_wait3A_539[%add3A_533, %dma_wait3A_540, %dma_wait3A_541] : memref<256x64x200xi32, #tpu.memory_space<hbm>> -> memref<1x64x200xi32, #tpu.memory_space<hbm>>
    %dma_wait3A_543 = tpu.memref_squeeze %dma_wait3A_542 : memref<1x64x200xi32, #tpu.memory_space<hbm>> -> memref<64x200xi32, #tpu.memory_space<hbm>>
    %dma_wait3A_544 = arith.constant 0 : i32
    %dma_wait3A_545 = arith.constant 0 : i32
    %dma_wait3A_546 = tpu.memref_slice %arg6[%dma_wait3A_534, %dma_wait3A_544, %dma_wait3A_545] : memref<2x64x200xi32, #tpu.memory_space<vmem>> -> memref<1x64x200xi32, #tpu.memory_space<vmem>>
    %dma_wait3A_547 = tpu.memref_squeeze %dma_wait3A_546 : memref<1x64x200xi32, #tpu.memory_space<vmem>> -> memref<64x200xi32, #tpu.memory_space<vmem>>
    %dma_wait3A_548 = tpu.memref_reshape %arg2 : memref<16384x200xi32, #tpu.memory_space<hbm>> -> memref<256x64x200xi32, #tpu.memory_space<hbm>>
    %dma_wait3A_549 = arith.constant 0 : i32
    %dma_wait3A_550 = arith.constant 0 : i32
    %dma_wait3A_551 = tpu.memref_slice %dma_wait3A_548[%add3A_533, %dma_wait3A_549, %dma_wait3A_550] : memref<256x64x200xi32, #tpu.memory_space<hbm>> -> memref<1x64x200xi32, #tpu.memory_space<hbm>>
    %dma_wait3A_552 = tpu.memref_squeeze %dma_wait3A_551 : memref<1x64x200xi32, #tpu.memory_space<hbm>> -> memref<64x200xi32, #tpu.memory_space<hbm>>
    tpu.wait_dma2 semaphore(%arg9 : memref<!tpu.dma_semaphore, #tpu.memory_space<semaphore_mem>>) src(%dma_wait3A_552 : memref<64x200xi32, #tpu.memory_space<hbm>>) dst(%dma_wait3A_547 : memref<64x200xi32, #tpu.memory_space<vmem>>)
    %add3A_553 = arith.constant 3 : i32
    %add3A_554 = arith.addi %mul3A_2, %add3A_553 : i32
    %dma_wait3A_555 = arith.constant 1 : i32
    %dma_wait3A_556 = arith.constant 0 : i32
    %dma_wait3A_557 = arith.constant 0 : i32
    %dma_wait3A_558 = tpu.memref_slice %arg7[%dma_wait3A_555, %dma_wait3A_556, %dma_wait3A_557] : memref<2x64x200xf32, #tpu.memory_space<vmem>> -> memref<1x64x200xf32, #tpu.memory_space<vmem>>
    %dma_wait3A_559 = tpu.memref_squeeze %dma_wait3A_558 : memref<1x64x200xf32, #tpu.memory_space<vmem>> -> memref<64x200xf32, #tpu.memory_space<vmem>>
    %dma_wait3A_560 = tpu.memref_reshape %arg4 : memref<16384x200xf32, #tpu.memory_space<hbm>> -> memref<256x64x200xf32, #tpu.memory_space<hbm>>
    %dma_wait3A_561 = arith.constant 0 : i32
    %dma_wait3A_562 = arith.constant 0 : i32
    %dma_wait3A_563 = tpu.memref_slice %dma_wait3A_560[%add3A_554, %dma_wait3A_561, %dma_wait3A_562] : memref<256x64x200xf32, #tpu.memory_space<hbm>> -> memref<1x64x200xf32, #tpu.memory_space<hbm>>
    %dma_wait3A_564 = tpu.memref_squeeze %dma_wait3A_563 : memref<1x64x200xf32, #tpu.memory_space<hbm>> -> memref<64x200xf32, #tpu.memory_space<hbm>>
    %dma_wait3A_565 = tpu.memref_reshape %arg4 : memref<16384x200xf32, #tpu.memory_space<hbm>> -> memref<256x64x200xf32, #tpu.memory_space<hbm>>
    %dma_wait3A_566 = arith.constant 0 : i32
    %dma_wait3A_567 = arith.constant 0 : i32
    %dma_wait3A_568 = tpu.memref_slice %dma_wait3A_565[%add3A_554, %dma_wait3A_566, %dma_wait3A_567] : memref<256x64x200xf32, #tpu.memory_space<hbm>> -> memref<1x64x200xf32, #tpu.memory_space<hbm>>
    %dma_wait3A_569 = tpu.memref_squeeze %dma_wait3A_568 : memref<1x64x200xf32, #tpu.memory_space<hbm>> -> memref<64x200xf32, #tpu.memory_space<hbm>>
    %dma_wait3A_570 = arith.constant 0 : i32
    %dma_wait3A_571 = arith.constant 0 : i32
    %dma_wait3A_572 = tpu.memref_slice %arg7[%dma_wait3A_555, %dma_wait3A_570, %dma_wait3A_571] : memref<2x64x200xf32, #tpu.memory_space<vmem>> -> memref<1x64x200xf32, #tpu.memory_space<vmem>>
    %dma_wait3A_573 = tpu.memref_squeeze %dma_wait3A_572 : memref<1x64x200xf32, #tpu.memory_space<vmem>> -> memref<64x200xf32, #tpu.memory_space<vmem>>
    tpu.wait_dma2 semaphore(%arg11 : memref<!tpu.dma_semaphore, #tpu.memory_space<semaphore_mem>>) src(%dma_wait3A_573 : memref<64x200xf32, #tpu.memory_space<vmem>>) dst(%dma_wait3A_569 : memref<64x200xf32, #tpu.memory_space<hbm>>)
    %scan3A_574 = arith.constant 1 : i32
    %scan3A_575 = arith.constant 1 : i32
    %scan3A_576 = arith.constant 0 : i32
    %scan3A_577 = arith.constant 64 : i32
    %scan3A_578 = arith.addi %scan3A_576, %scan3A_577 : i32
    %scan3A_579 = arith.constant 1 : i32
    scf.for %scan3A_805 = %scan3A_576 to %scan3A_578 step %scan3A_579  : i32 {
      %broadcast_in_dim3A = arith.constant 0 : i32
      %broadcast_in_dim3A_806 = vector.broadcast %broadcast_in_dim3A : i32 to vector<16xi32>
      %add3A_807 = vector.broadcast %scan3A_805 : i32 to vector<16xi32>
      %add3A_808 = arith.addi %broadcast_in_dim3A_806, %add3A_807 : vector<16xi32>
      %gather3A = arith.constant 0 : i32
      %gather3A_809 = arith.constant 0 : i32
      %gather3A_810 = tpu.memref_slice %arg6[%scan3A_574, %gather3A, %gather3A_809] : memref<2x64x200xi32, #tpu.memory_space<vmem>> -> memref<1x64x200xi32, #tpu.memory_space<vmem>>
      %gather3A_811 = tpu.memref_squeeze %gather3A_810 : memref<1x64x200xi32, #tpu.memory_space<vmem>> -> memref<64x200xi32, #tpu.memory_space<vmem>>
      %gather3A_812 = tpu.vector_load_idx %gather3A_811[%add3A_808, %add3A_5] masked %lt3A_43 : memref<64x200xi32, #tpu.memory_space<vmem>>[vector<16xi32>, vector<16xi32>], vector<16xi32>, vector<16xi1>
      %gather3A_813 = arith.constant 0 : i32
      %gather3A_814 = arith.constant 0 : i32
      %gather3A_815 = tpu.memref_slice %arg6[%scan3A_574, %gather3A_813, %gather3A_814] : memref<2x64x200xi32, #tpu.memory_space<vmem>> -> memref<1x64x200xi32, #tpu.memory_space<vmem>>
      %gather3A_816 = tpu.memref_squeeze %gather3A_815 : memref<1x64x200xi32, #tpu.memory_space<vmem>> -> memref<64x200xi32, #tpu.memory_space<vmem>>
      %gather3A_817 = tpu.vector_load_idx %gather3A_816[%add3A_808, %add3A_8] masked %lt3A_46 : memref<64x200xi32, #tpu.memory_space<vmem>>[vector<16xi32>, vector<16xi32>], vector<16xi32>, vector<16xi1>
      %gather3A_818 = arith.constant 0 : i32
      %gather3A_819 = arith.constant 0 : i32
      %gather3A_820 = tpu.memref_slice %arg6[%scan3A_574, %gather3A_818, %gather3A_819] : memref<2x64x200xi32, #tpu.memory_space<vmem>> -> memref<1x64x200xi32, #tpu.memory_space<vmem>>
      %gather3A_821 = tpu.memref_squeeze %gather3A_820 : memref<1x64x200xi32, #tpu.memory_space<vmem>> -> memref<64x200xi32, #tpu.memory_space<vmem>>
      %gather3A_822 = tpu.vector_load_idx %gather3A_821[%add3A_808, %add3A_11] masked %lt3A_49 : memref<64x200xi32, #tpu.memory_space<vmem>>[vector<16xi32>, vector<16xi32>], vector<16xi32>, vector<16xi1>
      %gather3A_823 = arith.constant 0 : i32
      %gather3A_824 = arith.constant 0 : i32
      %gather3A_825 = tpu.memref_slice %arg6[%scan3A_574, %gather3A_823, %gather3A_824] : memref<2x64x200xi32, #tpu.memory_space<vmem>> -> memref<1x64x200xi32, #tpu.memory_space<vmem>>
      %gather3A_826 = tpu.memref_squeeze %gather3A_825 : memref<1x64x200xi32, #tpu.memory_space<vmem>> -> memref<64x200xi32, #tpu.memory_space<vmem>>
      %gather3A_827 = tpu.vector_load_idx %gather3A_826[%add3A_808, %add3A_14] masked %lt3A_52 : memref<64x200xi32, #tpu.memory_space<vmem>>[vector<16xi32>, vector<16xi32>], vector<16xi32>, vector<16xi1>
      %gather3A_828 = arith.constant 0 : i32
      %gather3A_829 = arith.constant 0 : i32
      %gather3A_830 = tpu.memref_slice %arg6[%scan3A_574, %gather3A_828, %gather3A_829] : memref<2x64x200xi32, #tpu.memory_space<vmem>> -> memref<1x64x200xi32, #tpu.memory_space<vmem>>
      %gather3A_831 = tpu.memref_squeeze %gather3A_830 : memref<1x64x200xi32, #tpu.memory_space<vmem>> -> memref<64x200xi32, #tpu.memory_space<vmem>>
      %gather3A_832 = tpu.vector_load_idx %gather3A_831[%add3A_808, %add3A_17] masked %lt3A_55 : memref<64x200xi32, #tpu.memory_space<vmem>>[vector<16xi32>, vector<16xi32>], vector<16xi32>, vector<16xi1>
      %gather3A_833 = arith.constant 0 : i32
      %gather3A_834 = arith.constant 0 : i32
      %gather3A_835 = tpu.memref_slice %arg6[%scan3A_574, %gather3A_833, %gather3A_834] : memref<2x64x200xi32, #tpu.memory_space<vmem>> -> memref<1x64x200xi32, #tpu.memory_space<vmem>>
      %gather3A_836 = tpu.memref_squeeze %gather3A_835 : memref<1x64x200xi32, #tpu.memory_space<vmem>> -> memref<64x200xi32, #tpu.memory_space<vmem>>
      %gather3A_837 = tpu.vector_load_idx %gather3A_836[%add3A_808, %add3A_20] masked %lt3A_58 : memref<64x200xi32, #tpu.memory_space<vmem>>[vector<16xi32>, vector<16xi32>], vector<16xi32>, vector<16xi1>
      %gather3A_838 = arith.constant 0 : i32
      %gather3A_839 = arith.constant 0 : i32
      %gather3A_840 = tpu.memref_slice %arg6[%scan3A_574, %gather3A_838, %gather3A_839] : memref<2x64x200xi32, #tpu.memory_space<vmem>> -> memref<1x64x200xi32, #tpu.memory_space<vmem>>
      %gather3A_841 = tpu.memref_squeeze %gather3A_840 : memref<1x64x200xi32, #tpu.memory_space<vmem>> -> memref<64x200xi32, #tpu.memory_space<vmem>>
      %gather3A_842 = tpu.vector_load_idx %gather3A_841[%add3A_808, %add3A_23] masked %lt3A_61 : memref<64x200xi32, #tpu.memory_space<vmem>>[vector<16xi32>, vector<16xi32>], vector<16xi32>, vector<16xi1>
      %gather3A_843 = arith.constant 0 : i32
      %gather3A_844 = arith.constant 0 : i32
      %gather3A_845 = tpu.memref_slice %arg6[%scan3A_574, %gather3A_843, %gather3A_844] : memref<2x64x200xi32, #tpu.memory_space<vmem>> -> memref<1x64x200xi32, #tpu.memory_space<vmem>>
      %gather3A_846 = tpu.memref_squeeze %gather3A_845 : memref<1x64x200xi32, #tpu.memory_space<vmem>> -> memref<64x200xi32, #tpu.memory_space<vmem>>
      %gather3A_847 = tpu.vector_load_idx %gather3A_846[%add3A_808, %add3A_26] masked %lt3A_64 : memref<64x200xi32, #tpu.memory_space<vmem>>[vector<16xi32>, vector<16xi32>], vector<16xi32>, vector<16xi1>
      %gather3A_848 = arith.constant 0 : i32
      %gather3A_849 = arith.constant 0 : i32
      %gather3A_850 = tpu.memref_slice %arg6[%scan3A_574, %gather3A_848, %gather3A_849] : memref<2x64x200xi32, #tpu.memory_space<vmem>> -> memref<1x64x200xi32, #tpu.memory_space<vmem>>
      %gather3A_851 = tpu.memref_squeeze %gather3A_850 : memref<1x64x200xi32, #tpu.memory_space<vmem>> -> memref<64x200xi32, #tpu.memory_space<vmem>>
      %gather3A_852 = tpu.vector_load_idx %gather3A_851[%add3A_808, %add3A_29] masked %lt3A_67 : memref<64x200xi32, #tpu.memory_space<vmem>>[vector<16xi32>, vector<16xi32>], vector<16xi32>, vector<16xi1>
      %gather3A_853 = arith.constant 0 : i32
      %gather3A_854 = arith.constant 0 : i32
      %gather3A_855 = tpu.memref_slice %arg6[%scan3A_574, %gather3A_853, %gather3A_854] : memref<2x64x200xi32, #tpu.memory_space<vmem>> -> memref<1x64x200xi32, #tpu.memory_space<vmem>>
      %gather3A_856 = tpu.memref_squeeze %gather3A_855 : memref<1x64x200xi32, #tpu.memory_space<vmem>> -> memref<64x200xi32, #tpu.memory_space<vmem>>
      %gather3A_857 = tpu.vector_load_idx %gather3A_856[%add3A_808, %add3A_32] masked %lt3A_70 : memref<64x200xi32, #tpu.memory_space<vmem>>[vector<16xi32>, vector<16xi32>], vector<16xi32>, vector<16xi1>
      %gather3A_858 = arith.constant 0 : i32
      %gather3A_859 = arith.constant 0 : i32
      %gather3A_860 = tpu.memref_slice %arg6[%scan3A_574, %gather3A_858, %gather3A_859] : memref<2x64x200xi32, #tpu.memory_space<vmem>> -> memref<1x64x200xi32, #tpu.memory_space<vmem>>
      %gather3A_861 = tpu.memref_squeeze %gather3A_860 : memref<1x64x200xi32, #tpu.memory_space<vmem>> -> memref<64x200xi32, #tpu.memory_space<vmem>>
      %gather3A_862 = tpu.vector_load_idx %gather3A_861[%add3A_808, %add3A_35] masked %lt3A_73 : memref<64x200xi32, #tpu.memory_space<vmem>>[vector<16xi32>, vector<16xi32>], vector<16xi32>, vector<16xi1>
      %gather3A_863 = arith.constant 0 : i32
      %gather3A_864 = arith.constant 0 : i32
      %gather3A_865 = tpu.memref_slice %arg6[%scan3A_574, %gather3A_863, %gather3A_864] : memref<2x64x200xi32, #tpu.memory_space<vmem>> -> memref<1x64x200xi32, #tpu.memory_space<vmem>>
      %gather3A_866 = tpu.memref_squeeze %gather3A_865 : memref<1x64x200xi32, #tpu.memory_space<vmem>> -> memref<64x200xi32, #tpu.memory_space<vmem>>
      %gather3A_867 = tpu.vector_load_idx %gather3A_866[%add3A_808, %add3A_38] masked %lt3A_76 : memref<64x200xi32, #tpu.memory_space<vmem>>[vector<16xi32>, vector<16xi32>], vector<16xi32>, vector<16xi1>
      %gather3A_868 = arith.constant 0 : i32
      %gather3A_869 = arith.constant 0 : i32
      %gather3A_870 = tpu.memref_slice %arg6[%scan3A_574, %gather3A_868, %gather3A_869] : memref<2x64x200xi32, #tpu.memory_space<vmem>> -> memref<1x64x200xi32, #tpu.memory_space<vmem>>
      %gather3A_871 = tpu.memref_squeeze %gather3A_870 : memref<1x64x200xi32, #tpu.memory_space<vmem>> -> memref<64x200xi32, #tpu.memory_space<vmem>>
      %gather3A_872 = tpu.vector_load_idx %gather3A_871[%add3A_808, %add3A_41] masked %lt3A_79 : memref<64x200xi32, #tpu.memory_space<vmem>>[vector<16xi32>, vector<16xi32>], vector<16xi32>, vector<16xi1>
      %gather3A_873 = tpu.vector_load_idx %arg5[%gather3A_812] masked %lt3A_43 : memref<1000xf32, #tpu.memory_space<vmem>>[vector<16xi32>], vector<16xf32>, vector<16xi1>
      %gather3A_874 = tpu.vector_load_idx %arg5[%gather3A_817] masked %lt3A_46 : memref<1000xf32, #tpu.memory_space<vmem>>[vector<16xi32>], vector<16xf32>, vector<16xi1>
      %gather3A_875 = tpu.vector_load_idx %arg5[%gather3A_822] masked %lt3A_49 : memref<1000xf32, #tpu.memory_space<vmem>>[vector<16xi32>], vector<16xf32>, vector<16xi1>
      %gather3A_876 = tpu.vector_load_idx %arg5[%gather3A_827] masked %lt3A_52 : memref<1000xf32, #tpu.memory_space<vmem>>[vector<16xi32>], vector<16xf32>, vector<16xi1>
      %gather3A_877 = tpu.vector_load_idx %arg5[%gather3A_832] masked %lt3A_55 : memref<1000xf32, #tpu.memory_space<vmem>>[vector<16xi32>], vector<16xf32>, vector<16xi1>
      %gather3A_878 = tpu.vector_load_idx %arg5[%gather3A_837] masked %lt3A_58 : memref<1000xf32, #tpu.memory_space<vmem>>[vector<16xi32>], vector<16xf32>, vector<16xi1>
      %gather3A_879 = tpu.vector_load_idx %arg5[%gather3A_842] masked %lt3A_61 : memref<1000xf32, #tpu.memory_space<vmem>>[vector<16xi32>], vector<16xf32>, vector<16xi1>
      %gather3A_880 = tpu.vector_load_idx %arg5[%gather3A_847] masked %lt3A_64 : memref<1000xf32, #tpu.memory_space<vmem>>[vector<16xi32>], vector<16xf32>, vector<16xi1>
      %gather3A_881 = tpu.vector_load_idx %arg5[%gather3A_852] masked %lt3A_67 : memref<1000xf32, #tpu.memory_space<vmem>>[vector<16xi32>], vector<16xf32>, vector<16xi1>
      %gather3A_882 = tpu.vector_load_idx %arg5[%gather3A_857] masked %lt3A_70 : memref<1000xf32, #tpu.memory_space<vmem>>[vector<16xi32>], vector<16xf32>, vector<16xi1>
      %gather3A_883 = tpu.vector_load_idx %arg5[%gather3A_862] masked %lt3A_73 : memref<1000xf32, #tpu.memory_space<vmem>>[vector<16xi32>], vector<16xf32>, vector<16xi1>
      %gather3A_884 = tpu.vector_load_idx %arg5[%gather3A_867] masked %lt3A_76 : memref<1000xf32, #tpu.memory_space<vmem>>[vector<16xi32>], vector<16xf32>, vector<16xi1>
      %gather3A_885 = tpu.vector_load_idx %arg5[%gather3A_872] masked %lt3A_79 : memref<1000xf32, #tpu.memory_space<vmem>>[vector<16xi32>], vector<16xf32>, vector<16xi1>
      %scatter3A = arith.constant 0 : i32
      %scatter3A_886 = arith.constant 0 : i32
      %scatter3A_887 = tpu.memref_slice %arg7[%scan3A_575, %scatter3A, %scatter3A_886] : memref<2x64x200xf32, #tpu.memory_space<vmem>> -> memref<1x64x200xf32, #tpu.memory_space<vmem>>
      %scatter3A_888 = tpu.memref_squeeze %scatter3A_887 : memref<1x64x200xf32, #tpu.memory_space<vmem>> -> memref<64x200xf32, #tpu.memory_space<vmem>>
      tpu.vector_store_idx %scatter3A_888[%add3A_808, %add3A_5], %gather3A_873 masked %lt3A_43 : memref<64x200xf32, #tpu.memory_space<vmem>>[vector<16xi32>, vector<16xi32>], vector<16xf32>, vector<16xi1>
      %scatter3A_889 = arith.constant 0 : i32
      %scatter3A_890 = arith.constant 0 : i32
      %scatter3A_891 = tpu.memref_slice %arg7[%scan3A_575, %scatter3A_889, %scatter3A_890] : memref<2x64x200xf32, #tpu.memory_space<vmem>> -> memref<1x64x200xf32, #tpu.memory_space<vmem>>
      %scatter3A_892 = tpu.memref_squeeze %scatter3A_891 : memref<1x64x200xf32, #tpu.memory_space<vmem>> -> memref<64x200xf32, #tpu.memory_space<vmem>>
      tpu.vector_store_idx %scatter3A_892[%add3A_808, %add3A_8], %gather3A_874 masked %lt3A_46 : memref<64x200xf32, #tpu.memory_space<vmem>>[vector<16xi32>, vector<16xi32>], vector<16xf32>, vector<16xi1>
      %scatter3A_893 = arith.constant 0 : i32
      %scatter3A_894 = arith.constant 0 : i32
      %scatter3A_895 = tpu.memref_slice %arg7[%scan3A_575, %scatter3A_893, %scatter3A_894] : memref<2x64x200xf32, #tpu.memory_space<vmem>> -> memref<1x64x200xf32, #tpu.memory_space<vmem>>
      %scatter3A_896 = tpu.memref_squeeze %scatter3A_895 : memref<1x64x200xf32, #tpu.memory_space<vmem>> -> memref<64x200xf32, #tpu.memory_space<vmem>>
      tpu.vector_store_idx %scatter3A_896[%add3A_808, %add3A_11], %gather3A_875 masked %lt3A_49 : memref<64x200xf32, #tpu.memory_space<vmem>>[vector<16xi32>, vector<16xi32>], vector<16xf32>, vector<16xi1>
      %scatter3A_897 = arith.constant 0 : i32
      %scatter3A_898 = arith.constant 0 : i32
      %scatter3A_899 = tpu.memref_slice %arg7[%scan3A_575, %scatter3A_897, %scatter3A_898] : memref<2x64x200xf32, #tpu.memory_space<vmem>> -> memref<1x64x200xf32, #tpu.memory_space<vmem>>
      %scatter3A_900 = tpu.memref_squeeze %scatter3A_899 : memref<1x64x200xf32, #tpu.memory_space<vmem>> -> memref<64x200xf32, #tpu.memory_space<vmem>>
      tpu.vector_store_idx %scatter3A_900[%add3A_808, %add3A_14], %gather3A_876 masked %lt3A_52 : memref<64x200xf32, #tpu.memory_space<vmem>>[vector<16xi32>, vector<16xi32>], vector<16xf32>, vector<16xi1>
      %scatter3A_901 = arith.constant 0 : i32
      %scatter3A_902 = arith.constant 0 : i32
      %scatter3A_903 = tpu.memref_slice %arg7[%scan3A_575, %scatter3A_901, %scatter3A_902] : memref<2x64x200xf32, #tpu.memory_space<vmem>> -> memref<1x64x200xf32, #tpu.memory_space<vmem>>
      %scatter3A_904 = tpu.memref_squeeze %scatter3A_903 : memref<1x64x200xf32, #tpu.memory_space<vmem>> -> memref<64x200xf32, #tpu.memory_space<vmem>>
      tpu.vector_store_idx %scatter3A_904[%add3A_808, %add3A_17], %gather3A_877 masked %lt3A_55 : memref<64x200xf32, #tpu.memory_space<vmem>>[vector<16xi32>, vector<16xi32>], vector<16xf32>, vector<16xi1>
      %scatter3A_905 = arith.constant 0 : i32
      %scatter3A_906 = arith.constant 0 : i32
      %scatter3A_907 = tpu.memref_slice %arg7[%scan3A_575, %scatter3A_905, %scatter3A_906] : memref<2x64x200xf32, #tpu.memory_space<vmem>> -> memref<1x64x200xf32, #tpu.memory_space<vmem>>
      %scatter3A_908 = tpu.memref_squeeze %scatter3A_907 : memref<1x64x200xf32, #tpu.memory_space<vmem>> -> memref<64x200xf32, #tpu.memory_space<vmem>>
      tpu.vector_store_idx %scatter3A_908[%add3A_808, %add3A_20], %gather3A_878 masked %lt3A_58 : memref<64x200xf32, #tpu.memory_space<vmem>>[vector<16xi32>, vector<16xi32>], vector<16xf32>, vector<16xi1>
      %scatter3A_909 = arith.constant 0 : i32
      %scatter3A_910 = arith.constant 0 : i32
      %scatter3A_911 = tpu.memref_slice %arg7[%scan3A_575, %scatter3A_909, %scatter3A_910] : memref<2x64x200xf32, #tpu.memory_space<vmem>> -> memref<1x64x200xf32, #tpu.memory_space<vmem>>
      %scatter3A_912 = tpu.memref_squeeze %scatter3A_911 : memref<1x64x200xf32, #tpu.memory_space<vmem>> -> memref<64x200xf32, #tpu.memory_space<vmem>>
      tpu.vector_store_idx %scatter3A_912[%add3A_808, %add3A_23], %gather3A_879 masked %lt3A_61 : memref<64x200xf32, #tpu.memory_space<vmem>>[vector<16xi32>, vector<16xi32>], vector<16xf32>, vector<16xi1>
      %scatter3A_913 = arith.constant 0 : i32
      %scatter3A_914 = arith.constant 0 : i32
      %scatter3A_915 = tpu.memref_slice %arg7[%scan3A_575, %scatter3A_913, %scatter3A_914] : memref<2x64x200xf32, #tpu.memory_space<vmem>> -> memref<1x64x200xf32, #tpu.memory_space<vmem>>
      %scatter3A_916 = tpu.memref_squeeze %scatter3A_915 : memref<1x64x200xf32, #tpu.memory_space<vmem>> -> memref<64x200xf32, #tpu.memory_space<vmem>>
      tpu.vector_store_idx %scatter3A_916[%add3A_808, %add3A_26], %gather3A_880 masked %lt3A_64 : memref<64x200xf32, #tpu.memory_space<vmem>>[vector<16xi32>, vector<16xi32>], vector<16xf32>, vector<16xi1>
      %scatter3A_917 = arith.constant 0 : i32
      %scatter3A_918 = arith.constant 0 : i32
      %scatter3A_919 = tpu.memref_slice %arg7[%scan3A_575, %scatter3A_917, %scatter3A_918] : memref<2x64x200xf32, #tpu.memory_space<vmem>> -> memref<1x64x200xf32, #tpu.memory_space<vmem>>
      %scatter3A_920 = tpu.memref_squeeze %scatter3A_919 : memref<1x64x200xf32, #tpu.memory_space<vmem>> -> memref<64x200xf32, #tpu.memory_space<vmem>>
      tpu.vector_store_idx %scatter3A_920[%add3A_808, %add3A_29], %gather3A_881 masked %lt3A_67 : memref<64x200xf32, #tpu.memory_space<vmem>>[vector<16xi32>, vector<16xi32>], vector<16xf32>, vector<16xi1>
      %scatter3A_921 = arith.constant 0 : i32
      %scatter3A_922 = arith.constant 0 : i32
      %scatter3A_923 = tpu.memref_slice %arg7[%scan3A_575, %scatter3A_921, %scatter3A_922] : memref<2x64x200xf32, #tpu.memory_space<vmem>> -> memref<1x64x200xf32, #tpu.memory_space<vmem>>
      %scatter3A_924 = tpu.memref_squeeze %scatter3A_923 : memref<1x64x200xf32, #tpu.memory_space<vmem>> -> memref<64x200xf32, #tpu.memory_space<vmem>>
      tpu.vector_store_idx %scatter3A_924[%add3A_808, %add3A_32], %gather3A_882 masked %lt3A_70 : memref<64x200xf32, #tpu.memory_space<vmem>>[vector<16xi32>, vector<16xi32>], vector<16xf32>, vector<16xi1>
      %scatter3A_925 = arith.constant 0 : i32
      %scatter3A_926 = arith.constant 0 : i32
      %scatter3A_927 = tpu.memref_slice %arg7[%scan3A_575, %scatter3A_925, %scatter3A_926] : memref<2x64x200xf32, #tpu.memory_space<vmem>> -> memref<1x64x200xf32, #tpu.memory_space<vmem>>
      %scatter3A_928 = tpu.memref_squeeze %scatter3A_927 : memref<1x64x200xf32, #tpu.memory_space<vmem>> -> memref<64x200xf32, #tpu.memory_space<vmem>>
      tpu.vector_store_idx %scatter3A_928[%add3A_808, %add3A_35], %gather3A_883 masked %lt3A_73 : memref<64x200xf32, #tpu.memory_space<vmem>>[vector<16xi32>, vector<16xi32>], vector<16xf32>, vector<16xi1>
      %scatter3A_929 = arith.constant 0 : i32
      %scatter3A_930 = arith.constant 0 : i32
      %scatter3A_931 = tpu.memref_slice %arg7[%scan3A_575, %scatter3A_929, %scatter3A_930] : memref<2x64x200xf32, #tpu.memory_space<vmem>> -> memref<1x64x200xf32, #tpu.memory_space<vmem>>
      %scatter3A_932 = tpu.memref_squeeze %scatter3A_931 : memref<1x64x200xf32, #tpu.memory_space<vmem>> -> memref<64x200xf32, #tpu.memory_space<vmem>>
      tpu.vector_store_idx %scatter3A_932[%add3A_808, %add3A_38], %gather3A_884 masked %lt3A_76 : memref<64x200xf32, #tpu.memory_space<vmem>>[vector<16xi32>, vector<16xi32>], vector<16xf32>, vector<16xi1>
      %scatter3A_933 = arith.constant 0 : i32
      %scatter3A_934 = arith.constant 0 : i32
      %scatter3A_935 = tpu.memref_slice %arg7[%scan3A_575, %scatter3A_933, %scatter3A_934] : memref<2x64x200xf32, #tpu.memory_space<vmem>> -> memref<1x64x200xf32, #tpu.memory_space<vmem>>
      %scatter3A_936 = tpu.memref_squeeze %scatter3A_935 : memref<1x64x200xf32, #tpu.memory_space<vmem>> -> memref<64x200xf32, #tpu.memory_space<vmem>>
      tpu.vector_store_idx %scatter3A_936[%add3A_808, %add3A_41], %gather3A_885 masked %lt3A_79 : memref<64x200xf32, #tpu.memory_space<vmem>>[vector<16xi32>, vector<16xi32>], vector<16xf32>, vector<16xi1>
    }
    %scan3A_580 = arith.constant 64 : i32
    %add3A_581 = arith.constant 5 : i32
    %add3A_582 = arith.addi %mul3A_2, %add3A_581 : i32
    %dma_start3A_583 = arith.constant 1 : i32
    %dma_start3A_584 = arith.constant 0 : i32
    %dma_start3A_585 = arith.constant 0 : i32
    %dma_start3A_586 = tpu.memref_slice %arg7[%dma_start3A_583, %dma_start3A_584, %dma_start3A_585] : memref<2x64x200xf32, #tpu.memory_space<vmem>> -> memref<1x64x200xf32, #tpu.memory_space<vmem>>
    %dma_start3A_587 = tpu.memref_squeeze %dma_start3A_586 : memref<1x64x200xf32, #tpu.memory_space<vmem>> -> memref<64x200xf32, #tpu.memory_space<vmem>>
    %dma_start3A_588 = tpu.memref_reshape %arg4 : memref<16384x200xf32, #tpu.memory_space<hbm>> -> memref<256x64x200xf32, #tpu.memory_space<hbm>>
    %dma_start3A_589 = arith.constant 0 : i32
    %dma_start3A_590 = arith.constant 0 : i32
    %dma_start3A_591 = tpu.memref_slice %dma_start3A_588[%add3A_582, %dma_start3A_589, %dma_start3A_590] : memref<256x64x200xf32, #tpu.memory_space<hbm>> -> memref<1x64x200xf32, #tpu.memory_space<hbm>>
    %dma_start3A_592 = tpu.memref_squeeze %dma_start3A_591 : memref<1x64x200xf32, #tpu.memory_space<hbm>> -> memref<64x200xf32, #tpu.memory_space<hbm>>
    %dma_start3A_593 = tpu.memref_reshape %arg4 : memref<16384x200xf32, #tpu.memory_space<hbm>> -> memref<256x64x200xf32, #tpu.memory_space<hbm>>
    %dma_start3A_594 = arith.constant 0 : i32
    %dma_start3A_595 = arith.constant 0 : i32
    %dma_start3A_596 = tpu.memref_slice %dma_start3A_593[%add3A_582, %dma_start3A_594, %dma_start3A_595] : memref<256x64x200xf32, #tpu.memory_space<hbm>> -> memref<1x64x200xf32, #tpu.memory_space<hbm>>
    %dma_start3A_597 = tpu.memref_squeeze %dma_start3A_596 : memref<1x64x200xf32, #tpu.memory_space<hbm>> -> memref<64x200xf32, #tpu.memory_space<hbm>>
    %dma_start3A_598 = arith.constant 0 : i32
    %dma_start3A_599 = arith.constant 0 : i32
    %dma_start3A_600 = tpu.memref_slice %arg7[%dma_start3A_583, %dma_start3A_598, %dma_start3A_599] : memref<2x64x200xf32, #tpu.memory_space<vmem>> -> memref<1x64x200xf32, #tpu.memory_space<vmem>>
    %dma_start3A_601 = tpu.memref_squeeze %dma_start3A_600 : memref<1x64x200xf32, #tpu.memory_space<vmem>> -> memref<64x200xf32, #tpu.memory_space<vmem>>
    tpu.enqueue_dma source(%dma_start3A_601 : memref<64x200xf32, #tpu.memory_space<vmem>>) target(%dma_start3A_597 : memref<64x200xf32, #tpu.memory_space<hbm>>) target_semaphore(%arg11 : memref<!tpu.dma_semaphore, #tpu.memory_space<semaphore_mem>>)
    %add3A_602 = arith.constant 7 : i32
    %add3A_603 = arith.addi %mul3A_2, %add3A_602 : i32
    %dma_start3A_604 = arith.constant 1 : i32
    %dma_start3A_605 = arith.constant 0 : i32
    %dma_start3A_606 = arith.constant 0 : i32
    %dma_start3A_607 = tpu.memref_slice %arg6[%dma_start3A_604, %dma_start3A_605, %dma_start3A_606] : memref<2x64x200xi32, #tpu.memory_space<vmem>> -> memref<1x64x200xi32, #tpu.memory_space<vmem>>
    %dma_start3A_608 = tpu.memref_squeeze %dma_start3A_607 : memref<1x64x200xi32, #tpu.memory_space<vmem>> -> memref<64x200xi32, #tpu.memory_space<vmem>>
    %dma_start3A_609 = tpu.memref_reshape %arg2 : memref<16384x200xi32, #tpu.memory_space<hbm>> -> memref<256x64x200xi32, #tpu.memory_space<hbm>>
    %dma_start3A_610 = arith.constant 0 : i32
    %dma_start3A_611 = arith.constant 0 : i32
    %dma_start3A_612 = tpu.memref_slice %dma_start3A_609[%add3A_603, %dma_start3A_610, %dma_start3A_611] : memref<256x64x200xi32, #tpu.memory_space<hbm>> -> memref<1x64x200xi32, #tpu.memory_space<hbm>>
    %dma_start3A_613 = tpu.memref_squeeze %dma_start3A_612 : memref<1x64x200xi32, #tpu.memory_space<hbm>> -> memref<64x200xi32, #tpu.memory_space<hbm>>
    %dma_start3A_614 = arith.constant 0 : i32
    %dma_start3A_615 = arith.constant 0 : i32
    %dma_start3A_616 = tpu.memref_slice %arg6[%dma_start3A_604, %dma_start3A_614, %dma_start3A_615] : memref<2x64x200xi32, #tpu.memory_space<vmem>> -> memref<1x64x200xi32, #tpu.memory_space<vmem>>
    %dma_start3A_617 = tpu.memref_squeeze %dma_start3A_616 : memref<1x64x200xi32, #tpu.memory_space<vmem>> -> memref<64x200xi32, #tpu.memory_space<vmem>>
    %dma_start3A_618 = tpu.memref_reshape %arg2 : memref<16384x200xi32, #tpu.memory_space<hbm>> -> memref<256x64x200xi32, #tpu.memory_space<hbm>>
    %dma_start3A_619 = arith.constant 0 : i32
    %dma_start3A_620 = arith.constant 0 : i32
    %dma_start3A_621 = tpu.memref_slice %dma_start3A_618[%add3A_603, %dma_start3A_619, %dma_start3A_620] : memref<256x64x200xi32, #tpu.memory_space<hbm>> -> memref<1x64x200xi32, #tpu.memory_space<hbm>>
    %dma_start3A_622 = tpu.memref_squeeze %dma_start3A_621 : memref<1x64x200xi32, #tpu.memory_space<hbm>> -> memref<64x200xi32, #tpu.memory_space<hbm>>
    tpu.enqueue_dma source(%dma_start3A_622 : memref<64x200xi32, #tpu.memory_space<hbm>>) target(%dma_start3A_617 : memref<64x200xi32, #tpu.memory_space<vmem>>) target_semaphore(%arg9 : memref<!tpu.dma_semaphore, #tpu.memory_space<semaphore_mem>>)
    %add3A_623 = arith.constant 6 : i32
    %add3A_624 = arith.addi %mul3A_2, %add3A_623 : i32
    %dma_wait3A_625 = arith.constant 0 : i32
    %dma_wait3A_626 = arith.constant 0 : i32
    %dma_wait3A_627 = arith.constant 0 : i32
    %dma_wait3A_628 = tpu.memref_slice %arg6[%dma_wait3A_625, %dma_wait3A_626, %dma_wait3A_627] : memref<2x64x200xi32, #tpu.memory_space<vmem>> -> memref<1x64x200xi32, #tpu.memory_space<vmem>>
    %dma_wait3A_629 = tpu.memref_squeeze %dma_wait3A_628 : memref<1x64x200xi32, #tpu.memory_space<vmem>> -> memref<64x200xi32, #tpu.memory_space<vmem>>
    %dma_wait3A_630 = tpu.memref_reshape %arg2 : memref<16384x200xi32, #tpu.memory_space<hbm>> -> memref<256x64x200xi32, #tpu.memory_space<hbm>>
    %dma_wait3A_631 = arith.constant 0 : i32
    %dma_wait3A_632 = arith.constant 0 : i32
    %dma_wait3A_633 = tpu.memref_slice %dma_wait3A_630[%add3A_624, %dma_wait3A_631, %dma_wait3A_632] : memref<256x64x200xi32, #tpu.memory_space<hbm>> -> memref<1x64x200xi32, #tpu.memory_space<hbm>>
    %dma_wait3A_634 = tpu.memref_squeeze %dma_wait3A_633 : memref<1x64x200xi32, #tpu.memory_space<hbm>> -> memref<64x200xi32, #tpu.memory_space<hbm>>
    %dma_wait3A_635 = arith.constant 0 : i32
    %dma_wait3A_636 = arith.constant 0 : i32
    %dma_wait3A_637 = tpu.memref_slice %arg6[%dma_wait3A_625, %dma_wait3A_635, %dma_wait3A_636] : memref<2x64x200xi32, #tpu.memory_space<vmem>> -> memref<1x64x200xi32, #tpu.memory_space<vmem>>
    %dma_wait3A_638 = tpu.memref_squeeze %dma_wait3A_637 : memref<1x64x200xi32, #tpu.memory_space<vmem>> -> memref<64x200xi32, #tpu.memory_space<vmem>>
    %dma_wait3A_639 = tpu.memref_reshape %arg2 : memref<16384x200xi32, #tpu.memory_space<hbm>> -> memref<256x64x200xi32, #tpu.memory_space<hbm>>
    %dma_wait3A_640 = arith.constant 0 : i32
    %dma_wait3A_641 = arith.constant 0 : i32
    %dma_wait3A_642 = tpu.memref_slice %dma_wait3A_639[%add3A_624, %dma_wait3A_640, %dma_wait3A_641] : memref<256x64x200xi32, #tpu.memory_space<hbm>> -> memref<1x64x200xi32, #tpu.memory_space<hbm>>
    %dma_wait3A_643 = tpu.memref_squeeze %dma_wait3A_642 : memref<1x64x200xi32, #tpu.memory_space<hbm>> -> memref<64x200xi32, #tpu.memory_space<hbm>>
    tpu.wait_dma2 semaphore(%arg8 : memref<!tpu.dma_semaphore, #tpu.memory_space<semaphore_mem>>) src(%dma_wait3A_643 : memref<64x200xi32, #tpu.memory_space<hbm>>) dst(%dma_wait3A_638 : memref<64x200xi32, #tpu.memory_space<vmem>>)
    %add3A_644 = arith.constant 4 : i32
    %add3A_645 = arith.addi %mul3A_2, %add3A_644 : i32
    %dma_wait3A_646 = arith.constant 0 : i32
    %dma_wait3A_647 = arith.constant 0 : i32
    %dma_wait3A_648 = arith.constant 0 : i32
    %dma_wait3A_649 = tpu.memref_slice %arg7[%dma_wait3A_646, %dma_wait3A_647, %dma_wait3A_648] : memref<2x64x200xf32, #tpu.memory_space<vmem>> -> memref<1x64x200xf32, #tpu.memory_space<vmem>>
    %dma_wait3A_650 = tpu.memref_squeeze %dma_wait3A_649 : memref<1x64x200xf32, #tpu.memory_space<vmem>> -> memref<64x200xf32, #tpu.memory_space<vmem>>
    %dma_wait3A_651 = tpu.memref_reshape %arg4 : memref<16384x200xf32, #tpu.memory_space<hbm>> -> memref<256x64x200xf32, #tpu.memory_space<hbm>>
    %dma_wait3A_652 = arith.constant 0 : i32
    %dma_wait3A_653 = arith.constant 0 : i32
    %dma_wait3A_654 = tpu.memref_slice %dma_wait3A_651[%add3A_645, %dma_wait3A_652, %dma_wait3A_653] : memref<256x64x200xf32, #tpu.memory_space<hbm>> -> memref<1x64x200xf32, #tpu.memory_space<hbm>>
    %dma_wait3A_655 = tpu.memref_squeeze %dma_wait3A_654 : memref<1x64x200xf32, #tpu.memory_space<hbm>> -> memref<64x200xf32, #tpu.memory_space<hbm>>
    %dma_wait3A_656 = tpu.memref_reshape %arg4 : memref<16384x200xf32, #tpu.memory_space<hbm>> -> memref<256x64x200xf32, #tpu.memory_space<hbm>>
    %dma_wait3A_657 = arith.constant 0 : i32
    %dma_wait3A_658 = arith.constant 0 : i32
    %dma_wait3A_659 = tpu.memref_slice %dma_wait3A_656[%add3A_645, %dma_wait3A_657, %dma_wait3A_658] : memref<256x64x200xf32, #tpu.memory_space<hbm>> -> memref<1x64x200xf32, #tpu.memory_space<hbm>>
    %dma_wait3A_660 = tpu.memref_squeeze %dma_wait3A_659 : memref<1x64x200xf32, #tpu.memory_space<hbm>> -> memref<64x200xf32, #tpu.memory_space<hbm>>
    %dma_wait3A_661 = arith.constant 0 : i32
    %dma_wait3A_662 = arith.constant 0 : i32
    %dma_wait3A_663 = tpu.memref_slice %arg7[%dma_wait3A_646, %dma_wait3A_661, %dma_wait3A_662] : memref<2x64x200xf32, #tpu.memory_space<vmem>> -> memref<1x64x200xf32, #tpu.memory_space<vmem>>
    %dma_wait3A_664 = tpu.memref_squeeze %dma_wait3A_663 : memref<1x64x200xf32, #tpu.memory_space<vmem>> -> memref<64x200xf32, #tpu.memory_space<vmem>>
    tpu.wait_dma2 semaphore(%arg10 : memref<!tpu.dma_semaphore, #tpu.memory_space<semaphore_mem>>) src(%dma_wait3A_664 : memref<64x200xf32, #tpu.memory_space<vmem>>) dst(%dma_wait3A_660 : memref<64x200xf32, #tpu.memory_space<hbm>>)
    %scan3A_665 = arith.constant 0 : i32
    %scan3A_666 = arith.constant 0 : i32
    %scan3A_667 = arith.constant 0 : i32
    %scan3A_668 = arith.constant 64 : i32
    %scan3A_669 = arith.addi %scan3A_667, %scan3A_668 : i32
    %scan3A_670 = arith.constant 1 : i32
    scf.for %scan3A_805 = %scan3A_667 to %scan3A_669 step %scan3A_670  : i32 {
      %broadcast_in_dim3A = arith.constant 0 : i32
      %broadcast_in_dim3A_806 = vector.broadcast %broadcast_in_dim3A : i32 to vector<16xi32>
      %add3A_807 = vector.broadcast %scan3A_805 : i32 to vector<16xi32>
      %add3A_808 = arith.addi %broadcast_in_dim3A_806, %add3A_807 : vector<16xi32>
      %gather3A = arith.constant 0 : i32
      %gather3A_809 = arith.constant 0 : i32
      %gather3A_810 = tpu.memref_slice %arg6[%scan3A_665, %gather3A, %gather3A_809] : memref<2x64x200xi32, #tpu.memory_space<vmem>> -> memref<1x64x200xi32, #tpu.memory_space<vmem>>
      %gather3A_811 = tpu.memref_squeeze %gather3A_810 : memref<1x64x200xi32, #tpu.memory_space<vmem>> -> memref<64x200xi32, #tpu.memory_space<vmem>>
      %gather3A_812 = tpu.vector_load_idx %gather3A_811[%add3A_808, %add3A_5] masked %lt3A_43 : memref<64x200xi32, #tpu.memory_space<vmem>>[vector<16xi32>, vector<16xi32>], vector<16xi32>, vector<16xi1>
      %gather3A_813 = arith.constant 0 : i32
      %gather3A_814 = arith.constant 0 : i32
      %gather3A_815 = tpu.memref_slice %arg6[%scan3A_665, %gather3A_813, %gather3A_814] : memref<2x64x200xi32, #tpu.memory_space<vmem>> -> memref<1x64x200xi32, #tpu.memory_space<vmem>>
      %gather3A_816 = tpu.memref_squeeze %gather3A_815 : memref<1x64x200xi32, #tpu.memory_space<vmem>> -> memref<64x200xi32, #tpu.memory_space<vmem>>
      %gather3A_817 = tpu.vector_load_idx %gather3A_816[%add3A_808, %add3A_8] masked %lt3A_46 : memref<64x200xi32, #tpu.memory_space<vmem>>[vector<16xi32>, vector<16xi32>], vector<16xi32>, vector<16xi1>
      %gather3A_818 = arith.constant 0 : i32
      %gather3A_819 = arith.constant 0 : i32
      %gather3A_820 = tpu.memref_slice %arg6[%scan3A_665, %gather3A_818, %gather3A_819] : memref<2x64x200xi32, #tpu.memory_space<vmem>> -> memref<1x64x200xi32, #tpu.memory_space<vmem>>
      %gather3A_821 = tpu.memref_squeeze %gather3A_820 : memref<1x64x200xi32, #tpu.memory_space<vmem>> -> memref<64x200xi32, #tpu.memory_space<vmem>>
      %gather3A_822 = tpu.vector_load_idx %gather3A_821[%add3A_808, %add3A_11] masked %lt3A_49 : memref<64x200xi32, #tpu.memory_space<vmem>>[vector<16xi32>, vector<16xi32>], vector<16xi32>, vector<16xi1>
      %gather3A_823 = arith.constant 0 : i32
      %gather3A_824 = arith.constant 0 : i32
      %gather3A_825 = tpu.memref_slice %arg6[%scan3A_665, %gather3A_823, %gather3A_824] : memref<2x64x200xi32, #tpu.memory_space<vmem>> -> memref<1x64x200xi32, #tpu.memory_space<vmem>>
      %gather3A_826 = tpu.memref_squeeze %gather3A_825 : memref<1x64x200xi32, #tpu.memory_space<vmem>> -> memref<64x200xi32, #tpu.memory_space<vmem>>
      %gather3A_827 = tpu.vector_load_idx %gather3A_826[%add3A_808, %add3A_14] masked %lt3A_52 : memref<64x200xi32, #tpu.memory_space<vmem>>[vector<16xi32>, vector<16xi32>], vector<16xi32>, vector<16xi1>
      %gather3A_828 = arith.constant 0 : i32
      %gather3A_829 = arith.constant 0 : i32
      %gather3A_830 = tpu.memref_slice %arg6[%scan3A_665, %gather3A_828, %gather3A_829] : memref<2x64x200xi32, #tpu.memory_space<vmem>> -> memref<1x64x200xi32, #tpu.memory_space<vmem>>
      %gather3A_831 = tpu.memref_squeeze %gather3A_830 : memref<1x64x200xi32, #tpu.memory_space<vmem>> -> memref<64x200xi32, #tpu.memory_space<vmem>>
      %gather3A_832 = tpu.vector_load_idx %gather3A_831[%add3A_808, %add3A_17] masked %lt3A_55 : memref<64x200xi32, #tpu.memory_space<vmem>>[vector<16xi32>, vector<16xi32>], vector<16xi32>, vector<16xi1>
      %gather3A_833 = arith.constant 0 : i32
      %gather3A_834 = arith.constant 0 : i32
      %gather3A_835 = tpu.memref_slice %arg6[%scan3A_665, %gather3A_833, %gather3A_834] : memref<2x64x200xi32, #tpu.memory_space<vmem>> -> memref<1x64x200xi32, #tpu.memory_space<vmem>>
      %gather3A_836 = tpu.memref_squeeze %gather3A_835 : memref<1x64x200xi32, #tpu.memory_space<vmem>> -> memref<64x200xi32, #tpu.memory_space<vmem>>
      %gather3A_837 = tpu.vector_load_idx %gather3A_836[%add3A_808, %add3A_20] masked %lt3A_58 : memref<64x200xi32, #tpu.memory_space<vmem>>[vector<16xi32>, vector<16xi32>], vector<16xi32>, vector<16xi1>
      %gather3A_838 = arith.constant 0 : i32
      %gather3A_839 = arith.constant 0 : i32
      %gather3A_840 = tpu.memref_slice %arg6[%scan3A_665, %gather3A_838, %gather3A_839] : memref<2x64x200xi32, #tpu.memory_space<vmem>> -> memref<1x64x200xi32, #tpu.memory_space<vmem>>
      %gather3A_841 = tpu.memref_squeeze %gather3A_840 : memref<1x64x200xi32, #tpu.memory_space<vmem>> -> memref<64x200xi32, #tpu.memory_space<vmem>>
      %gather3A_842 = tpu.vector_load_idx %gather3A_841[%add3A_808, %add3A_23] masked %lt3A_61 : memref<64x200xi32, #tpu.memory_space<vmem>>[vector<16xi32>, vector<16xi32>], vector<16xi32>, vector<16xi1>
      %gather3A_843 = arith.constant 0 : i32
      %gather3A_844 = arith.constant 0 : i32
      %gather3A_845 = tpu.memref_slice %arg6[%scan3A_665, %gather3A_843, %gather3A_844] : memref<2x64x200xi32, #tpu.memory_space<vmem>> -> memref<1x64x200xi32, #tpu.memory_space<vmem>>
      %gather3A_846 = tpu.memref_squeeze %gather3A_845 : memref<1x64x200xi32, #tpu.memory_space<vmem>> -> memref<64x200xi32, #tpu.memory_space<vmem>>
      %gather3A_847 = tpu.vector_load_idx %gather3A_846[%add3A_808, %add3A_26] masked %lt3A_64 : memref<64x200xi32, #tpu.memory_space<vmem>>[vector<16xi32>, vector<16xi32>], vector<16xi32>, vector<16xi1>
      %gather3A_848 = arith.constant 0 : i32
      %gather3A_849 = arith.constant 0 : i32
      %gather3A_850 = tpu.memref_slice %arg6[%scan3A_665, %gather3A_848, %gather3A_849] : memref<2x64x200xi32, #tpu.memory_space<vmem>> -> memref<1x64x200xi32, #tpu.memory_space<vmem>>
      %gather3A_851 = tpu.memref_squeeze %gather3A_850 : memref<1x64x200xi32, #tpu.memory_space<vmem>> -> memref<64x200xi32, #tpu.memory_space<vmem>>
      %gather3A_852 = tpu.vector_load_idx %gather3A_851[%add3A_808, %add3A_29] masked %lt3A_67 : memref<64x200xi32, #tpu.memory_space<vmem>>[vector<16xi32>, vector<16xi32>], vector<16xi32>, vector<16xi1>
      %gather3A_853 = arith.constant 0 : i32
      %gather3A_854 = arith.constant 0 : i32
      %gather3A_855 = tpu.memref_slice %arg6[%scan3A_665, %gather3A_853, %gather3A_854] : memref<2x64x200xi32, #tpu.memory_space<vmem>> -> memref<1x64x200xi32, #tpu.memory_space<vmem>>
      %gather3A_856 = tpu.memref_squeeze %gather3A_855 : memref<1x64x200xi32, #tpu.memory_space<vmem>> -> memref<64x200xi32, #tpu.memory_space<vmem>>
      %gather3A_857 = tpu.vector_load_idx %gather3A_856[%add3A_808, %add3A_32] masked %lt3A_70 : memref<64x200xi32, #tpu.memory_space<vmem>>[vector<16xi32>, vector<16xi32>], vector<16xi32>, vector<16xi1>
      %gather3A_858 = arith.constant 0 : i32
      %gather3A_859 = arith.constant 0 : i32
      %gather3A_860 = tpu.memref_slice %arg6[%scan3A_665, %gather3A_858, %gather3A_859] : memref<2x64x200xi32, #tpu.memory_space<vmem>> -> memref<1x64x200xi32, #tpu.memory_space<vmem>>
      %gather3A_861 = tpu.memref_squeeze %gather3A_860 : memref<1x64x200xi32, #tpu.memory_space<vmem>> -> memref<64x200xi32, #tpu.memory_space<vmem>>
      %gather3A_862 = tpu.vector_load_idx %gather3A_861[%add3A_808, %add3A_35] masked %lt3A_73 : memref<64x200xi32, #tpu.memory_space<vmem>>[vector<16xi32>, vector<16xi32>], vector<16xi32>, vector<16xi1>
      %gather3A_863 = arith.constant 0 : i32
      %gather3A_864 = arith.constant 0 : i32
      %gather3A_865 = tpu.memref_slice %arg6[%scan3A_665, %gather3A_863, %gather3A_864] : memref<2x64x200xi32, #tpu.memory_space<vmem>> -> memref<1x64x200xi32, #tpu.memory_space<vmem>>
      %gather3A_866 = tpu.memref_squeeze %gather3A_865 : memref<1x64x200xi32, #tpu.memory_space<vmem>> -> memref<64x200xi32, #tpu.memory_space<vmem>>
      %gather3A_867 = tpu.vector_load_idx %gather3A_866[%add3A_808, %add3A_38] masked %lt3A_76 : memref<64x200xi32, #tpu.memory_space<vmem>>[vector<16xi32>, vector<16xi32>], vector<16xi32>, vector<16xi1>
      %gather3A_868 = arith.constant 0 : i32
      %gather3A_869 = arith.constant 0 : i32
      %gather3A_870 = tpu.memref_slice %arg6[%scan3A_665, %gather3A_868, %gather3A_869] : memref<2x64x200xi32, #tpu.memory_space<vmem>> -> memref<1x64x200xi32, #tpu.memory_space<vmem>>
      %gather3A_871 = tpu.memref_squeeze %gather3A_870 : memref<1x64x200xi32, #tpu.memory_space<vmem>> -> memref<64x200xi32, #tpu.memory_space<vmem>>
      %gather3A_872 = tpu.vector_load_idx %gather3A_871[%add3A_808, %add3A_41] masked %lt3A_79 : memref<64x200xi32, #tpu.memory_space<vmem>>[vector<16xi32>, vector<16xi32>], vector<16xi32>, vector<16xi1>
      %gather3A_873 = tpu.vector_load_idx %arg5[%gather3A_812] masked %lt3A_43 : memref<1000xf32, #tpu.memory_space<vmem>>[vector<16xi32>], vector<16xf32>, vector<16xi1>
      %gather3A_874 = tpu.vector_load_idx %arg5[%gather3A_817] masked %lt3A_46 : memref<1000xf32, #tpu.memory_space<vmem>>[vector<16xi32>], vector<16xf32>, vector<16xi1>
      %gather3A_875 = tpu.vector_load_idx %arg5[%gather3A_822] masked %lt3A_49 : memref<1000xf32, #tpu.memory_space<vmem>>[vector<16xi32>], vector<16xf32>, vector<16xi1>
      %gather3A_876 = tpu.vector_load_idx %arg5[%gather3A_827] masked %lt3A_52 : memref<1000xf32, #tpu.memory_space<vmem>>[vector<16xi32>], vector<16xf32>, vector<16xi1>
      %gather3A_877 = tpu.vector_load_idx %arg5[%gather3A_832] masked %lt3A_55 : memref<1000xf32, #tpu.memory_space<vmem>>[vector<16xi32>], vector<16xf32>, vector<16xi1>
      %gather3A_878 = tpu.vector_load_idx %arg5[%gather3A_837] masked %lt3A_58 : memref<1000xf32, #tpu.memory_space<vmem>>[vector<16xi32>], vector<16xf32>, vector<16xi1>
      %gather3A_879 = tpu.vector_load_idx %arg5[%gather3A_842] masked %lt3A_61 : memref<1000xf32, #tpu.memory_space<vmem>>[vector<16xi32>], vector<16xf32>, vector<16xi1>
      %gather3A_880 = tpu.vector_load_idx %arg5[%gather3A_847] masked %lt3A_64 : memref<1000xf32, #tpu.memory_space<vmem>>[vector<16xi32>], vector<16xf32>, vector<16xi1>
      %gather3A_881 = tpu.vector_load_idx %arg5[%gather3A_852] masked %lt3A_67 : memref<1000xf32, #tpu.memory_space<vmem>>[vector<16xi32>], vector<16xf32>, vector<16xi1>
      %gather3A_882 = tpu.vector_load_idx %arg5[%gather3A_857] masked %lt3A_70 : memref<1000xf32, #tpu.memory_space<vmem>>[vector<16xi32>], vector<16xf32>, vector<16xi1>
      %gather3A_883 = tpu.vector_load_idx %arg5[%gather3A_862] masked %lt3A_73 : memref<1000xf32, #tpu.memory_space<vmem>>[vector<16xi32>], vector<16xf32>, vector<16xi1>
      %gather3A_884 = tpu.vector_load_idx %arg5[%gather3A_867] masked %lt3A_76 : memref<1000xf32, #tpu.memory_space<vmem>>[vector<16xi32>], vector<16xf32>, vector<16xi1>
      %gather3A_885 = tpu.vector_load_idx %arg5[%gather3A_872] masked %lt3A_79 : memref<1000xf32, #tpu.memory_space<vmem>>[vector<16xi32>], vector<16xf32>, vector<16xi1>
      %scatter3A = arith.constant 0 : i32
      %scatter3A_886 = arith.constant 0 : i32
      %scatter3A_887 = tpu.memref_slice %arg7[%scan3A_666, %scatter3A, %scatter3A_886] : memref<2x64x200xf32, #tpu.memory_space<vmem>> -> memref<1x64x200xf32, #tpu.memory_space<vmem>>
      %scatter3A_888 = tpu.memref_squeeze %scatter3A_887 : memref<1x64x200xf32, #tpu.memory_space<vmem>> -> memref<64x200xf32, #tpu.memory_space<vmem>>
      tpu.vector_store_idx %scatter3A_888[%add3A_808, %add3A_5], %gather3A_873 masked %lt3A_43 : memref<64x200xf32, #tpu.memory_space<vmem>>[vector<16xi32>, vector<16xi32>], vector<16xf32>, vector<16xi1>
      %scatter3A_889 = arith.constant 0 : i32
      %scatter3A_890 = arith.constant 0 : i32
      %scatter3A_891 = tpu.memref_slice %arg7[%scan3A_666, %scatter3A_889, %scatter3A_890] : memref<2x64x200xf32, #tpu.memory_space<vmem>> -> memref<1x64x200xf32, #tpu.memory_space<vmem>>
      %scatter3A_892 = tpu.memref_squeeze %scatter3A_891 : memref<1x64x200xf32, #tpu.memory_space<vmem>> -> memref<64x200xf32, #tpu.memory_space<vmem>>
      tpu.vector_store_idx %scatter3A_892[%add3A_808, %add3A_8], %gather3A_874 masked %lt3A_46 : memref<64x200xf32, #tpu.memory_space<vmem>>[vector<16xi32>, vector<16xi32>], vector<16xf32>, vector<16xi1>
      %scatter3A_893 = arith.constant 0 : i32
      %scatter3A_894 = arith.constant 0 : i32
      %scatter3A_895 = tpu.memref_slice %arg7[%scan3A_666, %scatter3A_893, %scatter3A_894] : memref<2x64x200xf32, #tpu.memory_space<vmem>> -> memref<1x64x200xf32, #tpu.memory_space<vmem>>
      %scatter3A_896 = tpu.memref_squeeze %scatter3A_895 : memref<1x64x200xf32, #tpu.memory_space<vmem>> -> memref<64x200xf32, #tpu.memory_space<vmem>>
      tpu.vector_store_idx %scatter3A_896[%add3A_808, %add3A_11], %gather3A_875 masked %lt3A_49 : memref<64x200xf32, #tpu.memory_space<vmem>>[vector<16xi32>, vector<16xi32>], vector<16xf32>, vector<16xi1>
      %scatter3A_897 = arith.constant 0 : i32
      %scatter3A_898 = arith.constant 0 : i32
      %scatter3A_899 = tpu.memref_slice %arg7[%scan3A_666, %scatter3A_897, %scatter3A_898] : memref<2x64x200xf32, #tpu.memory_space<vmem>> -> memref<1x64x200xf32, #tpu.memory_space<vmem>>
      %scatter3A_900 = tpu.memref_squeeze %scatter3A_899 : memref<1x64x200xf32, #tpu.memory_space<vmem>> -> memref<64x200xf32, #tpu.memory_space<vmem>>
      tpu.vector_store_idx %scatter3A_900[%add3A_808, %add3A_14], %gather3A_876 masked %lt3A_52 : memref<64x200xf32, #tpu.memory_space<vmem>>[vector<16xi32>, vector<16xi32>], vector<16xf32>, vector<16xi1>
      %scatter3A_901 = arith.constant 0 : i32
      %scatter3A_902 = arith.constant 0 : i32
      %scatter3A_903 = tpu.memref_slice %arg7[%scan3A_666, %scatter3A_901, %scatter3A_902] : memref<2x64x200xf32, #tpu.memory_space<vmem>> -> memref<1x64x200xf32, #tpu.memory_space<vmem>>
      %scatter3A_904 = tpu.memref_squeeze %scatter3A_903 : memref<1x64x200xf32, #tpu.memory_space<vmem>> -> memref<64x200xf32, #tpu.memory_space<vmem>>
      tpu.vector_store_idx %scatter3A_904[%add3A_808, %add3A_17], %gather3A_877 masked %lt3A_55 : memref<64x200xf32, #tpu.memory_space<vmem>>[vector<16xi32>, vector<16xi32>], vector<16xf32>, vector<16xi1>
      %scatter3A_905 = arith.constant 0 : i32
      %scatter3A_906 = arith.constant 0 : i32
      %scatter3A_907 = tpu.memref_slice %arg7[%scan3A_666, %scatter3A_905, %scatter3A_906] : memref<2x64x200xf32, #tpu.memory_space<vmem>> -> memref<1x64x200xf32, #tpu.memory_space<vmem>>
      %scatter3A_908 = tpu.memref_squeeze %scatter3A_907 : memref<1x64x200xf32, #tpu.memory_space<vmem>> -> memref<64x200xf32, #tpu.memory_space<vmem>>
      tpu.vector_store_idx %scatter3A_908[%add3A_808, %add3A_20], %gather3A_878 masked %lt3A_58 : memref<64x200xf32, #tpu.memory_space<vmem>>[vector<16xi32>, vector<16xi32>], vector<16xf32>, vector<16xi1>
      %scatter3A_909 = arith.constant 0 : i32
      %scatter3A_910 = arith.constant 0 : i32
      %scatter3A_911 = tpu.memref_slice %arg7[%scan3A_666, %scatter3A_909, %scatter3A_910] : memref<2x64x200xf32, #tpu.memory_space<vmem>> -> memref<1x64x200xf32, #tpu.memory_space<vmem>>
      %scatter3A_912 = tpu.memref_squeeze %scatter3A_911 : memref<1x64x200xf32, #tpu.memory_space<vmem>> -> memref<64x200xf32, #tpu.memory_space<vmem>>
      tpu.vector_store_idx %scatter3A_912[%add3A_808, %add3A_23], %gather3A_879 masked %lt3A_61 : memref<64x200xf32, #tpu.memory_space<vmem>>[vector<16xi32>, vector<16xi32>], vector<16xf32>, vector<16xi1>
      %scatter3A_913 = arith.constant 0 : i32
      %scatter3A_914 = arith.constant 0 : i32
      %scatter3A_915 = tpu.memref_slice %arg7[%scan3A_666, %scatter3A_913, %scatter3A_914] : memref<2x64x200xf32, #tpu.memory_space<vmem>> -> memref<1x64x200xf32, #tpu.memory_space<vmem>>
      %scatter3A_916 = tpu.memref_squeeze %scatter3A_915 : memref<1x64x200xf32, #tpu.memory_space<vmem>> -> memref<64x200xf32, #tpu.memory_space<vmem>>
      tpu.vector_store_idx %scatter3A_916[%add3A_808, %add3A_26], %gather3A_880 masked %lt3A_64 : memref<64x200xf32, #tpu.memory_space<vmem>>[vector<16xi32>, vector<16xi32>], vector<16xf32>, vector<16xi1>
      %scatter3A_917 = arith.constant 0 : i32
      %scatter3A_918 = arith.constant 0 : i32
      %scatter3A_919 = tpu.memref_slice %arg7[%scan3A_666, %scatter3A_917, %scatter3A_918] : memref<2x64x200xf32, #tpu.memory_space<vmem>> -> memref<1x64x200xf32, #tpu.memory_space<vmem>>
      %scatter3A_920 = tpu.memref_squeeze %scatter3A_919 : memref<1x64x200xf32, #tpu.memory_space<vmem>> -> memref<64x200xf32, #tpu.memory_space<vmem>>
      tpu.vector_store_idx %scatter3A_920[%add3A_808, %add3A_29], %gather3A_881 masked %lt3A_67 : memref<64x200xf32, #tpu.memory_space<vmem>>[vector<16xi32>, vector<16xi32>], vector<16xf32>, vector<16xi1>
      %scatter3A_921 = arith.constant 0 : i32
      %scatter3A_922 = arith.constant 0 : i32
      %scatter3A_923 = tpu.memref_slice %arg7[%scan3A_666, %scatter3A_921, %scatter3A_922] : memref<2x64x200xf32, #tpu.memory_space<vmem>> -> memref<1x64x200xf32, #tpu.memory_space<vmem>>
      %scatter3A_924 = tpu.memref_squeeze %scatter3A_923 : memref<1x64x200xf32, #tpu.memory_space<vmem>> -> memref<64x200xf32, #tpu.memory_space<vmem>>
      tpu.vector_store_idx %scatter3A_924[%add3A_808, %add3A_32], %gather3A_882 masked %lt3A_70 : memref<64x200xf32, #tpu.memory_space<vmem>>[vector<16xi32>, vector<16xi32>], vector<16xf32>, vector<16xi1>
      %scatter3A_925 = arith.constant 0 : i32
      %scatter3A_926 = arith.constant 0 : i32
      %scatter3A_927 = tpu.memref_slice %arg7[%scan3A_666, %scatter3A_925, %scatter3A_926] : memref<2x64x200xf32, #tpu.memory_space<vmem>> -> memref<1x64x200xf32, #tpu.memory_space<vmem>>
      %scatter3A_928 = tpu.memref_squeeze %scatter3A_927 : memref<1x64x200xf32, #tpu.memory_space<vmem>> -> memref<64x200xf32, #tpu.memory_space<vmem>>
      tpu.vector_store_idx %scatter3A_928[%add3A_808, %add3A_35], %gather3A_883 masked %lt3A_73 : memref<64x200xf32, #tpu.memory_space<vmem>>[vector<16xi32>, vector<16xi32>], vector<16xf32>, vector<16xi1>
      %scatter3A_929 = arith.constant 0 : i32
      %scatter3A_930 = arith.constant 0 : i32
      %scatter3A_931 = tpu.memref_slice %arg7[%scan3A_666, %scatter3A_929, %scatter3A_930] : memref<2x64x200xf32, #tpu.memory_space<vmem>> -> memref<1x64x200xf32, #tpu.memory_space<vmem>>
      %scatter3A_932 = tpu.memref_squeeze %scatter3A_931 : memref<1x64x200xf32, #tpu.memory_space<vmem>> -> memref<64x200xf32, #tpu.memory_space<vmem>>
      tpu.vector_store_idx %scatter3A_932[%add3A_808, %add3A_38], %gather3A_884 masked %lt3A_76 : memref<64x200xf32, #tpu.memory_space<vmem>>[vector<16xi32>, vector<16xi32>], vector<16xf32>, vector<16xi1>
      %scatter3A_933 = arith.constant 0 : i32
      %scatter3A_934 = arith.constant 0 : i32
      %scatter3A_935 = tpu.memref_slice %arg7[%scan3A_666, %scatter3A_933, %scatter3A_934] : memref<2x64x200xf32, #tpu.memory_space<vmem>> -> memref<1x64x200xf32, #tpu.memory_space<vmem>>
      %scatter3A_936 = tpu.memref_squeeze %scatter3A_935 : memref<1x64x200xf32, #tpu.memory_space<vmem>> -> memref<64x200xf32, #tpu.memory_space<vmem>>
      tpu.vector_store_idx %scatter3A_936[%add3A_808, %add3A_41], %gather3A_885 masked %lt3A_79 : memref<64x200xf32, #tpu.memory_space<vmem>>[vector<16xi32>, vector<16xi32>], vector<16xf32>, vector<16xi1>
    }
    %scan3A_671 = arith.constant 64 : i32
    %add3A_672 = arith.constant 6 : i32
    %add3A_673 = arith.addi %mul3A_2, %add3A_672 : i32
    %dma_start3A_674 = arith.constant 0 : i32
    %dma_start3A_675 = arith.constant 0 : i32
    %dma_start3A_676 = arith.constant 0 : i32
    %dma_start3A_677 = tpu.memref_slice %arg7[%dma_start3A_674, %dma_start3A_675, %dma_start3A_676] : memref<2x64x200xf32, #tpu.memory_space<vmem>> -> memref<1x64x200xf32, #tpu.memory_space<vmem>>
    %dma_start3A_678 = tpu.memref_squeeze %dma_start3A_677 : memref<1x64x200xf32, #tpu.memory_space<vmem>> -> memref<64x200xf32, #tpu.memory_space<vmem>>
    %dma_start3A_679 = tpu.memref_reshape %arg4 : memref<16384x200xf32, #tpu.memory_space<hbm>> -> memref<256x64x200xf32, #tpu.memory_space<hbm>>
    %dma_start3A_680 = arith.constant 0 : i32
    %dma_start3A_681 = arith.constant 0 : i32
    %dma_start3A_682 = tpu.memref_slice %dma_start3A_679[%add3A_673, %dma_start3A_680, %dma_start3A_681] : memref<256x64x200xf32, #tpu.memory_space<hbm>> -> memref<1x64x200xf32, #tpu.memory_space<hbm>>
    %dma_start3A_683 = tpu.memref_squeeze %dma_start3A_682 : memref<1x64x200xf32, #tpu.memory_space<hbm>> -> memref<64x200xf32, #tpu.memory_space<hbm>>
    %dma_start3A_684 = tpu.memref_reshape %arg4 : memref<16384x200xf32, #tpu.memory_space<hbm>> -> memref<256x64x200xf32, #tpu.memory_space<hbm>>
    %dma_start3A_685 = arith.constant 0 : i32
    %dma_start3A_686 = arith.constant 0 : i32
    %dma_start3A_687 = tpu.memref_slice %dma_start3A_684[%add3A_673, %dma_start3A_685, %dma_start3A_686] : memref<256x64x200xf32, #tpu.memory_space<hbm>> -> memref<1x64x200xf32, #tpu.memory_space<hbm>>
    %dma_start3A_688 = tpu.memref_squeeze %dma_start3A_687 : memref<1x64x200xf32, #tpu.memory_space<hbm>> -> memref<64x200xf32, #tpu.memory_space<hbm>>
    %dma_start3A_689 = arith.constant 0 : i32
    %dma_start3A_690 = arith.constant 0 : i32
    %dma_start3A_691 = tpu.memref_slice %arg7[%dma_start3A_674, %dma_start3A_689, %dma_start3A_690] : memref<2x64x200xf32, #tpu.memory_space<vmem>> -> memref<1x64x200xf32, #tpu.memory_space<vmem>>
    %dma_start3A_692 = tpu.memref_squeeze %dma_start3A_691 : memref<1x64x200xf32, #tpu.memory_space<vmem>> -> memref<64x200xf32, #tpu.memory_space<vmem>>
    tpu.enqueue_dma source(%dma_start3A_692 : memref<64x200xf32, #tpu.memory_space<vmem>>) target(%dma_start3A_688 : memref<64x200xf32, #tpu.memory_space<hbm>>) target_semaphore(%arg10 : memref<!tpu.dma_semaphore, #tpu.memory_space<semaphore_mem>>)
    %add3A_693 = arith.constant 7 : i32
    %add3A_694 = arith.addi %mul3A_2, %add3A_693 : i32
    %dma_wait3A_695 = arith.constant 1 : i32
    %dma_wait3A_696 = arith.constant 0 : i32
    %dma_wait3A_697 = arith.constant 0 : i32
    %dma_wait3A_698 = tpu.memref_slice %arg6[%dma_wait3A_695, %dma_wait3A_696, %dma_wait3A_697] : memref<2x64x200xi32, #tpu.memory_space<vmem>> -> memref<1x64x200xi32, #tpu.memory_space<vmem>>
    %dma_wait3A_699 = tpu.memref_squeeze %dma_wait3A_698 : memref<1x64x200xi32, #tpu.memory_space<vmem>> -> memref<64x200xi32, #tpu.memory_space<vmem>>
    %dma_wait3A_700 = tpu.memref_reshape %arg2 : memref<16384x200xi32, #tpu.memory_space<hbm>> -> memref<256x64x200xi32, #tpu.memory_space<hbm>>
    %dma_wait3A_701 = arith.constant 0 : i32
    %dma_wait3A_702 = arith.constant 0 : i32
    %dma_wait3A_703 = tpu.memref_slice %dma_wait3A_700[%add3A_694, %dma_wait3A_701, %dma_wait3A_702] : memref<256x64x200xi32, #tpu.memory_space<hbm>> -> memref<1x64x200xi32, #tpu.memory_space<hbm>>
    %dma_wait3A_704 = tpu.memref_squeeze %dma_wait3A_703 : memref<1x64x200xi32, #tpu.memory_space<hbm>> -> memref<64x200xi32, #tpu.memory_space<hbm>>
    %dma_wait3A_705 = arith.constant 0 : i32
    %dma_wait3A_706 = arith.constant 0 : i32
    %dma_wait3A_707 = tpu.memref_slice %arg6[%dma_wait3A_695, %dma_wait3A_705, %dma_wait3A_706] : memref<2x64x200xi32, #tpu.memory_space<vmem>> -> memref<1x64x200xi32, #tpu.memory_space<vmem>>
    %dma_wait3A_708 = tpu.memref_squeeze %dma_wait3A_707 : memref<1x64x200xi32, #tpu.memory_space<vmem>> -> memref<64x200xi32, #tpu.memory_space<vmem>>
    %dma_wait3A_709 = tpu.memref_reshape %arg2 : memref<16384x200xi32, #tpu.memory_space<hbm>> -> memref<256x64x200xi32, #tpu.memory_space<hbm>>
    %dma_wait3A_710 = arith.constant 0 : i32
    %dma_wait3A_711 = arith.constant 0 : i32
    %dma_wait3A_712 = tpu.memref_slice %dma_wait3A_709[%add3A_694, %dma_wait3A_710, %dma_wait3A_711] : memref<256x64x200xi32, #tpu.memory_space<hbm>> -> memref<1x64x200xi32, #tpu.memory_space<hbm>>
    %dma_wait3A_713 = tpu.memref_squeeze %dma_wait3A_712 : memref<1x64x200xi32, #tpu.memory_space<hbm>> -> memref<64x200xi32, #tpu.memory_space<hbm>>
    tpu.wait_dma2 semaphore(%arg9 : memref<!tpu.dma_semaphore, #tpu.memory_space<semaphore_mem>>) src(%dma_wait3A_713 : memref<64x200xi32, #tpu.memory_space<hbm>>) dst(%dma_wait3A_708 : memref<64x200xi32, #tpu.memory_space<vmem>>)
    %add3A_714 = arith.constant 5 : i32
    %add3A_715 = arith.addi %mul3A_2, %add3A_714 : i32
    %dma_wait3A_716 = arith.constant 1 : i32
    %dma_wait3A_717 = arith.constant 0 : i32
    %dma_wait3A_718 = arith.constant 0 : i32
    %dma_wait3A_719 = tpu.memref_slice %arg7[%dma_wait3A_716, %dma_wait3A_717, %dma_wait3A_718] : memref<2x64x200xf32, #tpu.memory_space<vmem>> -> memref<1x64x200xf32, #tpu.memory_space<vmem>>
    %dma_wait3A_720 = tpu.memref_squeeze %dma_wait3A_719 : memref<1x64x200xf32, #tpu.memory_space<vmem>> -> memref<64x200xf32, #tpu.memory_space<vmem>>
    %dma_wait3A_721 = tpu.memref_reshape %arg4 : memref<16384x200xf32, #tpu.memory_space<hbm>> -> memref<256x64x200xf32, #tpu.memory_space<hbm>>
    %dma_wait3A_722 = arith.constant 0 : i32
    %dma_wait3A_723 = arith.constant 0 : i32
    %dma_wait3A_724 = tpu.memref_slice %dma_wait3A_721[%add3A_715, %dma_wait3A_722, %dma_wait3A_723] : memref<256x64x200xf32, #tpu.memory_space<hbm>> -> memref<1x64x200xf32, #tpu.memory_space<hbm>>
    %dma_wait3A_725 = tpu.memref_squeeze %dma_wait3A_724 : memref<1x64x200xf32, #tpu.memory_space<hbm>> -> memref<64x200xf32, #tpu.memory_space<hbm>>
    %dma_wait3A_726 = tpu.memref_reshape %arg4 : memref<16384x200xf32, #tpu.memory_space<hbm>> -> memref<256x64x200xf32, #tpu.memory_space<hbm>>
    %dma_wait3A_727 = arith.constant 0 : i32
    %dma_wait3A_728 = arith.constant 0 : i32
    %dma_wait3A_729 = tpu.memref_slice %dma_wait3A_726[%add3A_715, %dma_wait3A_727, %dma_wait3A_728] : memref<256x64x200xf32, #tpu.memory_space<hbm>> -> memref<1x64x200xf32, #tpu.memory_space<hbm>>
    %dma_wait3A_730 = tpu.memref_squeeze %dma_wait3A_729 : memref<1x64x200xf32, #tpu.memory_space<hbm>> -> memref<64x200xf32, #tpu.memory_space<hbm>>
    %dma_wait3A_731 = arith.constant 0 : i32
    %dma_wait3A_732 = arith.constant 0 : i32
    %dma_wait3A_733 = tpu.memref_slice %arg7[%dma_wait3A_716, %dma_wait3A_731, %dma_wait3A_732] : memref<2x64x200xf32, #tpu.memory_space<vmem>> -> memref<1x64x200xf32, #tpu.memory_space<vmem>>
    %dma_wait3A_734 = tpu.memref_squeeze %dma_wait3A_733 : memref<1x64x200xf32, #tpu.memory_space<vmem>> -> memref<64x200xf32, #tpu.memory_space<vmem>>
    tpu.wait_dma2 semaphore(%arg11 : memref<!tpu.dma_semaphore, #tpu.memory_space<semaphore_mem>>) src(%dma_wait3A_734 : memref<64x200xf32, #tpu.memory_space<vmem>>) dst(%dma_wait3A_730 : memref<64x200xf32, #tpu.memory_space<hbm>>)
    %scan3A_735 = arith.constant 1 : i32
    %scan3A_736 = arith.constant 1 : i32
    %scan3A_737 = arith.constant 0 : i32
    %scan3A_738 = arith.constant 64 : i32
    %scan3A_739 = arith.addi %scan3A_737, %scan3A_738 : i32
    %scan3A_740 = arith.constant 1 : i32
    scf.for %scan3A_805 = %scan3A_737 to %scan3A_739 step %scan3A_740  : i32 {
      %broadcast_in_dim3A = arith.constant 0 : i32
      %broadcast_in_dim3A_806 = vector.broadcast %broadcast_in_dim3A : i32 to vector<16xi32>
      %add3A_807 = vector.broadcast %scan3A_805 : i32 to vector<16xi32>
      %add3A_808 = arith.addi %broadcast_in_dim3A_806, %add3A_807 : vector<16xi32>
      %gather3A = arith.constant 0 : i32
      %gather3A_809 = arith.constant 0 : i32
      %gather3A_810 = tpu.memref_slice %arg6[%scan3A_735, %gather3A, %gather3A_809] : memref<2x64x200xi32, #tpu.memory_space<vmem>> -> memref<1x64x200xi32, #tpu.memory_space<vmem>>
      %gather3A_811 = tpu.memref_squeeze %gather3A_810 : memref<1x64x200xi32, #tpu.memory_space<vmem>> -> memref<64x200xi32, #tpu.memory_space<vmem>>
      %gather3A_812 = tpu.vector_load_idx %gather3A_811[%add3A_808, %add3A_5] masked %lt3A_43 : memref<64x200xi32, #tpu.memory_space<vmem>>[vector<16xi32>, vector<16xi32>], vector<16xi32>, vector<16xi1>
      %gather3A_813 = arith.constant 0 : i32
      %gather3A_814 = arith.constant 0 : i32
      %gather3A_815 = tpu.memref_slice %arg6[%scan3A_735, %gather3A_813, %gather3A_814] : memref<2x64x200xi32, #tpu.memory_space<vmem>> -> memref<1x64x200xi32, #tpu.memory_space<vmem>>
      %gather3A_816 = tpu.memref_squeeze %gather3A_815 : memref<1x64x200xi32, #tpu.memory_space<vmem>> -> memref<64x200xi32, #tpu.memory_space<vmem>>
      %gather3A_817 = tpu.vector_load_idx %gather3A_816[%add3A_808, %add3A_8] masked %lt3A_46 : memref<64x200xi32, #tpu.memory_space<vmem>>[vector<16xi32>, vector<16xi32>], vector<16xi32>, vector<16xi1>
      %gather3A_818 = arith.constant 0 : i32
      %gather3A_819 = arith.constant 0 : i32
      %gather3A_820 = tpu.memref_slice %arg6[%scan3A_735, %gather3A_818, %gather3A_819] : memref<2x64x200xi32, #tpu.memory_space<vmem>> -> memref<1x64x200xi32, #tpu.memory_space<vmem>>
      %gather3A_821 = tpu.memref_squeeze %gather3A_820 : memref<1x64x200xi32, #tpu.memory_space<vmem>> -> memref<64x200xi32, #tpu.memory_space<vmem>>
      %gather3A_822 = tpu.vector_load_idx %gather3A_821[%add3A_808, %add3A_11] masked %lt3A_49 : memref<64x200xi32, #tpu.memory_space<vmem>>[vector<16xi32>, vector<16xi32>], vector<16xi32>, vector<16xi1>
      %gather3A_823 = arith.constant 0 : i32
      %gather3A_824 = arith.constant 0 : i32
      %gather3A_825 = tpu.memref_slice %arg6[%scan3A_735, %gather3A_823, %gather3A_824] : memref<2x64x200xi32, #tpu.memory_space<vmem>> -> memref<1x64x200xi32, #tpu.memory_space<vmem>>
      %gather3A_826 = tpu.memref_squeeze %gather3A_825 : memref<1x64x200xi32, #tpu.memory_space<vmem>> -> memref<64x200xi32, #tpu.memory_space<vmem>>
      %gather3A_827 = tpu.vector_load_idx %gather3A_826[%add3A_808, %add3A_14] masked %lt3A_52 : memref<64x200xi32, #tpu.memory_space<vmem>>[vector<16xi32>, vector<16xi32>], vector<16xi32>, vector<16xi1>
      %gather3A_828 = arith.constant 0 : i32
      %gather3A_829 = arith.constant 0 : i32
      %gather3A_830 = tpu.memref_slice %arg6[%scan3A_735, %gather3A_828, %gather3A_829] : memref<2x64x200xi32, #tpu.memory_space<vmem>> -> memref<1x64x200xi32, #tpu.memory_space<vmem>>
      %gather3A_831 = tpu.memref_squeeze %gather3A_830 : memref<1x64x200xi32, #tpu.memory_space<vmem>> -> memref<64x200xi32, #tpu.memory_space<vmem>>
      %gather3A_832 = tpu.vector_load_idx %gather3A_831[%add3A_808, %add3A_17] masked %lt3A_55 : memref<64x200xi32, #tpu.memory_space<vmem>>[vector<16xi32>, vector<16xi32>], vector<16xi32>, vector<16xi1>
      %gather3A_833 = arith.constant 0 : i32
      %gather3A_834 = arith.constant 0 : i32
      %gather3A_835 = tpu.memref_slice %arg6[%scan3A_735, %gather3A_833, %gather3A_834] : memref<2x64x200xi32, #tpu.memory_space<vmem>> -> memref<1x64x200xi32, #tpu.memory_space<vmem>>
      %gather3A_836 = tpu.memref_squeeze %gather3A_835 : memref<1x64x200xi32, #tpu.memory_space<vmem>> -> memref<64x200xi32, #tpu.memory_space<vmem>>
      %gather3A_837 = tpu.vector_load_idx %gather3A_836[%add3A_808, %add3A_20] masked %lt3A_58 : memref<64x200xi32, #tpu.memory_space<vmem>>[vector<16xi32>, vector<16xi32>], vector<16xi32>, vector<16xi1>
      %gather3A_838 = arith.constant 0 : i32
      %gather3A_839 = arith.constant 0 : i32
      %gather3A_840 = tpu.memref_slice %arg6[%scan3A_735, %gather3A_838, %gather3A_839] : memref<2x64x200xi32, #tpu.memory_space<vmem>> -> memref<1x64x200xi32, #tpu.memory_space<vmem>>
      %gather3A_841 = tpu.memref_squeeze %gather3A_840 : memref<1x64x200xi32, #tpu.memory_space<vmem>> -> memref<64x200xi32, #tpu.memory_space<vmem>>
      %gather3A_842 = tpu.vector_load_idx %gather3A_841[%add3A_808, %add3A_23] masked %lt3A_61 : memref<64x200xi32, #tpu.memory_space<vmem>>[vector<16xi32>, vector<16xi32>], vector<16xi32>, vector<16xi1>
      %gather3A_843 = arith.constant 0 : i32
      %gather3A_844 = arith.constant 0 : i32
      %gather3A_845 = tpu.memref_slice %arg6[%scan3A_735, %gather3A_843, %gather3A_844] : memref<2x64x200xi32, #tpu.memory_space<vmem>> -> memref<1x64x200xi32, #tpu.memory_space<vmem>>
      %gather3A_846 = tpu.memref_squeeze %gather3A_845 : memref<1x64x200xi32, #tpu.memory_space<vmem>> -> memref<64x200xi32, #tpu.memory_space<vmem>>
      %gather3A_847 = tpu.vector_load_idx %gather3A_846[%add3A_808, %add3A_26] masked %lt3A_64 : memref<64x200xi32, #tpu.memory_space<vmem>>[vector<16xi32>, vector<16xi32>], vector<16xi32>, vector<16xi1>
      %gather3A_848 = arith.constant 0 : i32
      %gather3A_849 = arith.constant 0 : i32
      %gather3A_850 = tpu.memref_slice %arg6[%scan3A_735, %gather3A_848, %gather3A_849] : memref<2x64x200xi32, #tpu.memory_space<vmem>> -> memref<1x64x200xi32, #tpu.memory_space<vmem>>
      %gather3A_851 = tpu.memref_squeeze %gather3A_850 : memref<1x64x200xi32, #tpu.memory_space<vmem>> -> memref<64x200xi32, #tpu.memory_space<vmem>>
      %gather3A_852 = tpu.vector_load_idx %gather3A_851[%add3A_808, %add3A_29] masked %lt3A_67 : memref<64x200xi32, #tpu.memory_space<vmem>>[vector<16xi32>, vector<16xi32>], vector<16xi32>, vector<16xi1>
      %gather3A_853 = arith.constant 0 : i32
      %gather3A_854 = arith.constant 0 : i32
      %gather3A_855 = tpu.memref_slice %arg6[%scan3A_735, %gather3A_853, %gather3A_854] : memref<2x64x200xi32, #tpu.memory_space<vmem>> -> memref<1x64x200xi32, #tpu.memory_space<vmem>>
      %gather3A_856 = tpu.memref_squeeze %gather3A_855 : memref<1x64x200xi32, #tpu.memory_space<vmem>> -> memref<64x200xi32, #tpu.memory_space<vmem>>
      %gather3A_857 = tpu.vector_load_idx %gather3A_856[%add3A_808, %add3A_32] masked %lt3A_70 : memref<64x200xi32, #tpu.memory_space<vmem>>[vector<16xi32>, vector<16xi32>], vector<16xi32>, vector<16xi1>
      %gather3A_858 = arith.constant 0 : i32
      %gather3A_859 = arith.constant 0 : i32
      %gather3A_860 = tpu.memref_slice %arg6[%scan3A_735, %gather3A_858, %gather3A_859] : memref<2x64x200xi32, #tpu.memory_space<vmem>> -> memref<1x64x200xi32, #tpu.memory_space<vmem>>
      %gather3A_861 = tpu.memref_squeeze %gather3A_860 : memref<1x64x200xi32, #tpu.memory_space<vmem>> -> memref<64x200xi32, #tpu.memory_space<vmem>>
      %gather3A_862 = tpu.vector_load_idx %gather3A_861[%add3A_808, %add3A_35] masked %lt3A_73 : memref<64x200xi32, #tpu.memory_space<vmem>>[vector<16xi32>, vector<16xi32>], vector<16xi32>, vector<16xi1>
      %gather3A_863 = arith.constant 0 : i32
      %gather3A_864 = arith.constant 0 : i32
      %gather3A_865 = tpu.memref_slice %arg6[%scan3A_735, %gather3A_863, %gather3A_864] : memref<2x64x200xi32, #tpu.memory_space<vmem>> -> memref<1x64x200xi32, #tpu.memory_space<vmem>>
      %gather3A_866 = tpu.memref_squeeze %gather3A_865 : memref<1x64x200xi32, #tpu.memory_space<vmem>> -> memref<64x200xi32, #tpu.memory_space<vmem>>
      %gather3A_867 = tpu.vector_load_idx %gather3A_866[%add3A_808, %add3A_38] masked %lt3A_76 : memref<64x200xi32, #tpu.memory_space<vmem>>[vector<16xi32>, vector<16xi32>], vector<16xi32>, vector<16xi1>
      %gather3A_868 = arith.constant 0 : i32
      %gather3A_869 = arith.constant 0 : i32
      %gather3A_870 = tpu.memref_slice %arg6[%scan3A_735, %gather3A_868, %gather3A_869] : memref<2x64x200xi32, #tpu.memory_space<vmem>> -> memref<1x64x200xi32, #tpu.memory_space<vmem>>
      %gather3A_871 = tpu.memref_squeeze %gather3A_870 : memref<1x64x200xi32, #tpu.memory_space<vmem>> -> memref<64x200xi32, #tpu.memory_space<vmem>>
      %gather3A_872 = tpu.vector_load_idx %gather3A_871[%add3A_808, %add3A_41] masked %lt3A_79 : memref<64x200xi32, #tpu.memory_space<vmem>>[vector<16xi32>, vector<16xi32>], vector<16xi32>, vector<16xi1>
      %gather3A_873 = tpu.vector_load_idx %arg5[%gather3A_812] masked %lt3A_43 : memref<1000xf32, #tpu.memory_space<vmem>>[vector<16xi32>], vector<16xf32>, vector<16xi1>
      %gather3A_874 = tpu.vector_load_idx %arg5[%gather3A_817] masked %lt3A_46 : memref<1000xf32, #tpu.memory_space<vmem>>[vector<16xi32>], vector<16xf32>, vector<16xi1>
      %gather3A_875 = tpu.vector_load_idx %arg5[%gather3A_822] masked %lt3A_49 : memref<1000xf32, #tpu.memory_space<vmem>>[vector<16xi32>], vector<16xf32>, vector<16xi1>
      %gather3A_876 = tpu.vector_load_idx %arg5[%gather3A_827] masked %lt3A_52 : memref<1000xf32, #tpu.memory_space<vmem>>[vector<16xi32>], vector<16xf32>, vector<16xi1>
      %gather3A_877 = tpu.vector_load_idx %arg5[%gather3A_832] masked %lt3A_55 : memref<1000xf32, #tpu.memory_space<vmem>>[vector<16xi32>], vector<16xf32>, vector<16xi1>
      %gather3A_878 = tpu.vector_load_idx %arg5[%gather3A_837] masked %lt3A_58 : memref<1000xf32, #tpu.memory_space<vmem>>[vector<16xi32>], vector<16xf32>, vector<16xi1>
      %gather3A_879 = tpu.vector_load_idx %arg5[%gather3A_842] masked %lt3A_61 : memref<1000xf32, #tpu.memory_space<vmem>>[vector<16xi32>], vector<16xf32>, vector<16xi1>
      %gather3A_880 = tpu.vector_load_idx %arg5[%gather3A_847] masked %lt3A_64 : memref<1000xf32, #tpu.memory_space<vmem>>[vector<16xi32>], vector<16xf32>, vector<16xi1>
      %gather3A_881 = tpu.vector_load_idx %arg5[%gather3A_852] masked %lt3A_67 : memref<1000xf32, #tpu.memory_space<vmem>>[vector<16xi32>], vector<16xf32>, vector<16xi1>
      %gather3A_882 = tpu.vector_load_idx %arg5[%gather3A_857] masked %lt3A_70 : memref<1000xf32, #tpu.memory_space<vmem>>[vector<16xi32>], vector<16xf32>, vector<16xi1>
      %gather3A_883 = tpu.vector_load_idx %arg5[%gather3A_862] masked %lt3A_73 : memref<1000xf32, #tpu.memory_space<vmem>>[vector<16xi32>], vector<16xf32>, vector<16xi1>
      %gather3A_884 = tpu.vector_load_idx %arg5[%gather3A_867] masked %lt3A_76 : memref<1000xf32, #tpu.memory_space<vmem>>[vector<16xi32>], vector<16xf32>, vector<16xi1>
      %gather3A_885 = tpu.vector_load_idx %arg5[%gather3A_872] masked %lt3A_79 : memref<1000xf32, #tpu.memory_space<vmem>>[vector<16xi32>], vector<16xf32>, vector<16xi1>
      %scatter3A = arith.constant 0 : i32
      %scatter3A_886 = arith.constant 0 : i32
      %scatter3A_887 = tpu.memref_slice %arg7[%scan3A_736, %scatter3A, %scatter3A_886] : memref<2x64x200xf32, #tpu.memory_space<vmem>> -> memref<1x64x200xf32, #tpu.memory_space<vmem>>
      %scatter3A_888 = tpu.memref_squeeze %scatter3A_887 : memref<1x64x200xf32, #tpu.memory_space<vmem>> -> memref<64x200xf32, #tpu.memory_space<vmem>>
      tpu.vector_store_idx %scatter3A_888[%add3A_808, %add3A_5], %gather3A_873 masked %lt3A_43 : memref<64x200xf32, #tpu.memory_space<vmem>>[vector<16xi32>, vector<16xi32>], vector<16xf32>, vector<16xi1>
      %scatter3A_889 = arith.constant 0 : i32
      %scatter3A_890 = arith.constant 0 : i32
      %scatter3A_891 = tpu.memref_slice %arg7[%scan3A_736, %scatter3A_889, %scatter3A_890] : memref<2x64x200xf32, #tpu.memory_space<vmem>> -> memref<1x64x200xf32, #tpu.memory_space<vmem>>
      %scatter3A_892 = tpu.memref_squeeze %scatter3A_891 : memref<1x64x200xf32, #tpu.memory_space<vmem>> -> memref<64x200xf32, #tpu.memory_space<vmem>>
      tpu.vector_store_idx %scatter3A_892[%add3A_808, %add3A_8], %gather3A_874 masked %lt3A_46 : memref<64x200xf32, #tpu.memory_space<vmem>>[vector<16xi32>, vector<16xi32>], vector<16xf32>, vector<16xi1>
      %scatter3A_893 = arith.constant 0 : i32
      %scatter3A_894 = arith.constant 0 : i32
      %scatter3A_895 = tpu.memref_slice %arg7[%scan3A_736, %scatter3A_893, %scatter3A_894] : memref<2x64x200xf32, #tpu.memory_space<vmem>> -> memref<1x64x200xf32, #tpu.memory_space<vmem>>
      %scatter3A_896 = tpu.memref_squeeze %scatter3A_895 : memref<1x64x200xf32, #tpu.memory_space<vmem>> -> memref<64x200xf32, #tpu.memory_space<vmem>>
      tpu.vector_store_idx %scatter3A_896[%add3A_808, %add3A_11], %gather3A_875 masked %lt3A_49 : memref<64x200xf32, #tpu.memory_space<vmem>>[vector<16xi32>, vector<16xi32>], vector<16xf32>, vector<16xi1>
      %scatter3A_897 = arith.constant 0 : i32
      %scatter3A_898 = arith.constant 0 : i32
      %scatter3A_899 = tpu.memref_slice %arg7[%scan3A_736, %scatter3A_897, %scatter3A_898] : memref<2x64x200xf32, #tpu.memory_space<vmem>> -> memref<1x64x200xf32, #tpu.memory_space<vmem>>
      %scatter3A_900 = tpu.memref_squeeze %scatter3A_899 : memref<1x64x200xf32, #tpu.memory_space<vmem>> -> memref<64x200xf32, #tpu.memory_space<vmem>>
      tpu.vector_store_idx %scatter3A_900[%add3A_808, %add3A_14], %gather3A_876 masked %lt3A_52 : memref<64x200xf32, #tpu.memory_space<vmem>>[vector<16xi32>, vector<16xi32>], vector<16xf32>, vector<16xi1>
      %scatter3A_901 = arith.constant 0 : i32
      %scatter3A_902 = arith.constant 0 : i32
      %scatter3A_903 = tpu.memref_slice %arg7[%scan3A_736, %scatter3A_901, %scatter3A_902] : memref<2x64x200xf32, #tpu.memory_space<vmem>> -> memref<1x64x200xf32, #tpu.memory_space<vmem>>
      %scatter3A_904 = tpu.memref_squeeze %scatter3A_903 : memref<1x64x200xf32, #tpu.memory_space<vmem>> -> memref<64x200xf32, #tpu.memory_space<vmem>>
      tpu.vector_store_idx %scatter3A_904[%add3A_808, %add3A_17], %gather3A_877 masked %lt3A_55 : memref<64x200xf32, #tpu.memory_space<vmem>>[vector<16xi32>, vector<16xi32>], vector<16xf32>, vector<16xi1>
      %scatter3A_905 = arith.constant 0 : i32
      %scatter3A_906 = arith.constant 0 : i32
      %scatter3A_907 = tpu.memref_slice %arg7[%scan3A_736, %scatter3A_905, %scatter3A_906] : memref<2x64x200xf32, #tpu.memory_space<vmem>> -> memref<1x64x200xf32, #tpu.memory_space<vmem>>
      %scatter3A_908 = tpu.memref_squeeze %scatter3A_907 : memref<1x64x200xf32, #tpu.memory_space<vmem>> -> memref<64x200xf32, #tpu.memory_space<vmem>>
      tpu.vector_store_idx %scatter3A_908[%add3A_808, %add3A_20], %gather3A_878 masked %lt3A_58 : memref<64x200xf32, #tpu.memory_space<vmem>>[vector<16xi32>, vector<16xi32>], vector<16xf32>, vector<16xi1>
      %scatter3A_909 = arith.constant 0 : i32
      %scatter3A_910 = arith.constant 0 : i32
      %scatter3A_911 = tpu.memref_slice %arg7[%scan3A_736, %scatter3A_909, %scatter3A_910] : memref<2x64x200xf32, #tpu.memory_space<vmem>> -> memref<1x64x200xf32, #tpu.memory_space<vmem>>
      %scatter3A_912 = tpu.memref_squeeze %scatter3A_911 : memref<1x64x200xf32, #tpu.memory_space<vmem>> -> memref<64x200xf32, #tpu.memory_space<vmem>>
      tpu.vector_store_idx %scatter3A_912[%add3A_808, %add3A_23], %gather3A_879 masked %lt3A_61 : memref<64x200xf32, #tpu.memory_space<vmem>>[vector<16xi32>, vector<16xi32>], vector<16xf32>, vector<16xi1>
      %scatter3A_913 = arith.constant 0 : i32
      %scatter3A_914 = arith.constant 0 : i32
      %scatter3A_915 = tpu.memref_slice %arg7[%scan3A_736, %scatter3A_913, %scatter3A_914] : memref<2x64x200xf32, #tpu.memory_space<vmem>> -> memref<1x64x200xf32, #tpu.memory_space<vmem>>
      %scatter3A_916 = tpu.memref_squeeze %scatter3A_915 : memref<1x64x200xf32, #tpu.memory_space<vmem>> -> memref<64x200xf32, #tpu.memory_space<vmem>>
      tpu.vector_store_idx %scatter3A_916[%add3A_808, %add3A_26], %gather3A_880 masked %lt3A_64 : memref<64x200xf32, #tpu.memory_space<vmem>>[vector<16xi32>, vector<16xi32>], vector<16xf32>, vector<16xi1>
      %scatter3A_917 = arith.constant 0 : i32
      %scatter3A_918 = arith.constant 0 : i32
      %scatter3A_919 = tpu.memref_slice %arg7[%scan3A_736, %scatter3A_917, %scatter3A_918] : memref<2x64x200xf32, #tpu.memory_space<vmem>> -> memref<1x64x200xf32, #tpu.memory_space<vmem>>
      %scatter3A_920 = tpu.memref_squeeze %scatter3A_919 : memref<1x64x200xf32, #tpu.memory_space<vmem>> -> memref<64x200xf32, #tpu.memory_space<vmem>>
      tpu.vector_store_idx %scatter3A_920[%add3A_808, %add3A_29], %gather3A_881 masked %lt3A_67 : memref<64x200xf32, #tpu.memory_space<vmem>>[vector<16xi32>, vector<16xi32>], vector<16xf32>, vector<16xi1>
      %scatter3A_921 = arith.constant 0 : i32
      %scatter3A_922 = arith.constant 0 : i32
      %scatter3A_923 = tpu.memref_slice %arg7[%scan3A_736, %scatter3A_921, %scatter3A_922] : memref<2x64x200xf32, #tpu.memory_space<vmem>> -> memref<1x64x200xf32, #tpu.memory_space<vmem>>
      %scatter3A_924 = tpu.memref_squeeze %scatter3A_923 : memref<1x64x200xf32, #tpu.memory_space<vmem>> -> memref<64x200xf32, #tpu.memory_space<vmem>>
      tpu.vector_store_idx %scatter3A_924[%add3A_808, %add3A_32], %gather3A_882 masked %lt3A_70 : memref<64x200xf32, #tpu.memory_space<vmem>>[vector<16xi32>, vector<16xi32>], vector<16xf32>, vector<16xi1>
      %scatter3A_925 = arith.constant 0 : i32
      %scatter3A_926 = arith.constant 0 : i32
      %scatter3A_927 = tpu.memref_slice %arg7[%scan3A_736, %scatter3A_925, %scatter3A_926] : memref<2x64x200xf32, #tpu.memory_space<vmem>> -> memref<1x64x200xf32, #tpu.memory_space<vmem>>
      %scatter3A_928 = tpu.memref_squeeze %scatter3A_927 : memref<1x64x200xf32, #tpu.memory_space<vmem>> -> memref<64x200xf32, #tpu.memory_space<vmem>>
      tpu.vector_store_idx %scatter3A_928[%add3A_808, %add3A_35], %gather3A_883 masked %lt3A_73 : memref<64x200xf32, #tpu.memory_space<vmem>>[vector<16xi32>, vector<16xi32>], vector<16xf32>, vector<16xi1>
      %scatter3A_929 = arith.constant 0 : i32
      %scatter3A_930 = arith.constant 0 : i32
      %scatter3A_931 = tpu.memref_slice %arg7[%scan3A_736, %scatter3A_929, %scatter3A_930] : memref<2x64x200xf32, #tpu.memory_space<vmem>> -> memref<1x64x200xf32, #tpu.memory_space<vmem>>
      %scatter3A_932 = tpu.memref_squeeze %scatter3A_931 : memref<1x64x200xf32, #tpu.memory_space<vmem>> -> memref<64x200xf32, #tpu.memory_space<vmem>>
      tpu.vector_store_idx %scatter3A_932[%add3A_808, %add3A_38], %gather3A_884 masked %lt3A_76 : memref<64x200xf32, #tpu.memory_space<vmem>>[vector<16xi32>, vector<16xi32>], vector<16xf32>, vector<16xi1>
      %scatter3A_933 = arith.constant 0 : i32
      %scatter3A_934 = arith.constant 0 : i32
      %scatter3A_935 = tpu.memref_slice %arg7[%scan3A_736, %scatter3A_933, %scatter3A_934] : memref<2x64x200xf32, #tpu.memory_space<vmem>> -> memref<1x64x200xf32, #tpu.memory_space<vmem>>
      %scatter3A_936 = tpu.memref_squeeze %scatter3A_935 : memref<1x64x200xf32, #tpu.memory_space<vmem>> -> memref<64x200xf32, #tpu.memory_space<vmem>>
      tpu.vector_store_idx %scatter3A_936[%add3A_808, %add3A_41], %gather3A_885 masked %lt3A_79 : memref<64x200xf32, #tpu.memory_space<vmem>>[vector<16xi32>, vector<16xi32>], vector<16xf32>, vector<16xi1>
    }
    %scan3A_741 = arith.constant 64 : i32
    %add3A_742 = arith.constant 7 : i32
    %add3A_743 = arith.addi %mul3A_2, %add3A_742 : i32
    %dma_start3A_744 = arith.constant 1 : i32
    %dma_start3A_745 = arith.constant 0 : i32
    %dma_start3A_746 = arith.constant 0 : i32
    %dma_start3A_747 = tpu.memref_slice %arg7[%dma_start3A_744, %dma_start3A_745, %dma_start3A_746] : memref<2x64x200xf32, #tpu.memory_space<vmem>> -> memref<1x64x200xf32, #tpu.memory_space<vmem>>
    %dma_start3A_748 = tpu.memref_squeeze %dma_start3A_747 : memref<1x64x200xf32, #tpu.memory_space<vmem>> -> memref<64x200xf32, #tpu.memory_space<vmem>>
    %dma_start3A_749 = tpu.memref_reshape %arg4 : memref<16384x200xf32, #tpu.memory_space<hbm>> -> memref<256x64x200xf32, #tpu.memory_space<hbm>>
    %dma_start3A_750 = arith.constant 0 : i32
    %dma_start3A_751 = arith.constant 0 : i32
    %dma_start3A_752 = tpu.memref_slice %dma_start3A_749[%add3A_743, %dma_start3A_750, %dma_start3A_751] : memref<256x64x200xf32, #tpu.memory_space<hbm>> -> memref<1x64x200xf32, #tpu.memory_space<hbm>>
    %dma_start3A_753 = tpu.memref_squeeze %dma_start3A_752 : memref<1x64x200xf32, #tpu.memory_space<hbm>> -> memref<64x200xf32, #tpu.memory_space<hbm>>
    %dma_start3A_754 = tpu.memref_reshape %arg4 : memref<16384x200xf32, #tpu.memory_space<hbm>> -> memref<256x64x200xf32, #tpu.memory_space<hbm>>
    %dma_start3A_755 = arith.constant 0 : i32
    %dma_start3A_756 = arith.constant 0 : i32
    %dma_start3A_757 = tpu.memref_slice %dma_start3A_754[%add3A_743, %dma_start3A_755, %dma_start3A_756] : memref<256x64x200xf32, #tpu.memory_space<hbm>> -> memref<1x64x200xf32, #tpu.memory_space<hbm>>
    %dma_start3A_758 = tpu.memref_squeeze %dma_start3A_757 : memref<1x64x200xf32, #tpu.memory_space<hbm>> -> memref<64x200xf32, #tpu.memory_space<hbm>>
    %dma_start3A_759 = arith.constant 0 : i32
    %dma_start3A_760 = arith.constant 0 : i32
    %dma_start3A_761 = tpu.memref_slice %arg7[%dma_start3A_744, %dma_start3A_759, %dma_start3A_760] : memref<2x64x200xf32, #tpu.memory_space<vmem>> -> memref<1x64x200xf32, #tpu.memory_space<vmem>>
    %dma_start3A_762 = tpu.memref_squeeze %dma_start3A_761 : memref<1x64x200xf32, #tpu.memory_space<vmem>> -> memref<64x200xf32, #tpu.memory_space<vmem>>
    tpu.enqueue_dma source(%dma_start3A_762 : memref<64x200xf32, #tpu.memory_space<vmem>>) target(%dma_start3A_758 : memref<64x200xf32, #tpu.memory_space<hbm>>) target_semaphore(%arg11 : memref<!tpu.dma_semaphore, #tpu.memory_space<semaphore_mem>>)
    %add3A_763 = arith.constant 6 : i32
    %add3A_764 = arith.addi %mul3A_2, %add3A_763 : i32
    %dma_wait3A_765 = arith.constant 0 : i32
    %dma_wait3A_766 = arith.constant 0 : i32
    %dma_wait3A_767 = arith.constant 0 : i32
    %dma_wait3A_768 = tpu.memref_slice %arg7[%dma_wait3A_765, %dma_wait3A_766, %dma_wait3A_767] : memref<2x64x200xf32, #tpu.memory_space<vmem>> -> memref<1x64x200xf32, #tpu.memory_space<vmem>>
    %dma_wait3A_769 = tpu.memref_squeeze %dma_wait3A_768 : memref<1x64x200xf32, #tpu.memory_space<vmem>> -> memref<64x200xf32, #tpu.memory_space<vmem>>
    %dma_wait3A_770 = tpu.memref_reshape %arg4 : memref<16384x200xf32, #tpu.memory_space<hbm>> -> memref<256x64x200xf32, #tpu.memory_space<hbm>>
    %dma_wait3A_771 = arith.constant 0 : i32
    %dma_wait3A_772 = arith.constant 0 : i32
    %dma_wait3A_773 = tpu.memref_slice %dma_wait3A_770[%add3A_764, %dma_wait3A_771, %dma_wait3A_772] : memref<256x64x200xf32, #tpu.memory_space<hbm>> -> memref<1x64x200xf32, #tpu.memory_space<hbm>>
    %dma_wait3A_774 = tpu.memref_squeeze %dma_wait3A_773 : memref<1x64x200xf32, #tpu.memory_space<hbm>> -> memref<64x200xf32, #tpu.memory_space<hbm>>
    %dma_wait3A_775 = tpu.memref_reshape %arg4 : memref<16384x200xf32, #tpu.memory_space<hbm>> -> memref<256x64x200xf32, #tpu.memory_space<hbm>>
    %dma_wait3A_776 = arith.constant 0 : i32
    %dma_wait3A_777 = arith.constant 0 : i32
    %dma_wait3A_778 = tpu.memref_slice %dma_wait3A_775[%add3A_764, %dma_wait3A_776, %dma_wait3A_777] : memref<256x64x200xf32, #tpu.memory_space<hbm>> -> memref<1x64x200xf32, #tpu.memory_space<hbm>>
    %dma_wait3A_779 = tpu.memref_squeeze %dma_wait3A_778 : memref<1x64x200xf32, #tpu.memory_space<hbm>> -> memref<64x200xf32, #tpu.memory_space<hbm>>
    %dma_wait3A_780 = arith.constant 0 : i32
    %dma_wait3A_781 = arith.constant 0 : i32
    %dma_wait3A_782 = tpu.memref_slice %arg7[%dma_wait3A_765, %dma_wait3A_780, %dma_wait3A_781] : memref<2x64x200xf32, #tpu.memory_space<vmem>> -> memref<1x64x200xf32, #tpu.memory_space<vmem>>
    %dma_wait3A_783 = tpu.memref_squeeze %dma_wait3A_782 : memref<1x64x200xf32, #tpu.memory_space<vmem>> -> memref<64x200xf32, #tpu.memory_space<vmem>>
    tpu.wait_dma2 semaphore(%arg10 : memref<!tpu.dma_semaphore, #tpu.memory_space<semaphore_mem>>) src(%dma_wait3A_783 : memref<64x200xf32, #tpu.memory_space<vmem>>) dst(%dma_wait3A_779 : memref<64x200xf32, #tpu.memory_space<hbm>>)
    %add3A_784 = arith.constant 7 : i32
    %add3A_785 = arith.addi %mul3A_2, %add3A_784 : i32
    %dma_wait3A_786 = arith.constant 1 : i32
    %dma_wait3A_787 = arith.constant 0 : i32
    %dma_wait3A_788 = arith.constant 0 : i32
    %dma_wait3A_789 = tpu.memref_slice %arg7[%dma_wait3A_786, %dma_wait3A_787, %dma_wait3A_788] : memref<2x64x200xf32, #tpu.memory_space<vmem>> -> memref<1x64x200xf32, #tpu.memory_space<vmem>>
    %dma_wait3A_790 = tpu.memref_squeeze %dma_wait3A_789 : memref<1x64x200xf32, #tpu.memory_space<vmem>> -> memref<64x200xf32, #tpu.memory_space<vmem>>
    %dma_wait3A_791 = tpu.memref_reshape %arg4 : memref<16384x200xf32, #tpu.memory_space<hbm>> -> memref<256x64x200xf32, #tpu.memory_space<hbm>>
    %dma_wait3A_792 = arith.constant 0 : i32
    %dma_wait3A_793 = arith.constant 0 : i32
    %dma_wait3A_794 = tpu.memref_slice %dma_wait3A_791[%add3A_785, %dma_wait3A_792, %dma_wait3A_793] : memref<256x64x200xf32, #tpu.memory_space<hbm>> -> memref<1x64x200xf32, #tpu.memory_space<hbm>>
    %dma_wait3A_795 = tpu.memref_squeeze %dma_wait3A_794 : memref<1x64x200xf32, #tpu.memory_space<hbm>> -> memref<64x200xf32, #tpu.memory_space<hbm>>
    %dma_wait3A_796 = tpu.memref_reshape %arg4 : memref<16384x200xf32, #tpu.memory_space<hbm>> -> memref<256x64x200xf32, #tpu.memory_space<hbm>>
    %dma_wait3A_797 = arith.constant 0 : i32
    %dma_wait3A_798 = arith.constant 0 : i32
    %dma_wait3A_799 = tpu.memref_slice %dma_wait3A_796[%add3A_785, %dma_wait3A_797, %dma_wait3A_798] : memref<256x64x200xf32, #tpu.memory_space<hbm>> -> memref<1x64x200xf32, #tpu.memory_space<hbm>>
    %dma_wait3A_800 = tpu.memref_squeeze %dma_wait3A_799 : memref<1x64x200xf32, #tpu.memory_space<hbm>> -> memref<64x200xf32, #tpu.memory_space<hbm>>
    %dma_wait3A_801 = arith.constant 0 : i32
    %dma_wait3A_802 = arith.constant 0 : i32
    %dma_wait3A_803 = tpu.memref_slice %arg7[%dma_wait3A_786, %dma_wait3A_801, %dma_wait3A_802] : memref<2x64x200xf32, #tpu.memory_space<vmem>> -> memref<1x64x200xf32, #tpu.memory_space<vmem>>
    %dma_wait3A_804 = tpu.memref_squeeze %dma_wait3A_803 : memref<1x64x200xf32, #tpu.memory_space<vmem>> -> memref<64x200xf32, #tpu.memory_space<vmem>>
    tpu.wait_dma2 semaphore(%arg11 : memref<!tpu.dma_semaphore, #tpu.memory_space<semaphore_mem>>) src(%dma_wait3A_804 : memref<64x200xf32, #tpu.memory_space<vmem>>) dst(%dma_wait3A_800 : memref<64x200xf32, #tpu.memory_space<hbm>>)
    return
  }
}

</mosaic_0001>

<sc_bundles>
// kernel: _run.3.cloned.1.call-start
scs
__scs_entry_jumppad:
0x0: {  	(pc) =	sbr.rel $0x88, $3  }
0x1: {  	(tag) =	ssettag $0x0;
	lr =	simm.s32 $0x1  }
0x2: {  	[smem:$0x3F9F] =	sst lr;
	_ =	strace $0xD0000000  }
0x3: {  	_ = 	snop  }
0x4: {  	_ = 	snop  }
0x5: {  	_ = 	snop  }
0x6: {  	_ = 	snop  }
0x7: {  	_ = 	snop  }
__scs_overlays_trampoline_lowered:
0x8: {  	[smem:$0x3FAE] =	sst s0  }
0x9: {  	[smem:$0x3FAF] =	sst s1  }
0xa: {  	[smem:$0x3FB0] =	sst s2  }
0xb: {  	[smem:$0x3FB1] =	sst s3  }
0xc: {  	[smem:$0x3FB2] =	sst s4  }
0xd: {  	[smem:$0x3FB3] =	sst s5  }
0xe: {  	[smem:$0x3FB4] =	sst s6  }
0xf: {  	[smem:$0x3FB5] =	sst s7  }
0x10: {  	[smem:$0x3FB6] =	sst s8  }
0x11: {  	[smem:$0x3FB7] =	sst s9;
	s0 =	simm.s32 @!p0 $0x0  }
0x12: {  	s1 =	sld [smem:$0x3F9D];
	s0 =	simm.s32 @p0 $0x1  }
0x13: {  	[smem:$0x3FB8] =	sst s0;
	s0 =	simm.s32 @!p1 $0x0  }
0x14: {  	s2 =	sld [smem:$0x3F9C];
	s0 =	simm.s32 @p1 $0x1  }
0x15: {  	[smem:$0x3FB9] =	sst s0;
	s0 =	simm.s32 @!p2 $0x0  }
0x16: {  	s3 =	sld [smem:$0x3FDB];
	s0 =	simm.s32 @p2 $0x1  }
0x17: {  	s4 =	simm.s32 $0x1BF5;
	[smem:$0x3FBB] =	sst s0  }
0x18: {  	s0 =	sld [smem:$0x3F9E];
	_ =	swait.ge [sflag:s4], $0x0  }
0x19: {  	s7 =	sld [smem:$0x3F9F]  }
0x1a: {  	s8 =	sadd.s32 $0xFFFFE003, lr  }
0x1b: {  	s9 =	sadd.s32 $0xFFFFFEF7, lr;
	s5 =	simm.s32 $0xFFFFFFFF;
	p2 =	slt.u32 s8, $0xFFFFF086  }
0x1c: {  	p1 =	slt.u32 s9, $0xF7A;
	s5 =	simm.s32 @!p2 $0x0  }
0x1d: {  	s5 =	simm.s32 @p1 $0x1;
	p0 =	seq.s32 s7, s2  }
0x1e: {  	s7 =	smul.u32 @!p0 $0xF7A, s2;
	p2 =	seq.s32 @!p0 s5, $0x0  }
0x1f: {  	s9 =	smul.u32 $0xF7A, s1;
	s8 =	simm.s32 @!p0 $0x1BF5;
	p2 =	por !p2, p0  }
0x20: {  	[sflag:s8] =	ssyncset.s32 @!p0 $0xFFFFF086;
	s6 =	sadd.s32 @!p0 s3, s7;
	s7 =	simm.s32 @!p0 $0x108  }
0x21: {  	s3 =	sadd.s32 s3, s9;
	s6 =	sadd.s32 @!p0 $0x88, s6;
	s7 =	simm.s32 @p2 $0x1082  }
0x22: {  	[simem:s7], [sflag:s8] =	dma.local @!p0 [hbm:s6], $0xF7A  }
0x23: {  	s9 =	sor.u32 $0xD0000000, s2;
	s6 =	simm.s32 $0x108;
	_ =	swait.ge @!p0 [sflag:s8], $0x0  }
0x24: {  	s3 =	sadd.s32 $0x88, s3;
	s6 =	simm.s32 @!p1 $0x1082;
	[sflag:s4] =	ssyncset.s32 $0xFFFFF086  }
0x25: {  	[simem:s6], [sflag:s4] =	dma.local [hbm:s3], $0xF7A  }
0x26: {  	[smem:$0x3F9F] =	sst s1;
	(tag) =	ssettag s2;
	_ =	strace s9  }
0x27: {  	s1 =	sld [smem:$0x3FAF]  }
0x28: {  	s2 =	sld [smem:$0x3FB0]  }
0x29: {  	s4 =	sld [smem:$0x3FB2]  }
0x2a: {  	p0 =	seq.s32 s5, $0x0;
	s5 =	sld [smem:$0x3FB3]  }
0x2b: {  	s6 =	sld [smem:$0x3FB4]  }
0x2c: {  	s7 =	sld [smem:$0x3FB5]  }
0x2d: {  	s3 =	simm.s32 $0x108;
	s8 =	sld [smem:$0x3FB6]  }
0x2e: {  	s3 =	simm.s32 @!p0 $0x1082;
	s9 =	sld [smem:$0x3FB7]  }
0x2f: {  	lr =	sadd.s32 s0, s3;
	s0 =	sld [smem:$0x3FAE]  }
0x30: {  	s3 =	sld [smem:$0x3FB1]  }
0x31: {  	[smem:$0x3FBA] =	sst s10  }
0x32: {  	s10 =	sld [smem:$0x3FB8];
	_ =	sdelay $0x3  }
0x33: {  	p0 =	seq.s32 s10, $0x1;
	s10 =	sld [smem:$0x3FBA];
	_ =	sdelay $0x3  }
0x34: {  	[smem:$0x3FBA] =	sst s10  }
0x35: {  	s10 =	sld [smem:$0x3FB9];
	_ =	sdelay $0x3  }
0x36: {  	p1 =	seq.s32 s10, $0x1;
	s10 =	sld [smem:$0x3FBA];
	_ =	sdelay $0x3  }
0x37: {  	[smem:$0x3FBA] =	sst s10  }
0x38: {  	s10 =	sld [smem:$0x3FBB]  }
0x39: {  	_ = 	snop;
	(pc) =	sbr.ind lr, $3  }
0x3a: {  	_ = 	snop  }
0x3b: {  	_ = 	snop  }
0x3c: {  	p2 =	seq.s32 s10, $0x1;
	s10 =	sld [smem:$0x3FBA]  }
0x3d: {  	_ =	shalt  }
0x3e: {  	_ =	shalt  }
0x3f: {  	_ =	shalt  }
0x40: {  	_ =	shalt  }
0x41: {  	_ =	shalt  }
0x42: {  	_ =	shalt  }
0x43: {  	_ =	shalt  }
0x44: {  	_ =	shalt  }
0x45: {  	_ =	shalt  }
0x46: {  	_ =	shalt  }
0x47: {  	_ =	shalt  }
0x48: {  	_ =	shalt  }
0x49: {  	_ =	shalt  }
0x4a: {  	_ =	shalt  }
0x4b: {  	_ =	shalt  }
0x4c: {  	_ =	shalt  }
0x4d: {  	_ =	shalt  }
0x4e: {  	_ =	shalt  }
0x4f: {  	_ =	shalt  }
0x50: {  	_ =	shalt  }
0x51: {  	_ =	shalt  }
0x52: {  	_ =	shalt  }
0x53: {  	_ =	shalt  }
0x54: {  	_ =	shalt  }
0x55: {  	_ =	shalt  }
0x56: {  	_ =	shalt  }
0x57: {  	_ =	shalt  }
0x58: {  	_ =	shalt  }
0x59: {  	_ =	shalt  }
0x5a: {  	_ =	shalt  }
0x5b: {  	_ =	shalt  }
0x5c: {  	_ =	shalt  }
0x5d: {  	_ =	shalt  }
0x5e: {  	_ =	shalt  }
0x5f: {  	_ =	shalt  }
0x60: {  	_ =	shalt  }
0x61: {  	_ =	shalt  }
0x62: {  	_ =	shalt  }
0x63: {  	_ =	shalt  }
0x64: {  	_ =	shalt  }
0x65: {  	_ =	shalt  }
0x66: {  	_ =	shalt  }
0x67: {  	_ =	shalt  }
0x68: {  	_ =	shalt  }
0x69: {  	_ =	shalt  }
0x6a: {  	_ =	shalt  }
0x6b: {  	_ =	shalt  }
0x6c: {  	_ =	shalt  }
0x6d: {  	_ =	shalt  }
0x6e: {  	_ =	shalt  }
0x6f: {  	_ =	shalt  }
0x70: {  	_ =	shalt  }
0x71: {  	_ =	shalt  }
0x72: {  	_ =	shalt  }
0x73: {  	_ =	shalt  }
0x74: {  	_ =	shalt  }
0x75: {  	_ =	shalt  }
0x76: {  	_ =	shalt  }
0x77: {  	_ =	shalt  }
0x78: {  	_ =	shalt  }
0x79: {  	_ =	shalt  }
0x7a: {  	_ =	shalt  }
0x7b: {  	_ =	shalt  }
0x7c: {  	_ =	shalt  }
0x7d: {  	_ =	shalt  }
0x7e: {  	_ =	shalt  }
0x7f: {  	_ =	shalt  }
0x80: {  	_ =	shalt  }
0x81: {  	_ =	shalt  }
0x82: {  	_ =	shalt  }
0x83: {  	_ =	shalt  }
0x84: {  	_ =	shalt  }
0x85: {  	_ =	shalt  }
0x86: {  	_ =	shalt  }
0x87: {  	_ =	shalt  }
.Lfunc_end0:
.L_simem_size_0:
called_computation_lowered:
.L_overlay_start_0:
0x88: {  	s2 =	sld [smem:$0x3FD9]  }
0x89: {  	s3 =	sld [smem:$0x3FFE];
	_ =	sdelay $0x1  }
0x8a: {  	s1 =	srdreg.scid  }
0x8b: {  	s0 =	sand.u32 $0x1, s1  }
0x8c: {  	s17 =	sshll.u32 s0, $0xA;
	s2 =	sadd.s32 s3, s2  }
0x8d: {  	s2 =	sadd.s32 s2, s17  }
0x8e: {  	[smem:$0x3FC6] =	sst s2  }
0x8f: {  	_ = 	snop  }
0x90: {  	s2 =	sld [smem:$0x3FC8];
	(tm) =	ssettm $0x1  }
0x91: {  	s18 =	sld [smem:$0x3FFB];
	_ =	sdelay $0x3  }
0x92: {  	_ =	strace s18  }
0x93: {  	s3 =	sld [smem:$0x3FFC];
	_ =	sdelay $0x3  }
0x94: {  	_ =	strace s3  }
0x95: {  	s3 =	sld [smem:$0x3FFD];
	_ =	sdelay $0x3  }
0x96: {  	_ =	strace s3  }
0x97: {  	_ =	strace $0x8FFFFFFF  }
0x98: {  	s19 =	sld [smem:$0x3FDB];
	_ =	sdelay $0x1  }
0x99: {  	s4 =	simm.s32 $_scs_section_size  }
0x9a: {  	s5 =	simm.s32 $_size__tile_overlayer_lowered;
	s6 =	simm.s32 $_tile_overlayer_lowered  }
0x9b: {  	s22 =	simm.s32 $0x1BFF;
	s21 =	sshll.u32 s6, $0x1;
	s3 =	sadd.s32 s4, s19  }
0x9c: {  	s7 =	simm.s32 $0x0;
	s20 =	sshll.u32 s5, $0x1;
	s5 =	sadd.s32 s21, s3  }
0x9d: {  	[timem:s7], [sflag:s22] =	dma.local [hbm:s5], s20  }
0x9e: {  	_ =	swait.ge [sflag:s22], s20  }
0x9f: {  	s4 =	ssub.s32 $0x0, s20;
	[sflag:s22] =	ssyncset.done $0x0  }
0xa0: {  	[sflag:s22] =	ssyncadd.s32 s4;
	_ =	sdelay $0x1  }
0xa1: {  	s23 =	simm.s32 $0x1B8B  }
0xa2: {  	_ =	swait.ge [sflag:s23], $0x1  }
0xa3: {  	[sflag:s23] =	ssyncset.done $0x0  }
0xa4: {  	s25 =	simm.s32 $0x1B8E;
	s24 =	sld [smem:$0x3FFE];
	[sflag:s23] =	ssyncadd.s32 $0xFFFFFFFF  }
0xa5: {  	s26 =	simm.s32 $execute0_lowered;
	[smem:$0x3FD2] =	sst s25  }
0xa6: {  	s5 =	sshll.u32 s26, $0x1;
	_ =	strace $0x80000046;
	[dreg:$0x1] =	wrdreg $0xFFFFFFFF  }
0xa7: {  	s28 =	simm.s32 $_size_execute0_lowered;
	s3 =	sadd.s32 s3, s5;
	[dreg:$0x0] =	wrdreg $0x0  }
0xa8: {  	s5 =	sshll.u32 s28, $0x1;
	[dreg:$0x2] =	wrdreg s3  }
0xa9: {  	[dreg:$0x3] =	wrdreg s5  }
0xaa: {  	[dreg:$0x4] =	wrdreg $0xC0  }
0xab: {  	_ =	task [dreg:s7], $0x5FFFF  }
0xac: {  	[dreg:$0x1] =	wrdreg $0xFFFFFFFF  }
0xad: {  	[dreg:$0x0] =	wrdreg $0x60  }
0xae: {  	[dreg:$0x2] =	wrdreg s24  }
0xaf: {  	[dreg:$0x3] =	wrdreg s2  }
0xb0: {  	[dreg:$0x4] =	wrdreg $0x9  }
0xb1: {  	_ =	task.clear_ibuf [dreg:s7], $0x5FFFF;
	_ =	strace $0x90000046  }
0xb2: {  	s29 =	simm.s32 $0x9;
	_ =	strace $0x80000048  }
0xb3: {  	_ =	swait.ge [sflag:s29], $0x1  }
0xb4: {  	[sflag:s29] =	ssyncadd.s32 $0xFFFFFFFF  }
0xb5: {  	_ =	strace $0x90000048  }
0xb6: {  	_ =	sfence  }
0xb7: {  	s30 =	sld [smem:$0x0];
	_ =	sdelay $0x2  }
0xb8: {  	s31 =	sshll.u32 s1, $0xD;
	s1 =	sshrl.u32 s1, $0x2  }
0xb9: {  	s3 =	sand.u32 $0x4000, s31;
	s1 =	sadd.s32 s1, s30  }
0xba: {  	s0 =	sor.u32 s3, s0;
	s1 =	sshll.u32 s1, $0x11  }
0xbb: {  	s0 =	sor.u32 s1, s0  }
0xbc: {  	s0 =	sadd.s32 $0x8F2B, s0  }
0xbd: {  	[sflag:s0] =	ssyncadd.remote.s32 $0x1  }
0xbe: {  	_ =	sfence.sel $0xFFFF  }
0xbf: {  	[dreg:$0x0] =	wrdreg $0xFFFFFFFF;
	(pc) =	sbr.abs _section_cstart, $3  }
0xc0: {  	[dreg:$0x1] =	wrdreg $0xFFFFFFFF  }
0xc1: {  	_ =	task.clear_ibuf [dreg:s7], $0x2FFFF;
	_ =	strace $0x9FFFFFFF  }
0xc2: {  	(tm) =	ssettm $0x7FFFFFFF  }
0xc3: {  	_ =	shalt  }
tec
execute0_lowered:
.L_overlay_start_1:
0x0: {  	(tag) =	ssettag $0x1  }
0x1: {  	s0 =	rddreg [dreg:$0x0]  }
0x2: {  	s1 =	rddreg [dreg:$0x1]  }
0x3: {  	s3 =	simm.s32 $0x0;
	s4 =	srdreg.scid;
	s2 =	stileid.u32  }
0x4: {  	s22 =	simm.s32 $0x400;
	s23 =	simm.s32 $0x4400;
	s24 =	simm.s32 $0x1  }
0x5: {  	s25 =	simm.s32 $0x8400;
	s26 =	simm.s32 $0x2;
	s28 =	simm.s32 $0xC400  }
0x6: {  	s29 =	simm.s32 $0x3;
	s30 =	simm.s32 $0x4;
	s31 =	simm.s32 $0x0  }
0x7: {  	[smem:$0x7FF] =	sst s3;
	s4 =	sand.u32 $0x1, s4;
	s6 =	sshll.u32 s2, $0xF  }
0x8: {  	s17 =	sadd.s32 $0x400, s0;
	s5 =	ssub.s32 $0x2, s4;
	s4 =	sshll.u32 s4, $0xE  }
0x9: {  	s0 =	sadd.s32 $0x80400, s0;
	s7 =	sshrl.u32 s5, $0x1;
	s16 =	sor.u32 s4, s6  }
0xa: {  	_ =	strace $0x80000047;
	s20 =	ssub.s32 s5, s7;
	s8 =	sor.u32 $0x800, s16  }
0xb: {  	s4 =	sadd.s32 s17, s16;
	s10 =	sor.u32 $0x1000, s16;
	s6 =	sadd.s32 s0, s16  }
0xc: {  	s12 =	sor.u32 $0x1800, s16;
	s14 =	sor.u32 $0x2000, s16;
	s18 =	sor.u32 $0x2800, s16  }
0xd: {  	s19 =	sor.u32 $0x3000, s16;
	s21 =	sor.u32 $0x3800, s16;
	s5 =	sadd.s32 s17, s8  }
0xe: {  	v0 =	vlaneseq.u32;
	s7 =	sadd.s32 s17, s10;
	s8 =	sadd.s32 s0, s8;
	s9 =	sadd.s32 s17, s12  }
0xf: {  	v1 =	vor.u32 $0x10, v0;
	v2 =	vor.u32 $0x20, v0;
	v3 =	vor.u32 $0x30, v0;
	s10 =	sadd.s32 s0, s10;
	s11 =	sadd.s32 s17, s14;
	s12 =	sadd.s32 s0, s12  }
0x10: {  	v4 =	vor.u32 $0x40, v0;
	v5 =	vor.u32 $0x50, v0;
	v6 =	vor.u32 $0x60, v0;
	s13 =	sadd.s32 s17, s18;
	s14 =	sadd.s32 s0, s14;
	s15 =	sadd.s32 s17, s19  }
0x11: {  	v7 =	vor.u32 $0x70, v0;
	v8 =	vor.u32 $0x400, v0;
	v9 =	vor.u32 $0x410, v0;
	s16 =	sadd.s32 s0, s18;
	s17 =	sadd.s32 s17, s21;
	s18 =	sadd.s32 s0, s19  }
0x12: {  	v10 =	vor.u32 $0x420, v0;
	v11 =	vor.u32 $0x430, v0;
	v12 =	vor.u32 $0x440, v0;
	s19 =	sadd.s32 s0, s21;
	s20 =	smax.u32 s20, $0x1;
	s21 =	simm.s32 $0x5  }
.LBB2_1:
0x13: {  	[tilespmem:s3], [sflag:$0x5] =	stream.linear.gather [hbm4b:s1+s3], $0x400, $0x38;
	[tilespmem:$0x10400] =	vst v63  }
0x14: {  	v13 =	vmov s3;
	_ =	swait.ge [sflag:s21], $0x400  }
0x15: {  	v14 =	vshll.u32 v13, $0x8;
	v13 =	vshll.u32 v13, $0x7;
	[sflag:s21] =	ssyncset.done $0x0  }
0x16: {  	v14 =	vand.u32 $0x3800, v14;
	v13 =	vand.u32 $0x380, v13;
	[sflag:s21] =	ssyncadd.s32 $0xFFFFFC00  }
0x17: {  	v25 =	vor.u32 v13, v14;
	[tilespmem:s22], [sflag:$0x1] =	stream.linear.gather [hbm4b:s4+s3], $0x4000, $0x38;
	[tilespmem:$0x10400] =	vst v63  }
0x18: {  	v15 =	vor.u32 v0, v25  }
0x19: {  	v16 =	vor.u32 v1, v25;
	[tilespmem:s23], [sflag:$0x2] =	stream.linear.gather [hbm4b:s5+s3], $0x4000, $0x38;
	[tilespmem:$0x10400] =	vst v63  }
0x1a: {  	v17 =	vor.u32 v2, v25;
	_ =	swait.ge [sflag:s24], $0x4000  }
0x1b: {  	v18 =	vor.u32 v3, v25;
	[sflag:s24] =	ssyncset.done $0x0  }
0x1c: {  	v19 =	vor.u32 v4, v25;
	[sflag:s24] =	ssyncadd.s32 $0xFFFFC000  }
0x1d: {  	v14 =	vor.u32 v7, v25;
	v23 =	vld.idx.msk [tilespmem:v15+s22+$0x0], $0xffff  }
0x1e: {  	v13 =	vor.u32 v9, v25;
	v26 =	vld.idx.msk [tilespmem:v16+s22+$0x0], $0xffff  }
0x1f: {  	v20 =	vor.u32 v5, v25;
	v27 =	vld.idx.msk [tilespmem:v17+s22+$0x0], $0xffff  }
0x20: {  	v22 =	vor.u32 v11, v25;
	v28 =	vld.idx.msk [tilespmem:v18+s22+$0x0], $0xffff  }
0x21: {  	v24 =	vor.u32 v6, v25;
	v33 =	vld.idx.msk [tilespmem:v19+s22+$0x0], $0xffff  }
0x22: {  	v34 =	vld.idx.msk [tilespmem:v14+s22+$0x0], $0xffff  }
0x23: {  	v35 =	vld.idx.msk [tilespmem:v13+s22+$0x0], $0xffff  }
0x24: {  	v36 =	vld.idx.msk [tilespmem:v20+s22+$0x0], $0xffff  }
0x25: {  	v38 =	vld.idx.msk [tilespmem:v22+s22+$0x0], $0xffff  }
0x26: {  	v21 =	vor.u32 v10, v25;
	v39 =	vld.idx.msk [tilespmem:v24+s22+$0x0], $0xffff  }
0x27: {  	v29 =	vld.idx.msk [tilespmem:v23+s3+$0x0], $0xffff  }
0x28: {  	v30 =	vld.idx.msk [tilespmem:v26+s3+$0x0], $0xffff;
	v23 =	vor.u32 v12, v25  }
0x29: {  	v31 =	vld.idx.msk [tilespmem:v27+s3+$0x0], $0xffff;
	v25 =	vor.u32 v8, v25  }
0x2a: {  	v32 =	vld.idx.msk [tilespmem:v28+s3+$0x0], $0xffff  }
0x2b: {  	v27 =	vld.idx.msk [tilespmem:v21+s22+$0x0], $0xffff  }
0x2c: {  	v26 =	vld.idx.msk [tilespmem:v35+s3+$0x0], $0xffff  }
0x2d: {  	v40 =	vld.idx.msk [tilespmem:v23+s22+$0x0], $0xff  }
0x2e: {  	v41 =	vld.idx.msk [tilespmem:v25+s22+$0x0], $0xffff  }
0x2f: {  	v35 =	vld.idx.msk [tilespmem:v33+s3+$0x0], $0xffff  }
0x30: {  	v34 =	vld.idx.msk [tilespmem:v34+s3+$0x0], $0xffff  }
0x31: {  	v37 =	vld.idx.msk [tilespmem:v36+s3+$0x0], $0xffff  }
0x32: {  	v36 =	vld.idx.msk [tilespmem:v39+s3+$0x0], $0xffff  }
0x33: {  	v33 =	vld.idx.msk [tilespmem:v38+s3+$0x0], $0xffff  }
0x34: {  	v28 =	vld.idx.msk [tilespmem:v27+s3+$0x0], $0xffff  }
0x35: {  	v27 =	vld.idx.msk [tilespmem:v40+s3+$0x0], $0xff  }
0x36: {  	s0 =	simm.s32 $0x1;
	v38 =	vld.idx.msk [tilespmem:v41+s3+$0x0], $0xffff  }
.LBB2_2:
0x37: {  	p0 =	sne.s32 s0, $0x3F;
	[tilespmem:v15+s25+$0x0] =	vst.idx.msk $0xffff, v29;
	s2 =	smov.u32 s0;
	s0 =	sadd.s32 $0x1, s0  }
0x38: {  	[tilespmem:v16+s25+$0x0] =	vst.idx.msk $0xffff, v30  }
0x39: {  	[tilespmem:v17+s25+$0x0] =	vst.idx.msk $0xffff, v31  }
0x3a: {  	[tilespmem:v18+s25+$0x0] =	vst.idx.msk $0xffff, v32  }
0x3b: {  	v15 =	vmov s2;
	[tilespmem:v19+s25+$0x0] =	vst.idx.msk $0xffff, v35  }
0x3c: {  	v16 =	vshll.u32 v15, $0x8;
	v15 =	vshll.u32 v15, $0x7;
	[tilespmem:v20+s25+$0x0] =	vst.idx.msk $0xffff, v37  }
0x3d: {  	v16 =	vand.u32 $0x3800, v16;
	v15 =	vand.u32 $0x380, v15;
	[tilespmem:v24+s25+$0x0] =	vst.idx.msk $0xffff, v36  }
0x3e: {  	v30 =	vor.u32 v15, v16;
	[tilespmem:v14+s25+$0x0] =	vst.idx.msk $0xffff, v34  }
0x3f: {  	v15 =	vor.u32 v0, v30;
	[tilespmem:v25+s25+$0x0] =	vst.idx.msk $0xffff, v38  }
0x40: {  	v16 =	vor.u32 v1, v30;
	[tilespmem:v13+s25+$0x0] =	vst.idx.msk $0xffff, v26  }
0x41: {  	v17 =	vor.u32 v2, v30;
	[tilespmem:v21+s25+$0x0] =	vst.idx.msk $0xffff, v28  }
0x42: {  	v18 =	vor.u32 v3, v30;
	[tilespmem:v22+s25+$0x0] =	vst.idx.msk $0xffff, v33  }
0x43: {  	v19 =	vor.u32 v4, v30;
	[tilespmem:v23+s25+$0x0] =	vst.idx.msk $0xff, v27  }
0x44: {  	v20 =	vor.u32 v5, v30;
	v24 =	vor.u32 v6, v30;
	v14 =	vor.u32 v7, v30;
	v23 =	vld.idx.msk [tilespmem:v15+s22+$0x0], $0xffff  }
0x45: {  	v25 =	vor.u32 v8, v30;
	v13 =	vor.u32 v9, v30;
	v26 =	vld.idx.msk [tilespmem:v16+s22+$0x0], $0xffff  }
0x46: {  	v27 =	vld.idx.msk [tilespmem:v17+s22+$0x0], $0xffff  }
0x47: {  	v28 =	vld.idx.msk [tilespmem:v18+s22+$0x0], $0xffff  }
0x48: {  	v33 =	vld.idx.msk [tilespmem:v19+s22+$0x0], $0xffff  }
0x49: {  	v34 =	vld.idx.msk [tilespmem:v14+s22+$0x0], $0xffff  }
0x4a: {  	v21 =	vor.u32 v10, v30;
	v35 =	vld.idx.msk [tilespmem:v13+s22+$0x0], $0xffff  }
0x4b: {  	v22 =	vor.u32 v11, v30;
	v36 =	vld.idx.msk [tilespmem:v20+s22+$0x0], $0xffff  }
0x4c: {  	v29 =	vld.idx.msk [tilespmem:v23+s3+$0x0], $0xffff  }
0x4d: {  	v23 =	vor.u32 v12, v30;
	v30 =	vld.idx.msk [tilespmem:v26+s3+$0x0], $0xffff  }
0x4e: {  	v31 =	vld.idx.msk [tilespmem:v27+s3+$0x0], $0xffff  }
0x4f: {  	v32 =	vld.idx.msk [tilespmem:v28+s3+$0x0], $0xffff  }
0x50: {  	v27 =	vld.idx.msk [tilespmem:v21+s22+$0x0], $0xffff  }
0x51: {  	v38 =	vld.idx.msk [tilespmem:v22+s22+$0x0], $0xffff  }
0x52: {  	v39 =	vld.idx.msk [tilespmem:v24+s22+$0x0], $0xffff  }
0x53: {  	v40 =	vld.idx.msk [tilespmem:v23+s22+$0x0], $0xff  }
0x54: {  	v26 =	vld.idx.msk [tilespmem:v35+s3+$0x0], $0xffff  }
0x55: {  	v41 =	vld.idx.msk [tilespmem:v25+s22+$0x0], $0xffff  }
0x56: {  	v35 =	vld.idx.msk [tilespmem:v33+s3+$0x0], $0xffff  }
0x57: {  	v34 =	vld.idx.msk [tilespmem:v34+s3+$0x0], $0xffff  }
0x58: {  	v28 =	vld.idx.msk [tilespmem:v27+s3+$0x0], $0xffff  }
.Ltmp0:
0x59: {  	v37 =	vld.idx.msk [tilespmem:v36+s3+$0x0], $0xffff;
	(pc) =	sbr.rel @p0 .LBB2_2-.Ltmp0, $4  }
0x5a: {  	v36 =	vld.idx.msk [tilespmem:v39+s3+$0x0], $0xffff  }
0x5b: {  	v27 =	vld.idx.msk [tilespmem:v40+s3+$0x0], $0xff  }
0x5c: {  	v33 =	vld.idx.msk [tilespmem:v38+s3+$0x0], $0xffff  }
0x5d: {  	v38 =	vld.idx.msk [tilespmem:v41+s3+$0x0], $0xffff  }
0x5e: {  	_ =	sdelay $0x3  }
0x5f: {  	[tilespmem:v15+s25+$0x0] =	vst.idx.msk $0xffff, v29  }
0x60: {  	[tilespmem:v16+s25+$0x0] =	vst.idx.msk $0xffff, v30  }
0x61: {  	[tilespmem:v17+s25+$0x0] =	vst.idx.msk $0xffff, v31  }
0x62: {  	[tilespmem:v18+s25+$0x0] =	vst.idx.msk $0xffff, v32  }
0x63: {  	[tilespmem:v19+s25+$0x0] =	vst.idx.msk $0xffff, v35  }
0x64: {  	[tilespmem:v20+s25+$0x0] =	vst.idx.msk $0xffff, v37  }
0x65: {  	[tilespmem:v24+s25+$0x0] =	vst.idx.msk $0xffff, v36  }
0x66: {  	[tilespmem:v14+s25+$0x0] =	vst.idx.msk $0xffff, v34  }
0x67: {  	[tilespmem:v25+s25+$0x0] =	vst.idx.msk $0xffff, v38  }
0x68: {  	s0 =	simm.s32 $0x0;
	[tilespmem:v13+s25+$0x0] =	vst.idx.msk $0xffff, v26  }
0x69: {  	v13 =	vmov s0;
	[tilespmem:v21+s25+$0x0] =	vst.idx.msk $0xffff, v28  }
0x6a: {  	v14 =	vshll.u32 v13, $0x8;
	v13 =	vshll.u32 v13, $0x7;
	[tilespmem:v22+s25+$0x0] =	vst.idx.msk $0xffff, v33  }
0x6b: {  	v14 =	vand.u32 $0x3800, v14;
	v13 =	vand.u32 $0x380, v13;
	[tilespmem:v23+s25+$0x0] =	vst.idx.msk $0xff, v27  }
0x6c: {  	v24 =	vor.u32 v13, v14;
	[hbm4b:s6+s0] =	stream.linear.scatter [tilespmem:s25], [sflag:$0x3], $0x4000, $0x38;
	[tilespmem:$0x10400] =	vst v63  }
0x6d: {  	v15 =	vor.u32 v0, v24  }
0x6e: {  	v16 =	vor.u32 v1, v24;
	[tilespmem:s22], [sflag:$0x1] =	stream.linear.gather [hbm4b:s7+s0], $0x4000, $0x38;
	[tilespmem:$0x10400] =	vst v63  }
0x6f: {  	v17 =	vor.u32 v2, v24;
	_ =	swait.ge [sflag:s26], $0x4000  }
0x70: {  	v18 =	vor.u32 v3, v24;
	[sflag:s26] =	ssyncset.done $0x0  }
0x71: {  	v19 =	vor.u32 v4, v24;
	[sflag:s26] =	ssyncadd.s32 $0xFFFFC000  }
0x72: {  	v14 =	vor.u32 v7, v24;
	v23 =	vld.idx.msk [tilespmem:v15+s23+$0x0], $0xffff  }
0x73: {  	v13 =	vor.u32 v9, v24;
	v25 =	vld.idx.msk [tilespmem:v16+s23+$0x0], $0xffff  }
0x74: {  	v20 =	vor.u32 v5, v24;
	v26 =	vld.idx.msk [tilespmem:v17+s23+$0x0], $0xffff  }
0x75: {  	v22 =	vor.u32 v11, v24;
	v27 =	vld.idx.msk [tilespmem:v18+s23+$0x0], $0xffff  }
0x76: {  	v30 =	vld.idx.msk [tilespmem:v19+s23+$0x0], $0xffff  }
0x77: {  	v60 =	vld.idx.msk [tilespmem:v14+s23+$0x0], $0xffff  }
0x78: {  	v61 =	vld.idx.msk [tilespmem:v13+s23+$0x0], $0xffff  }
0x79: {  	v62 =	vld.idx.msk [tilespmem:v20+s23+$0x0], $0xffff  }
0x7a: {  	v21 =	vor.u32 v10, v24;
	v63 =	vld.idx.msk [tilespmem:v22+s23+$0x0], $0xffff  }
0x7b: {  	v28 =	vld.idx.msk [tilespmem:v23+s3+$0x0], $0xffff  }
0x7c: {  	v23 =	vor.u32 v6, v24;
	v29 =	vld.idx.msk [tilespmem:v25+s3+$0x0], $0xffff  }
0x7d: {  	v25 =	vor.u32 v12, v24;
	v31 =	vld.idx.msk [tilespmem:v26+s3+$0x0], $0xffff  }
0x7e: {  	v32 =	vld.idx.msk [tilespmem:v27+s3+$0x0], $0xffff;
	v24 =	vor.u32 v8, v24  }
0x7f: {  	v27 =	vld.idx.msk [tilespmem:v21+s23+$0x0], $0xffff  }
0x80: {  	v26 =	vld.idx.msk [tilespmem:v61+s3+$0x0], $0xffff  }
0x81: {  	v39 =	vld.idx.msk [tilespmem:v23+s23+$0x0], $0xffff  }
0x82: {  	v40 =	vld.idx.msk [tilespmem:v25+s23+$0x0], $0xff  }
0x83: {  	v41 =	vld.idx.msk [tilespmem:v24+s23+$0x0], $0xffff  }
0x84: {  	v35 =	vld.idx.msk [tilespmem:v30+s3+$0x0], $0xffff  }
0x85: {  	v34 =	vld.idx.msk [tilespmem:v60+s3+$0x0], $0xffff  }
0x86: {  	v37 =	vld.idx.msk [tilespmem:v62+s3+$0x0], $0xffff  }
0x87: {  	v33 =	vld.idx.msk [tilespmem:v63+s3+$0x0], $0xffff  }
0x88: {  	v27 =	vld.idx.msk [tilespmem:v27+s3+$0x0], $0xffff  }
0x89: {  	v36 =	vld.idx.msk [tilespmem:v39+s3+$0x0], $0xffff  }
0x8a: {  	v30 =	vld.idx.msk [tilespmem:v40+s3+$0x0], $0xff  }
0x8b: {  	s0 =	simm.s32 $0x1;
	v38 =	vld.idx.msk [tilespmem:v41+s3+$0x0], $0xffff  }
.LBB2_4:
0x8c: {  	p0 =	sne.s32 s0, $0x3F;
	[tilespmem:v15+s28+$0x0] =	vst.idx.msk $0xffff, v28;
	s2 =	smov.u32 s0;
	s0 =	sadd.s32 $0x1, s0  }
0x8d: {  	[tilespmem:v16+s28+$0x0] =	vst.idx.msk $0xffff, v29  }
0x8e: {  	[tilespmem:v17+s28+$0x0] =	vst.idx.msk $0xffff, v31  }
0x8f: {  	[tilespmem:v18+s28+$0x0] =	vst.idx.msk $0xffff, v32  }
0x90: {  	v15 =	vmov s2;
	[tilespmem:v19+s28+$0x0] =	vst.idx.msk $0xffff, v35  }
0x91: {  	v16 =	vshll.u32 v15, $0x8;
	v15 =	vshll.u32 v15, $0x7;
	[tilespmem:v20+s28+$0x0] =	vst.idx.msk $0xffff, v37  }
0x92: {  	v16 =	vand.u32 $0x3800, v16;
	v15 =	vand.u32 $0x380, v15;
	[tilespmem:v23+s28+$0x0] =	vst.idx.msk $0xffff, v36  }
0x93: {  	v29 =	vor.u32 v15, v16;
	[tilespmem:v14+s28+$0x0] =	vst.idx.msk $0xffff, v34  }
0x94: {  	v15 =	vor.u32 v0, v29;
	[tilespmem:v24+s28+$0x0] =	vst.idx.msk $0xffff, v38  }
0x95: {  	v16 =	vor.u32 v1, v29;
	[tilespmem:v13+s28+$0x0] =	vst.idx.msk $0xffff, v26  }
0x96: {  	v17 =	vor.u32 v2, v29;
	[tilespmem:v21+s28+$0x0] =	vst.idx.msk $0xffff, v27  }
0x97: {  	v18 =	vor.u32 v3, v29;
	[tilespmem:v22+s28+$0x0] =	vst.idx.msk $0xffff, v33  }
0x98: {  	v19 =	vor.u32 v4, v29;
	[tilespmem:v25+s28+$0x0] =	vst.idx.msk $0xff, v30  }
0x99: {  	v20 =	vor.u32 v5, v29;
	v23 =	vor.u32 v6, v29;
	v14 =	vor.u32 v7, v29;
	v25 =	vld.idx.msk [tilespmem:v15+s23+$0x0], $0xffff  }
0x9a: {  	v24 =	vor.u32 v8, v29;
	v13 =	vor.u32 v9, v29;
	v26 =	vld.idx.msk [tilespmem:v16+s23+$0x0], $0xffff  }
0x9b: {  	v27 =	vld.idx.msk [tilespmem:v17+s23+$0x0], $0xffff  }
0x9c: {  	v30 =	vld.idx.msk [tilespmem:v18+s23+$0x0], $0xffff  }
0x9d: {  	v33 =	vld.idx.msk [tilespmem:v19+s23+$0x0], $0xffff  }
0x9e: {  	v34 =	vld.idx.msk [tilespmem:v14+s23+$0x0], $0xffff  }
0x9f: {  	v21 =	vor.u32 v10, v29;
	v35 =	vld.idx.msk [tilespmem:v13+s23+$0x0], $0xffff  }
0xa0: {  	v22 =	vor.u32 v11, v29;
	v36 =	vld.idx.msk [tilespmem:v20+s23+$0x0], $0xffff  }
0xa1: {  	v28 =	vld.idx.msk [tilespmem:v25+s3+$0x0], $0xffff  }
0xa2: {  	v25 =	vor.u32 v12, v29;
	v29 =	vld.idx.msk [tilespmem:v26+s3+$0x0], $0xffff  }
0xa3: {  	v31 =	vld.idx.msk [tilespmem:v27+s3+$0x0], $0xffff  }
0xa4: {  	v32 =	vld.idx.msk [tilespmem:v30+s3+$0x0], $0xffff  }
0xa5: {  	v27 =	vld.idx.msk [tilespmem:v21+s23+$0x0], $0xffff  }
0xa6: {  	v38 =	vld.idx.msk [tilespmem:v22+s23+$0x0], $0xffff  }
0xa7: {  	v30 =	vld.idx.msk [tilespmem:v23+s23+$0x0], $0xffff  }
0xa8: {  	v39 =	vld.idx.msk [tilespmem:v25+s23+$0x0], $0xff  }
0xa9: {  	v26 =	vld.idx.msk [tilespmem:v35+s3+$0x0], $0xffff  }
0xaa: {  	v40 =	vld.idx.msk [tilespmem:v24+s23+$0x0], $0xffff  }
0xab: {  	v35 =	vld.idx.msk [tilespmem:v33+s3+$0x0], $0xffff  }
0xac: {  	v34 =	vld.idx.msk [tilespmem:v34+s3+$0x0], $0xffff  }
0xad: {  	v27 =	vld.idx.msk [tilespmem:v27+s3+$0x0], $0xffff  }
.Ltmp1:
0xae: {  	v37 =	vld.idx.msk [tilespmem:v36+s3+$0x0], $0xffff;
	(pc) =	sbr.rel @p0 .LBB2_4-.Ltmp1, $4  }
0xaf: {  	v36 =	vld.idx.msk [tilespmem:v30+s3+$0x0], $0xffff  }
0xb0: {  	v30 =	vld.idx.msk [tilespmem:v39+s3+$0x0], $0xff  }
0xb1: {  	v33 =	vld.idx.msk [tilespmem:v38+s3+$0x0], $0xffff  }
0xb2: {  	v38 =	vld.idx.msk [tilespmem:v40+s3+$0x0], $0xffff  }
0xb3: {  	_ =	sdelay $0x3  }
0xb4: {  	[tilespmem:v15+s28+$0x0] =	vst.idx.msk $0xffff, v28  }
0xb5: {  	[tilespmem:v16+s28+$0x0] =	vst.idx.msk $0xffff, v29  }
0xb6: {  	[tilespmem:v17+s28+$0x0] =	vst.idx.msk $0xffff, v31  }
0xb7: {  	[tilespmem:v18+s28+$0x0] =	vst.idx.msk $0xffff, v32  }
0xb8: {  	[tilespmem:v19+s28+$0x0] =	vst.idx.msk $0xffff, v35  }
0xb9: {  	[tilespmem:v20+s28+$0x0] =	vst.idx.msk $0xffff, v37  }
0xba: {  	[tilespmem:v23+s28+$0x0] =	vst.idx.msk $0xffff, v36  }
0xbb: {  	[tilespmem:v14+s28+$0x0] =	vst.idx.msk $0xffff, v34  }
0xbc: {  	[tilespmem:v24+s28+$0x0] =	vst.idx.msk $0xffff, v38  }
0xbd: {  	[tilespmem:v13+s28+$0x0] =	vst.idx.msk $0xffff, v26  }
0xbe: {  	[tilespmem:v21+s28+$0x0] =	vst.idx.msk $0xffff, v27  }
0xbf: {  	[tilespmem:v22+s28+$0x0] =	vst.idx.msk $0xffff, v33  }
0xc0: {  	s0 =	simm.s32 $0x0;
	[tilespmem:v25+s28+$0x0] =	vst.idx.msk $0xff, v30  }
0xc1: {  	v13 =	vmov s0;
	[hbm4b:s8+s0] =	stream.linear.scatter [tilespmem:s28], [sflag:$0x4], $0x4000, $0x38;
	[tilespmem:$0x10400] =	vst v63  }
0xc2: {  	v14 =	vshll.u32 v13, $0x8;
	v13 =	vshll.u32 v13, $0x7  }
0xc3: {  	v14 =	vand.u32 $0x3800, v14;
	v13 =	vand.u32 $0x380, v13;
	[tilespmem:s23], [sflag:$0x2] =	stream.linear.gather [hbm4b:s9+s0], $0x4000, $0x38;
	[tilespmem:$0x10400] =	vst v63  }
0xc4: {  	v24 =	vor.u32 v13, v14;
	_ =	swait.ge [sflag:s24], $0x4000  }
0xc5: {  	v15 =	vor.u32 v0, v24;
	[sflag:s24] =	ssyncset.done $0x0  }
0xc6: {  	v16 =	vor.u32 v1, v24;
	[sflag:s24] =	ssyncadd.s32 $0xFFFFC000  }
0xc7: {  	v17 =	vor.u32 v2, v24;
	_ =	swait.ge [sflag:s29], $0x4000  }
0xc8: {  	v18 =	vor.u32 v3, v24;
	[sflag:s29] =	ssyncset.done $0x0  }
0xc9: {  	v19 =	vor.u32 v4, v24;
	[sflag:s29] =	ssyncadd.s32 $0xFFFFC000  }
0xca: {  	v14 =	vor.u32 v7, v24;
	v23 =	vld.idx.msk [tilespmem:v15+s22+$0x0], $0xffff  }
0xcb: {  	v13 =	vor.u32 v9, v24;
	v25 =	vld.idx.msk [tilespmem:v16+s22+$0x0], $0xffff  }
0xcc: {  	v20 =	vor.u32 v5, v24;
	v26 =	vld.idx.msk [tilespmem:v17+s22+$0x0], $0xffff  }
0xcd: {  	v22 =	vor.u32 v11, v24;
	v27 =	vld.idx.msk [tilespmem:v18+s22+$0x0], $0xffff  }
0xce: {  	v30 =	vld.idx.msk [tilespmem:v19+s22+$0x0], $0xffff  }
0xcf: {  	v60 =	vld.idx.msk [tilespmem:v14+s22+$0x0], $0xffff  }
0xd0: {  	v61 =	vld.idx.msk [tilespmem:v13+s22+$0x0], $0xffff  }
0xd1: {  	v62 =	vld.idx.msk [tilespmem:v20+s22+$0x0], $0xffff  }
0xd2: {  	v21 =	vor.u32 v10, v24;
	v63 =	vld.idx.msk [tilespmem:v22+s22+$0x0], $0xffff  }
0xd3: {  	v28 =	vld.idx.msk [tilespmem:v23+s3+$0x0], $0xffff  }
0xd4: {  	v23 =	vor.u32 v6, v24;
	v29 =	vld.idx.msk [tilespmem:v25+s3+$0x0], $0xffff  }
0xd5: {  	v25 =	vor.u32 v12, v24;
	v31 =	vld.idx.msk [tilespmem:v26+s3+$0x0], $0xffff  }
0xd6: {  	v32 =	vld.idx.msk [tilespmem:v27+s3+$0x0], $0xffff;
	v24 =	vor.u32 v8, v24  }
0xd7: {  	v27 =	vld.idx.msk [tilespmem:v21+s22+$0x0], $0xffff  }
0xd8: {  	v26 =	vld.idx.msk [tilespmem:v61+s3+$0x0], $0xffff  }
0xd9: {  	v39 =	vld.idx.msk [tilespmem:v23+s22+$0x0], $0xffff  }
0xda: {  	v40 =	vld.idx.msk [tilespmem:v25+s22+$0x0], $0xff  }
0xdb: {  	v41 =	vld.idx.msk [tilespmem:v24+s22+$0x0], $0xffff  }
0xdc: {  	v35 =	vld.idx.msk [tilespmem:v30+s3+$0x0], $0xffff  }
0xdd: {  	v34 =	vld.idx.msk [tilespmem:v60+s3+$0x0], $0xffff  }
0xde: {  	v37 =	vld.idx.msk [tilespmem:v62+s3+$0x0], $0xffff  }
0xdf: {  	v33 =	vld.idx.msk [tilespmem:v63+s3+$0x0], $0xffff  }
0xe0: {  	v27 =	vld.idx.msk [tilespmem:v27+s3+$0x0], $0xffff  }
0xe1: {  	v36 =	vld.idx.msk [tilespmem:v39+s3+$0x0], $0xffff  }
0xe2: {  	v30 =	vld.idx.msk [tilespmem:v40+s3+$0x0], $0xff  }
0xe3: {  	s0 =	simm.s32 $0x1;
	v38 =	vld.idx.msk [tilespmem:v41+s3+$0x0], $0xffff  }
.LBB2_6:
0xe4: {  	p0 =	sne.s32 s0, $0x3F;
	[tilespmem:v15+s25+$0x0] =	vst.idx.msk $0xffff, v28;
	s2 =	smov.u32 s0;
	s0 =	sadd.s32 $0x1, s0  }
0xe5: {  	[tilespmem:v16+s25+$0x0] =	vst.idx.msk $0xffff, v29  }
0xe6: {  	[tilespmem:v17+s25+$0x0] =	vst.idx.msk $0xffff, v31  }
0xe7: {  	[tilespmem:v18+s25+$0x0] =	vst.idx.msk $0xffff, v32  }
0xe8: {  	v15 =	vmov s2;
	[tilespmem:v19+s25+$0x0] =	vst.idx.msk $0xffff, v35  }
0xe9: {  	v16 =	vshll.u32 v15, $0x8;
	v15 =	vshll.u32 v15, $0x7;
	[tilespmem:v20+s25+$0x0] =	vst.idx.msk $0xffff, v37  }
0xea: {  	v16 =	vand.u32 $0x3800, v16;
	v15 =	vand.u32 $0x380, v15;
	[tilespmem:v23+s25+$0x0] =	vst.idx.msk $0xffff, v36  }
0xeb: {  	v29 =	vor.u32 v15, v16;
	[tilespmem:v14+s25+$0x0] =	vst.idx.msk $0xffff, v34  }
0xec: {  	v15 =	vor.u32 v0, v29;
	[tilespmem:v24+s25+$0x0] =	vst.idx.msk $0xffff, v38  }
0xed: {  	v16 =	vor.u32 v1, v29;
	[tilespmem:v13+s25+$0x0] =	vst.idx.msk $0xffff, v26  }
0xee: {  	v17 =	vor.u32 v2, v29;
	[tilespmem:v21+s25+$0x0] =	vst.idx.msk $0xffff, v27  }
0xef: {  	v18 =	vor.u32 v3, v29;
	[tilespmem:v22+s25+$0x0] =	vst.idx.msk $0xffff, v33  }
0xf0: {  	v19 =	vor.u32 v4, v29;
	[tilespmem:v25+s25+$0x0] =	vst.idx.msk $0xff, v30  }
0xf1: {  	v20 =	vor.u32 v5, v29;
	v23 =	vor.u32 v6, v29;
	v14 =	vor.u32 v7, v29;
	v25 =	vld.idx.msk [tilespmem:v15+s22+$0x0], $0xffff  }
0xf2: {  	v24 =	vor.u32 v8, v29;
	v13 =	vor.u32 v9, v29;
	v26 =	vld.idx.msk [tilespmem:v16+s22+$0x0], $0xffff  }
0xf3: {  	v27 =	vld.idx.msk [tilespmem:v17+s22+$0x0], $0xffff  }
0xf4: {  	v30 =	vld.idx.msk [tilespmem:v18+s22+$0x0], $0xffff  }
0xf5: {  	v33 =	vld.idx.msk [tilespmem:v19+s22+$0x0], $0xffff  }
0xf6: {  	v34 =	vld.idx.msk [tilespmem:v14+s22+$0x0], $0xffff  }
0xf7: {  	v21 =	vor.u32 v10, v29;
	v35 =	vld.idx.msk [tilespmem:v13+s22+$0x0], $0xffff  }
0xf8: {  	v22 =	vor.u32 v11, v29;
	v36 =	vld.idx.msk [tilespmem:v20+s22+$0x0], $0xffff  }
0xf9: {  	v28 =	vld.idx.msk [tilespmem:v25+s3+$0x0], $0xffff  }
0xfa: {  	v25 =	vor.u32 v12, v29;
	v29 =	vld.idx.msk [tilespmem:v26+s3+$0x0], $0xffff  }
0xfb: {  	v31 =	vld.idx.msk [tilespmem:v27+s3+$0x0], $0xffff  }
0xfc: {  	v32 =	vld.idx.msk [tilespmem:v30+s3+$0x0], $0xffff  }
0xfd: {  	v27 =	vld.idx.msk [tilespmem:v21+s22+$0x0], $0xffff  }
0xfe: {  	v38 =	vld.idx.msk [tilespmem:v22+s22+$0x0], $0xffff  }
0xff: {  	v30 =	vld.idx.msk [tilespmem:v23+s22+$0x0], $0xffff  }
0x100: {  	v39 =	vld.idx.msk [tilespmem:v25+s22+$0x0], $0xff  }
0x101: {  	v26 =	vld.idx.msk [tilespmem:v35+s3+$0x0], $0xffff  }
0x102: {  	v40 =	vld.idx.msk [tilespmem:v24+s22+$0x0], $0xffff  }
0x103: {  	v35 =	vld.idx.msk [tilespmem:v33+s3+$0x0], $0xffff  }
0x104: {  	v34 =	vld.idx.msk [tilespmem:v34+s3+$0x0], $0xffff  }
0x105: {  	v27 =	vld.idx.msk [tilespmem:v27+s3+$0x0], $0xffff  }
.Ltmp2:
0x106: {  	v37 =	vld.idx.msk [tilespmem:v36+s3+$0x0], $0xffff;
	(pc) =	sbr.rel @p0 .LBB2_6-.Ltmp2, $4  }
0x107: {  	v36 =	vld.idx.msk [tilespmem:v30+s3+$0x0], $0xffff  }
0x108: {  	v30 =	vld.idx.msk [tilespmem:v39+s3+$0x0], $0xff  }
0x109: {  	v33 =	vld.idx.msk [tilespmem:v38+s3+$0x0], $0xffff  }
0x10a: {  	v38 =	vld.idx.msk [tilespmem:v40+s3+$0x0], $0xffff  }
0x10b: {  	_ =	sdelay $0x3  }
0x10c: {  	[tilespmem:v15+s25+$0x0] =	vst.idx.msk $0xffff, v28  }
0x10d: {  	[tilespmem:v16+s25+$0x0] =	vst.idx.msk $0xffff, v29  }
0x10e: {  	[tilespmem:v17+s25+$0x0] =	vst.idx.msk $0xffff, v31  }
0x10f: {  	[tilespmem:v18+s25+$0x0] =	vst.idx.msk $0xffff, v32  }
0x110: {  	[tilespmem:v19+s25+$0x0] =	vst.idx.msk $0xffff, v35  }
0x111: {  	[tilespmem:v20+s25+$0x0] =	vst.idx.msk $0xffff, v37  }
0x112: {  	[tilespmem:v23+s25+$0x0] =	vst.idx.msk $0xffff, v36  }
0x113: {  	[tilespmem:v14+s25+$0x0] =	vst.idx.msk $0xffff, v34  }
0x114: {  	[tilespmem:v24+s25+$0x0] =	vst.idx.msk $0xffff, v38  }
0x115: {  	[tilespmem:v13+s25+$0x0] =	vst.idx.msk $0xffff, v26  }
0x116: {  	[tilespmem:v21+s25+$0x0] =	vst.idx.msk $0xffff, v27  }
0x117: {  	[tilespmem:v22+s25+$0x0] =	vst.idx.msk $0xffff, v33  }
0x118: {  	s0 =	simm.s32 $0x0;
	[tilespmem:v25+s25+$0x0] =	vst.idx.msk $0xff, v30  }
0x119: {  	v13 =	vmov s0;
	[hbm4b:s10+s0] =	stream.linear.scatter [tilespmem:s25], [sflag:$0x3], $0x4000, $0x38;
	[tilespmem:$0x10400] =	vst v63  }
0x11a: {  	v14 =	vshll.u32 v13, $0x8;
	v13 =	vshll.u32 v13, $0x7  }
0x11b: {  	v14 =	vand.u32 $0x3800, v14;
	v13 =	vand.u32 $0x380, v13;
	[tilespmem:s22], [sflag:$0x1] =	stream.linear.gather [hbm4b:s11+s0], $0x4000, $0x38;
	[tilespmem:$0x10400] =	vst v63  }
0x11c: {  	v24 =	vor.u32 v13, v14;
	_ =	swait.ge [sflag:s26], $0x4000  }
0x11d: {  	v15 =	vor.u32 v0, v24;
	[sflag:s26] =	ssyncset.done $0x0  }
0x11e: {  	v16 =	vor.u32 v1, v24;
	[sflag:s26] =	ssyncadd.s32 $0xFFFFC000  }
0x11f: {  	v17 =	vor.u32 v2, v24;
	_ =	swait.ge [sflag:s30], $0x4000  }
0x120: {  	v18 =	vor.u32 v3, v24;
	[sflag:s30] =	ssyncset.done $0x0  }
0x121: {  	v19 =	vor.u32 v4, v24;
	[sflag:s30] =	ssyncadd.s32 $0xFFFFC000  }
0x122: {  	v14 =	vor.u32 v7, v24;
	v23 =	vld.idx.msk [tilespmem:v15+s23+$0x0], $0xffff  }
0x123: {  	v13 =	vor.u32 v9, v24;
	v25 =	vld.idx.msk [tilespmem:v16+s23+$0x0], $0xffff  }
0x124: {  	v20 =	vor.u32 v5, v24;
	v26 =	vld.idx.msk [tilespmem:v17+s23+$0x0], $0xffff  }
0x125: {  	v22 =	vor.u32 v11, v24;
	v27 =	vld.idx.msk [tilespmem:v18+s23+$0x0], $0xffff  }
0x126: {  	v30 =	vld.idx.msk [tilespmem:v19+s23+$0x0], $0xffff  }
0x127: {  	v60 =	vld.idx.msk [tilespmem:v14+s23+$0x0], $0xffff  }
0x128: {  	v61 =	vld.idx.msk [tilespmem:v13+s23+$0x0], $0xffff  }
0x129: {  	v62 =	vld.idx.msk [tilespmem:v20+s23+$0x0], $0xffff  }
0x12a: {  	v21 =	vor.u32 v10, v24;
	v63 =	vld.idx.msk [tilespmem:v22+s23+$0x0], $0xffff  }
0x12b: {  	v28 =	vld.idx.msk [tilespmem:v23+s3+$0x0], $0xffff  }
0x12c: {  	v23 =	vor.u32 v6, v24;
	v29 =	vld.idx.msk [tilespmem:v25+s3+$0x0], $0xffff  }
0x12d: {  	v25 =	vor.u32 v12, v24;
	v31 =	vld.idx.msk [tilespmem:v26+s3+$0x0], $0xffff  }
0x12e: {  	v32 =	vld.idx.msk [tilespmem:v27+s3+$0x0], $0xffff;
	v24 =	vor.u32 v8, v24  }
0x12f: {  	v27 =	vld.idx.msk [tilespmem:v21+s23+$0x0], $0xffff  }
0x130: {  	v26 =	vld.idx.msk [tilespmem:v61+s3+$0x0], $0xffff  }
0x131: {  	v39 =	vld.idx.msk [tilespmem:v23+s23+$0x0], $0xffff  }
0x132: {  	v40 =	vld.idx.msk [tilespmem:v25+s23+$0x0], $0xff  }
0x133: {  	v41 =	vld.idx.msk [tilespmem:v24+s23+$0x0], $0xffff  }
0x134: {  	v35 =	vld.idx.msk [tilespmem:v30+s3+$0x0], $0xffff  }
0x135: {  	v34 =	vld.idx.msk [tilespmem:v60+s3+$0x0], $0xffff  }
0x136: {  	v37 =	vld.idx.msk [tilespmem:v62+s3+$0x0], $0xffff  }
0x137: {  	v33 =	vld.idx.msk [tilespmem:v63+s3+$0x0], $0xffff  }
0x138: {  	v27 =	vld.idx.msk [tilespmem:v27+s3+$0x0], $0xffff  }
0x139: {  	v36 =	vld.idx.msk [tilespmem:v39+s3+$0x0], $0xffff  }
0x13a: {  	v30 =	vld.idx.msk [tilespmem:v40+s3+$0x0], $0xff  }
0x13b: {  	s0 =	simm.s32 $0x1;
	v38 =	vld.idx.msk [tilespmem:v41+s3+$0x0], $0xffff  }
.LBB2_8:
0x13c: {  	p0 =	sne.s32 s0, $0x3F;
	[tilespmem:v15+s28+$0x0] =	vst.idx.msk $0xffff, v28;
	s2 =	smov.u32 s0;
	s0 =	sadd.s32 $0x1, s0  }
0x13d: {  	[tilespmem:v16+s28+$0x0] =	vst.idx.msk $0xffff, v29  }
0x13e: {  	[tilespmem:v17+s28+$0x0] =	vst.idx.msk $0xffff, v31  }
0x13f: {  	[tilespmem:v18+s28+$0x0] =	vst.idx.msk $0xffff, v32  }
0x140: {  	v15 =	vmov s2;
	[tilespmem:v19+s28+$0x0] =	vst.idx.msk $0xffff, v35  }
0x141: {  	v16 =	vshll.u32 v15, $0x8;
	v15 =	vshll.u32 v15, $0x7;
	[tilespmem:v20+s28+$0x0] =	vst.idx.msk $0xffff, v37  }
0x142: {  	v16 =	vand.u32 $0x3800, v16;
	v15 =	vand.u32 $0x380, v15;
	[tilespmem:v23+s28+$0x0] =	vst.idx.msk $0xffff, v36  }
0x143: {  	v29 =	vor.u32 v15, v16;
	[tilespmem:v14+s28+$0x0] =	vst.idx.msk $0xffff, v34  }
0x144: {  	v15 =	vor.u32 v0, v29;
	[tilespmem:v24+s28+$0x0] =	vst.idx.msk $0xffff, v38  }
0x145: {  	v16 =	vor.u32 v1, v29;
	[tilespmem:v13+s28+$0x0] =	vst.idx.msk $0xffff, v26  }
0x146: {  	v17 =	vor.u32 v2, v29;
	[tilespmem:v21+s28+$0x0] =	vst.idx.msk $0xffff, v27  }
0x147: {  	v18 =	vor.u32 v3, v29;
	[tilespmem:v22+s28+$0x0] =	vst.idx.msk $0xffff, v33  }
0x148: {  	v19 =	vor.u32 v4, v29;
	[tilespmem:v25+s28+$0x0] =	vst.idx.msk $0xff, v30  }
0x149: {  	v20 =	vor.u32 v5, v29;
	v23 =	vor.u32 v6, v29;
	v14 =	vor.u32 v7, v29;
	v25 =	vld.idx.msk [tilespmem:v15+s23+$0x0], $0xffff  }
0x14a: {  	v24 =	vor.u32 v8, v29;
	v13 =	vor.u32 v9, v29;
	v26 =	vld.idx.msk [tilespmem:v16+s23+$0x0], $0xffff  }
0x14b: {  	v27 =	vld.idx.msk [tilespmem:v17+s23+$0x0], $0xffff  }
0x14c: {  	v30 =	vld.idx.msk [tilespmem:v18+s23+$0x0], $0xffff  }
0x14d: {  	v33 =	vld.idx.msk [tilespmem:v19+s23+$0x0], $0xffff  }
0x14e: {  	v34 =	vld.idx.msk [tilespmem:v14+s23+$0x0], $0xffff  }
0x14f: {  	v21 =	vor.u32 v10, v29;
	v35 =	vld.idx.msk [tilespmem:v13+s23+$0x0], $0xffff  }
0x150: {  	v22 =	vor.u32 v11, v29;
	v36 =	vld.idx.msk [tilespmem:v20+s23+$0x0], $0xffff  }
0x151: {  	v28 =	vld.idx.msk [tilespmem:v25+s3+$0x0], $0xffff  }
0x152: {  	v25 =	vor.u32 v12, v29;
	v29 =	vld.idx.msk [tilespmem:v26+s3+$0x0], $0xffff  }
0x153: {  	v31 =	vld.idx.msk [tilespmem:v27+s3+$0x0], $0xffff  }
0x154: {  	v32 =	vld.idx.msk [tilespmem:v30+s3+$0x0], $0xffff  }
0x155: {  	v27 =	vld.idx.msk [tilespmem:v21+s23+$0x0], $0xffff  }
0x156: {  	v38 =	vld.idx.msk [tilespmem:v22+s23+$0x0], $0xffff  }
0x157: {  	v30 =	vld.idx.msk [tilespmem:v23+s23+$0x0], $0xffff  }
0x158: {  	v39 =	vld.idx.msk [tilespmem:v25+s23+$0x0], $0xff  }
0x159: {  	v26 =	vld.idx.msk [tilespmem:v35+s3+$0x0], $0xffff  }
0x15a: {  	v40 =	vld.idx.msk [tilespmem:v24+s23+$0x0], $0xffff  }
0x15b: {  	v35 =	vld.idx.msk [tilespmem:v33+s3+$0x0], $0xffff  }
0x15c: {  	v34 =	vld.idx.msk [tilespmem:v34+s3+$0x0], $0xffff  }
0x15d: {  	v27 =	vld.idx.msk [tilespmem:v27+s3+$0x0], $0xffff  }
.Ltmp3:
0x15e: {  	v37 =	vld.idx.msk [tilespmem:v36+s3+$0x0], $0xffff;
	(pc) =	sbr.rel @p0 .LBB2_8-.Ltmp3, $4  }
0x15f: {  	v36 =	vld.idx.msk [tilespmem:v30+s3+$0x0], $0xffff  }
0x160: {  	v30 =	vld.idx.msk [tilespmem:v39+s3+$0x0], $0xff  }
0x161: {  	v33 =	vld.idx.msk [tilespmem:v38+s3+$0x0], $0xffff  }
0x162: {  	v38 =	vld.idx.msk [tilespmem:v40+s3+$0x0], $0xffff  }
0x163: {  	_ =	sdelay $0x3  }
0x164: {  	[tilespmem:v15+s28+$0x0] =	vst.idx.msk $0xffff, v28  }
0x165: {  	[tilespmem:v16+s28+$0x0] =	vst.idx.msk $0xffff, v29  }
0x166: {  	[tilespmem:v17+s28+$0x0] =	vst.idx.msk $0xffff, v31  }
0x167: {  	[tilespmem:v18+s28+$0x0] =	vst.idx.msk $0xffff, v32  }
0x168: {  	[tilespmem:v19+s28+$0x0] =	vst.idx.msk $0xffff, v35  }
0x169: {  	[tilespmem:v20+s28+$0x0] =	vst.idx.msk $0xffff, v37  }
0x16a: {  	[tilespmem:v23+s28+$0x0] =	vst.idx.msk $0xffff, v36  }
0x16b: {  	[tilespmem:v14+s28+$0x0] =	vst.idx.msk $0xffff, v34  }
0x16c: {  	[tilespmem:v24+s28+$0x0] =	vst.idx.msk $0xffff, v38  }
0x16d: {  	[tilespmem:v13+s28+$0x0] =	vst.idx.msk $0xffff, v26  }
0x16e: {  	[tilespmem:v21+s28+$0x0] =	vst.idx.msk $0xffff, v27  }
0x16f: {  	[tilespmem:v22+s28+$0x0] =	vst.idx.msk $0xffff, v33  }
0x170: {  	s0 =	simm.s32 $0x0;
	[tilespmem:v25+s28+$0x0] =	vst.idx.msk $0xff, v30  }
0x171: {  	v13 =	vmov s0;
	[hbm4b:s12+s0] =	stream.linear.scatter [tilespmem:s28], [sflag:$0x4], $0x4000, $0x38;
	[tilespmem:$0x10400] =	vst v63  }
0x172: {  	v14 =	vshll.u32 v13, $0x8;
	v13 =	vshll.u32 v13, $0x7  }
0x173: {  	v14 =	vand.u32 $0x3800, v14;
	v13 =	vand.u32 $0x380, v13;
	[tilespmem:s23], [sflag:$0x2] =	stream.linear.gather [hbm4b:s13+s0], $0x4000, $0x38;
	[tilespmem:$0x10400] =	vst v63  }
0x174: {  	v24 =	vor.u32 v13, v14;
	_ =	swait.ge [sflag:s24], $0x4000  }
0x175: {  	v15 =	vor.u32 v0, v24;
	[sflag:s24] =	ssyncset.done $0x0  }
0x176: {  	v16 =	vor.u32 v1, v24;
	[sflag:s24] =	ssyncadd.s32 $0xFFFFC000  }
0x177: {  	v17 =	vor.u32 v2, v24;
	_ =	swait.ge [sflag:s29], $0x4000  }
0x178: {  	v18 =	vor.u32 v3, v24;
	[sflag:s29] =	ssyncset.done $0x0  }
0x179: {  	v19 =	vor.u32 v4, v24;
	[sflag:s29] =	ssyncadd.s32 $0xFFFFC000  }
0x17a: {  	v14 =	vor.u32 v7, v24;
	v23 =	vld.idx.msk [tilespmem:v15+s22+$0x0], $0xffff  }
0x17b: {  	v13 =	vor.u32 v9, v24;
	v25 =	vld.idx.msk [tilespmem:v16+s22+$0x0], $0xffff  }
0x17c: {  	v20 =	vor.u32 v5, v24;
	v26 =	vld.idx.msk [tilespmem:v17+s22+$0x0], $0xffff  }
0x17d: {  	v22 =	vor.u32 v11, v24;
	v27 =	vld.idx.msk [tilespmem:v18+s22+$0x0], $0xffff  }
0x17e: {  	v30 =	vld.idx.msk [tilespmem:v19+s22+$0x0], $0xffff  }
0x17f: {  	v60 =	vld.idx.msk [tilespmem:v14+s22+$0x0], $0xffff  }
0x180: {  	v61 =	vld.idx.msk [tilespmem:v13+s22+$0x0], $0xffff  }
0x181: {  	v62 =	vld.idx.msk [tilespmem:v20+s22+$0x0], $0xffff  }
0x182: {  	v21 =	vor.u32 v10, v24;
	v63 =	vld.idx.msk [tilespmem:v22+s22+$0x0], $0xffff  }
0x183: {  	v28 =	vld.idx.msk [tilespmem:v23+s3+$0x0], $0xffff  }
0x184: {  	v23 =	vor.u32 v6, v24;
	v29 =	vld.idx.msk [tilespmem:v25+s3+$0x0], $0xffff  }
0x185: {  	v25 =	vor.u32 v12, v24;
	v31 =	vld.idx.msk [tilespmem:v26+s3+$0x0], $0xffff  }
0x186: {  	v32 =	vld.idx.msk [tilespmem:v27+s3+$0x0], $0xffff;
	v24 =	vor.u32 v8, v24  }
0x187: {  	v27 =	vld.idx.msk [tilespmem:v21+s22+$0x0], $0xffff  }
0x188: {  	v26 =	vld.idx.msk [tilespmem:v61+s3+$0x0], $0xffff  }
0x189: {  	v39 =	vld.idx.msk [tilespmem:v23+s22+$0x0], $0xffff  }
0x18a: {  	v40 =	vld.idx.msk [tilespmem:v25+s22+$0x0], $0xff  }
0x18b: {  	v41 =	vld.idx.msk [tilespmem:v24+s22+$0x0], $0xffff  }
0x18c: {  	v35 =	vld.idx.msk [tilespmem:v30+s3+$0x0], $0xffff  }
0x18d: {  	v34 =	vld.idx.msk [tilespmem:v60+s3+$0x0], $0xffff  }
0x18e: {  	v37 =	vld.idx.msk [tilespmem:v62+s3+$0x0], $0xffff  }
0x18f: {  	v33 =	vld.idx.msk [tilespmem:v63+s3+$0x0], $0xffff  }
0x190: {  	v27 =	vld.idx.msk [tilespmem:v27+s3+$0x0], $0xffff  }
0x191: {  	v36 =	vld.idx.msk [tilespmem:v39+s3+$0x0], $0xffff  }
0x192: {  	v30 =	vld.idx.msk [tilespmem:v40+s3+$0x0], $0xff  }
0x193: {  	s0 =	simm.s32 $0x1;
	v38 =	vld.idx.msk [tilespmem:v41+s3+$0x0], $0xffff  }
.LBB2_10:
0x194: {  	p0 =	sne.s32 s0, $0x3F;
	[tilespmem:v15+s25+$0x0] =	vst.idx.msk $0xffff, v28;
	s2 =	smov.u32 s0;
	s0 =	sadd.s32 $0x1, s0  }
0x195: {  	[tilespmem:v16+s25+$0x0] =	vst.idx.msk $0xffff, v29  }
0x196: {  	[tilespmem:v17+s25+$0x0] =	vst.idx.msk $0xffff, v31  }
0x197: {  	[tilespmem:v18+s25+$0x0] =	vst.idx.msk $0xffff, v32  }
0x198: {  	v15 =	vmov s2;
	[tilespmem:v19+s25+$0x0] =	vst.idx.msk $0xffff, v35  }
0x199: {  	v16 =	vshll.u32 v15, $0x8;
	v15 =	vshll.u32 v15, $0x7;
	[tilespmem:v20+s25+$0x0] =	vst.idx.msk $0xffff, v37  }
0x19a: {  	v16 =	vand.u32 $0x3800, v16;
	v15 =	vand.u32 $0x380, v15;
	[tilespmem:v23+s25+$0x0] =	vst.idx.msk $0xffff, v36  }
0x19b: {  	v29 =	vor.u32 v15, v16;
	[tilespmem:v14+s25+$0x0] =	vst.idx.msk $0xffff, v34  }
0x19c: {  	v15 =	vor.u32 v0, v29;
	[tilespmem:v24+s25+$0x0] =	vst.idx.msk $0xffff, v38  }
0x19d: {  	v16 =	vor.u32 v1, v29;
	[tilespmem:v13+s25+$0x0] =	vst.idx.msk $0xffff, v26  }
0x19e: {  	v17 =	vor.u32 v2, v29;
	[tilespmem:v21+s25+$0x0] =	vst.idx.msk $0xffff, v27  }
0x19f: {  	v18 =	vor.u32 v3, v29;
	[tilespmem:v22+s25+$0x0] =	vst.idx.msk $0xffff, v33  }
0x1a0: {  	v19 =	vor.u32 v4, v29;
	[tilespmem:v25+s25+$0x0] =	vst.idx.msk $0xff, v30  }
0x1a1: {  	v20 =	vor.u32 v5, v29;
	v23 =	vor.u32 v6, v29;
	v14 =	vor.u32 v7, v29;
	v25 =	vld.idx.msk [tilespmem:v15+s22+$0x0], $0xffff  }
0x1a2: {  	v24 =	vor.u32 v8, v29;
	v13 =	vor.u32 v9, v29;
	v26 =	vld.idx.msk [tilespmem:v16+s22+$0x0], $0xffff  }
0x1a3: {  	v27 =	vld.idx.msk [tilespmem:v17+s22+$0x0], $0xffff  }
0x1a4: {  	v30 =	vld.idx.msk [tilespmem:v18+s22+$0x0], $0xffff  }
0x1a5: {  	v33 =	vld.idx.msk [tilespmem:v19+s22+$0x0], $0xffff  }
0x1a6: {  	v34 =	vld.idx.msk [tilespmem:v14+s22+$0x0], $0xffff  }
0x1a7: {  	v21 =	vor.u32 v10, v29;
	v35 =	vld.idx.msk [tilespmem:v13+s22+$0x0], $0xffff  }
0x1a8: {  	v22 =	vor.u32 v11, v29;
	v36 =	vld.idx.msk [tilespmem:v20+s22+$0x0], $0xffff  }
0x1a9: {  	v28 =	vld.idx.msk [tilespmem:v25+s3+$0x0], $0xffff  }
0x1aa: {  	v25 =	vor.u32 v12, v29;
	v29 =	vld.idx.msk [tilespmem:v26+s3+$0x0], $0xffff  }
0x1ab: {  	v31 =	vld.idx.msk [tilespmem:v27+s3+$0x0], $0xffff  }
0x1ac: {  	v32 =	vld.idx.msk [tilespmem:v30+s3+$0x0], $0xffff  }
0x1ad: {  	v27 =	vld.idx.msk [tilespmem:v21+s22+$0x0], $0xffff  }
0x1ae: {  	v38 =	vld.idx.msk [tilespmem:v22+s22+$0x0], $0xffff  }
0x1af: {  	v30 =	vld.idx.msk [tilespmem:v23+s22+$0x0], $0xffff  }
0x1b0: {  	v39 =	vld.idx.msk [tilespmem:v25+s22+$0x0], $0xff  }
0x1b1: {  	v26 =	vld.idx.msk [tilespmem:v35+s3+$0x0], $0xffff  }
0x1b2: {  	v40 =	vld.idx.msk [tilespmem:v24+s22+$0x0], $0xffff  }
0x1b3: {  	v35 =	vld.idx.msk [tilespmem:v33+s3+$0x0], $0xffff  }
0x1b4: {  	v34 =	vld.idx.msk [tilespmem:v34+s3+$0x0], $0xffff  }
0x1b5: {  	v27 =	vld.idx.msk [tilespmem:v27+s3+$0x0], $0xffff  }
.Ltmp4:
0x1b6: {  	v37 =	vld.idx.msk [tilespmem:v36+s3+$0x0], $0xffff;
	(pc) =	sbr.rel @p0 .LBB2_10-.Ltmp4, $4  }
0x1b7: {  	v36 =	vld.idx.msk [tilespmem:v30+s3+$0x0], $0xffff  }
0x1b8: {  	v30 =	vld.idx.msk [tilespmem:v39+s3+$0x0], $0xff  }
0x1b9: {  	v33 =	vld.idx.msk [tilespmem:v38+s3+$0x0], $0xffff  }
0x1ba: {  	v38 =	vld.idx.msk [tilespmem:v40+s3+$0x0], $0xffff  }
0x1bb: {  	_ =	sdelay $0x3  }
0x1bc: {  	[tilespmem:v15+s25+$0x0] =	vst.idx.msk $0xffff, v28  }
0x1bd: {  	[tilespmem:v16+s25+$0x0] =	vst.idx.msk $0xffff, v29  }
0x1be: {  	[tilespmem:v17+s25+$0x0] =	vst.idx.msk $0xffff, v31  }
0x1bf: {  	[tilespmem:v18+s25+$0x0] =	vst.idx.msk $0xffff, v32  }
0x1c0: {  	[tilespmem:v19+s25+$0x0] =	vst.idx.msk $0xffff, v35  }
0x1c1: {  	[tilespmem:v20+s25+$0x0] =	vst.idx.msk $0xffff, v37  }
0x1c2: {  	[tilespmem:v23+s25+$0x0] =	vst.idx.msk $0xffff, v36  }
0x1c3: {  	[tilespmem:v14+s25+$0x0] =	vst.idx.msk $0xffff, v34  }
0x1c4: {  	[tilespmem:v24+s25+$0x0] =	vst.idx.msk $0xffff, v38  }
0x1c5: {  	[tilespmem:v13+s25+$0x0] =	vst.idx.msk $0xffff, v26  }
0x1c6: {  	[tilespmem:v21+s25+$0x0] =	vst.idx.msk $0xffff, v27  }
0x1c7: {  	[tilespmem:v22+s25+$0x0] =	vst.idx.msk $0xffff, v33  }
0x1c8: {  	s0 =	simm.s32 $0x0;
	[tilespmem:v25+s25+$0x0] =	vst.idx.msk $0xff, v30  }
0x1c9: {  	v13 =	vmov s0;
	[hbm4b:s14+s0] =	stream.linear.scatter [tilespmem:s25], [sflag:$0x3], $0x4000, $0x38;
	[tilespmem:$0x10400] =	vst v63  }
0x1ca: {  	v14 =	vshll.u32 v13, $0x8;
	v13 =	vshll.u32 v13, $0x7  }
0x1cb: {  	v14 =	vand.u32 $0x3800, v14;
	v13 =	vand.u32 $0x380, v13;
	[tilespmem:s22], [sflag:$0x1] =	stream.linear.gather [hbm4b:s15+s0], $0x4000, $0x38;
	[tilespmem:$0x10400] =	vst v63  }
0x1cc: {  	v24 =	vor.u32 v13, v14;
	_ =	swait.ge [sflag:s26], $0x4000  }
0x1cd: {  	v15 =	vor.u32 v0, v24;
	[sflag:s26] =	ssyncset.done $0x0  }
0x1ce: {  	v16 =	vor.u32 v1, v24;
	[sflag:s26] =	ssyncadd.s32 $0xFFFFC000  }
0x1cf: {  	v17 =	vor.u32 v2, v24;
	_ =	swait.ge [sflag:s30], $0x4000  }
0x1d0: {  	v18 =	vor.u32 v3, v24;
	[sflag:s30] =	ssyncset.done $0x0  }
0x1d1: {  	v19 =	vor.u32 v4, v24;
	[sflag:s30] =	ssyncadd.s32 $0xFFFFC000  }
0x1d2: {  	v14 =	vor.u32 v7, v24;
	v23 =	vld.idx.msk [tilespmem:v15+s23+$0x0], $0xffff  }
0x1d3: {  	v13 =	vor.u32 v9, v24;
	v25 =	vld.idx.msk [tilespmem:v16+s23+$0x0], $0xffff  }
0x1d4: {  	v20 =	vor.u32 v5, v24;
	v26 =	vld.idx.msk [tilespmem:v17+s23+$0x0], $0xffff  }
0x1d5: {  	v22 =	vor.u32 v11, v24;
	v27 =	vld.idx.msk [tilespmem:v18+s23+$0x0], $0xffff  }
0x1d6: {  	v30 =	vld.idx.msk [tilespmem:v19+s23+$0x0], $0xffff  }
0x1d7: {  	v60 =	vld.idx.msk [tilespmem:v14+s23+$0x0], $0xffff  }
0x1d8: {  	v61 =	vld.idx.msk [tilespmem:v13+s23+$0x0], $0xffff  }
0x1d9: {  	v62 =	vld.idx.msk [tilespmem:v20+s23+$0x0], $0xffff  }
0x1da: {  	v21 =	vor.u32 v10, v24;
	v63 =	vld.idx.msk [tilespmem:v22+s23+$0x0], $0xffff  }
0x1db: {  	v28 =	vld.idx.msk [tilespmem:v23+s3+$0x0], $0xffff  }
0x1dc: {  	v23 =	vor.u32 v6, v24;
	v29 =	vld.idx.msk [tilespmem:v25+s3+$0x0], $0xffff  }
0x1dd: {  	v25 =	vor.u32 v12, v24;
	v31 =	vld.idx.msk [tilespmem:v26+s3+$0x0], $0xffff  }
0x1de: {  	v32 =	vld.idx.msk [tilespmem:v27+s3+$0x0], $0xffff;
	v24 =	vor.u32 v8, v24  }
0x1df: {  	v27 =	vld.idx.msk [tilespmem:v21+s23+$0x0], $0xffff  }
0x1e0: {  	v26 =	vld.idx.msk [tilespmem:v61+s3+$0x0], $0xffff  }
0x1e1: {  	v39 =	vld.idx.msk [tilespmem:v23+s23+$0x0], $0xffff  }
0x1e2: {  	v40 =	vld.idx.msk [tilespmem:v25+s23+$0x0], $0xff  }
0x1e3: {  	v41 =	vld.idx.msk [tilespmem:v24+s23+$0x0], $0xffff  }
0x1e4: {  	v35 =	vld.idx.msk [tilespmem:v30+s3+$0x0], $0xffff  }
0x1e5: {  	v34 =	vld.idx.msk [tilespmem:v60+s3+$0x0], $0xffff  }
0x1e6: {  	v37 =	vld.idx.msk [tilespmem:v62+s3+$0x0], $0xffff  }
0x1e7: {  	v33 =	vld.idx.msk [tilespmem:v63+s3+$0x0], $0xffff  }
0x1e8: {  	v27 =	vld.idx.msk [tilespmem:v27+s3+$0x0], $0xffff  }
0x1e9: {  	v36 =	vld.idx.msk [tilespmem:v39+s3+$0x0], $0xffff  }
0x1ea: {  	v30 =	vld.idx.msk [tilespmem:v40+s3+$0x0], $0xff  }
0x1eb: {  	s0 =	simm.s32 $0x1;
	v38 =	vld.idx.msk [tilespmem:v41+s3+$0x0], $0xffff  }
.LBB2_12:
0x1ec: {  	p0 =	sne.s32 s0, $0x3F;
	[tilespmem:v15+s28+$0x0] =	vst.idx.msk $0xffff, v28;
	s2 =	smov.u32 s0;
	s0 =	sadd.s32 $0x1, s0  }
0x1ed: {  	[tilespmem:v16+s28+$0x0] =	vst.idx.msk $0xffff, v29  }
0x1ee: {  	[tilespmem:v17+s28+$0x0] =	vst.idx.msk $0xffff, v31  }
0x1ef: {  	[tilespmem:v18+s28+$0x0] =	vst.idx.msk $0xffff, v32  }
0x1f0: {  	v15 =	vmov s2;
	[tilespmem:v19+s28+$0x0] =	vst.idx.msk $0xffff, v35  }
0x1f1: {  	v16 =	vshll.u32 v15, $0x8;
	v15 =	vshll.u32 v15, $0x7;
	[tilespmem:v20+s28+$0x0] =	vst.idx.msk $0xffff, v37  }
0x1f2: {  	v16 =	vand.u32 $0x3800, v16;
	v15 =	vand.u32 $0x380, v15;
	[tilespmem:v23+s28+$0x0] =	vst.idx.msk $0xffff, v36  }
0x1f3: {  	v29 =	vor.u32 v15, v16;
	[tilespmem:v14+s28+$0x0] =	vst.idx.msk $0xffff, v34  }
0x1f4: {  	v15 =	vor.u32 v0, v29;
	[tilespmem:v24+s28+$0x0] =	vst.idx.msk $0xffff, v38  }
0x1f5: {  	v16 =	vor.u32 v1, v29;
	[tilespmem:v13+s28+$0x0] =	vst.idx.msk $0xffff, v26  }
0x1f6: {  	v17 =	vor.u32 v2, v29;
	[tilespmem:v21+s28+$0x0] =	vst.idx.msk $0xffff, v27  }
0x1f7: {  	v18 =	vor.u32 v3, v29;
	[tilespmem:v22+s28+$0x0] =	vst.idx.msk $0xffff, v33  }
0x1f8: {  	v19 =	vor.u32 v4, v29;
	[tilespmem:v25+s28+$0x0] =	vst.idx.msk $0xff, v30  }
0x1f9: {  	v20 =	vor.u32 v5, v29;
	v23 =	vor.u32 v6, v29;
	v14 =	vor.u32 v7, v29;
	v25 =	vld.idx.msk [tilespmem:v15+s23+$0x0], $0xffff  }
0x1fa: {  	v24 =	vor.u32 v8, v29;
	v13 =	vor.u32 v9, v29;
	v26 =	vld.idx.msk [tilespmem:v16+s23+$0x0], $0xffff  }
0x1fb: {  	v27 =	vld.idx.msk [tilespmem:v17+s23+$0x0], $0xffff  }
0x1fc: {  	v30 =	vld.idx.msk [tilespmem:v18+s23+$0x0], $0xffff  }
0x1fd: {  	v33 =	vld.idx.msk [tilespmem:v19+s23+$0x0], $0xffff  }
0x1fe: {  	v34 =	vld.idx.msk [tilespmem:v14+s23+$0x0], $0xffff  }
0x1ff: {  	v21 =	vor.u32 v10, v29;
	v35 =	vld.idx.msk [tilespmem:v13+s23+$0x0], $0xffff  }
0x200: {  	v22 =	vor.u32 v11, v29;
	v36 =	vld.idx.msk [tilespmem:v20+s23+$0x0], $0xffff  }
0x201: {  	v28 =	vld.idx.msk [tilespmem:v25+s3+$0x0], $0xffff  }
0x202: {  	v25 =	vor.u32 v12, v29;
	v29 =	vld.idx.msk [tilespmem:v26+s3+$0x0], $0xffff  }
0x203: {  	v31 =	vld.idx.msk [tilespmem:v27+s3+$0x0], $0xffff  }
0x204: {  	v32 =	vld.idx.msk [tilespmem:v30+s3+$0x0], $0xffff  }
0x205: {  	v27 =	vld.idx.msk [tilespmem:v21+s23+$0x0], $0xffff  }
0x206: {  	v38 =	vld.idx.msk [tilespmem:v22+s23+$0x0], $0xffff  }
0x207: {  	v30 =	vld.idx.msk [tilespmem:v23+s23+$0x0], $0xffff  }
0x208: {  	v39 =	vld.idx.msk [tilespmem:v25+s23+$0x0], $0xff  }
0x209: {  	v26 =	vld.idx.msk [tilespmem:v35+s3+$0x0], $0xffff  }
0x20a: {  	v40 =	vld.idx.msk [tilespmem:v24+s23+$0x0], $0xffff  }
0x20b: {  	v35 =	vld.idx.msk [tilespmem:v33+s3+$0x0], $0xffff  }
0x20c: {  	v34 =	vld.idx.msk [tilespmem:v34+s3+$0x0], $0xffff  }
0x20d: {  	v27 =	vld.idx.msk [tilespmem:v27+s3+$0x0], $0xffff  }
.Ltmp5:
0x20e: {  	v37 =	vld.idx.msk [tilespmem:v36+s3+$0x0], $0xffff;
	(pc) =	sbr.rel @p0 .LBB2_12-.Ltmp5, $4  }
0x20f: {  	v36 =	vld.idx.msk [tilespmem:v30+s3+$0x0], $0xffff  }
0x210: {  	v30 =	vld.idx.msk [tilespmem:v39+s3+$0x0], $0xff  }
0x211: {  	v33 =	vld.idx.msk [tilespmem:v38+s3+$0x0], $0xffff  }
0x212: {  	v38 =	vld.idx.msk [tilespmem:v40+s3+$0x0], $0xffff  }
0x213: {  	_ =	sdelay $0x3  }
0x214: {  	[tilespmem:v15+s28+$0x0] =	vst.idx.msk $0xffff, v28  }
0x215: {  	[tilespmem:v16+s28+$0x0] =	vst.idx.msk $0xffff, v29  }
0x216: {  	[tilespmem:v17+s28+$0x0] =	vst.idx.msk $0xffff, v31  }
0x217: {  	[tilespmem:v18+s28+$0x0] =	vst.idx.msk $0xffff, v32  }
0x218: {  	[tilespmem:v19+s28+$0x0] =	vst.idx.msk $0xffff, v35  }
0x219: {  	[tilespmem:v20+s28+$0x0] =	vst.idx.msk $0xffff, v37  }
0x21a: {  	[tilespmem:v23+s28+$0x0] =	vst.idx.msk $0xffff, v36  }
0x21b: {  	[tilespmem:v14+s28+$0x0] =	vst.idx.msk $0xffff, v34  }
0x21c: {  	[tilespmem:v24+s28+$0x0] =	vst.idx.msk $0xffff, v38  }
0x21d: {  	[tilespmem:v13+s28+$0x0] =	vst.idx.msk $0xffff, v26  }
0x21e: {  	[tilespmem:v21+s28+$0x0] =	vst.idx.msk $0xffff, v27  }
0x21f: {  	[tilespmem:v22+s28+$0x0] =	vst.idx.msk $0xffff, v33  }
0x220: {  	s0 =	simm.s32 $0x0;
	[tilespmem:v25+s28+$0x0] =	vst.idx.msk $0xff, v30  }
0x221: {  	v13 =	vmov s0;
	[hbm4b:s16+s0] =	stream.linear.scatter [tilespmem:s28], [sflag:$0x4], $0x4000, $0x38;
	[tilespmem:$0x10400] =	vst v63  }
0x222: {  	v14 =	vshll.u32 v13, $0x8;
	v13 =	vshll.u32 v13, $0x7  }
0x223: {  	v14 =	vand.u32 $0x3800, v14;
	v13 =	vand.u32 $0x380, v13;
	[tilespmem:s23], [sflag:$0x2] =	stream.linear.gather [hbm4b:s17+s0], $0x4000, $0x38;
	[tilespmem:$0x10400] =	vst v63  }
0x224: {  	v25 =	vor.u32 v13, v14;
	_ =	swait.ge [sflag:s24], $0x4000  }
0x225: {  	v15 =	vor.u32 v0, v25;
	[sflag:s24] =	ssyncset.done $0x0  }
0x226: {  	v16 =	vor.u32 v1, v25;
	[sflag:s24] =	ssyncadd.s32 $0xFFFFC000  }
0x227: {  	v17 =	vor.u32 v2, v25;
	_ =	swait.ge [sflag:s29], $0x4000  }
0x228: {  	v18 =	vor.u32 v3, v25;
	[sflag:s29] =	ssyncset.done $0x0  }
0x229: {  	v19 =	vor.u32 v4, v25;
	[sflag:s29] =	ssyncadd.s32 $0xFFFFC000  }
0x22a: {  	v14 =	vor.u32 v7, v25;
	v23 =	vld.idx.msk [tilespmem:v15+s22+$0x0], $0xffff  }
0x22b: {  	v13 =	vor.u32 v9, v25;
	v26 =	vld.idx.msk [tilespmem:v16+s22+$0x0], $0xffff  }
0x22c: {  	v20 =	vor.u32 v5, v25;
	v27 =	vld.idx.msk [tilespmem:v17+s22+$0x0], $0xffff  }
0x22d: {  	v22 =	vor.u32 v11, v25;
	v28 =	vld.idx.msk [tilespmem:v18+s22+$0x0], $0xffff  }
0x22e: {  	v24 =	vor.u32 v6, v25;
	v59 =	vld.idx.msk [tilespmem:v19+s22+$0x0], $0xffff  }
0x22f: {  	v60 =	vld.idx.msk [tilespmem:v14+s22+$0x0], $0xffff  }
0x230: {  	v61 =	vld.idx.msk [tilespmem:v13+s22+$0x0], $0xffff  }
0x231: {  	v62 =	vld.idx.msk [tilespmem:v20+s22+$0x0], $0xffff  }
0x232: {  	v63 =	vld.idx.msk [tilespmem:v22+s22+$0x0], $0xffff  }
0x233: {  	v21 =	vor.u32 v10, v25;
	v39 =	vld.idx.msk [tilespmem:v24+s22+$0x0], $0xffff  }
0x234: {  	v29 =	vld.idx.msk [tilespmem:v23+s3+$0x0], $0xffff  }
0x235: {  	v30 =	vld.idx.msk [tilespmem:v26+s3+$0x0], $0xffff;
	v23 =	vor.u32 v12, v25  }
0x236: {  	v31 =	vld.idx.msk [tilespmem:v27+s3+$0x0], $0xffff;
	v25 =	vor.u32 v8, v25  }
0x237: {  	v32 =	vld.idx.msk [tilespmem:v28+s3+$0x0], $0xffff  }
0x238: {  	v27 =	vld.idx.msk [tilespmem:v21+s22+$0x0], $0xffff  }
0x239: {  	v26 =	vld.idx.msk [tilespmem:v61+s3+$0x0], $0xffff  }
0x23a: {  	v40 =	vld.idx.msk [tilespmem:v23+s22+$0x0], $0xff  }
0x23b: {  	v41 =	vld.idx.msk [tilespmem:v25+s22+$0x0], $0xffff  }
0x23c: {  	v35 =	vld.idx.msk [tilespmem:v59+s3+$0x0], $0xffff  }
0x23d: {  	v34 =	vld.idx.msk [tilespmem:v60+s3+$0x0], $0xffff  }
0x23e: {  	v37 =	vld.idx.msk [tilespmem:v62+s3+$0x0], $0xffff  }
0x23f: {  	v36 =	vld.idx.msk [tilespmem:v39+s3+$0x0], $0xffff  }
0x240: {  	v33 =	vld.idx.msk [tilespmem:v63+s3+$0x0], $0xffff  }
0x241: {  	v28 =	vld.idx.msk [tilespmem:v27+s3+$0x0], $0xffff  }
0x242: {  	v27 =	vld.idx.msk [tilespmem:v40+s3+$0x0], $0xff  }
0x243: {  	s0 =	simm.s32 $0x1;
	v38 =	vld.idx.msk [tilespmem:v41+s3+$0x0], $0xffff  }
.LBB2_14:
0x244: {  	p0 =	sne.s32 s0, $0x3F;
	[tilespmem:v15+s25+$0x0] =	vst.idx.msk $0xffff, v29;
	s2 =	smov.u32 s0;
	s0 =	sadd.s32 $0x1, s0  }
0x245: {  	[tilespmem:v16+s25+$0x0] =	vst.idx.msk $0xffff, v30  }
0x246: {  	[tilespmem:v17+s25+$0x0] =	vst.idx.msk $0xffff, v31  }
0x247: {  	[tilespmem:v18+s25+$0x0] =	vst.idx.msk $0xffff, v32  }
0x248: {  	v15 =	vmov s2;
	[tilespmem:v19+s25+$0x0] =	vst.idx.msk $0xffff, v35  }
0x249: {  	v16 =	vshll.u32 v15, $0x8;
	v15 =	vshll.u32 v15, $0x7;
	[tilespmem:v20+s25+$0x0] =	vst.idx.msk $0xffff, v37  }
0x24a: {  	v16 =	vand.u32 $0x3800, v16;
	v15 =	vand.u32 $0x380, v15;
	[tilespmem:v24+s25+$0x0] =	vst.idx.msk $0xffff, v36  }
0x24b: {  	v30 =	vor.u32 v15, v16;
	[tilespmem:v14+s25+$0x0] =	vst.idx.msk $0xffff, v34  }
0x24c: {  	v15 =	vor.u32 v0, v30;
	[tilespmem:v25+s25+$0x0] =	vst.idx.msk $0xffff, v38  }
0x24d: {  	v16 =	vor.u32 v1, v30;
	[tilespmem:v13+s25+$0x0] =	vst.idx.msk $0xffff, v26  }
0x24e: {  	v17 =	vor.u32 v2, v30;
	[tilespmem:v21+s25+$0x0] =	vst.idx.msk $0xffff, v28  }
0x24f: {  	v18 =	vor.u32 v3, v30;
	[tilespmem:v22+s25+$0x0] =	vst.idx.msk $0xffff, v33  }
0x250: {  	v19 =	vor.u32 v4, v30;
	[tilespmem:v23+s25+$0x0] =	vst.idx.msk $0xff, v27  }
0x251: {  	v20 =	vor.u32 v5, v30;
	v24 =	vor.u32 v6, v30;
	v14 =	vor.u32 v7, v30;
	v23 =	vld.idx.msk [tilespmem:v15+s22+$0x0], $0xffff  }
0x252: {  	v25 =	vor.u32 v8, v30;
	v13 =	vor.u32 v9, v30;
	v26 =	vld.idx.msk [tilespmem:v16+s22+$0x0], $0xffff  }
0x253: {  	v27 =	vld.idx.msk [tilespmem:v17+s22+$0x0], $0xffff  }
0x254: {  	v28 =	vld.idx.msk [tilespmem:v18+s22+$0x0], $0xffff  }
0x255: {  	v33 =	vld.idx.msk [tilespmem:v19+s22+$0x0], $0xffff  }
0x256: {  	v34 =	vld.idx.msk [tilespmem:v14+s22+$0x0], $0xffff  }
0x257: {  	v21 =	vor.u32 v10, v30;
	v35 =	vld.idx.msk [tilespmem:v13+s22+$0x0], $0xffff  }
0x258: {  	v22 =	vor.u32 v11, v30;
	v36 =	vld.idx.msk [tilespmem:v20+s22+$0x0], $0xffff  }
0x259: {  	v29 =	vld.idx.msk [tilespmem:v23+s3+$0x0], $0xffff  }
0x25a: {  	v23 =	vor.u32 v12, v30;
	v30 =	vld.idx.msk [tilespmem:v26+s3+$0x0], $0xffff  }
0x25b: {  	v31 =	vld.idx.msk [tilespmem:v27+s3+$0x0], $0xffff  }
0x25c: {  	v32 =	vld.idx.msk [tilespmem:v28+s3+$0x0], $0xffff  }
0x25d: {  	v27 =	vld.idx.msk [tilespmem:v21+s22+$0x0], $0xffff  }
0x25e: {  	v38 =	vld.idx.msk [tilespmem:v22+s22+$0x0], $0xffff  }
0x25f: {  	v39 =	vld.idx.msk [tilespmem:v24+s22+$0x0], $0xffff  }
0x260: {  	v40 =	vld.idx.msk [tilespmem:v23+s22+$0x0], $0xff  }
0x261: {  	v26 =	vld.idx.msk [tilespmem:v35+s3+$0x0], $0xffff  }
0x262: {  	v41 =	vld.idx.msk [tilespmem:v25+s22+$0x0], $0xffff  }
0x263: {  	v35 =	vld.idx.msk [tilespmem:v33+s3+$0x0], $0xffff  }
0x264: {  	v34 =	vld.idx.msk [tilespmem:v34+s3+$0x0], $0xffff  }
0x265: {  	v28 =	vld.idx.msk [tilespmem:v27+s3+$0x0], $0xffff  }
.Ltmp6:
0x266: {  	v37 =	vld.idx.msk [tilespmem:v36+s3+$0x0], $0xffff;
	(pc) =	sbr.rel @p0 .LBB2_14-.Ltmp6, $4  }
0x267: {  	v36 =	vld.idx.msk [tilespmem:v39+s3+$0x0], $0xffff  }
0x268: {  	v27 =	vld.idx.msk [tilespmem:v40+s3+$0x0], $0xff  }
0x269: {  	v33 =	vld.idx.msk [tilespmem:v38+s3+$0x0], $0xffff  }
0x26a: {  	v38 =	vld.idx.msk [tilespmem:v41+s3+$0x0], $0xffff  }
0x26b: {  	_ =	sdelay $0x3  }
0x26c: {  	[tilespmem:v15+s25+$0x0] =	vst.idx.msk $0xffff, v29  }
0x26d: {  	[tilespmem:v16+s25+$0x0] =	vst.idx.msk $0xffff, v30  }
0x26e: {  	[tilespmem:v17+s25+$0x0] =	vst.idx.msk $0xffff, v31  }
0x26f: {  	[tilespmem:v18+s25+$0x0] =	vst.idx.msk $0xffff, v32  }
0x270: {  	[tilespmem:v19+s25+$0x0] =	vst.idx.msk $0xffff, v35  }
0x271: {  	[tilespmem:v20+s25+$0x0] =	vst.idx.msk $0xffff, v37  }
0x272: {  	[tilespmem:v24+s25+$0x0] =	vst.idx.msk $0xffff, v36  }
0x273: {  	[tilespmem:v14+s25+$0x0] =	vst.idx.msk $0xffff, v34  }
0x274: {  	[tilespmem:v25+s25+$0x0] =	vst.idx.msk $0xffff, v38  }
0x275: {  	[tilespmem:v13+s25+$0x0] =	vst.idx.msk $0xffff, v26  }
0x276: {  	s0 =	simm.s32 $0x0;
	[tilespmem:v21+s25+$0x0] =	vst.idx.msk $0xffff, v28  }
0x277: {  	v13 =	vmov s0;
	[tilespmem:v22+s25+$0x0] =	vst.idx.msk $0xffff, v33  }
0x278: {  	v14 =	vshll.u32 v13, $0x8;
	v13 =	vshll.u32 v13, $0x7;
	[tilespmem:v23+s25+$0x0] =	vst.idx.msk $0xff, v27  }
0x279: {  	v14 =	vand.u32 $0x3800, v14;
	v13 =	vand.u32 $0x380, v13;
	[hbm4b:s18+s0] =	stream.linear.scatter [tilespmem:s25], [sflag:$0x3], $0x4000, $0x38;
	[tilespmem:$0x10400] =	vst v63  }
0x27a: {  	v24 =	vor.u32 v13, v14;
	_ =	swait.ge [sflag:s26], $0x4000  }
0x27b: {  	v15 =	vor.u32 v0, v24;
	[sflag:s26] =	ssyncset.done $0x0  }
0x27c: {  	v16 =	vor.u32 v1, v24;
	[sflag:s26] =	ssyncadd.s32 $0xFFFFC000  }
0x27d: {  	v17 =	vor.u32 v2, v24;
	_ =	swait.ge [sflag:s30], $0x4000  }
0x27e: {  	v18 =	vor.u32 v3, v24;
	[sflag:s30] =	ssyncset.done $0x0  }
0x27f: {  	v19 =	vor.u32 v4, v24;
	[sflag:s30] =	ssyncadd.s32 $0xFFFFC000  }
0x280: {  	v14 =	vor.u32 v7, v24;
	v23 =	vld.idx.msk [tilespmem:v15+s23+$0x0], $0xffff  }
0x281: {  	v13 =	vor.u32 v9, v24;
	v25 =	vld.idx.msk [tilespmem:v16+s23+$0x0], $0xffff  }
0x282: {  	v20 =	vor.u32 v5, v24;
	v26 =	vld.idx.msk [tilespmem:v17+s23+$0x0], $0xffff  }
0x283: {  	v22 =	vor.u32 v11, v24;
	v27 =	vld.idx.msk [tilespmem:v18+s23+$0x0], $0xffff  }
0x284: {  	v30 =	vld.idx.msk [tilespmem:v19+s23+$0x0], $0xffff  }
0x285: {  	v60 =	vld.idx.msk [tilespmem:v14+s23+$0x0], $0xffff  }
0x286: {  	v61 =	vld.idx.msk [tilespmem:v13+s23+$0x0], $0xffff  }
0x287: {  	v62 =	vld.idx.msk [tilespmem:v20+s23+$0x0], $0xffff  }
0x288: {  	v21 =	vor.u32 v10, v24;
	v63 =	vld.idx.msk [tilespmem:v22+s23+$0x0], $0xffff  }
0x289: {  	v28 =	vld.idx.msk [tilespmem:v23+s3+$0x0], $0xffff  }
0x28a: {  	v23 =	vor.u32 v6, v24;
	v29 =	vld.idx.msk [tilespmem:v25+s3+$0x0], $0xffff  }
0x28b: {  	v25 =	vor.u32 v12, v24;
	v31 =	vld.idx.msk [tilespmem:v26+s3+$0x0], $0xffff  }
0x28c: {  	v32 =	vld.idx.msk [tilespmem:v27+s3+$0x0], $0xffff;
	v24 =	vor.u32 v8, v24  }
0x28d: {  	v27 =	vld.idx.msk [tilespmem:v21+s23+$0x0], $0xffff  }
0x28e: {  	v26 =	vld.idx.msk [tilespmem:v61+s3+$0x0], $0xffff  }
0x28f: {  	v39 =	vld.idx.msk [tilespmem:v23+s23+$0x0], $0xffff  }
0x290: {  	v40 =	vld.idx.msk [tilespmem:v25+s23+$0x0], $0xff  }
0x291: {  	v41 =	vld.idx.msk [tilespmem:v24+s23+$0x0], $0xffff  }
0x292: {  	v35 =	vld.idx.msk [tilespmem:v30+s3+$0x0], $0xffff  }
0x293: {  	v34 =	vld.idx.msk [tilespmem:v60+s3+$0x0], $0xffff  }
0x294: {  	v37 =	vld.idx.msk [tilespmem:v62+s3+$0x0], $0xffff  }
0x295: {  	v33 =	vld.idx.msk [tilespmem:v63+s3+$0x0], $0xffff  }
0x296: {  	v27 =	vld.idx.msk [tilespmem:v27+s3+$0x0], $0xffff  }
0x297: {  	v36 =	vld.idx.msk [tilespmem:v39+s3+$0x0], $0xffff  }
0x298: {  	v30 =	vld.idx.msk [tilespmem:v40+s3+$0x0], $0xff  }
0x299: {  	s0 =	simm.s32 $0x1;
	v38 =	vld.idx.msk [tilespmem:v41+s3+$0x0], $0xffff  }
.LBB2_16:
0x29a: {  	p0 =	sne.s32 s0, $0x3F;
	[tilespmem:v15+s28+$0x0] =	vst.idx.msk $0xffff, v28;
	s2 =	smov.u32 s0;
	s0 =	sadd.s32 $0x1, s0  }
0x29b: {  	[tilespmem:v16+s28+$0x0] =	vst.idx.msk $0xffff, v29  }
0x29c: {  	[tilespmem:v17+s28+$0x0] =	vst.idx.msk $0xffff, v31  }
0x29d: {  	[tilespmem:v18+s28+$0x0] =	vst.idx.msk $0xffff, v32  }
0x29e: {  	v15 =	vmov s2;
	[tilespmem:v19+s28+$0x0] =	vst.idx.msk $0xffff, v35  }
0x29f: {  	v16 =	vshll.u32 v15, $0x8;
	v15 =	vshll.u32 v15, $0x7;
	[tilespmem:v20+s28+$0x0] =	vst.idx.msk $0xffff, v37  }
0x2a0: {  	v16 =	vand.u32 $0x3800, v16;
	v15 =	vand.u32 $0x380, v15;
	[tilespmem:v23+s28+$0x0] =	vst.idx.msk $0xffff, v36  }
0x2a1: {  	v29 =	vor.u32 v15, v16;
	[tilespmem:v14+s28+$0x0] =	vst.idx.msk $0xffff, v34  }
0x2a2: {  	v15 =	vor.u32 v0, v29;
	[tilespmem:v24+s28+$0x0] =	vst.idx.msk $0xffff, v38  }
0x2a3: {  	v16 =	vor.u32 v1, v29;
	[tilespmem:v13+s28+$0x0] =	vst.idx.msk $0xffff, v26  }
0x2a4: {  	v17 =	vor.u32 v2, v29;
	[tilespmem:v21+s28+$0x0] =	vst.idx.msk $0xffff, v27  }
0x2a5: {  	v18 =	vor.u32 v3, v29;
	[tilespmem:v22+s28+$0x0] =	vst.idx.msk $0xffff, v33  }
0x2a6: {  	v19 =	vor.u32 v4, v29;
	[tilespmem:v25+s28+$0x0] =	vst.idx.msk $0xff, v30  }
0x2a7: {  	v20 =	vor.u32 v5, v29;
	v23 =	vor.u32 v6, v29;
	v14 =	vor.u32 v7, v29;
	v25 =	vld.idx.msk [tilespmem:v15+s23+$0x0], $0xffff  }
0x2a8: {  	v24 =	vor.u32 v8, v29;
	v13 =	vor.u32 v9, v29;
	v26 =	vld.idx.msk [tilespmem:v16+s23+$0x0], $0xffff  }
0x2a9: {  	v27 =	vld.idx.msk [tilespmem:v17+s23+$0x0], $0xffff  }
0x2aa: {  	v30 =	vld.idx.msk [tilespmem:v18+s23+$0x0], $0xffff  }
0x2ab: {  	v33 =	vld.idx.msk [tilespmem:v19+s23+$0x0], $0xffff  }
0x2ac: {  	v34 =	vld.idx.msk [tilespmem:v14+s23+$0x0], $0xffff  }
0x2ad: {  	v21 =	vor.u32 v10, v29;
	v35 =	vld.idx.msk [tilespmem:v13+s23+$0x0], $0xffff  }
0x2ae: {  	v22 =	vor.u32 v11, v29;
	v36 =	vld.idx.msk [tilespmem:v20+s23+$0x0], $0xffff  }
0x2af: {  	v28 =	vld.idx.msk [tilespmem:v25+s3+$0x0], $0xffff  }
0x2b0: {  	v25 =	vor.u32 v12, v29;
	v29 =	vld.idx.msk [tilespmem:v26+s3+$0x0], $0xffff  }
0x2b1: {  	v31 =	vld.idx.msk [tilespmem:v27+s3+$0x0], $0xffff  }
0x2b2: {  	v32 =	vld.idx.msk [tilespmem:v30+s3+$0x0], $0xffff  }
0x2b3: {  	v27 =	vld.idx.msk [tilespmem:v21+s23+$0x0], $0xffff  }
0x2b4: {  	v38 =	vld.idx.msk [tilespmem:v22+s23+$0x0], $0xffff  }
0x2b5: {  	v30 =	vld.idx.msk [tilespmem:v23+s23+$0x0], $0xffff  }
0x2b6: {  	v39 =	vld.idx.msk [tilespmem:v25+s23+$0x0], $0xff  }
0x2b7: {  	v26 =	vld.idx.msk [tilespmem:v35+s3+$0x0], $0xffff  }
0x2b8: {  	v40 =	vld.idx.msk [tilespmem:v24+s23+$0x0], $0xffff  }
0x2b9: {  	v35 =	vld.idx.msk [tilespmem:v33+s3+$0x0], $0xffff  }
0x2ba: {  	v34 =	vld.idx.msk [tilespmem:v34+s3+$0x0], $0xffff  }
0x2bb: {  	v27 =	vld.idx.msk [tilespmem:v27+s3+$0x0], $0xffff  }
.Ltmp7:
0x2bc: {  	v37 =	vld.idx.msk [tilespmem:v36+s3+$0x0], $0xffff;
	(pc) =	sbr.rel @p0 .LBB2_16-.Ltmp7, $4  }
0x2bd: {  	v36 =	vld.idx.msk [tilespmem:v30+s3+$0x0], $0xffff  }
0x2be: {  	v30 =	vld.idx.msk [tilespmem:v39+s3+$0x0], $0xff  }
0x2bf: {  	v33 =	vld.idx.msk [tilespmem:v38+s3+$0x0], $0xffff  }
0x2c0: {  	v38 =	vld.idx.msk [tilespmem:v40+s3+$0x0], $0xffff  }
0x2c1: {  	_ =	sdelay $0x3  }
0x2c2: {  	[tilespmem:v15+s28+$0x0] =	vst.idx.msk $0xffff, v28  }
0x2c3: {  	[tilespmem:v16+s28+$0x0] =	vst.idx.msk $0xffff, v29  }
0x2c4: {  	[tilespmem:v17+s28+$0x0] =	vst.idx.msk $0xffff, v31  }
0x2c5: {  	[tilespmem:v18+s28+$0x0] =	vst.idx.msk $0xffff, v32  }
0x2c6: {  	[tilespmem:v19+s28+$0x0] =	vst.idx.msk $0xffff, v35  }
0x2c7: {  	[tilespmem:v20+s28+$0x0] =	vst.idx.msk $0xffff, v37  }
0x2c8: {  	[tilespmem:v23+s28+$0x0] =	vst.idx.msk $0xffff, v36  }
0x2c9: {  	[tilespmem:v14+s28+$0x0] =	vst.idx.msk $0xffff, v34  }
0x2ca: {  	[tilespmem:v24+s28+$0x0] =	vst.idx.msk $0xffff, v38  }
0x2cb: {  	[tilespmem:v13+s28+$0x0] =	vst.idx.msk $0xffff, v26  }
0x2cc: {  	[tilespmem:v21+s28+$0x0] =	vst.idx.msk $0xffff, v27  }
0x2cd: {  	[tilespmem:v22+s28+$0x0] =	vst.idx.msk $0xffff, v33  }
0x2ce: {  	s31 =	sadd.s32 $0x1, s31;
	[tilespmem:v25+s28+$0x0] =	vst.idx.msk $0xff, v30  }
0x2cf: {  	[hbm4b:s19+s3] =	stream.linear.scatter [tilespmem:s28], [sflag:$0x4], $0x4000, $0x38;
	[tilespmem:$0x10400] =	vst v63  }
0x2d0: {  	p0 =	sne.s32 s31, s20;
	_ =	swait.ge [sflag:s29], $0x4000  }
.Ltmp8:
0x2d1: {  	[sflag:s29] =	ssyncset.done $0x0;
	(pc) =	sbr.rel @p0 .LBB2_1-.Ltmp8, $4  }
0x2d2: {  	[sflag:s29] =	ssyncadd.s32 $0xFFFFC000  }
0x2d3: {  	_ =	swait.ge [sflag:s30], $0x4000  }
0x2d4: {  	[sflag:s30] =	ssyncset.done $0x0  }
0x2d5: {  	[sflag:s30] =	ssyncadd.s32 $0xFFFFC000  }
0x2d6: {  	_ =	sfence.sel $0x180000  }
0x2d7: {  	[bflag:$0x0] =	sbarrier.arrive $0xFFFF  }
0x2d8: {  	_ =	strace $0x90000047  }
0x2d9: {  	s0 =	stileid.u32;
	[bflag:$0x2] =	sbarrier.arrive $0xFFFF  }
0x2da: {  	p0 =	sne.s32 s0, $0x0;
	s0 =	rddreg [dreg:$0x2]  }
0x2db: {  	s0 =	sadd.s32 @!p0 $0x100000, s0  }
0x2dc: {  	[sflag:s0] =	ssyncadd.tile.s32 @!p0 $0x1;
	_ =	shalt  }
.Lfunc_end2:
_tile_overlayer_lowered:
.L_overlay_start_2:
0x2dd: {  	(tag) =	ssettag $0x2  }
0x2de: {  	s0 =	rddreg [dreg:$0x0];
	s2 =	stileid.u32  }
0x2df: {  	s1 =	rddreg [dreg:$0x1];
	p0 =	sne.s32 s2, $0x0  }
0x2e0: {  	s3 =	rddreg [dreg:$0x2];
	[bflag:$0x3] =	sbarrier.arrive $0xFFFF;
	s2 =	simm.s32 @!p0 $0x1C05  }
0x2e1: {  	[timem:s3], [sflag:s2] =	dma.local @!p0 [hbm:s0], s1  }
0x2e2: {  	s0 =	simm.s32 @!p0 $0x5  }
0x2e3: {  	_ =	swait.ge @!p0 [sflag:s0], s1  }
0x2e4: {  	s1 =	ssub.s32 @!p0 $0x0, s1;
	[sflag:s0] =	ssyncset.done @!p0 $0x0  }
0x2e5: {  	[sflag:s0] =	ssyncadd.s32 @!p0 s1  }
0x2e6: {  	[bflag:$0x3] =	sbarrier.arrive $0xFFFF  }
0x2e7: {  	_ =	shalt  }

</sc_bundles>
